<compile_context>
chip_gen: v7x
topology: tpu7x:2x2x1
jax: 0.10.2.dev20260603
libtpu: 0.0.44.dev20260713+nightly
codegen_flags: <defaults>
</compile_context>

<pallas_src>
import functools

import jax
import jax.numpy as jnp
from jax import lax
from jax.experimental import pallas as pl
from jax.experimental.pallas import tpu as pltpu
from jax.experimental.pallas import tpu_sc as plsc

B = 16384
V = 1000000
D_MLP = 32
D_MF = 16
NC = 2
NS = 16
NW = NC * NS
BPW = B // NW
CROWS = 4
NCHUNK = BPW // CROWS
TAIL0 = (V // 128 - 1) * 128
TAIL_V = V - (TAIL0 + 128)
LANES = 16

_MESH = plsc.VectorSubcoreMesh(core_axis_name="c", subcore_axis_name="s")


def _extract_col(block, panel, col, r):
    nf = block.shape[0]
    colv = jnp.full((LANES,), col, jnp.int32)
    rv = jnp.full((LANES,), r, jnp.int32)
    for f0 in range(0, nf, LANES):
        fidx = lax.iota(jnp.int32, LANES) + f0
        vals = plsc.load_gather(block, [fidx, colv])
        plsc.store_scatter(panel, [fidx, rv], vals)


def _sc_gather_body(u_hbm, i_hbm, tum_hbm, tim_hbm, tuf_hbm, tif_hbm,
                    o_um, o_im, o_uf, o_if,
                    idx_u_v, idx_i_v,
                    b_um, b_im, b_uf, b_if,
                    p_um, p_im, p_uf, p_if, sem):
    wid = lax.axis_index("s") * NC + lax.axis_index("c")
    base = pl.multiple_of(wid * BPW, BPW)
    pltpu.sync_copy(u_hbm.at[wid], idx_u_v)
    pltpu.sync_copy(i_hbm.at[wid], idx_i_v)
    lanes = lax.iota(jnp.int32, LANES)

    def chunk_body(c, carry):
        uvec = idx_u_v.at[c][...]
        ivec = idx_i_v.at[c][...]
        for g in range(LANES // CROWS):
            copies = []
            offs = []
            for k in range(CROWS):
                lane = g * CROWS + k
                uu = jnp.sum(jnp.where(lanes == lane, uvec, 0))
                ii = jnp.sum(jnp.where(lanes == lane, ivec, 0))
                bu = pl.multiple_of(
                    jnp.minimum((uu >> 7) * 128, TAIL0), 128)
                bi = pl.multiple_of(
                    jnp.minimum((ii >> 7) * 128, TAIL0), 128)
                offs.append((jnp.minimum(uu - bu, 127),
                             jnp.minimum(ii - bi, 127)))
                copies.append(pltpu.async_copy(
                    tum_hbm.at[:, pl.ds(bu, 128)], b_um.at[k], sem))
                copies.append(pltpu.async_copy(
                    tim_hbm.at[:, pl.ds(bi, 128)], b_im.at[k], sem))
                copies.append(pltpu.async_copy(
                    tuf_hbm.at[:, pl.ds(bu, 128)], b_uf.at[k], sem))
                copies.append(pltpu.async_copy(
                    tif_hbm.at[:, pl.ds(bi, 128)], b_if.at[k], sem))
            for cp in copies:
                cp.wait()
            for k in range(CROWS):
                r = c * LANES + g * CROWS + k
                cu, ci = offs[k]
                _extract_col(b_um.at[k], p_um, cu, r)
                _extract_col(b_im.at[k], p_im, ci, r)
                _extract_col(b_uf.at[k], p_uf, cu, r)
                _extract_col(b_if.at[k], p_if, ci, r)
        return carry

    lax.fori_loop(0, BPW // LANES, chunk_body, 0)

    pltpu.sync_copy(p_um, o_um.at[:, pl.ds(base, BPW)])
    pltpu.sync_copy(p_im, o_im.at[:, pl.ds(base, BPW)])
    pltpu.sync_copy(p_uf, o_uf.at[:, pl.ds(base, BPW)])
    pltpu.sync_copy(p_if, o_if.at[:, pl.ds(base, BPW)])


_sc_gather = functools.partial(
    pl.kernel,
    out_type=[
        jax.ShapeDtypeStruct((D_MLP, B), jnp.float32),
        jax.ShapeDtypeStruct((D_MLP, B), jnp.float32),
        jax.ShapeDtypeStruct((D_MF, B), jnp.float32),
        jax.ShapeDtypeStruct((D_MF, B), jnp.float32),
    ],
    mesh=_MESH,
    compiler_params=pltpu.CompilerParams(needs_layout_passes=False),
    scratch_types=[
        pltpu.VMEM((BPW // LANES, LANES), jnp.int32),
        pltpu.VMEM((BPW // LANES, LANES), jnp.int32),
        pltpu.VMEM((CROWS, D_MLP, 128), jnp.float32),
        pltpu.VMEM((CROWS, D_MLP, 128), jnp.float32),
        pltpu.VMEM((CROWS, D_MF, 128), jnp.float32),
        pltpu.VMEM((CROWS, D_MF, 128), jnp.float32),
        pltpu.VMEM((D_MLP, BPW), jnp.float32),
        pltpu.VMEM((D_MLP, BPW), jnp.float32),
        pltpu.VMEM((D_MF, BPW), jnp.float32),
        pltpu.VMEM((D_MF, BPW), jnp.float32),
        pltpu.SemaphoreType.DMA,
    ],
)(_sc_gather_body)


BLK = 1024


def _mlp_body(xu_ref, xi_ref, fu_ref, fi_ref, ub_ref, ib_ref,
              tum_ref, tim_ref, tuf_ref, tif_ref,
              w1u_ref, w1i_ref, b1_ref, w2_ref, b2_ref, w3_ref, b3_ref,
              wo3_ref, womf_ref, bo_ref, out_ref):
    f32 = jnp.float32
    ub = ub_ref[...]
    ib = ib_ref[...]
    iot = lax.broadcasted_iota(jnp.int32, (TAIL_V, BLK), 0) + (V - TAIL_V)
    oh_u = (iot == ub).astype(f32)
    oh_i = (iot == ib).astype(f32)
    u_tail = ub >= (V - TAIL_V)
    i_tail = ib >= (V - TAIL_V)
    xu = jnp.where(u_tail, jnp.dot(tum_ref[...], oh_u, preferred_element_type=f32),
                   xu_ref[...])
    xi = jnp.where(i_tail, jnp.dot(tim_ref[...], oh_i, preferred_element_type=f32),
                   xi_ref[...])
    fu = jnp.where(u_tail, jnp.dot(tuf_ref[...], oh_u, preferred_element_type=f32),
                   fu_ref[...])
    fi = jnp.where(i_tail, jnp.dot(tif_ref[...], oh_i, preferred_element_type=f32),
                   fi_ref[...])
    h = jnp.dot(w1u_ref[...], xu, preferred_element_type=f32)
    h = h + jnp.dot(w1i_ref[...], xi, preferred_element_type=f32)
    h = jnp.maximum(h + b1_ref[...], 0.0)
    h = jnp.maximum(jnp.dot(w2_ref[...], h, preferred_element_type=f32) + b2_ref[...], 0.0)
    h = jnp.maximum(jnp.dot(w3_ref[...], h, preferred_element_type=f32) + b3_ref[...], 0.0)
    mf = fu * fi
    logits = (jnp.dot(wo3_ref[...], h, preferred_element_type=f32)
              + jnp.dot(womf_ref[...], mf, preferred_element_type=f32)
              + bo_ref[...])
    out_ref[...] = jax.nn.sigmoid(logits)


def _full(shape):
    return pl.BlockSpec(shape, lambda b: (0,) * len(shape))


_mlp = pl.pallas_call(
    _mlp_body,
    grid=(B // BLK,),
    in_specs=[
        pl.BlockSpec((D_MLP, BLK), lambda b: (0, b)),
        pl.BlockSpec((D_MLP, BLK), lambda b: (0, b)),
        pl.BlockSpec((D_MF, BLK), lambda b: (0, b)),
        pl.BlockSpec((D_MF, BLK), lambda b: (0, b)),
        pl.BlockSpec((1, BLK), lambda b: (0, b)),
        pl.BlockSpec((1, BLK), lambda b: (0, b)),
        _full((D_MLP, TAIL_V)),
        _full((D_MLP, TAIL_V)),
        _full((D_MF, TAIL_V)),
        _full((D_MF, TAIL_V)),
        _full((32, D_MLP)),
        _full((32, D_MLP)),
        _full((32, 1)),
        _full((16, 32)),
        _full((16, 1)),
        _full((8, 16)),
        _full((8, 1)),
        _full((1, 8)),
        _full((1, D_MF)),
        _full((1, 1)),
    ],
    out_specs=pl.BlockSpec((1, BLK), lambda b: (0, b)),
    out_shape=jax.ShapeDtypeStruct((1, B), jnp.float32),
)


def kernel(u, i, emb_user_mlp, emb_item_mlp, emb_user_mf, emb_item_mf,
           W1, b1, W2, b2, W3, b3, W_out, b_out):
    u = u.astype(jnp.int32)
    i = i.astype(jnp.int32)
    g_um, g_im, g_uf, g_if = _sc_gather(
        u.reshape(NW, BPW // LANES, LANES), i.reshape(NW, BPW // LANES, LANES),
        emb_user_mlp.T, emb_item_mlp.T, emb_user_mf.T, emb_item_mf.T)
    y = _mlp(g_um, g_im, g_uf, g_if,
             u.reshape(1, B), i.reshape(1, B),
             emb_user_mlp[V - TAIL_V:].T, emb_item_mlp[V - TAIL_V:].T,
             emb_user_mf[V - TAIL_V:].T, emb_item_mf[V - TAIL_V:].T,
             W1[:D_MLP].T, W1[D_MLP:].T, b1.reshape(-1, 1),
             W2.T, b2.reshape(-1, 1), W3.T, b3.reshape(-1, 1),
             W_out[:8].T, W_out[8:].T, b_out.reshape(1, 1))
    return y.reshape(B, 1)

# --- scband reference (transcript-rebuilt; emitter-appended) ---
"""Pipeline reference for scband-ncf-17721035063487 (READ-ONLY COPY).

The authoritative reference and input builder live on the scoring server;
editing this copy changes nothing except your own understanding.
"""

import jax, jax.numpy as jnp
import numpy as np

NUM_USERS = 1000000
NUM_ITEMS = 1000000
DIM_MF = 16
DIM_MLP = 32
BATCH = 16384
LAYERS = [64, 32, 16, 8]


def setup_inputs(seed: int = 0) -> dict:
    key = jax.random.key(seed)
    ks = jax.random.split(key, 16)
    u = jax.random.randint(ks[0], (BATCH,), 0, NUM_USERS)
    i = jax.random.randint(ks[1], (BATCH,), 0, NUM_ITEMS)
    emb_user_mlp = jax.random.normal(ks[2], (NUM_USERS, DIM_MLP), dtype=jnp.float32) * 0.05
    emb_item_mlp = jax.random.normal(ks[3], (NUM_ITEMS, DIM_MLP), dtype=jnp.float32) * 0.05
    emb_user_mf = jax.random.normal(ks[4], (NUM_USERS, DIM_MF), dtype=jnp.float32) * 0.05
    emb_item_mf = jax.random.normal(ks[5], (NUM_ITEMS, DIM_MF), dtype=jnp.float32) * 0.05
    W1 = jax.random.normal(ks[6], (LAYERS[0], LAYERS[1]), dtype=jnp.float32) * (1.0 / np.sqrt(LAYERS[0]))
    b1 = jnp.zeros((LAYERS[1],), dtype=jnp.float32)
    W2 = jax.random.normal(ks[7], (LAYERS[1], LAYERS[2]), dtype=jnp.float32) * (1.0 / np.sqrt(LAYERS[1]))
    b2 = jnp.zeros((LAYERS[2],), dtype=jnp.float32)
    W3 = jax.random.normal(ks[8], (LAYERS[2], LAYERS[3]), dtype=jnp.float32) * (1.0 / np.sqrt(LAYERS[2]))
    b3 = jnp.zeros((LAYERS[3],), dtype=jnp.float32)
    W_out = jax.random.normal(ks[9], (LAYERS[3] + DIM_MF, 1), dtype=jnp.float32) * (1.0 / np.sqrt(LAYERS[3] + DIM_MF))
    b_out = jnp.zeros((1,), dtype=jnp.float32)
    return {
        "u": u, "i": i,
        "emb_user_mlp": emb_user_mlp, "emb_item_mlp": emb_item_mlp,
        "emb_user_mf": emb_user_mf, "emb_item_mf": emb_item_mf,
        "W1": W1, "b1": b1, "W2": W2, "b2": b2, "W3": W3, "b3": b3,
        "W_out": W_out, "b_out": b_out,
    }


def reference(u, i, emb_user_mlp, emb_item_mlp, emb_user_mf, emb_item_mf,
              W1, b1, W2, b2, W3, b3, W_out, b_out):
    user_emb_mlp = jnp.take(emb_user_mlp, u, axis=0)
    item_emb_mlp = jnp.take(emb_item_mlp, i, axis=0)
    user_emb_mf = jnp.take(emb_user_mf, u, axis=0)
    item_emb_mf = jnp.take(emb_item_mf, i, axis=0)
    mlp_vector = jnp.concatenate([user_emb_mlp, item_emb_mlp], axis=-1)
    mf_vector = user_emb_mf * item_emb_mf
    mlp_vector = jax.nn.relu(mlp_vector @ W1 + b1)
    mlp_vector = jax.nn.relu(mlp_vector @ W2 + b2)
    mlp_vector = jax.nn.relu(mlp_vector @ W3 + b3)
    vector = jnp.concatenate([mlp_vector, mf_vector], axis=-1)
    logits = vector @ W_out + b_out
    y = jax.nn.sigmoid(logits)
    return y

if __name__ == "__main__":
    import jax
    _d = setup_inputs()
    print(jax.jit(kernel)(*tuple(_d.values())))

</pallas_src>

<mosaic_0001>
#map = affine_map<(d0, d1) -> (0, 0, 0)>
#map1 = affine_map<(d0, d1) -> (0, 0)>
module attributes {stable_mosaic.version = 14 : i64} {
  func.func @_sc_gather_body(%arg0: i32, %arg1: i32, %arg2: memref<32x32x16xi32, #tpu.memory_space<hbm>>, %arg3: memref<32x32x16xi32, #tpu.memory_space<hbm>>, %arg4: memref<32x1000000xf32, #tpu.memory_space<hbm>>, %arg5: memref<32x1000000xf32, #tpu.memory_space<hbm>>, %arg6: memref<16x1000000xf32, #tpu.memory_space<hbm>>, %arg7: memref<16x1000000xf32, #tpu.memory_space<hbm>>, %arg8: memref<32x16384xf32, #tpu.memory_space<hbm>>, %arg9: memref<32x16384xf32, #tpu.memory_space<hbm>>, %arg10: memref<16x16384xf32, #tpu.memory_space<hbm>>, %arg11: memref<16x16384xf32, #tpu.memory_space<hbm>>, %arg12: memref<32x16xi32, #tpu.memory_space<vmem>>, %arg13: memref<32x16xi32, #tpu.memory_space<vmem>>, %arg14: memref<4x32x128xf32, #tpu.memory_space<vmem>>, %arg15: memref<4x32x128xf32, #tpu.memory_space<vmem>>, %arg16: memref<4x16x128xf32, #tpu.memory_space<vmem>>, %arg17: memref<4x16x128xf32, #tpu.memory_space<vmem>>, %arg18: memref<32x512xf32, #tpu.memory_space<vmem>>, %arg19: memref<32x512xf32, #tpu.memory_space<vmem>>, %arg20: memref<16x512xf32, #tpu.memory_space<vmem>>, %arg21: memref<16x512xf32, #tpu.memory_space<vmem>>, %arg22: memref<!tpu.dma_semaphore, #tpu.memory_space<semaphore_mem>>) attributes {dimension_semantics = [#tpu.dimension_semantics<core_parallel>, #tpu.dimension_semantics<subcore_parallel>], iteration_bounds = array<i64: 2, 16>, scalar_prefetch = 0 : i64, scratch_operands = 11 : i64, tpu.core_type = #tpu.core_type<sc_vector_subcore>, window_params = [{transform_indices = #map}, {transform_indices = #map}, {transform_indices = #map1}, {transform_indices = #map1}, {transform_indices = #map1}, {transform_indices = #map1}, {transform_indices = #map1}, {transform_indices = #map1}, {transform_indices = #map1}, {transform_indices = #map1}]} {
    %mul3A = arith.constant 2 : i32
    %mul3A_0 = arith.muli %arg1, %mul3A : i32
    %add3A = arith.addi %mul3A_0, %arg0 : i32
    %mul3A_1 = arith.constant 512 : i32
    %mul3A_2 = arith.muli %add3A, %mul3A_1 : i32
    %multiple_of3A = tpu.assume_multiple %mul3A_2, 512 : i32
    "tpu.region"() ({
      %run_scoped3A = tpu.sem_alloc : memref<!tpu.dma_semaphore, #tpu.memory_space<semaphore_mem>>
      %dma_start3A = arith.constant 0 : i32
      %dma_start3A_8 = arith.constant 0 : i32
      %dma_start3A_9 = tpu.memref_slice %arg2[%add3A, %dma_start3A, %dma_start3A_8] : memref<32x32x16xi32, #tpu.memory_space<hbm>> -> memref<1x32x16xi32, #tpu.memory_space<hbm>>
      %dma_start3A_10 = tpu.memref_squeeze %dma_start3A_9 : memref<1x32x16xi32, #tpu.memory_space<hbm>> -> memref<32x16xi32, #tpu.memory_space<hbm>>
      %dma_start3A_11 = arith.constant 0 : i32
      %dma_start3A_12 = arith.constant 0 : i32
      %dma_start3A_13 = tpu.memref_slice %arg2[%add3A, %dma_start3A_11, %dma_start3A_12] : memref<32x32x16xi32, #tpu.memory_space<hbm>> -> memref<1x32x16xi32, #tpu.memory_space<hbm>>
      %dma_start3A_14 = tpu.memref_squeeze %dma_start3A_13 : memref<1x32x16xi32, #tpu.memory_space<hbm>> -> memref<32x16xi32, #tpu.memory_space<hbm>>
      tpu.enqueue_dma source(%dma_start3A_14 : memref<32x16xi32, #tpu.memory_space<hbm>>) target(%arg12 : memref<32x16xi32, #tpu.memory_space<vmem>>) target_semaphore(%run_scoped3A : memref<!tpu.dma_semaphore, #tpu.memory_space<semaphore_mem>>)
      %dma_wait3A = arith.constant 0 : i32
      %dma_wait3A_15 = arith.constant 0 : i32
      %dma_wait3A_16 = tpu.memref_slice %arg2[%add3A, %dma_wait3A, %dma_wait3A_15] : memref<32x32x16xi32, #tpu.memory_space<hbm>> -> memref<1x32x16xi32, #tpu.memory_space<hbm>>
      %dma_wait3A_17 = tpu.memref_squeeze %dma_wait3A_16 : memref<1x32x16xi32, #tpu.memory_space<hbm>> -> memref<32x16xi32, #tpu.memory_space<hbm>>
      %dma_wait3A_18 = arith.constant 0 : i32
      %dma_wait3A_19 = arith.constant 0 : i32
      %dma_wait3A_20 = tpu.memref_slice %arg2[%add3A, %dma_wait3A_18, %dma_wait3A_19] : memref<32x32x16xi32, #tpu.memory_space<hbm>> -> memref<1x32x16xi32, #tpu.memory_space<hbm>>
      %dma_wait3A_21 = tpu.memref_squeeze %dma_wait3A_20 : memref<1x32x16xi32, #tpu.memory_space<hbm>> -> memref<32x16xi32, #tpu.memory_space<hbm>>
      tpu.wait_dma2 semaphore(%run_scoped3A : memref<!tpu.dma_semaphore, #tpu.memory_space<semaphore_mem>>) src(%dma_wait3A_21 : memref<32x16xi32, #tpu.memory_space<hbm>>) dst(%arg12 : memref<32x16xi32, #tpu.memory_space<vmem>>)
      tpu.yield
    }) : () -> ()
    "tpu.region"() ({
      %run_scoped3A = tpu.sem_alloc : memref<!tpu.dma_semaphore, #tpu.memory_space<semaphore_mem>>
      %dma_start3A = arith.constant 0 : i32
      %dma_start3A_8 = arith.constant 0 : i32
      %dma_start3A_9 = tpu.memref_slice %arg3[%add3A, %dma_start3A, %dma_start3A_8] : memref<32x32x16xi32, #tpu.memory_space<hbm>> -> memref<1x32x16xi32, #tpu.memory_space<hbm>>
      %dma_start3A_10 = tpu.memref_squeeze %dma_start3A_9 : memref<1x32x16xi32, #tpu.memory_space<hbm>> -> memref<32x16xi32, #tpu.memory_space<hbm>>
      %dma_start3A_11 = arith.constant 0 : i32
      %dma_start3A_12 = arith.constant 0 : i32
      %dma_start3A_13 = tpu.memref_slice %arg3[%add3A, %dma_start3A_11, %dma_start3A_12] : memref<32x32x16xi32, #tpu.memory_space<hbm>> -> memref<1x32x16xi32, #tpu.memory_space<hbm>>
      %dma_start3A_14 = tpu.memref_squeeze %dma_start3A_13 : memref<1x32x16xi32, #tpu.memory_space<hbm>> -> memref<32x16xi32, #tpu.memory_space<hbm>>
      tpu.enqueue_dma source(%dma_start3A_14 : memref<32x16xi32, #tpu.memory_space<hbm>>) target(%arg13 : memref<32x16xi32, #tpu.memory_space<vmem>>) target_semaphore(%run_scoped3A : memref<!tpu.dma_semaphore, #tpu.memory_space<semaphore_mem>>)
      %dma_wait3A = arith.constant 0 : i32
      %dma_wait3A_15 = arith.constant 0 : i32
      %dma_wait3A_16 = tpu.memref_slice %arg3[%add3A, %dma_wait3A, %dma_wait3A_15] : memref<32x32x16xi32, #tpu.memory_space<hbm>> -> memref<1x32x16xi32, #tpu.memory_space<hbm>>
      %dma_wait3A_17 = tpu.memref_squeeze %dma_wait3A_16 : memref<1x32x16xi32, #tpu.memory_space<hbm>> -> memref<32x16xi32, #tpu.memory_space<hbm>>
      %dma_wait3A_18 = arith.constant 0 : i32
      %dma_wait3A_19 = arith.constant 0 : i32
      %dma_wait3A_20 = tpu.memref_slice %arg3[%add3A, %dma_wait3A_18, %dma_wait3A_19] : memref<32x32x16xi32, #tpu.memory_space<hbm>> -> memref<1x32x16xi32, #tpu.memory_space<hbm>>
      %dma_wait3A_21 = tpu.memref_squeeze %dma_wait3A_20 : memref<1x32x16xi32, #tpu.memory_space<hbm>> -> memref<32x16xi32, #tpu.memory_space<hbm>>
      tpu.wait_dma2 semaphore(%run_scoped3A : memref<!tpu.dma_semaphore, #tpu.memory_space<semaphore_mem>>) src(%dma_wait3A_21 : memref<32x16xi32, #tpu.memory_space<hbm>>) dst(%arg13 : memref<32x16xi32, #tpu.memory_space<vmem>>)
      tpu.yield
    }) : () -> ()
    %iota3A = tpu.iota {dimensions = array<i32: 0>} : vector<16xi32>
    %scan3A = arith.constant 0 : i32
    %scan3A_3 = arith.constant 0 : i32
    %scan3A_4 = arith.constant 32 : i32
    %scan3A_5 = arith.addi %scan3A_3, %scan3A_4 : i32
    %scan3A_6 = arith.constant 1 : i32
    scf.for %scan3A_8 = %scan3A_3 to %scan3A_5 step %scan3A_6  : i32 {
      %get3A = arith.index_cast %scan3A_8 : i32 to index
      %get3A_9 = arith.constant 0 : index
      %get3A_10 = tpu.vector_load %arg12[%get3A, %get3A_9] {strides = array<i32>} : memref<32x16xi32, #tpu.memory_space<vmem>>, vector<16xi32>,
      %get3A_11 = arith.index_cast %scan3A_8 : i32 to index
      %get3A_12 = arith.constant 0 : index
      %get3A_13 = tpu.vector_load %arg13[%get3A_11, %get3A_12] {strides = array<i32>} : memref<32x16xi32, #tpu.memory_space<vmem>>, vector<16xi32>,
      %eq3A = arith.constant 0 : i32
      %eq3A_14 = vector.broadcast %eq3A : i32 to vector<16xi32>
      %eq3A_15 = arith.cmpi eq, %iota3A, %eq3A_14 : vector<16xi32>
      %jit3A = arith.constant 0 : i32
      %broadcast_in_dim3A = vector.broadcast %jit3A : i32 to vector<16xi32>
      %select_n3A = arith.select %eq3A_15, %get3A_10, %broadcast_in_dim3A : vector<16xi1>, vector<16xi32>
      %reduce_sum3A = arith.constant true
      %reduce_sum3A_16 = vector.broadcast %reduce_sum3A : i1 to vector<16xi1>
      %reduce_sum3A_17 = tpu.scan <sum>, %select_n3A masked %reduce_sum3A_16 : vector<16xi32>, vector<16xi1> -> vector<16xi32>
      %reduce_sum3A_18 = vector.extract %reduce_sum3A_17[15] : i32 from vector<16xi32>
      %eq3A_19 = arith.constant 0 : i32
      %eq3A_20 = vector.broadcast %eq3A_19 : i32 to vector<16xi32>
      %eq3A_21 = arith.cmpi eq, %iota3A, %eq3A_20 : vector<16xi32>
      %jit3A_22 = arith.constant 0 : i32
      %broadcast_in_dim3A_23 = vector.broadcast %jit3A_22 : i32 to vector<16xi32>
      %select_n3A_24 = arith.select %eq3A_21, %get3A_13, %broadcast_in_dim3A_23 : vector<16xi1>, vector<16xi32>
      %reduce_sum3A_25 = arith.constant true
      %reduce_sum3A_26 = vector.broadcast %reduce_sum3A_25 : i1 to vector<16xi1>
      %reduce_sum3A_27 = tpu.scan <sum>, %select_n3A_24 masked %reduce_sum3A_26 : vector<16xi32>, vector<16xi1> -> vector<16xi32>
      %reduce_sum3A_28 = vector.extract %reduce_sum3A_27[15] : i32 from vector<16xi32>
      %shift_right_arithmetic3A = arith.constant 7 : i32
      %shift_right_arithmetic3A_29 = arith.shrsi %reduce_sum3A_18, %shift_right_arithmetic3A : i32
      %mul3A_30 = arith.constant 128 : i32
      %mul3A_31 = arith.muli %shift_right_arithmetic3A_29, %mul3A_30 : i32
      %min3A = arith.constant 999808 : i32
      %min3A_32 = arith.minsi %mul3A_31, %min3A : i32
      %multiple_of3A_33 = tpu.assume_multiple %min3A_32, 128 : i32
      %shift_right_arithmetic3A_34 = arith.constant 7 : i32
      %shift_right_arithmetic3A_35 = arith.shrsi %reduce_sum3A_28, %shift_right_arithmetic3A_34 : i32
      %mul3A_36 = arith.constant 128 : i32
      %mul3A_37 = arith.muli %shift_right_arithmetic3A_35, %mul3A_36 : i32
      %min3A_38 = arith.constant 999808 : i32
      %min3A_39 = arith.minsi %mul3A_37, %min3A_38 : i32
      %multiple_of3A_40 = tpu.assume_multiple %min3A_39, 128 : i32
      %sub3A = arith.subi %reduce_sum3A_18, %multiple_of3A_33 : i32
      %min3A_41 = arith.constant 127 : i32
      %min3A_42 = arith.minsi %sub3A, %min3A_41 : i32
      %sub3A_43 = arith.subi %reduce_sum3A_28, %multiple_of3A_40 : i32
      %min3A_44 = arith.constant 127 : i32
      %min3A_45 = arith.minsi %sub3A_43, %min3A_44 : i32
      %dma_start3A = arith.constant 0 : i32
      %dma_start3A_46 = arith.constant 0 : i32
      %dma_start3A_47 = arith.constant 0 : i32
      %dma_start3A_48 = tpu.memref_slice %arg14[%dma_start3A, %dma_start3A_46, %dma_start3A_47] : memref<4x32x128xf32, #tpu.memory_space<vmem>> -> memref<1x32x128xf32, #tpu.memory_space<vmem>>
      %dma_start3A_49 = tpu.memref_squeeze %dma_start3A_48 : memref<1x32x128xf32, #tpu.memory_space<vmem>> -> memref<32x128xf32, #tpu.memory_space<vmem>>
      %dma_start3A_50 = arith.constant 0 : i32
      %dma_start3A_51 = tpu.memref_slice %arg4[%dma_start3A_50, %multiple_of3A_33] : memref<32x1000000xf32, #tpu.memory_space<hbm>> -> memref<32x128xf32, #tpu.memory_space<hbm>>
      %dma_start3A_52 = arith.constant 0 : i32
      %dma_start3A_53 = arith.constant 0 : i32
      %dma_start3A_54 = tpu.memref_slice %arg14[%dma_start3A, %dma_start3A_52, %dma_start3A_53] : memref<4x32x128xf32, #tpu.memory_space<vmem>> -> memref<1x32x128xf32, #tpu.memory_space<vmem>>
      %dma_start3A_55 = tpu.memref_squeeze %dma_start3A_54 : memref<1x32x128xf32, #tpu.memory_space<vmem>> -> memref<32x128xf32, #tpu.memory_space<vmem>>
      %dma_start3A_56 = arith.constant 0 : i32
      %dma_start3A_57 = tpu.memref_slice %arg4[%dma_start3A_56, %multiple_of3A_33] : memref<32x1000000xf32, #tpu.memory_space<hbm>> -> memref<32x128xf32, #tpu.memory_space<hbm>>
      tpu.enqueue_dma source(%dma_start3A_57 : memref<32x128xf32, #tpu.memory_space<hbm>>) target(%dma_start3A_55 : memref<32x128xf32, #tpu.memory_space<vmem>>) target_semaphore(%arg22 : memref<!tpu.dma_semaphore, #tpu.memory_space<semaphore_mem>>)
      %dma_start3A_58 = arith.constant 0 : i32
      %dma_start3A_59 = arith.constant 0 : i32
      %dma_start3A_60 = arith.constant 0 : i32
      %dma_start3A_61 = tpu.memref_slice %arg15[%dma_start3A_58, %dma_start3A_59, %dma_start3A_60] : memref<4x32x128xf32, #tpu.memory_space<vmem>> -> memref<1x32x128xf32, #tpu.memory_space<vmem>>
      %dma_start3A_62 = tpu.memref_squeeze %dma_start3A_61 : memref<1x32x128xf32, #tpu.memory_space<vmem>> -> memref<32x128xf32, #tpu.memory_space<vmem>>
      %dma_start3A_63 = arith.constant 0 : i32
      %dma_start3A_64 = tpu.memref_slice %arg5[%dma_start3A_63, %multiple_of3A_40] : memref<32x1000000xf32, #tpu.memory_space<hbm>> -> memref<32x128xf32, #tpu.memory_space<hbm>>
      %dma_start3A_65 = arith.constant 0 : i32
      %dma_start3A_66 = arith.constant 0 : i32
      %dma_start3A_67 = tpu.memref_slice %arg15[%dma_start3A_58, %dma_start3A_65, %dma_start3A_66] : memref<4x32x128xf32, #tpu.memory_space<vmem>> -> memref<1x32x128xf32, #tpu.memory_space<vmem>>
      %dma_start3A_68 = tpu.memref_squeeze %dma_start3A_67 : memref<1x32x128xf32, #tpu.memory_space<vmem>> -> memref<32x128xf32, #tpu.memory_space<vmem>>
      %dma_start3A_69 = arith.constant 0 : i32
      %dma_start3A_70 = tpu.memref_slice %arg5[%dma_start3A_69, %multiple_of3A_40] : memref<32x1000000xf32, #tpu.memory_space<hbm>> -> memref<32x128xf32, #tpu.memory_space<hbm>>
      tpu.enqueue_dma source(%dma_start3A_70 : memref<32x128xf32, #tpu.memory_space<hbm>>) target(%dma_start3A_68 : memref<32x128xf32, #tpu.memory_space<vmem>>) target_semaphore(%arg22 : memref<!tpu.dma_semaphore, #tpu.memory_space<semaphore_mem>>)
      %dma_start3A_71 = arith.constant 0 : i32
      %dma_start3A_72 = arith.constant 0 : i32
      %dma_start3A_73 = arith.constant 0 : i32
      %dma_start3A_74 = tpu.memref_slice %arg16[%dma_start3A_71, %dma_start3A_72, %dma_start3A_73] : memref<4x16x128xf32, #tpu.memory_space<vmem>> -> memref<1x16x128xf32, #tpu.memory_space<vmem>>
      %dma_start3A_75 = tpu.memref_squeeze %dma_start3A_74 : memref<1x16x128xf32, #tpu.memory_space<vmem>> -> memref<16x128xf32, #tpu.memory_space<vmem>>
      %dma_start3A_76 = arith.constant 0 : i32
      %dma_start3A_77 = tpu.memref_slice %arg6[%dma_start3A_76, %multiple_of3A_33] : memref<16x1000000xf32, #tpu.memory_space<hbm>> -> memref<16x128xf32, #tpu.memory_space<hbm>>
      %dma_start3A_78 = arith.constant 0 : i32
      %dma_start3A_79 = arith.constant 0 : i32
      %dma_start3A_80 = tpu.memref_slice %arg16[%dma_start3A_71, %dma_start3A_78, %dma_start3A_79] : memref<4x16x128xf32, #tpu.memory_space<vmem>> -> memref<1x16x128xf32, #tpu.memory_space<vmem>>
      %dma_start3A_81 = tpu.memref_squeeze %dma_start3A_80 : memref<1x16x128xf32, #tpu.memory_space<vmem>> -> memref<16x128xf32, #tpu.memory_space<vmem>>
      %dma_start3A_82 = arith.constant 0 : i32
      %dma_start3A_83 = tpu.memref_slice %arg6[%dma_start3A_82, %multiple_of3A_33] : memref<16x1000000xf32, #tpu.memory_space<hbm>> -> memref<16x128xf32, #tpu.memory_space<hbm>>
      tpu.enqueue_dma source(%dma_start3A_83 : memref<16x128xf32, #tpu.memory_space<hbm>>) target(%dma_start3A_81 : memref<16x128xf32, #tpu.memory_space<vmem>>) target_semaphore(%arg22 : memref<!tpu.dma_semaphore, #tpu.memory_space<semaphore_mem>>)
      %dma_start3A_84 = arith.constant 0 : i32
      %dma_start3A_85 = arith.constant 0 : i32
      %dma_start3A_86 = arith.constant 0 : i32
      %dma_start3A_87 = tpu.memref_slice %arg17[%dma_start3A_84, %dma_start3A_85, %dma_start3A_86] : memref<4x16x128xf32, #tpu.memory_space<vmem>> -> memref<1x16x128xf32, #tpu.memory_space<vmem>>
      %dma_start3A_88 = tpu.memref_squeeze %dma_start3A_87 : memref<1x16x128xf32, #tpu.memory_space<vmem>> -> memref<16x128xf32, #tpu.memory_space<vmem>>
      %dma_start3A_89 = arith.constant 0 : i32
      %dma_start3A_90 = tpu.memref_slice %arg7[%dma_start3A_89, %multiple_of3A_40] : memref<16x1000000xf32, #tpu.memory_space<hbm>> -> memref<16x128xf32, #tpu.memory_space<hbm>>
      %dma_start3A_91 = arith.constant 0 : i32
      %dma_start3A_92 = arith.constant 0 : i32
      %dma_start3A_93 = tpu.memref_slice %arg17[%dma_start3A_84, %dma_start3A_91, %dma_start3A_92] : memref<4x16x128xf32, #tpu.memory_space<vmem>> -> memref<1x16x128xf32, #tpu.memory_space<vmem>>
      %dma_start3A_94 = tpu.memref_squeeze %dma_start3A_93 : memref<1x16x128xf32, #tpu.memory_space<vmem>> -> memref<16x128xf32, #tpu.memory_space<vmem>>
      %dma_start3A_95 = arith.constant 0 : i32
      %dma_start3A_96 = tpu.memref_slice %arg7[%dma_start3A_95, %multiple_of3A_40] : memref<16x1000000xf32, #tpu.memory_space<hbm>> -> memref<16x128xf32, #tpu.memory_space<hbm>>
      tpu.enqueue_dma source(%dma_start3A_96 : memref<16x128xf32, #tpu.memory_space<hbm>>) target(%dma_start3A_94 : memref<16x128xf32, #tpu.memory_space<vmem>>) target_semaphore(%arg22 : memref<!tpu.dma_semaphore, #tpu.memory_space<semaphore_mem>>)
      %eq3A_97 = arith.constant 1 : i32
      %eq3A_98 = vector.broadcast %eq3A_97 : i32 to vector<16xi32>
      %eq3A_99 = arith.cmpi eq, %iota3A, %eq3A_98 : vector<16xi32>
      %jit3A_100 = arith.constant 0 : i32
      %broadcast_in_dim3A_101 = vector.broadcast %jit3A_100 : i32 to vector<16xi32>
      %select_n3A_102 = arith.select %eq3A_99, %get3A_10, %broadcast_in_dim3A_101 : vector<16xi1>, vector<16xi32>
      %reduce_sum3A_103 = arith.constant true
      %reduce_sum3A_104 = vector.broadcast %reduce_sum3A_103 : i1 to vector<16xi1>
      %reduce_sum3A_105 = tpu.scan <sum>, %select_n3A_102 masked %reduce_sum3A_104 : vector<16xi32>, vector<16xi1> -> vector<16xi32>
      %reduce_sum3A_106 = vector.extract %reduce_sum3A_105[15] : i32 from vector<16xi32>
      %eq3A_107 = arith.constant 1 : i32
      %eq3A_108 = vector.broadcast %eq3A_107 : i32 to vector<16xi32>
      %eq3A_109 = arith.cmpi eq, %iota3A, %eq3A_108 : vector<16xi32>
      %jit3A_110 = arith.constant 0 : i32
      %broadcast_in_dim3A_111 = vector.broadcast %jit3A_110 : i32 to vector<16xi32>
      %select_n3A_112 = arith.select %eq3A_109, %get3A_13, %broadcast_in_dim3A_111 : vector<16xi1>, vector<16xi32>
      %reduce_sum3A_113 = arith.constant true
      %reduce_sum3A_114 = vector.broadcast %reduce_sum3A_113 : i1 to vector<16xi1>
      %reduce_sum3A_115 = tpu.scan <sum>, %select_n3A_112 masked %reduce_sum3A_114 : vector<16xi32>, vector<16xi1> -> vector<16xi32>
      %reduce_sum3A_116 = vector.extract %reduce_sum3A_115[15] : i32 from vector<16xi32>
      %shift_right_arithmetic3A_117 = arith.constant 7 : i32
      %shift_right_arithmetic3A_118 = arith.shrsi %reduce_sum3A_106, %shift_right_arithmetic3A_117 : i32
      %mul3A_119 = arith.constant 128 : i32
      %mul3A_120 = arith.muli %shift_right_arithmetic3A_118, %mul3A_119 : i32
      %min3A_121 = arith.constant 999808 : i32
      %min3A_122 = arith.minsi %mul3A_120, %min3A_121 : i32
      %multiple_of3A_123 = tpu.assume_multiple %min3A_122, 128 : i32
      %shift_right_arithmetic3A_124 = arith.constant 7 : i32
      %shift_right_arithmetic3A_125 = arith.shrsi %reduce_sum3A_116, %shift_right_arithmetic3A_124 : i32
      %mul3A_126 = arith.constant 128 : i32
      %mul3A_127 = arith.muli %shift_right_arithmetic3A_125, %mul3A_126 : i32
      %min3A_128 = arith.constant 999808 : i32
      %min3A_129 = arith.minsi %mul3A_127, %min3A_128 : i32
      %multiple_of3A_130 = tpu.assume_multiple %min3A_129, 128 : i32
      %sub3A_131 = arith.subi %reduce_sum3A_106, %multiple_of3A_123 : i32
      %min3A_132 = arith.constant 127 : i32
      %min3A_133 = arith.minsi %sub3A_131, %min3A_132 : i32
      %sub3A_134 = arith.subi %reduce_sum3A_116, %multiple_of3A_130 : i32
      %min3A_135 = arith.constant 127 : i32
      %min3A_136 = arith.minsi %sub3A_134, %min3A_135 : i32
      %dma_start3A_137 = arith.constant 1 : i32
      %dma_start3A_138 = arith.constant 0 : i32
      %dma_start3A_139 = arith.constant 0 : i32
      %dma_start3A_140 = tpu.memref_slice %arg14[%dma_start3A_137, %dma_start3A_138, %dma_start3A_139] : memref<4x32x128xf32, #tpu.memory_space<vmem>> -> memref<1x32x128xf32, #tpu.memory_space<vmem>>
      %dma_start3A_141 = tpu.memref_squeeze %dma_start3A_140 : memref<1x32x128xf32, #tpu.memory_space<vmem>> -> memref<32x128xf32, #tpu.memory_space<vmem>>
      %dma_start3A_142 = arith.constant 0 : i32
      %dma_start3A_143 = tpu.memref_slice %arg4[%dma_start3A_142, %multiple_of3A_123] : memref<32x1000000xf32, #tpu.memory_space<hbm>> -> memref<32x128xf32, #tpu.memory_space<hbm>>
      %dma_start3A_144 = arith.constant 0 : i32
      %dma_start3A_145 = arith.constant 0 : i32
      %dma_start3A_146 = tpu.memref_slice %arg14[%dma_start3A_137, %dma_start3A_144, %dma_start3A_145] : memref<4x32x128xf32, #tpu.memory_space<vmem>> -> memref<1x32x128xf32, #tpu.memory_space<vmem>>
      %dma_start3A_147 = tpu.memref_squeeze %dma_start3A_146 : memref<1x32x128xf32, #tpu.memory_space<vmem>> -> memref<32x128xf32, #tpu.memory_space<vmem>>
      %dma_start3A_148 = arith.constant 0 : i32
      %dma_start3A_149 = tpu.memref_slice %arg4[%dma_start3A_148, %multiple_of3A_123] : memref<32x1000000xf32, #tpu.memory_space<hbm>> -> memref<32x128xf32, #tpu.memory_space<hbm>>
      tpu.enqueue_dma source(%dma_start3A_149 : memref<32x128xf32, #tpu.memory_space<hbm>>) target(%dma_start3A_147 : memref<32x128xf32, #tpu.memory_space<vmem>>) target_semaphore(%arg22 : memref<!tpu.dma_semaphore, #tpu.memory_space<semaphore_mem>>)
      %dma_start3A_150 = arith.constant 1 : i32
      %dma_start3A_151 = arith.constant 0 : i32
      %dma_start3A_152 = arith.constant 0 : i32
      %dma_start3A_153 = tpu.memref_slice %arg15[%dma_start3A_150, %dma_start3A_151, %dma_start3A_152] : memref<4x32x128xf32, #tpu.memory_space<vmem>> -> memref<1x32x128xf32, #tpu.memory_space<vmem>>
      %dma_start3A_154 = tpu.memref_squeeze %dma_start3A_153 : memref<1x32x128xf32, #tpu.memory_space<vmem>> -> memref<32x128xf32, #tpu.memory_space<vmem>>
      %dma_start3A_155 = arith.constant 0 : i32
      %dma_start3A_156 = tpu.memref_slice %arg5[%dma_start3A_155, %multiple_of3A_130] : memref<32x1000000xf32, #tpu.memory_space<hbm>> -> memref<32x128xf32, #tpu.memory_space<hbm>>
      %dma_start3A_157 = arith.constant 0 : i32
      %dma_start3A_158 = arith.constant 0 : i32
      %dma_start3A_159 = tpu.memref_slice %arg15[%dma_start3A_150, %dma_start3A_157, %dma_start3A_158] : memref<4x32x128xf32, #tpu.memory_space<vmem>> -> memref<1x32x128xf32, #tpu.memory_space<vmem>>
      %dma_start3A_160 = tpu.memref_squeeze %dma_start3A_159 : memref<1x32x128xf32, #tpu.memory_space<vmem>> -> memref<32x128xf32, #tpu.memory_space<vmem>>
      %dma_start3A_161 = arith.constant 0 : i32
      %dma_start3A_162 = tpu.memref_slice %arg5[%dma_start3A_161, %multiple_of3A_130] : memref<32x1000000xf32, #tpu.memory_space<hbm>> -> memref<32x128xf32, #tpu.memory_space<hbm>>
      tpu.enqueue_dma source(%dma_start3A_162 : memref<32x128xf32, #tpu.memory_space<hbm>>) target(%dma_start3A_160 : memref<32x128xf32, #tpu.memory_space<vmem>>) target_semaphore(%arg22 : memref<!tpu.dma_semaphore, #tpu.memory_space<semaphore_mem>>)
      %dma_start3A_163 = arith.constant 1 : i32
      %dma_start3A_164 = arith.constant 0 : i32
      %dma_start3A_165 = arith.constant 0 : i32
      %dma_start3A_166 = tpu.memref_slice %arg16[%dma_start3A_163, %dma_start3A_164, %dma_start3A_165] : memref<4x16x128xf32, #tpu.memory_space<vmem>> -> memref<1x16x128xf32, #tpu.memory_space<vmem>>
      %dma_start3A_167 = tpu.memref_squeeze %dma_start3A_166 : memref<1x16x128xf32, #tpu.memory_space<vmem>> -> memref<16x128xf32, #tpu.memory_space<vmem>>
      %dma_start3A_168 = arith.constant 0 : i32
      %dma_start3A_169 = tpu.memref_slice %arg6[%dma_start3A_168, %multiple_of3A_123] : memref<16x1000000xf32, #tpu.memory_space<hbm>> -> memref<16x128xf32, #tpu.memory_space<hbm>>
      %dma_start3A_170 = arith.constant 0 : i32
      %dma_start3A_171 = arith.constant 0 : i32
      %dma_start3A_172 = tpu.memref_slice %arg16[%dma_start3A_163, %dma_start3A_170, %dma_start3A_171] : memref<4x16x128xf32, #tpu.memory_space<vmem>> -> memref<1x16x128xf32, #tpu.memory_space<vmem>>
      %dma_start3A_173 = tpu.memref_squeeze %dma_start3A_172 : memref<1x16x128xf32, #tpu.memory_space<vmem>> -> memref<16x128xf32, #tpu.memory_space<vmem>>
      %dma_start3A_174 = arith.constant 0 : i32
      %dma_start3A_175 = tpu.memref_slice %arg6[%dma_start3A_174, %multiple_of3A_123] : memref<16x1000000xf32, #tpu.memory_space<hbm>> -> memref<16x128xf32, #tpu.memory_space<hbm>>
      tpu.enqueue_dma source(%dma_start3A_175 : memref<16x128xf32, #tpu.memory_space<hbm>>) target(%dma_start3A_173 : memref<16x128xf32, #tpu.memory_space<vmem>>) target_semaphore(%arg22 : memref<!tpu.dma_semaphore, #tpu.memory_space<semaphore_mem>>)
      %dma_start3A_176 = arith.constant 1 : i32
      %dma_start3A_177 = arith.constant 0 : i32
      %dma_start3A_178 = arith.constant 0 : i32
      %dma_start3A_179 = tpu.memref_slice %arg17[%dma_start3A_176, %dma_start3A_177, %dma_start3A_178] : memref<4x16x128xf32, #tpu.memory_space<vmem>> -> memref<1x16x128xf32, #tpu.memory_space<vmem>>
      %dma_start3A_180 = tpu.memref_squeeze %dma_start3A_179 : memref<1x16x128xf32, #tpu.memory_space<vmem>> -> memref<16x128xf32, #tpu.memory_space<vmem>>
      %dma_start3A_181 = arith.constant 0 : i32
      %dma_start3A_182 = tpu.memref_slice %arg7[%dma_start3A_181, %multiple_of3A_130] : memref<16x1000000xf32, #tpu.memory_space<hbm>> -> memref<16x128xf32, #tpu.memory_space<hbm>>
      %dma_start3A_183 = arith.constant 0 : i32
      %dma_start3A_184 = arith.constant 0 : i32
      %dma_start3A_185 = tpu.memref_slice %arg17[%dma_start3A_176, %dma_start3A_183, %dma_start3A_184] : memref<4x16x128xf32, #tpu.memory_space<vmem>> -> memref<1x16x128xf32, #tpu.memory_space<vmem>>
      %dma_start3A_186 = tpu.memref_squeeze %dma_start3A_185 : memref<1x16x128xf32, #tpu.memory_space<vmem>> -> memref<16x128xf32, #tpu.memory_space<vmem>>
      %dma_start3A_187 = arith.constant 0 : i32
      %dma_start3A_188 = tpu.memref_slice %arg7[%dma_start3A_187, %multiple_of3A_130] : memref<16x1000000xf32, #tpu.memory_space<hbm>> -> memref<16x128xf32, #tpu.memory_space<hbm>>
      tpu.enqueue_dma source(%dma_start3A_188 : memref<16x128xf32, #tpu.memory_space<hbm>>) target(%dma_start3A_186 : memref<16x128xf32, #tpu.memory_space<vmem>>) target_semaphore(%arg22 : memref<!tpu.dma_semaphore, #tpu.memory_space<semaphore_mem>>)
      %eq3A_189 = arith.constant 2 : i32
      %eq3A_190 = vector.broadcast %eq3A_189 : i32 to vector<16xi32>
      %eq3A_191 = arith.cmpi eq, %iota3A, %eq3A_190 : vector<16xi32>
      %jit3A_192 = arith.constant 0 : i32
      %broadcast_in_dim3A_193 = vector.broadcast %jit3A_192 : i32 to vector<16xi32>
      %select_n3A_194 = arith.select %eq3A_191, %get3A_10, %broadcast_in_dim3A_193 : vector<16xi1>, vector<16xi32>
      %reduce_sum3A_195 = arith.constant true
      %reduce_sum3A_196 = vector.broadcast %reduce_sum3A_195 : i1 to vector<16xi1>
      %reduce_sum3A_197 = tpu.scan <sum>, %select_n3A_194 masked %reduce_sum3A_196 : vector<16xi32>, vector<16xi1> -> vector<16xi32>
      %reduce_sum3A_198 = vector.extract %reduce_sum3A_197[15] : i32 from vector<16xi32>
      %eq3A_199 = arith.constant 2 : i32
      %eq3A_200 = vector.broadcast %eq3A_199 : i32 to vector<16xi32>
      %eq3A_201 = arith.cmpi eq, %iota3A, %eq3A_200 : vector<16xi32>
      %jit3A_202 = arith.constant 0 : i32
      %broadcast_in_dim3A_203 = vector.broadcast %jit3A_202 : i32 to vector<16xi32>
      %select_n3A_204 = arith.select %eq3A_201, %get3A_13, %broadcast_in_dim3A_203 : vector<16xi1>, vector<16xi32>
      %reduce_sum3A_205 = arith.constant true
      %reduce_sum3A_206 = vector.broadcast %reduce_sum3A_205 : i1 to vector<16xi1>
      %reduce_sum3A_207 = tpu.scan <sum>, %select_n3A_204 masked %reduce_sum3A_206 : vector<16xi32>, vector<16xi1> -> vector<16xi32>
      %reduce_sum3A_208 = vector.extract %reduce_sum3A_207[15] : i32 from vector<16xi32>
      %shift_right_arithmetic3A_209 = arith.constant 7 : i32
      %shift_right_arithmetic3A_210 = arith.shrsi %reduce_sum3A_198, %shift_right_arithmetic3A_209 : i32
      %mul3A_211 = arith.constant 128 : i32
      %mul3A_212 = arith.muli %shift_right_arithmetic3A_210, %mul3A_211 : i32
      %min3A_213 = arith.constant 999808 : i32
      %min3A_214 = arith.minsi %mul3A_212, %min3A_213 : i32
      %multiple_of3A_215 = tpu.assume_multiple %min3A_214, 128 : i32
      %shift_right_arithmetic3A_216 = arith.constant 7 : i32
      %shift_right_arithmetic3A_217 = arith.shrsi %reduce_sum3A_208, %shift_right_arithmetic3A_216 : i32
      %mul3A_218 = arith.constant 128 : i32
      %mul3A_219 = arith.muli %shift_right_arithmetic3A_217, %mul3A_218 : i32
      %min3A_220 = arith.constant 999808 : i32
      %min3A_221 = arith.minsi %mul3A_219, %min3A_220 : i32
      %multiple_of3A_222 = tpu.assume_multiple %min3A_221, 128 : i32
      %sub3A_223 = arith.subi %reduce_sum3A_198, %multiple_of3A_215 : i32
      %min3A_224 = arith.constant 127 : i32
      %min3A_225 = arith.minsi %sub3A_223, %min3A_224 : i32
      %sub3A_226 = arith.subi %reduce_sum3A_208, %multiple_of3A_222 : i32
      %min3A_227 = arith.constant 127 : i32
      %min3A_228 = arith.minsi %sub3A_226, %min3A_227 : i32
      %dma_start3A_229 = arith.constant 2 : i32
      %dma_start3A_230 = arith.constant 0 : i32
      %dma_start3A_231 = arith.constant 0 : i32
      %dma_start3A_232 = tpu.memref_slice %arg14[%dma_start3A_229, %dma_start3A_230, %dma_start3A_231] : memref<4x32x128xf32, #tpu.memory_space<vmem>> -> memref<1x32x128xf32, #tpu.memory_space<vmem>>
      %dma_start3A_233 = tpu.memref_squeeze %dma_start3A_232 : memref<1x32x128xf32, #tpu.memory_space<vmem>> -> memref<32x128xf32, #tpu.memory_space<vmem>>
      %dma_start3A_234 = arith.constant 0 : i32
      %dma_start3A_235 = tpu.memref_slice %arg4[%dma_start3A_234, %multiple_of3A_215] : memref<32x1000000xf32, #tpu.memory_space<hbm>> -> memref<32x128xf32, #tpu.memory_space<hbm>>
      %dma_start3A_236 = arith.constant 0 : i32
      %dma_start3A_237 = arith.constant 0 : i32
      %dma_start3A_238 = tpu.memref_slice %arg14[%dma_start3A_229, %dma_start3A_236, %dma_start3A_237] : memref<4x32x128xf32, #tpu.memory_space<vmem>> -> memref<1x32x128xf32, #tpu.memory_space<vmem>>
      %dma_start3A_239 = tpu.memref_squeeze %dma_start3A_238 : memref<1x32x128xf32, #tpu.memory_space<vmem>> -> memref<32x128xf32, #tpu.memory_space<vmem>>
      %dma_start3A_240 = arith.constant 0 : i32
      %dma_start3A_241 = tpu.memref_slice %arg4[%dma_start3A_240, %multiple_of3A_215] : memref<32x1000000xf32, #tpu.memory_space<hbm>> -> memref<32x128xf32, #tpu.memory_space<hbm>>
      tpu.enqueue_dma source(%dma_start3A_241 : memref<32x128xf32, #tpu.memory_space<hbm>>) target(%dma_start3A_239 : memref<32x128xf32, #tpu.memory_space<vmem>>) target_semaphore(%arg22 : memref<!tpu.dma_semaphore, #tpu.memory_space<semaphore_mem>>)
      %dma_start3A_242 = arith.constant 2 : i32
      %dma_start3A_243 = arith.constant 0 : i32
      %dma_start3A_244 = arith.constant 0 : i32
      %dma_start3A_245 = tpu.memref_slice %arg15[%dma_start3A_242, %dma_start3A_243, %dma_start3A_244] : memref<4x32x128xf32, #tpu.memory_space<vmem>> -> memref<1x32x128xf32, #tpu.memory_space<vmem>>
      %dma_start3A_246 = tpu.memref_squeeze %dma_start3A_245 : memref<1x32x128xf32, #tpu.memory_space<vmem>> -> memref<32x128xf32, #tpu.memory_space<vmem>>
      %dma_start3A_247 = arith.constant 0 : i32
      %dma_start3A_248 = tpu.memref_slice %arg5[%dma_start3A_247, %multiple_of3A_222] : memref<32x1000000xf32, #tpu.memory_space<hbm>> -> memref<32x128xf32, #tpu.memory_space<hbm>>
      %dma_start3A_249 = arith.constant 0 : i32
      %dma_start3A_250 = arith.constant 0 : i32
      %dma_start3A_251 = tpu.memref_slice %arg15[%dma_start3A_242, %dma_start3A_249, %dma_start3A_250] : memref<4x32x128xf32, #tpu.memory_space<vmem>> -> memref<1x32x128xf32, #tpu.memory_space<vmem>>
      %dma_start3A_252 = tpu.memref_squeeze %dma_start3A_251 : memref<1x32x128xf32, #tpu.memory_space<vmem>> -> memref<32x128xf32, #tpu.memory_space<vmem>>
      %dma_start3A_253 = arith.constant 0 : i32
      %dma_start3A_254 = tpu.memref_slice %arg5[%dma_start3A_253, %multiple_of3A_222] : memref<32x1000000xf32, #tpu.memory_space<hbm>> -> memref<32x128xf32, #tpu.memory_space<hbm>>
      tpu.enqueue_dma source(%dma_start3A_254 : memref<32x128xf32, #tpu.memory_space<hbm>>) target(%dma_start3A_252 : memref<32x128xf32, #tpu.memory_space<vmem>>) target_semaphore(%arg22 : memref<!tpu.dma_semaphore, #tpu.memory_space<semaphore_mem>>)
      %dma_start3A_255 = arith.constant 2 : i32
      %dma_start3A_256 = arith.constant 0 : i32
      %dma_start3A_257 = arith.constant 0 : i32
      %dma_start3A_258 = tpu.memref_slice %arg16[%dma_start3A_255, %dma_start3A_256, %dma_start3A_257] : memref<4x16x128xf32, #tpu.memory_space<vmem>> -> memref<1x16x128xf32, #tpu.memory_space<vmem>>
      %dma_start3A_259 = tpu.memref_squeeze %dma_start3A_258 : memref<1x16x128xf32, #tpu.memory_space<vmem>> -> memref<16x128xf32, #tpu.memory_space<vmem>>
      %dma_start3A_260 = arith.constant 0 : i32
      %dma_start3A_261 = tpu.memref_slice %arg6[%dma_start3A_260, %multiple_of3A_215] : memref<16x1000000xf32, #tpu.memory_space<hbm>> -> memref<16x128xf32, #tpu.memory_space<hbm>>
      %dma_start3A_262 = arith.constant 0 : i32
      %dma_start3A_263 = arith.constant 0 : i32
      %dma_start3A_264 = tpu.memref_slice %arg16[%dma_start3A_255, %dma_start3A_262, %dma_start3A_263] : memref<4x16x128xf32, #tpu.memory_space<vmem>> -> memref<1x16x128xf32, #tpu.memory_space<vmem>>
      %dma_start3A_265 = tpu.memref_squeeze %dma_start3A_264 : memref<1x16x128xf32, #tpu.memory_space<vmem>> -> memref<16x128xf32, #tpu.memory_space<vmem>>
      %dma_start3A_266 = arith.constant 0 : i32
      %dma_start3A_267 = tpu.memref_slice %arg6[%dma_start3A_266, %multiple_of3A_215] : memref<16x1000000xf32, #tpu.memory_space<hbm>> -> memref<16x128xf32, #tpu.memory_space<hbm>>
      tpu.enqueue_dma source(%dma_start3A_267 : memref<16x128xf32, #tpu.memory_space<hbm>>) target(%dma_start3A_265 : memref<16x128xf32, #tpu.memory_space<vmem>>) target_semaphore(%arg22 : memref<!tpu.dma_semaphore, #tpu.memory_space<semaphore_mem>>)
      %dma_start3A_268 = arith.constant 2 : i32
      %dma_start3A_269 = arith.constant 0 : i32
      %dma_start3A_270 = arith.constant 0 : i32
      %dma_start3A_271 = tpu.memref_slice %arg17[%dma_start3A_268, %dma_start3A_269, %dma_start3A_270] : memref<4x16x128xf32, #tpu.memory_space<vmem>> -> memref<1x16x128xf32, #tpu.memory_space<vmem>>
      %dma_start3A_272 = tpu.memref_squeeze %dma_start3A_271 : memref<1x16x128xf32, #tpu.memory_space<vmem>> -> memref<16x128xf32, #tpu.memory_space<vmem>>
      %dma_start3A_273 = arith.constant 0 : i32
      %dma_start3A_274 = tpu.memref_slice %arg7[%dma_start3A_273, %multiple_of3A_222] : memref<16x1000000xf32, #tpu.memory_space<hbm>> -> memref<16x128xf32, #tpu.memory_space<hbm>>
      %dma_start3A_275 = arith.constant 0 : i32
      %dma_start3A_276 = arith.constant 0 : i32
      %dma_start3A_277 = tpu.memref_slice %arg17[%dma_start3A_268, %dma_start3A_275, %dma_start3A_276] : memref<4x16x128xf32, #tpu.memory_space<vmem>> -> memref<1x16x128xf32, #tpu.memory_space<vmem>>
      %dma_start3A_278 = tpu.memref_squeeze %dma_start3A_277 : memref<1x16x128xf32, #tpu.memory_space<vmem>> -> memref<16x128xf32, #tpu.memory_space<vmem>>
      %dma_start3A_279 = arith.constant 0 : i32
      %dma_start3A_280 = tpu.memref_slice %arg7[%dma_start3A_279, %multiple_of3A_222] : memref<16x1000000xf32, #tpu.memory_space<hbm>> -> memref<16x128xf32, #tpu.memory_space<hbm>>
      tpu.enqueue_dma source(%dma_start3A_280 : memref<16x128xf32, #tpu.memory_space<hbm>>) target(%dma_start3A_278 : memref<16x128xf32, #tpu.memory_space<vmem>>) target_semaphore(%arg22 : memref<!tpu.dma_semaphore, #tpu.memory_space<semaphore_mem>>)
      %eq3A_281 = arith.constant 3 : i32
      %eq3A_282 = vector.broadcast %eq3A_281 : i32 to vector<16xi32>
      %eq3A_283 = arith.cmpi eq, %iota3A, %eq3A_282 : vector<16xi32>
      %jit3A_284 = arith.constant 0 : i32
      %broadcast_in_dim3A_285 = vector.broadcast %jit3A_284 : i32 to vector<16xi32>
      %select_n3A_286 = arith.select %eq3A_283, %get3A_10, %broadcast_in_dim3A_285 : vector<16xi1>, vector<16xi32>
      %reduce_sum3A_287 = arith.constant true
      %reduce_sum3A_288 = vector.broadcast %reduce_sum3A_287 : i1 to vector<16xi1>
      %reduce_sum3A_289 = tpu.scan <sum>, %select_n3A_286 masked %reduce_sum3A_288 : vector<16xi32>, vector<16xi1> -> vector<16xi32>
      %reduce_sum3A_290 = vector.extract %reduce_sum3A_289[15] : i32 from vector<16xi32>
      %eq3A_291 = arith.constant 3 : i32
      %eq3A_292 = vector.broadcast %eq3A_291 : i32 to vector<16xi32>
      %eq3A_293 = arith.cmpi eq, %iota3A, %eq3A_292 : vector<16xi32>
      %jit3A_294 = arith.constant 0 : i32
      %broadcast_in_dim3A_295 = vector.broadcast %jit3A_294 : i32 to vector<16xi32>
      %select_n3A_296 = arith.select %eq3A_293, %get3A_13, %broadcast_in_dim3A_295 : vector<16xi1>, vector<16xi32>
      %reduce_sum3A_297 = arith.constant true
      %reduce_sum3A_298 = vector.broadcast %reduce_sum3A_297 : i1 to vector<16xi1>
      %reduce_sum3A_299 = tpu.scan <sum>, %select_n3A_296 masked %reduce_sum3A_298 : vector<16xi32>, vector<16xi1> -> vector<16xi32>
      %reduce_sum3A_300 = vector.extract %reduce_sum3A_299[15] : i32 from vector<16xi32>
      %shift_right_arithmetic3A_301 = arith.constant 7 : i32
      %shift_right_arithmetic3A_302 = arith.shrsi %reduce_sum3A_290, %shift_right_arithmetic3A_301 : i32
      %mul3A_303 = arith.constant 128 : i32
      %mul3A_304 = arith.muli %shift_right_arithmetic3A_302, %mul3A_303 : i32
      %min3A_305 = arith.constant 999808 : i32
      %min3A_306 = arith.minsi %mul3A_304, %min3A_305 : i32
      %multiple_of3A_307 = tpu.assume_multiple %min3A_306, 128 : i32
      %shift_right_arithmetic3A_308 = arith.constant 7 : i32
      %shift_right_arithmetic3A_309 = arith.shrsi %reduce_sum3A_300, %shift_right_arithmetic3A_308 : i32
      %mul3A_310 = arith.constant 128 : i32
      %mul3A_311 = arith.muli %shift_right_arithmetic3A_309, %mul3A_310 : i32
      %min3A_312 = arith.constant 999808 : i32
      %min3A_313 = arith.minsi %mul3A_311, %min3A_312 : i32
      %multiple_of3A_314 = tpu.assume_multiple %min3A_313, 128 : i32
      %sub3A_315 = arith.subi %reduce_sum3A_290, %multiple_of3A_307 : i32
      %min3A_316 = arith.constant 127 : i32
      %min3A_317 = arith.minsi %sub3A_315, %min3A_316 : i32
      %sub3A_318 = arith.subi %reduce_sum3A_300, %multiple_of3A_314 : i32
      %min3A_319 = arith.constant 127 : i32
      %min3A_320 = arith.minsi %sub3A_318, %min3A_319 : i32
      %dma_start3A_321 = arith.constant 3 : i32
      %dma_start3A_322 = arith.constant 0 : i32
      %dma_start3A_323 = arith.constant 0 : i32
      %dma_start3A_324 = tpu.memref_slice %arg14[%dma_start3A_321, %dma_start3A_322, %dma_start3A_323] : memref<4x32x128xf32, #tpu.memory_space<vmem>> -> memref<1x32x128xf32, #tpu.memory_space<vmem>>
      %dma_start3A_325 = tpu.memref_squeeze %dma_start3A_324 : memref<1x32x128xf32, #tpu.memory_space<vmem>> -> memref<32x128xf32, #tpu.memory_space<vmem>>
      %dma_start3A_326 = arith.constant 0 : i32
      %dma_start3A_327 = tpu.memref_slice %arg4[%dma_start3A_326, %multiple_of3A_307] : memref<32x1000000xf32, #tpu.memory_space<hbm>> -> memref<32x128xf32, #tpu.memory_space<hbm>>
      %dma_start3A_328 = arith.constant 0 : i32
      %dma_start3A_329 = arith.constant 0 : i32
      %dma_start3A_330 = tpu.memref_slice %arg14[%dma_start3A_321, %dma_start3A_328, %dma_start3A_329] : memref<4x32x128xf32, #tpu.memory_space<vmem>> -> memref<1x32x128xf32, #tpu.memory_space<vmem>>
      %dma_start3A_331 = tpu.memref_squeeze %dma_start3A_330 : memref<1x32x128xf32, #tpu.memory_space<vmem>> -> memref<32x128xf32, #tpu.memory_space<vmem>>
      %dma_start3A_332 = arith.constant 0 : i32
      %dma_start3A_333 = tpu.memref_slice %arg4[%dma_start3A_332, %multiple_of3A_307] : memref<32x1000000xf32, #tpu.memory_space<hbm>> -> memref<32x128xf32, #tpu.memory_space<hbm>>
      tpu.enqueue_dma source(%dma_start3A_333 : memref<32x128xf32, #tpu.memory_space<hbm>>) target(%dma_start3A_331 : memref<32x128xf32, #tpu.memory_space<vmem>>) target_semaphore(%arg22 : memref<!tpu.dma_semaphore, #tpu.memory_space<semaphore_mem>>)
      %dma_start3A_334 = arith.constant 3 : i32
      %dma_start3A_335 = arith.constant 0 : i32
      %dma_start3A_336 = arith.constant 0 : i32
      %dma_start3A_337 = tpu.memref_slice %arg15[%dma_start3A_334, %dma_start3A_335, %dma_start3A_336] : memref<4x32x128xf32, #tpu.memory_space<vmem>> -> memref<1x32x128xf32, #tpu.memory_space<vmem>>
      %dma_start3A_338 = tpu.memref_squeeze %dma_start3A_337 : memref<1x32x128xf32, #tpu.memory_space<vmem>> -> memref<32x128xf32, #tpu.memory_space<vmem>>
      %dma_start3A_339 = arith.constant 0 : i32
      %dma_start3A_340 = tpu.memref_slice %arg5[%dma_start3A_339, %multiple_of3A_314] : memref<32x1000000xf32, #tpu.memory_space<hbm>> -> memref<32x128xf32, #tpu.memory_space<hbm>>
      %dma_start3A_341 = arith.constant 0 : i32
      %dma_start3A_342 = arith.constant 0 : i32
      %dma_start3A_343 = tpu.memref_slice %arg15[%dma_start3A_334, %dma_start3A_341, %dma_start3A_342] : memref<4x32x128xf32, #tpu.memory_space<vmem>> -> memref<1x32x128xf32, #tpu.memory_space<vmem>>
      %dma_start3A_344 = tpu.memref_squeeze %dma_start3A_343 : memref<1x32x128xf32, #tpu.memory_space<vmem>> -> memref<32x128xf32, #tpu.memory_space<vmem>>
      %dma_start3A_345 = arith.constant 0 : i32
      %dma_start3A_346 = tpu.memref_slice %arg5[%dma_start3A_345, %multiple_of3A_314] : memref<32x1000000xf32, #tpu.memory_space<hbm>> -> memref<32x128xf32, #tpu.memory_space<hbm>>
      tpu.enqueue_dma source(%dma_start3A_346 : memref<32x128xf32, #tpu.memory_space<hbm>>) target(%dma_start3A_344 : memref<32x128xf32, #tpu.memory_space<vmem>>) target_semaphore(%arg22 : memref<!tpu.dma_semaphore, #tpu.memory_space<semaphore_mem>>)
      %dma_start3A_347 = arith.constant 3 : i32
      %dma_start3A_348 = arith.constant 0 : i32
      %dma_start3A_349 = arith.constant 0 : i32
      %dma_start3A_350 = tpu.memref_slice %arg16[%dma_start3A_347, %dma_start3A_348, %dma_start3A_349] : memref<4x16x128xf32, #tpu.memory_space<vmem>> -> memref<1x16x128xf32, #tpu.memory_space<vmem>>
      %dma_start3A_351 = tpu.memref_squeeze %dma_start3A_350 : memref<1x16x128xf32, #tpu.memory_space<vmem>> -> memref<16x128xf32, #tpu.memory_space<vmem>>
      %dma_start3A_352 = arith.constant 0 : i32
      %dma_start3A_353 = tpu.memref_slice %arg6[%dma_start3A_352, %multiple_of3A_307] : memref<16x1000000xf32, #tpu.memory_space<hbm>> -> memref<16x128xf32, #tpu.memory_space<hbm>>
      %dma_start3A_354 = arith.constant 0 : i32
      %dma_start3A_355 = arith.constant 0 : i32
      %dma_start3A_356 = tpu.memref_slice %arg16[%dma_start3A_347, %dma_start3A_354, %dma_start3A_355] : memref<4x16x128xf32, #tpu.memory_space<vmem>> -> memref<1x16x128xf32, #tpu.memory_space<vmem>>
      %dma_start3A_357 = tpu.memref_squeeze %dma_start3A_356 : memref<1x16x128xf32, #tpu.memory_space<vmem>> -> memref<16x128xf32, #tpu.memory_space<vmem>>
      %dma_start3A_358 = arith.constant 0 : i32
      %dma_start3A_359 = tpu.memref_slice %arg6[%dma_start3A_358, %multiple_of3A_307] : memref<16x1000000xf32, #tpu.memory_space<hbm>> -> memref<16x128xf32, #tpu.memory_space<hbm>>
      tpu.enqueue_dma source(%dma_start3A_359 : memref<16x128xf32, #tpu.memory_space<hbm>>) target(%dma_start3A_357 : memref<16x128xf32, #tpu.memory_space<vmem>>) target_semaphore(%arg22 : memref<!tpu.dma_semaphore, #tpu.memory_space<semaphore_mem>>)
      %dma_start3A_360 = arith.constant 3 : i32
      %dma_start3A_361 = arith.constant 0 : i32
      %dma_start3A_362 = arith.constant 0 : i32
      %dma_start3A_363 = tpu.memref_slice %arg17[%dma_start3A_360, %dma_start3A_361, %dma_start3A_362] : memref<4x16x128xf32, #tpu.memory_space<vmem>> -> memref<1x16x128xf32, #tpu.memory_space<vmem>>
      %dma_start3A_364 = tpu.memref_squeeze %dma_start3A_363 : memref<1x16x128xf32, #tpu.memory_space<vmem>> -> memref<16x128xf32, #tpu.memory_space<vmem>>
      %dma_start3A_365 = arith.constant 0 : i32
      %dma_start3A_366 = tpu.memref_slice %arg7[%dma_start3A_365, %multiple_of3A_314] : memref<16x1000000xf32, #tpu.memory_space<hbm>> -> memref<16x128xf32, #tpu.memory_space<hbm>>
      %dma_start3A_367 = arith.constant 0 : i32
      %dma_start3A_368 = arith.constant 0 : i32
      %dma_start3A_369 = tpu.memref_slice %arg17[%dma_start3A_360, %dma_start3A_367, %dma_start3A_368] : memref<4x16x128xf32, #tpu.memory_space<vmem>> -> memref<1x16x128xf32, #tpu.memory_space<vmem>>
      %dma_start3A_370 = tpu.memref_squeeze %dma_start3A_369 : memref<1x16x128xf32, #tpu.memory_space<vmem>> -> memref<16x128xf32, #tpu.memory_space<vmem>>
      %dma_start3A_371 = arith.constant 0 : i32
      %dma_start3A_372 = tpu.memref_slice %arg7[%dma_start3A_371, %multiple_of3A_314] : memref<16x1000000xf32, #tpu.memory_space<hbm>> -> memref<16x128xf32, #tpu.memory_space<hbm>>
      tpu.enqueue_dma source(%dma_start3A_372 : memref<16x128xf32, #tpu.memory_space<hbm>>) target(%dma_start3A_370 : memref<16x128xf32, #tpu.memory_space<vmem>>) target_semaphore(%arg22 : memref<!tpu.dma_semaphore, #tpu.memory_space<semaphore_mem>>)
      %dma_wait3A = arith.constant 0 : i32
      %dma_wait3A_373 = arith.constant 0 : i32
      %dma_wait3A_374 = arith.constant 0 : i32
      %dma_wait3A_375 = tpu.memref_slice %arg14[%dma_wait3A, %dma_wait3A_373, %dma_wait3A_374] : memref<4x32x128xf32, #tpu.memory_space<vmem>> -> memref<1x32x128xf32, #tpu.memory_space<vmem>>
      %dma_wait3A_376 = tpu.memref_squeeze %dma_wait3A_375 : memref<1x32x128xf32, #tpu.memory_space<vmem>> -> memref<32x128xf32, #tpu.memory_space<vmem>>
      %dma_wait3A_377 = arith.constant 0 : i32
      %dma_wait3A_378 = tpu.memref_slice %arg4[%dma_wait3A_377, %multiple_of3A_33] : memref<32x1000000xf32, #tpu.memory_space<hbm>> -> memref<32x128xf32, #tpu.memory_space<hbm>>
      %dma_wait3A_379 = arith.constant 0 : i32
      %dma_wait3A_380 = arith.constant 0 : i32
      %dma_wait3A_381 = tpu.memref_slice %arg14[%dma_wait3A, %dma_wait3A_379, %dma_wait3A_380] : memref<4x32x128xf32, #tpu.memory_space<vmem>> -> memref<1x32x128xf32, #tpu.memory_space<vmem>>
      %dma_wait3A_382 = tpu.memref_squeeze %dma_wait3A_381 : memref<1x32x128xf32, #tpu.memory_space<vmem>> -> memref<32x128xf32, #tpu.memory_space<vmem>>
      %dma_wait3A_383 = arith.constant 0 : i32
      %dma_wait3A_384 = tpu.memref_slice %arg4[%dma_wait3A_383, %multiple_of3A_33] : memref<32x1000000xf32, #tpu.memory_space<hbm>> -> memref<32x128xf32, #tpu.memory_space<hbm>>
      tpu.wait_dma2 semaphore(%arg22 : memref<!tpu.dma_semaphore, #tpu.memory_space<semaphore_mem>>) src(%dma_wait3A_384 : memref<32x128xf32, #tpu.memory_space<hbm>>) dst(%dma_wait3A_382 : memref<32x128xf32, #tpu.memory_space<vmem>>)
      %dma_wait3A_385 = arith.constant 0 : i32
      %dma_wait3A_386 = arith.constant 0 : i32
      %dma_wait3A_387 = arith.constant 0 : i32
      %dma_wait3A_388 = tpu.memref_slice %arg15[%dma_wait3A_385, %dma_wait3A_386, %dma_wait3A_387] : memref<4x32x128xf32, #tpu.memory_space<vmem>> -> memref<1x32x128xf32, #tpu.memory_space<vmem>>
      %dma_wait3A_389 = tpu.memref_squeeze %dma_wait3A_388 : memref<1x32x128xf32, #tpu.memory_space<vmem>> -> memref<32x128xf32, #tpu.memory_space<vmem>>
      %dma_wait3A_390 = arith.constant 0 : i32
      %dma_wait3A_391 = tpu.memref_slice %arg5[%dma_wait3A_390, %multiple_of3A_40] : memref<32x1000000xf32, #tpu.memory_space<hbm>> -> memref<32x128xf32, #tpu.memory_space<hbm>>
      %dma_wait3A_392 = arith.constant 0 : i32
      %dma_wait3A_393 = arith.constant 0 : i32
      %dma_wait3A_394 = tpu.memref_slice %arg15[%dma_wait3A_385, %dma_wait3A_392, %dma_wait3A_393] : memref<4x32x128xf32, #tpu.memory_space<vmem>> -> memref<1x32x128xf32, #tpu.memory_space<vmem>>
      %dma_wait3A_395 = tpu.memref_squeeze %dma_wait3A_394 : memref<1x32x128xf32, #tpu.memory_space<vmem>> -> memref<32x128xf32, #tpu.memory_space<vmem>>
      %dma_wait3A_396 = arith.constant 0 : i32
      %dma_wait3A_397 = tpu.memref_slice %arg5[%dma_wait3A_396, %multiple_of3A_40] : memref<32x1000000xf32, #tpu.memory_space<hbm>> -> memref<32x128xf32, #tpu.memory_space<hbm>>
      tpu.wait_dma2 semaphore(%arg22 : memref<!tpu.dma_semaphore, #tpu.memory_space<semaphore_mem>>) src(%dma_wait3A_397 : memref<32x128xf32, #tpu.memory_space<hbm>>) dst(%dma_wait3A_395 : memref<32x128xf32, #tpu.memory_space<vmem>>)
      %dma_wait3A_398 = arith.constant 0 : i32
      %dma_wait3A_399 = arith.constant 0 : i32
      %dma_wait3A_400 = arith.constant 0 : i32
      %dma_wait3A_401 = tpu.memref_slice %arg16[%dma_wait3A_398, %dma_wait3A_399, %dma_wait3A_400] : memref<4x16x128xf32, #tpu.memory_space<vmem>> -> memref<1x16x128xf32, #tpu.memory_space<vmem>>
      %dma_wait3A_402 = tpu.memref_squeeze %dma_wait3A_401 : memref<1x16x128xf32, #tpu.memory_space<vmem>> -> memref<16x128xf32, #tpu.memory_space<vmem>>
      %dma_wait3A_403 = arith.constant 0 : i32
      %dma_wait3A_404 = tpu.memref_slice %arg6[%dma_wait3A_403, %multiple_of3A_33] : memref<16x1000000xf32, #tpu.memory_space<hbm>> -> memref<16x128xf32, #tpu.memory_space<hbm>>
      %dma_wait3A_405 = arith.constant 0 : i32
      %dma_wait3A_406 = arith.constant 0 : i32
      %dma_wait3A_407 = tpu.memref_slice %arg16[%dma_wait3A_398, %dma_wait3A_405, %dma_wait3A_406] : memref<4x16x128xf32, #tpu.memory_space<vmem>> -> memref<1x16x128xf32, #tpu.memory_space<vmem>>
      %dma_wait3A_408 = tpu.memref_squeeze %dma_wait3A_407 : memref<1x16x128xf32, #tpu.memory_space<vmem>> -> memref<16x128xf32, #tpu.memory_space<vmem>>
      %dma_wait3A_409 = arith.constant 0 : i32
      %dma_wait3A_410 = tpu.memref_slice %arg6[%dma_wait3A_409, %multiple_of3A_33] : memref<16x1000000xf32, #tpu.memory_space<hbm>> -> memref<16x128xf32, #tpu.memory_space<hbm>>
      tpu.wait_dma2 semaphore(%arg22 : memref<!tpu.dma_semaphore, #tpu.memory_space<semaphore_mem>>) src(%dma_wait3A_410 : memref<16x128xf32, #tpu.memory_space<hbm>>) dst(%dma_wait3A_408 : memref<16x128xf32, #tpu.memory_space<vmem>>)
      %dma_wait3A_411 = arith.constant 0 : i32
      %dma_wait3A_412 = arith.constant 0 : i32
      %dma_wait3A_413 = arith.constant 0 : i32
      %dma_wait3A_414 = tpu.memref_slice %arg17[%dma_wait3A_411, %dma_wait3A_412, %dma_wait3A_413] : memref<4x16x128xf32, #tpu.memory_space<vmem>> -> memref<1x16x128xf32, #tpu.memory_space<vmem>>
      %dma_wait3A_415 = tpu.memref_squeeze %dma_wait3A_414 : memref<1x16x128xf32, #tpu.memory_space<vmem>> -> memref<16x128xf32, #tpu.memory_space<vmem>>
      %dma_wait3A_416 = arith.constant 0 : i32
      %dma_wait3A_417 = tpu.memref_slice %arg7[%dma_wait3A_416, %multiple_of3A_40] : memref<16x1000000xf32, #tpu.memory_space<hbm>> -> memref<16x128xf32, #tpu.memory_space<hbm>>
      %dma_wait3A_418 = arith.constant 0 : i32
      %dma_wait3A_419 = arith.constant 0 : i32
      %dma_wait3A_420 = tpu.memref_slice %arg17[%dma_wait3A_411, %dma_wait3A_418, %dma_wait3A_419] : memref<4x16x128xf32, #tpu.memory_space<vmem>> -> memref<1x16x128xf32, #tpu.memory_space<vmem>>
      %dma_wait3A_421 = tpu.memref_squeeze %dma_wait3A_420 : memref<1x16x128xf32, #tpu.memory_space<vmem>> -> memref<16x128xf32, #tpu.memory_space<vmem>>
      %dma_wait3A_422 = arith.constant 0 : i32
      %dma_wait3A_423 = tpu.memref_slice %arg7[%dma_wait3A_422, %multiple_of3A_40] : memref<16x1000000xf32, #tpu.memory_space<hbm>> -> memref<16x128xf32, #tpu.memory_space<hbm>>
      tpu.wait_dma2 semaphore(%arg22 : memref<!tpu.dma_semaphore, #tpu.memory_space<semaphore_mem>>) src(%dma_wait3A_423 : memref<16x128xf32, #tpu.memory_space<hbm>>) dst(%dma_wait3A_421 : memref<16x128xf32, #tpu.memory_space<vmem>>)
      %dma_wait3A_424 = arith.constant 1 : i32
      %dma_wait3A_425 = arith.constant 0 : i32
      %dma_wait3A_426 = arith.constant 0 : i32
      %dma_wait3A_427 = tpu.memref_slice %arg14[%dma_wait3A_424, %dma_wait3A_425, %dma_wait3A_426] : memref<4x32x128xf32, #tpu.memory_space<vmem>> -> memref<1x32x128xf32, #tpu.memory_space<vmem>>
      %dma_wait3A_428 = tpu.memref_squeeze %dma_wait3A_427 : memref<1x32x128xf32, #tpu.memory_space<vmem>> -> memref<32x128xf32, #tpu.memory_space<vmem>>
      %dma_wait3A_429 = arith.constant 0 : i32
      %dma_wait3A_430 = tpu.memref_slice %arg4[%dma_wait3A_429, %multiple_of3A_123] : memref<32x1000000xf32, #tpu.memory_space<hbm>> -> memref<32x128xf32, #tpu.memory_space<hbm>>
      %dma_wait3A_431 = arith.constant 0 : i32
      %dma_wait3A_432 = arith.constant 0 : i32
      %dma_wait3A_433 = tpu.memref_slice %arg14[%dma_wait3A_424, %dma_wait3A_431, %dma_wait3A_432] : memref<4x32x128xf32, #tpu.memory_space<vmem>> -> memref<1x32x128xf32, #tpu.memory_space<vmem>>
      %dma_wait3A_434 = tpu.memref_squeeze %dma_wait3A_433 : memref<1x32x128xf32, #tpu.memory_space<vmem>> -> memref<32x128xf32, #tpu.memory_space<vmem>>
      %dma_wait3A_435 = arith.constant 0 : i32
      %dma_wait3A_436 = tpu.memref_slice %arg4[%dma_wait3A_435, %multiple_of3A_123] : memref<32x1000000xf32, #tpu.memory_space<hbm>> -> memref<32x128xf32, #tpu.memory_space<hbm>>
      tpu.wait_dma2 semaphore(%arg22 : memref<!tpu.dma_semaphore, #tpu.memory_space<semaphore_mem>>) src(%dma_wait3A_436 : memref<32x128xf32, #tpu.memory_space<hbm>>) dst(%dma_wait3A_434 : memref<32x128xf32, #tpu.memory_space<vmem>>)
      %dma_wait3A_437 = arith.constant 1 : i32
      %dma_wait3A_438 = arith.constant 0 : i32
      %dma_wait3A_439 = arith.constant 0 : i32
      %dma_wait3A_440 = tpu.memref_slice %arg15[%dma_wait3A_437, %dma_wait3A_438, %dma_wait3A_439] : memref<4x32x128xf32, #tpu.memory_space<vmem>> -> memref<1x32x128xf32, #tpu.memory_space<vmem>>
      %dma_wait3A_441 = tpu.memref_squeeze %dma_wait3A_440 : memref<1x32x128xf32, #tpu.memory_space<vmem>> -> memref<32x128xf32, #tpu.memory_space<vmem>>
      %dma_wait3A_442 = arith.constant 0 : i32
      %dma_wait3A_443 = tpu.memref_slice %arg5[%dma_wait3A_442, %multiple_of3A_130] : memref<32x1000000xf32, #tpu.memory_space<hbm>> -> memref<32x128xf32, #tpu.memory_space<hbm>>
      %dma_wait3A_444 = arith.constant 0 : i32
      %dma_wait3A_445 = arith.constant 0 : i32
      %dma_wait3A_446 = tpu.memref_slice %arg15[%dma_wait3A_437, %dma_wait3A_444, %dma_wait3A_445] : memref<4x32x128xf32, #tpu.memory_space<vmem>> -> memref<1x32x128xf32, #tpu.memory_space<vmem>>
      %dma_wait3A_447 = tpu.memref_squeeze %dma_wait3A_446 : memref<1x32x128xf32, #tpu.memory_space<vmem>> -> memref<32x128xf32, #tpu.memory_space<vmem>>
      %dma_wait3A_448 = arith.constant 0 : i32
      %dma_wait3A_449 = tpu.memref_slice %arg5[%dma_wait3A_448, %multiple_of3A_130] : memref<32x1000000xf32, #tpu.memory_space<hbm>> -> memref<32x128xf32, #tpu.memory_space<hbm>>
      tpu.wait_dma2 semaphore(%arg22 : memref<!tpu.dma_semaphore, #tpu.memory_space<semaphore_mem>>) src(%dma_wait3A_449 : memref<32x128xf32, #tpu.memory_space<hbm>>) dst(%dma_wait3A_447 : memref<32x128xf32, #tpu.memory_space<vmem>>)
      %dma_wait3A_450 = arith.constant 1 : i32
      %dma_wait3A_451 = arith.constant 0 : i32
      %dma_wait3A_452 = arith.constant 0 : i32
      %dma_wait3A_453 = tpu.memref_slice %arg16[%dma_wait3A_450, %dma_wait3A_451, %dma_wait3A_452] : memref<4x16x128xf32, #tpu.memory_space<vmem>> -> memref<1x16x128xf32, #tpu.memory_space<vmem>>
      %dma_wait3A_454 = tpu.memref_squeeze %dma_wait3A_453 : memref<1x16x128xf32, #tpu.memory_space<vmem>> -> memref<16x128xf32, #tpu.memory_space<vmem>>
      %dma_wait3A_455 = arith.constant 0 : i32
      %dma_wait3A_456 = tpu.memref_slice %arg6[%dma_wait3A_455, %multiple_of3A_123] : memref<16x1000000xf32, #tpu.memory_space<hbm>> -> memref<16x128xf32, #tpu.memory_space<hbm>>
      %dma_wait3A_457 = arith.constant 0 : i32
      %dma_wait3A_458 = arith.constant 0 : i32
      %dma_wait3A_459 = tpu.memref_slice %arg16[%dma_wait3A_450, %dma_wait3A_457, %dma_wait3A_458] : memref<4x16x128xf32, #tpu.memory_space<vmem>> -> memref<1x16x128xf32, #tpu.memory_space<vmem>>
      %dma_wait3A_460 = tpu.memref_squeeze %dma_wait3A_459 : memref<1x16x128xf32, #tpu.memory_space<vmem>> -> memref<16x128xf32, #tpu.memory_space<vmem>>
      %dma_wait3A_461 = arith.constant 0 : i32
      %dma_wait3A_462 = tpu.memref_slice %arg6[%dma_wait3A_461, %multiple_of3A_123] : memref<16x1000000xf32, #tpu.memory_space<hbm>> -> memref<16x128xf32, #tpu.memory_space<hbm>>
      tpu.wait_dma2 semaphore(%arg22 : memref<!tpu.dma_semaphore, #tpu.memory_space<semaphore_mem>>) src(%dma_wait3A_462 : memref<16x128xf32, #tpu.memory_space<hbm>>) dst(%dma_wait3A_460 : memref<16x128xf32, #tpu.memory_space<vmem>>)
      %dma_wait3A_463 = arith.constant 1 : i32
      %dma_wait3A_464 = arith.constant 0 : i32
      %dma_wait3A_465 = arith.constant 0 : i32
      %dma_wait3A_466 = tpu.memref_slice %arg17[%dma_wait3A_463, %dma_wait3A_464, %dma_wait3A_465] : memref<4x16x128xf32, #tpu.memory_space<vmem>> -> memref<1x16x128xf32, #tpu.memory_space<vmem>>
      %dma_wait3A_467 = tpu.memref_squeeze %dma_wait3A_466 : memref<1x16x128xf32, #tpu.memory_space<vmem>> -> memref<16x128xf32, #tpu.memory_space<vmem>>
      %dma_wait3A_468 = arith.constant 0 : i32
      %dma_wait3A_469 = tpu.memref_slice %arg7[%dma_wait3A_468, %multiple_of3A_130] : memref<16x1000000xf32, #tpu.memory_space<hbm>> -> memref<16x128xf32, #tpu.memory_space<hbm>>
      %dma_wait3A_470 = arith.constant 0 : i32
      %dma_wait3A_471 = arith.constant 0 : i32
      %dma_wait3A_472 = tpu.memref_slice %arg17[%dma_wait3A_463, %dma_wait3A_470, %dma_wait3A_471] : memref<4x16x128xf32, #tpu.memory_space<vmem>> -> memref<1x16x128xf32, #tpu.memory_space<vmem>>
      %dma_wait3A_473 = tpu.memref_squeeze %dma_wait3A_472 : memref<1x16x128xf32, #tpu.memory_space<vmem>> -> memref<16x128xf32, #tpu.memory_space<vmem>>
      %dma_wait3A_474 = arith.constant 0 : i32
      %dma_wait3A_475 = tpu.memref_slice %arg7[%dma_wait3A_474, %multiple_of3A_130] : memref<16x1000000xf32, #tpu.memory_space<hbm>> -> memref<16x128xf32, #tpu.memory_space<hbm>>
      tpu.wait_dma2 semaphore(%arg22 : memref<!tpu.dma_semaphore, #tpu.memory_space<semaphore_mem>>) src(%dma_wait3A_475 : memref<16x128xf32, #tpu.memory_space<hbm>>) dst(%dma_wait3A_473 : memref<16x128xf32, #tpu.memory_space<vmem>>)
      %dma_wait3A_476 = arith.constant 2 : i32
      %dma_wait3A_477 = arith.constant 0 : i32
      %dma_wait3A_478 = arith.constant 0 : i32
      %dma_wait3A_479 = tpu.memref_slice %arg14[%dma_wait3A_476, %dma_wait3A_477, %dma_wait3A_478] : memref<4x32x128xf32, #tpu.memory_space<vmem>> -> memref<1x32x128xf32, #tpu.memory_space<vmem>>
      %dma_wait3A_480 = tpu.memref_squeeze %dma_wait3A_479 : memref<1x32x128xf32, #tpu.memory_space<vmem>> -> memref<32x128xf32, #tpu.memory_space<vmem>>
      %dma_wait3A_481 = arith.constant 0 : i32
      %dma_wait3A_482 = tpu.memref_slice %arg4[%dma_wait3A_481, %multiple_of3A_215] : memref<32x1000000xf32, #tpu.memory_space<hbm>> -> memref<32x128xf32, #tpu.memory_space<hbm>>
      %dma_wait3A_483 = arith.constant 0 : i32
      %dma_wait3A_484 = arith.constant 0 : i32
      %dma_wait3A_485 = tpu.memref_slice %arg14[%dma_wait3A_476, %dma_wait3A_483, %dma_wait3A_484] : memref<4x32x128xf32, #tpu.memory_space<vmem>> -> memref<1x32x128xf32, #tpu.memory_space<vmem>>
      %dma_wait3A_486 = tpu.memref_squeeze %dma_wait3A_485 : memref<1x32x128xf32, #tpu.memory_space<vmem>> -> memref<32x128xf32, #tpu.memory_space<vmem>>
      %dma_wait3A_487 = arith.constant 0 : i32
      %dma_wait3A_488 = tpu.memref_slice %arg4[%dma_wait3A_487, %multiple_of3A_215] : memref<32x1000000xf32, #tpu.memory_space<hbm>> -> memref<32x128xf32, #tpu.memory_space<hbm>>
      tpu.wait_dma2 semaphore(%arg22 : memref<!tpu.dma_semaphore, #tpu.memory_space<semaphore_mem>>) src(%dma_wait3A_488 : memref<32x128xf32, #tpu.memory_space<hbm>>) dst(%dma_wait3A_486 : memref<32x128xf32, #tpu.memory_space<vmem>>)
      %dma_wait3A_489 = arith.constant 2 : i32
      %dma_wait3A_490 = arith.constant 0 : i32
      %dma_wait3A_491 = arith.constant 0 : i32
      %dma_wait3A_492 = tpu.memref_slice %arg15[%dma_wait3A_489, %dma_wait3A_490, %dma_wait3A_491] : memref<4x32x128xf32, #tpu.memory_space<vmem>> -> memref<1x32x128xf32, #tpu.memory_space<vmem>>
      %dma_wait3A_493 = tpu.memref_squeeze %dma_wait3A_492 : memref<1x32x128xf32, #tpu.memory_space<vmem>> -> memref<32x128xf32, #tpu.memory_space<vmem>>
      %dma_wait3A_494 = arith.constant 0 : i32
      %dma_wait3A_495 = tpu.memref_slice %arg5[%dma_wait3A_494, %multiple_of3A_222] : memref<32x1000000xf32, #tpu.memory_space<hbm>> -> memref<32x128xf32, #tpu.memory_space<hbm>>
      %dma_wait3A_496 = arith.constant 0 : i32
      %dma_wait3A_497 = arith.constant 0 : i32
      %dma_wait3A_498 = tpu.memref_slice %arg15[%dma_wait3A_489, %dma_wait3A_496, %dma_wait3A_497] : memref<4x32x128xf32, #tpu.memory_space<vmem>> -> memref<1x32x128xf32, #tpu.memory_space<vmem>>
      %dma_wait3A_499 = tpu.memref_squeeze %dma_wait3A_498 : memref<1x32x128xf32, #tpu.memory_space<vmem>> -> memref<32x128xf32, #tpu.memory_space<vmem>>
      %dma_wait3A_500 = arith.constant 0 : i32
      %dma_wait3A_501 = tpu.memref_slice %arg5[%dma_wait3A_500, %multiple_of3A_222] : memref<32x1000000xf32, #tpu.memory_space<hbm>> -> memref<32x128xf32, #tpu.memory_space<hbm>>
      tpu.wait_dma2 semaphore(%arg22 : memref<!tpu.dma_semaphore, #tpu.memory_space<semaphore_mem>>) src(%dma_wait3A_501 : memref<32x128xf32, #tpu.memory_space<hbm>>) dst(%dma_wait3A_499 : memref<32x128xf32, #tpu.memory_space<vmem>>)
      %dma_wait3A_502 = arith.constant 2 : i32
      %dma_wait3A_503 = arith.constant 0 : i32
      %dma_wait3A_504 = arith.constant 0 : i32
      %dma_wait3A_505 = tpu.memref_slice %arg16[%dma_wait3A_502, %dma_wait3A_503, %dma_wait3A_504] : memref<4x16x128xf32, #tpu.memory_space<vmem>> -> memref<1x16x128xf32, #tpu.memory_space<vmem>>
      %dma_wait3A_506 = tpu.memref_squeeze %dma_wait3A_505 : memref<1x16x128xf32, #tpu.memory_space<vmem>> -> memref<16x128xf32, #tpu.memory_space<vmem>>
      %dma_wait3A_507 = arith.constant 0 : i32
      %dma_wait3A_508 = tpu.memref_slice %arg6[%dma_wait3A_507, %multiple_of3A_215] : memref<16x1000000xf32, #tpu.memory_space<hbm>> -> memref<16x128xf32, #tpu.memory_space<hbm>>
      %dma_wait3A_509 = arith.constant 0 : i32
      %dma_wait3A_510 = arith.constant 0 : i32
      %dma_wait3A_511 = tpu.memref_slice %arg16[%dma_wait3A_502, %dma_wait3A_509, %dma_wait3A_510] : memref<4x16x128xf32, #tpu.memory_space<vmem>> -> memref<1x16x128xf32, #tpu.memory_space<vmem>>
      %dma_wait3A_512 = tpu.memref_squeeze %dma_wait3A_511 : memref<1x16x128xf32, #tpu.memory_space<vmem>> -> memref<16x128xf32, #tpu.memory_space<vmem>>
      %dma_wait3A_513 = arith.constant 0 : i32
      %dma_wait3A_514 = tpu.memref_slice %arg6[%dma_wait3A_513, %multiple_of3A_215] : memref<16x1000000xf32, #tpu.memory_space<hbm>> -> memref<16x128xf32, #tpu.memory_space<hbm>>
      tpu.wait_dma2 semaphore(%arg22 : memref<!tpu.dma_semaphore, #tpu.memory_space<semaphore_mem>>) src(%dma_wait3A_514 : memref<16x128xf32, #tpu.memory_space<hbm>>) dst(%dma_wait3A_512 : memref<16x128xf32, #tpu.memory_space<vmem>>)
      %dma_wait3A_515 = arith.constant 2 : i32
      %dma_wait3A_516 = arith.constant 0 : i32
      %dma_wait3A_517 = arith.constant 0 : i32
      %dma_wait3A_518 = tpu.memref_slice %arg17[%dma_wait3A_515, %dma_wait3A_516, %dma_wait3A_517] : memref<4x16x128xf32, #tpu.memory_space<vmem>> -> memref<1x16x128xf32, #tpu.memory_space<vmem>>
      %dma_wait3A_519 = tpu.memref_squeeze %dma_wait3A_518 : memref<1x16x128xf32, #tpu.memory_space<vmem>> -> memref<16x128xf32, #tpu.memory_space<vmem>>
      %dma_wait3A_520 = arith.constant 0 : i32
      %dma_wait3A_521 = tpu.memref_slice %arg7[%dma_wait3A_520, %multiple_of3A_222] : memref<16x1000000xf32, #tpu.memory_space<hbm>> -> memref<16x128xf32, #tpu.memory_space<hbm>>
      %dma_wait3A_522 = arith.constant 0 : i32
      %dma_wait3A_523 = arith.constant 0 : i32
      %dma_wait3A_524 = tpu.memref_slice %arg17[%dma_wait3A_515, %dma_wait3A_522, %dma_wait3A_523] : memref<4x16x128xf32, #tpu.memory_space<vmem>> -> memref<1x16x128xf32, #tpu.memory_space<vmem>>
      %dma_wait3A_525 = tpu.memref_squeeze %dma_wait3A_524 : memref<1x16x128xf32, #tpu.memory_space<vmem>> -> memref<16x128xf32, #tpu.memory_space<vmem>>
      %dma_wait3A_526 = arith.constant 0 : i32
      %dma_wait3A_527 = tpu.memref_slice %arg7[%dma_wait3A_526, %multiple_of3A_222] : memref<16x1000000xf32, #tpu.memory_space<hbm>> -> memref<16x128xf32, #tpu.memory_space<hbm>>
      tpu.wait_dma2 semaphore(%arg22 : memref<!tpu.dma_semaphore, #tpu.memory_space<semaphore_mem>>) src(%dma_wait3A_527 : memref<16x128xf32, #tpu.memory_space<hbm>>) dst(%dma_wait3A_525 : memref<16x128xf32, #tpu.memory_space<vmem>>)
      %dma_wait3A_528 = arith.constant 3 : i32
      %dma_wait3A_529 = arith.constant 0 : i32
      %dma_wait3A_530 = arith.constant 0 : i32
      %dma_wait3A_531 = tpu.memref_slice %arg14[%dma_wait3A_528, %dma_wait3A_529, %dma_wait3A_530] : memref<4x32x128xf32, #tpu.memory_space<vmem>> -> memref<1x32x128xf32, #tpu.memory_space<vmem>>
      %dma_wait3A_532 = tpu.memref_squeeze %dma_wait3A_531 : memref<1x32x128xf32, #tpu.memory_space<vmem>> -> memref<32x128xf32, #tpu.memory_space<vmem>>
      %dma_wait3A_533 = arith.constant 0 : i32
      %dma_wait3A_534 = tpu.memref_slice %arg4[%dma_wait3A_533, %multiple_of3A_307] : memref<32x1000000xf32, #tpu.memory_space<hbm>> -> memref<32x128xf32, #tpu.memory_space<hbm>>
      %dma_wait3A_535 = arith.constant 0 : i32
      %dma_wait3A_536 = arith.constant 0 : i32
      %dma_wait3A_537 = tpu.memref_slice %arg14[%dma_wait3A_528, %dma_wait3A_535, %dma_wait3A_536] : memref<4x32x128xf32, #tpu.memory_space<vmem>> -> memref<1x32x128xf32, #tpu.memory_space<vmem>>
      %dma_wait3A_538 = tpu.memref_squeeze %dma_wait3A_537 : memref<1x32x128xf32, #tpu.memory_space<vmem>> -> memref<32x128xf32, #tpu.memory_space<vmem>>
      %dma_wait3A_539 = arith.constant 0 : i32
      %dma_wait3A_540 = tpu.memref_slice %arg4[%dma_wait3A_539, %multiple_of3A_307] : memref<32x1000000xf32, #tpu.memory_space<hbm>> -> memref<32x128xf32, #tpu.memory_space<hbm>>
      tpu.wait_dma2 semaphore(%arg22 : memref<!tpu.dma_semaphore, #tpu.memory_space<semaphore_mem>>) src(%dma_wait3A_540 : memref<32x128xf32, #tpu.memory_space<hbm>>) dst(%dma_wait3A_538 : memref<32x128xf32, #tpu.memory_space<vmem>>)
      %dma_wait3A_541 = arith.constant 3 : i32
      %dma_wait3A_542 = arith.constant 0 : i32
      %dma_wait3A_543 = arith.constant 0 : i32
      %dma_wait3A_544 = tpu.memref_slice %arg15[%dma_wait3A_541, %dma_wait3A_542, %dma_wait3A_543] : memref<4x32x128xf32, #tpu.memory_space<vmem>> -> memref<1x32x128xf32, #tpu.memory_space<vmem>>
      %dma_wait3A_545 = tpu.memref_squeeze %dma_wait3A_544 : memref<1x32x128xf32, #tpu.memory_space<vmem>> -> memref<32x128xf32, #tpu.memory_space<vmem>>
      %dma_wait3A_546 = arith.constant 0 : i32
      %dma_wait3A_547 = tpu.memref_slice %arg5[%dma_wait3A_546, %multiple_of3A_314] : memref<32x1000000xf32, #tpu.memory_space<hbm>> -> memref<32x128xf32, #tpu.memory_space<hbm>>
      %dma_wait3A_548 = arith.constant 0 : i32
      %dma_wait3A_549 = arith.constant 0 : i32
      %dma_wait3A_550 = tpu.memref_slice %arg15[%dma_wait3A_541, %dma_wait3A_548, %dma_wait3A_549] : memref<4x32x128xf32, #tpu.memory_space<vmem>> -> memref<1x32x128xf32, #tpu.memory_space<vmem>>
      %dma_wait3A_551 = tpu.memref_squeeze %dma_wait3A_550 : memref<1x32x128xf32, #tpu.memory_space<vmem>> -> memref<32x128xf32, #tpu.memory_space<vmem>>
      %dma_wait3A_552 = arith.constant 0 : i32
      %dma_wait3A_553 = tpu.memref_slice %arg5[%dma_wait3A_552, %multiple_of3A_314] : memref<32x1000000xf32, #tpu.memory_space<hbm>> -> memref<32x128xf32, #tpu.memory_space<hbm>>
      tpu.wait_dma2 semaphore(%arg22 : memref<!tpu.dma_semaphore, #tpu.memory_space<semaphore_mem>>) src(%dma_wait3A_553 : memref<32x128xf32, #tpu.memory_space<hbm>>) dst(%dma_wait3A_551 : memref<32x128xf32, #tpu.memory_space<vmem>>)
      %dma_wait3A_554 = arith.constant 3 : i32
      %dma_wait3A_555 = arith.constant 0 : i32
      %dma_wait3A_556 = arith.constant 0 : i32
      %dma_wait3A_557 = tpu.memref_slice %arg16[%dma_wait3A_554, %dma_wait3A_555, %dma_wait3A_556] : memref<4x16x128xf32, #tpu.memory_space<vmem>> -> memref<1x16x128xf32, #tpu.memory_space<vmem>>
      %dma_wait3A_558 = tpu.memref_squeeze %dma_wait3A_557 : memref<1x16x128xf32, #tpu.memory_space<vmem>> -> memref<16x128xf32, #tpu.memory_space<vmem>>
      %dma_wait3A_559 = arith.constant 0 : i32
      %dma_wait3A_560 = tpu.memref_slice %arg6[%dma_wait3A_559, %multiple_of3A_307] : memref<16x1000000xf32, #tpu.memory_space<hbm>> -> memref<16x128xf32, #tpu.memory_space<hbm>>
      %dma_wait3A_561 = arith.constant 0 : i32
      %dma_wait3A_562 = arith.constant 0 : i32
      %dma_wait3A_563 = tpu.memref_slice %arg16[%dma_wait3A_554, %dma_wait3A_561, %dma_wait3A_562] : memref<4x16x128xf32, #tpu.memory_space<vmem>> -> memref<1x16x128xf32, #tpu.memory_space<vmem>>
      %dma_wait3A_564 = tpu.memref_squeeze %dma_wait3A_563 : memref<1x16x128xf32, #tpu.memory_space<vmem>> -> memref<16x128xf32, #tpu.memory_space<vmem>>
      %dma_wait3A_565 = arith.constant 0 : i32
      %dma_wait3A_566 = tpu.memref_slice %arg6[%dma_wait3A_565, %multiple_of3A_307] : memref<16x1000000xf32, #tpu.memory_space<hbm>> -> memref<16x128xf32, #tpu.memory_space<hbm>>
      tpu.wait_dma2 semaphore(%arg22 : memref<!tpu.dma_semaphore, #tpu.memory_space<semaphore_mem>>) src(%dma_wait3A_566 : memref<16x128xf32, #tpu.memory_space<hbm>>) dst(%dma_wait3A_564 : memref<16x128xf32, #tpu.memory_space<vmem>>)
      %dma_wait3A_567 = arith.constant 3 : i32
      %dma_wait3A_568 = arith.constant 0 : i32
      %dma_wait3A_569 = arith.constant 0 : i32
      %dma_wait3A_570 = tpu.memref_slice %arg17[%dma_wait3A_567, %dma_wait3A_568, %dma_wait3A_569] : memref<4x16x128xf32, #tpu.memory_space<vmem>> -> memref<1x16x128xf32, #tpu.memory_space<vmem>>
      %dma_wait3A_571 = tpu.memref_squeeze %dma_wait3A_570 : memref<1x16x128xf32, #tpu.memory_space<vmem>> -> memref<16x128xf32, #tpu.memory_space<vmem>>
      %dma_wait3A_572 = arith.constant 0 : i32
      %dma_wait3A_573 = tpu.memref_slice %arg7[%dma_wait3A_572, %multiple_of3A_314] : memref<16x1000000xf32, #tpu.memory_space<hbm>> -> memref<16x128xf32, #tpu.memory_space<hbm>>
      %dma_wait3A_574 = arith.constant 0 : i32
      %dma_wait3A_575 = arith.constant 0 : i32
      %dma_wait3A_576 = tpu.memref_slice %arg17[%dma_wait3A_567, %dma_wait3A_574, %dma_wait3A_575] : memref<4x16x128xf32, #tpu.memory_space<vmem>> -> memref<1x16x128xf32, #tpu.memory_space<vmem>>
      %dma_wait3A_577 = tpu.memref_squeeze %dma_wait3A_576 : memref<1x16x128xf32, #tpu.memory_space<vmem>> -> memref<16x128xf32, #tpu.memory_space<vmem>>
      %dma_wait3A_578 = arith.constant 0 : i32
      %dma_wait3A_579 = tpu.memref_slice %arg7[%dma_wait3A_578, %multiple_of3A_314] : memref<16x1000000xf32, #tpu.memory_space<hbm>> -> memref<16x128xf32, #tpu.memory_space<hbm>>
      tpu.wait_dma2 semaphore(%arg22 : memref<!tpu.dma_semaphore, #tpu.memory_space<semaphore_mem>>) src(%dma_wait3A_579 : memref<16x128xf32, #tpu.memory_space<hbm>>) dst(%dma_wait3A_577 : memref<16x128xf32, #tpu.memory_space<vmem>>)
      %mul3A_580 = arith.constant 16 : i32
      %mul3A_581 = arith.muli %scan3A_8, %mul3A_580 : i32
      %add3A_582 = arith.constant 0 : i32
      %add3A_583 = arith.addi %mul3A_581, %add3A_582 : i32
      %add3A_584 = arith.constant 0 : i32
      %add3A_585 = arith.addi %add3A_583, %add3A_584 : i32
      %broadcast_in_dim3A_586 = vector.broadcast %min3A_42 : i32 to vector<16xi32>
      %broadcast_in_dim3A_587 = vector.broadcast %add3A_585 : i32 to vector<16xi32>
      %iota3A_588 = tpu.iota {dimensions = array<i32: 0>} : vector<16xi32>
      %add3A_589 = arith.constant 0 : i32
      %add3A_590 = vector.broadcast %add3A_589 : i32 to vector<16xi32>
      %add3A_591 = arith.addi %iota3A_588, %add3A_590 : vector<16xi32>
      %gather3A = arith.constant 0 : i32
      %gather3A_592 = arith.constant 0 : i32
      %gather3A_593 = arith.constant 0 : i32
      %gather3A_594 = tpu.memref_slice %arg14[%gather3A, %gather3A_592, %gather3A_593] : memref<4x32x128xf32, #tpu.memory_space<vmem>> -> memref<1x32x128xf32, #tpu.memory_space<vmem>>
      %gather3A_595 = tpu.memref_squeeze %gather3A_594 : memref<1x32x128xf32, #tpu.memory_space<vmem>> -> memref<32x128xf32, #tpu.memory_space<vmem>>
      %gather3A_596 = tpu.vector_load_idx %gather3A_595[%add3A_591, %broadcast_in_dim3A_586] : memref<32x128xf32, #tpu.memory_space<vmem>>[vector<16xi32>, vector<16xi32>], vector<16xf32>,
      tpu.vector_store_idx %arg18[%add3A_591, %broadcast_in_dim3A_587], %gather3A_596 : memref<32x512xf32, #tpu.memory_space<vmem>>[vector<16xi32>, vector<16xi32>], vector<16xf32>,
      %iota3A_597 = tpu.iota {dimensions = array<i32: 0>} : vector<16xi32>
      %add3A_598 = arith.constant 16 : i32
      %add3A_599 = vector.broadcast %add3A_598 : i32 to vector<16xi32>
      %add3A_600 = arith.addi %iota3A_597, %add3A_599 : vector<16xi32>
      %gather3A_601 = arith.constant 0 : i32
      %gather3A_602 = arith.constant 0 : i32
      %gather3A_603 = arith.constant 0 : i32
      %gather3A_604 = tpu.memref_slice %arg14[%gather3A_601, %gather3A_602, %gather3A_603] : memref<4x32x128xf32, #tpu.memory_space<vmem>> -> memref<1x32x128xf32, #tpu.memory_space<vmem>>
      %gather3A_605 = tpu.memref_squeeze %gather3A_604 : memref<1x32x128xf32, #tpu.memory_space<vmem>> -> memref<32x128xf32, #tpu.memory_space<vmem>>
      %gather3A_606 = tpu.vector_load_idx %gather3A_605[%add3A_600, %broadcast_in_dim3A_586] : memref<32x128xf32, #tpu.memory_space<vmem>>[vector<16xi32>, vector<16xi32>], vector<16xf32>,
      tpu.vector_store_idx %arg18[%add3A_600, %broadcast_in_dim3A_587], %gather3A_606 : memref<32x512xf32, #tpu.memory_space<vmem>>[vector<16xi32>, vector<16xi32>], vector<16xf32>,
      %broadcast_in_dim3A_607 = vector.broadcast %min3A_45 : i32 to vector<16xi32>
      %broadcast_in_dim3A_608 = vector.broadcast %add3A_585 : i32 to vector<16xi32>
      %iota3A_609 = tpu.iota {dimensions = array<i32: 0>} : vector<16xi32>
      %add3A_610 = arith.constant 0 : i32
      %add3A_611 = vector.broadcast %add3A_610 : i32 to vector<16xi32>
      %add3A_612 = arith.addi %iota3A_609, %add3A_611 : vector<16xi32>
      %gather3A_613 = arith.constant 0 : i32
      %gather3A_614 = arith.constant 0 : i32
      %gather3A_615 = arith.constant 0 : i32
      %gather3A_616 = tpu.memref_slice %arg15[%gather3A_613, %gather3A_614, %gather3A_615] : memref<4x32x128xf32, #tpu.memory_space<vmem>> -> memref<1x32x128xf32, #tpu.memory_space<vmem>>
      %gather3A_617 = tpu.memref_squeeze %gather3A_616 : memref<1x32x128xf32, #tpu.memory_space<vmem>> -> memref<32x128xf32, #tpu.memory_space<vmem>>
      %gather3A_618 = tpu.vector_load_idx %gather3A_617[%add3A_612, %broadcast_in_dim3A_607] : memref<32x128xf32, #tpu.memory_space<vmem>>[vector<16xi32>, vector<16xi32>], vector<16xf32>,
      tpu.vector_store_idx %arg19[%add3A_612, %broadcast_in_dim3A_608], %gather3A_618 : memref<32x512xf32, #tpu.memory_space<vmem>>[vector<16xi32>, vector<16xi32>], vector<16xf32>,
      %iota3A_619 = tpu.iota {dimensions = array<i32: 0>} : vector<16xi32>
      %add3A_620 = arith.constant 16 : i32
      %add3A_621 = vector.broadcast %add3A_620 : i32 to vector<16xi32>
      %add3A_622 = arith.addi %iota3A_619, %add3A_621 : vector<16xi32>
      %gather3A_623 = arith.constant 0 : i32
      %gather3A_624 = arith.constant 0 : i32
      %gather3A_625 = arith.constant 0 : i32
      %gather3A_626 = tpu.memref_slice %arg15[%gather3A_623, %gather3A_624, %gather3A_625] : memref<4x32x128xf32, #tpu.memory_space<vmem>> -> memref<1x32x128xf32, #tpu.memory_space<vmem>>
      %gather3A_627 = tpu.memref_squeeze %gather3A_626 : memref<1x32x128xf32, #tpu.memory_space<vmem>> -> memref<32x128xf32, #tpu.memory_space<vmem>>
      %gather3A_628 = tpu.vector_load_idx %gather3A_627[%add3A_622, %broadcast_in_dim3A_607] : memref<32x128xf32, #tpu.memory_space<vmem>>[vector<16xi32>, vector<16xi32>], vector<16xf32>,
      tpu.vector_store_idx %arg19[%add3A_622, %broadcast_in_dim3A_608], %gather3A_628 : memref<32x512xf32, #tpu.memory_space<vmem>>[vector<16xi32>, vector<16xi32>], vector<16xf32>,
      %broadcast_in_dim3A_629 = vector.broadcast %min3A_42 : i32 to vector<16xi32>
      %broadcast_in_dim3A_630 = vector.broadcast %add3A_585 : i32 to vector<16xi32>
      %iota3A_631 = tpu.iota {dimensions = array<i32: 0>} : vector<16xi32>
      %add3A_632 = arith.constant 0 : i32
      %add3A_633 = vector.broadcast %add3A_632 : i32 to vector<16xi32>
      %add3A_634 = arith.addi %iota3A_631, %add3A_633 : vector<16xi32>
      %gather3A_635 = arith.constant 0 : i32
      %gather3A_636 = arith.constant 0 : i32
      %gather3A_637 = arith.constant 0 : i32
      %gather3A_638 = tpu.memref_slice %arg16[%gather3A_635, %gather3A_636, %gather3A_637] : memref<4x16x128xf32, #tpu.memory_space<vmem>> -> memref<1x16x128xf32, #tpu.memory_space<vmem>>
      %gather3A_639 = tpu.memref_squeeze %gather3A_638 : memref<1x16x128xf32, #tpu.memory_space<vmem>> -> memref<16x128xf32, #tpu.memory_space<vmem>>
      %gather3A_640 = tpu.vector_load_idx %gather3A_639[%add3A_634, %broadcast_in_dim3A_629] : memref<16x128xf32, #tpu.memory_space<vmem>>[vector<16xi32>, vector<16xi32>], vector<16xf32>,
      tpu.vector_store_idx %arg20[%add3A_634, %broadcast_in_dim3A_630], %gather3A_640 : memref<16x512xf32, #tpu.memory_space<vmem>>[vector<16xi32>, vector<16xi32>], vector<16xf32>,
      %broadcast_in_dim3A_641 = vector.broadcast %min3A_45 : i32 to vector<16xi32>
      %broadcast_in_dim3A_642 = vector.broadcast %add3A_585 : i32 to vector<16xi32>
      %iota3A_643 = tpu.iota {dimensions = array<i32: 0>} : vector<16xi32>
      %add3A_644 = arith.constant 0 : i32
      %add3A_645 = vector.broadcast %add3A_644 : i32 to vector<16xi32>
      %add3A_646 = arith.addi %iota3A_643, %add3A_645 : vector<16xi32>
      %gather3A_647 = arith.constant 0 : i32
      %gather3A_648 = arith.constant 0 : i32
      %gather3A_649 = arith.constant 0 : i32
      %gather3A_650 = tpu.memref_slice %arg17[%gather3A_647, %gather3A_648, %gather3A_649] : memref<4x16x128xf32, #tpu.memory_space<vmem>> -> memref<1x16x128xf32, #tpu.memory_space<vmem>>
      %gather3A_651 = tpu.memref_squeeze %gather3A_650 : memref<1x16x128xf32, #tpu.memory_space<vmem>> -> memref<16x128xf32, #tpu.memory_space<vmem>>
      %gather3A_652 = tpu.vector_load_idx %gather3A_651[%add3A_646, %broadcast_in_dim3A_641] : memref<16x128xf32, #tpu.memory_space<vmem>>[vector<16xi32>, vector<16xi32>], vector<16xf32>,
      tpu.vector_store_idx %arg21[%add3A_646, %broadcast_in_dim3A_642], %gather3A_652 : memref<16x512xf32, #tpu.memory_space<vmem>>[vector<16xi32>, vector<16xi32>], vector<16xf32>,
      %mul3A_653 = arith.constant 16 : i32
      %mul3A_654 = arith.muli %scan3A_8, %mul3A_653 : i32
      %add3A_655 = arith.constant 0 : i32
      %add3A_656 = arith.addi %mul3A_654, %add3A_655 : i32
      %add3A_657 = arith.constant 1 : i32
      %add3A_658 = arith.addi %add3A_656, %add3A_657 : i32
      %broadcast_in_dim3A_659 = vector.broadcast %min3A_133 : i32 to vector<16xi32>
      %broadcast_in_dim3A_660 = vector.broadcast %add3A_658 : i32 to vector<16xi32>
      %iota3A_661 = tpu.iota {dimensions = array<i32: 0>} : vector<16xi32>
      %add3A_662 = arith.constant 0 : i32
      %add3A_663 = vector.broadcast %add3A_662 : i32 to vector<16xi32>
      %add3A_664 = arith.addi %iota3A_661, %add3A_663 : vector<16xi32>
      %gather3A_665 = arith.constant 1 : i32
      %gather3A_666 = arith.constant 0 : i32
      %gather3A_667 = arith.constant 0 : i32
      %gather3A_668 = tpu.memref_slice %arg14[%gather3A_665, %gather3A_666, %gather3A_667] : memref<4x32x128xf32, #tpu.memory_space<vmem>> -> memref<1x32x128xf32, #tpu.memory_space<vmem>>
      %gather3A_669 = tpu.memref_squeeze %gather3A_668 : memref<1x32x128xf32, #tpu.memory_space<vmem>> -> memref<32x128xf32, #tpu.memory_space<vmem>>
      %gather3A_670 = tpu.vector_load_idx %gather3A_669[%add3A_664, %broadcast_in_dim3A_659] : memref<32x128xf32, #tpu.memory_space<vmem>>[vector<16xi32>, vector<16xi32>], vector<16xf32>,
      tpu.vector_store_idx %arg18[%add3A_664, %broadcast_in_dim3A_660], %gather3A_670 : memref<32x512xf32, #tpu.memory_space<vmem>>[vector<16xi32>, vector<16xi32>], vector<16xf32>,
      %iota3A_671 = tpu.iota {dimensions = array<i32: 0>} : vector<16xi32>
      %add3A_672 = arith.constant 16 : i32
      %add3A_673 = vector.broadcast %add3A_672 : i32 to vector<16xi32>
      %add3A_674 = arith.addi %iota3A_671, %add3A_673 : vector<16xi32>
      %gather3A_675 = arith.constant 1 : i32
      %gather3A_676 = arith.constant 0 : i32
      %gather3A_677 = arith.constant 0 : i32
      %gather3A_678 = tpu.memref_slice %arg14[%gather3A_675, %gather3A_676, %gather3A_677] : memref<4x32x128xf32, #tpu.memory_space<vmem>> -> memref<1x32x128xf32, #tpu.memory_space<vmem>>
      %gather3A_679 = tpu.memref_squeeze %gather3A_678 : memref<1x32x128xf32, #tpu.memory_space<vmem>> -> memref<32x128xf32, #tpu.memory_space<vmem>>
      %gather3A_680 = tpu.vector_load_idx %gather3A_679[%add3A_674, %broadcast_in_dim3A_659] : memref<32x128xf32, #tpu.memory_space<vmem>>[vector<16xi32>, vector<16xi32>], vector<16xf32>,
      tpu.vector_store_idx %arg18[%add3A_674, %broadcast_in_dim3A_660], %gather3A_680 : memref<32x512xf32, #tpu.memory_space<vmem>>[vector<16xi32>, vector<16xi32>], vector<16xf32>,
      %broadcast_in_dim3A_681 = vector.broadcast %min3A_136 : i32 to vector<16xi32>
      %broadcast_in_dim3A_682 = vector.broadcast %add3A_658 : i32 to vector<16xi32>
      %iota3A_683 = tpu.iota {dimensions = array<i32: 0>} : vector<16xi32>
      %add3A_684 = arith.constant 0 : i32
      %add3A_685 = vector.broadcast %add3A_684 : i32 to vector<16xi32>
      %add3A_686 = arith.addi %iota3A_683, %add3A_685 : vector<16xi32>
      %gather3A_687 = arith.constant 1 : i32
      %gather3A_688 = arith.constant 0 : i32
      %gather3A_689 = arith.constant 0 : i32
      %gather3A_690 = tpu.memref_slice %arg15[%gather3A_687, %gather3A_688, %gather3A_689] : memref<4x32x128xf32, #tpu.memory_space<vmem>> -> memref<1x32x128xf32, #tpu.memory_space<vmem>>
      %gather3A_691 = tpu.memref_squeeze %gather3A_690 : memref<1x32x128xf32, #tpu.memory_space<vmem>> -> memref<32x128xf32, #tpu.memory_space<vmem>>
      %gather3A_692 = tpu.vector_load_idx %gather3A_691[%add3A_686, %broadcast_in_dim3A_681] : memref<32x128xf32, #tpu.memory_space<vmem>>[vector<16xi32>, vector<16xi32>], vector<16xf32>,
      tpu.vector_store_idx %arg19[%add3A_686, %broadcast_in_dim3A_682], %gather3A_692 : memref<32x512xf32, #tpu.memory_space<vmem>>[vector<16xi32>, vector<16xi32>], vector<16xf32>,
      %iota3A_693 = tpu.iota {dimensions = array<i32: 0>} : vector<16xi32>
      %add3A_694 = arith.constant 16 : i32
      %add3A_695 = vector.broadcast %add3A_694 : i32 to vector<16xi32>
      %add3A_696 = arith.addi %iota3A_693, %add3A_695 : vector<16xi32>
      %gather3A_697 = arith.constant 1 : i32
      %gather3A_698 = arith.constant 0 : i32
      %gather3A_699 = arith.constant 0 : i32
      %gather3A_700 = tpu.memref_slice %arg15[%gather3A_697, %gather3A_698, %gather3A_699] : memref<4x32x128xf32, #tpu.memory_space<vmem>> -> memref<1x32x128xf32, #tpu.memory_space<vmem>>
      %gather3A_701 = tpu.memref_squeeze %gather3A_700 : memref<1x32x128xf32, #tpu.memory_space<vmem>> -> memref<32x128xf32, #tpu.memory_space<vmem>>
      %gather3A_702 = tpu.vector_load_idx %gather3A_701[%add3A_696, %broadcast_in_dim3A_681] : memref<32x128xf32, #tpu.memory_space<vmem>>[vector<16xi32>, vector<16xi32>], vector<16xf32>,
      tpu.vector_store_idx %arg19[%add3A_696, %broadcast_in_dim3A_682], %gather3A_702 : memref<32x512xf32, #tpu.memory_space<vmem>>[vector<16xi32>, vector<16xi32>], vector<16xf32>,
      %broadcast_in_dim3A_703 = vector.broadcast %min3A_133 : i32 to vector<16xi32>
      %broadcast_in_dim3A_704 = vector.broadcast %add3A_658 : i32 to vector<16xi32>
      %iota3A_705 = tpu.iota {dimensions = array<i32: 0>} : vector<16xi32>
      %add3A_706 = arith.constant 0 : i32
      %add3A_707 = vector.broadcast %add3A_706 : i32 to vector<16xi32>
      %add3A_708 = arith.addi %iota3A_705, %add3A_707 : vector<16xi32>
      %gather3A_709 = arith.constant 1 : i32
      %gather3A_710 = arith.constant 0 : i32
      %gather3A_711 = arith.constant 0 : i32
      %gather3A_712 = tpu.memref_slice %arg16[%gather3A_709, %gather3A_710, %gather3A_711] : memref<4x16x128xf32, #tpu.memory_space<vmem>> -> memref<1x16x128xf32, #tpu.memory_space<vmem>>
      %gather3A_713 = tpu.memref_squeeze %gather3A_712 : memref<1x16x128xf32, #tpu.memory_space<vmem>> -> memref<16x128xf32, #tpu.memory_space<vmem>>
      %gather3A_714 = tpu.vector_load_idx %gather3A_713[%add3A_708, %broadcast_in_dim3A_703] : memref<16x128xf32, #tpu.memory_space<vmem>>[vector<16xi32>, vector<16xi32>], vector<16xf32>,
      tpu.vector_store_idx %arg20[%add3A_708, %broadcast_in_dim3A_704], %gather3A_714 : memref<16x512xf32, #tpu.memory_space<vmem>>[vector<16xi32>, vector<16xi32>], vector<16xf32>,
      %broadcast_in_dim3A_715 = vector.broadcast %min3A_136 : i32 to vector<16xi32>
      %broadcast_in_dim3A_716 = vector.broadcast %add3A_658 : i32 to vector<16xi32>
      %iota3A_717 = tpu.iota {dimensions = array<i32: 0>} : vector<16xi32>
      %add3A_718 = arith.constant 0 : i32
      %add3A_719 = vector.broadcast %add3A_718 : i32 to vector<16xi32>
      %add3A_720 = arith.addi %iota3A_717, %add3A_719 : vector<16xi32>
      %gather3A_721 = arith.constant 1 : i32
      %gather3A_722 = arith.constant 0 : i32
      %gather3A_723 = arith.constant 0 : i32
      %gather3A_724 = tpu.memref_slice %arg17[%gather3A_721, %gather3A_722, %gather3A_723] : memref<4x16x128xf32, #tpu.memory_space<vmem>> -> memref<1x16x128xf32, #tpu.memory_space<vmem>>
      %gather3A_725 = tpu.memref_squeeze %gather3A_724 : memref<1x16x128xf32, #tpu.memory_space<vmem>> -> memref<16x128xf32, #tpu.memory_space<vmem>>
      %gather3A_726 = tpu.vector_load_idx %gather3A_725[%add3A_720, %broadcast_in_dim3A_715] : memref<16x128xf32, #tpu.memory_space<vmem>>[vector<16xi32>, vector<16xi32>], vector<16xf32>,
      tpu.vector_store_idx %arg21[%add3A_720, %broadcast_in_dim3A_716], %gather3A_726 : memref<16x512xf32, #tpu.memory_space<vmem>>[vector<16xi32>, vector<16xi32>], vector<16xf32>,
      %mul3A_727 = arith.constant 16 : i32
      %mul3A_728 = arith.muli %scan3A_8, %mul3A_727 : i32
      %add3A_729 = arith.constant 0 : i32
      %add3A_730 = arith.addi %mul3A_728, %add3A_729 : i32
      %add3A_731 = arith.constant 2 : i32
      %add3A_732 = arith.addi %add3A_730, %add3A_731 : i32
      %broadcast_in_dim3A_733 = vector.broadcast %min3A_225 : i32 to vector<16xi32>
      %broadcast_in_dim3A_734 = vector.broadcast %add3A_732 : i32 to vector<16xi32>
      %iota3A_735 = tpu.iota {dimensions = array<i32: 0>} : vector<16xi32>
      %add3A_736 = arith.constant 0 : i32
      %add3A_737 = vector.broadcast %add3A_736 : i32 to vector<16xi32>
      %add3A_738 = arith.addi %iota3A_735, %add3A_737 : vector<16xi32>
      %gather3A_739 = arith.constant 2 : i32
      %gather3A_740 = arith.constant 0 : i32
      %gather3A_741 = arith.constant 0 : i32
      %gather3A_742 = tpu.memref_slice %arg14[%gather3A_739, %gather3A_740, %gather3A_741] : memref<4x32x128xf32, #tpu.memory_space<vmem>> -> memref<1x32x128xf32, #tpu.memory_space<vmem>>
      %gather3A_743 = tpu.memref_squeeze %gather3A_742 : memref<1x32x128xf32, #tpu.memory_space<vmem>> -> memref<32x128xf32, #tpu.memory_space<vmem>>
      %gather3A_744 = tpu.vector_load_idx %gather3A_743[%add3A_738, %broadcast_in_dim3A_733] : memref<32x128xf32, #tpu.memory_space<vmem>>[vector<16xi32>, vector<16xi32>], vector<16xf32>,
      tpu.vector_store_idx %arg18[%add3A_738, %broadcast_in_dim3A_734], %gather3A_744 : memref<32x512xf32, #tpu.memory_space<vmem>>[vector<16xi32>, vector<16xi32>], vector<16xf32>,
      %iota3A_745 = tpu.iota {dimensions = array<i32: 0>} : vector<16xi32>
      %add3A_746 = arith.constant 16 : i32
      %add3A_747 = vector.broadcast %add3A_746 : i32 to vector<16xi32>
      %add3A_748 = arith.addi %iota3A_745, %add3A_747 : vector<16xi32>
      %gather3A_749 = arith.constant 2 : i32
      %gather3A_750 = arith.constant 0 : i32
      %gather3A_751 = arith.constant 0 : i32
      %gather3A_752 = tpu.memref_slice %arg14[%gather3A_749, %gather3A_750, %gather3A_751] : memref<4x32x128xf32, #tpu.memory_space<vmem>> -> memref<1x32x128xf32, #tpu.memory_space<vmem>>
      %gather3A_753 = tpu.memref_squeeze %gather3A_752 : memref<1x32x128xf32, #tpu.memory_space<vmem>> -> memref<32x128xf32, #tpu.memory_space<vmem>>
      %gather3A_754 = tpu.vector_load_idx %gather3A_753[%add3A_748, %broadcast_in_dim3A_733] : memref<32x128xf32, #tpu.memory_space<vmem>>[vector<16xi32>, vector<16xi32>], vector<16xf32>,
      tpu.vector_store_idx %arg18[%add3A_748, %broadcast_in_dim3A_734], %gather3A_754 : memref<32x512xf32, #tpu.memory_space<vmem>>[vector<16xi32>, vector<16xi32>], vector<16xf32>,
      %broadcast_in_dim3A_755 = vector.broadcast %min3A_228 : i32 to vector<16xi32>
      %broadcast_in_dim3A_756 = vector.broadcast %add3A_732 : i32 to vector<16xi32>
      %iota3A_757 = tpu.iota {dimensions = array<i32: 0>} : vector<16xi32>
      %add3A_758 = arith.constant 0 : i32
      %add3A_759 = vector.broadcast %add3A_758 : i32 to vector<16xi32>
      %add3A_760 = arith.addi %iota3A_757, %add3A_759 : vector<16xi32>
      %gather3A_761 = arith.constant 2 : i32
      %gather3A_762 = arith.constant 0 : i32
      %gather3A_763 = arith.constant 0 : i32
      %gather3A_764 = tpu.memref_slice %arg15[%gather3A_761, %gather3A_762, %gather3A_763] : memref<4x32x128xf32, #tpu.memory_space<vmem>> -> memref<1x32x128xf32, #tpu.memory_space<vmem>>
      %gather3A_765 = tpu.memref_squeeze %gather3A_764 : memref<1x32x128xf32, #tpu.memory_space<vmem>> -> memref<32x128xf32, #tpu.memory_space<vmem>>
      %gather3A_766 = tpu.vector_load_idx %gather3A_765[%add3A_760, %broadcast_in_dim3A_755] : memref<32x128xf32, #tpu.memory_space<vmem>>[vector<16xi32>, vector<16xi32>], vector<16xf32>,
      tpu.vector_store_idx %arg19[%add3A_760, %broadcast_in_dim3A_756], %gather3A_766 : memref<32x512xf32, #tpu.memory_space<vmem>>[vector<16xi32>, vector<16xi32>], vector<16xf32>,
      %iota3A_767 = tpu.iota {dimensions = array<i32: 0>} : vector<16xi32>
      %add3A_768 = arith.constant 16 : i32
      %add3A_769 = vector.broadcast %add3A_768 : i32 to vector<16xi32>
      %add3A_770 = arith.addi %iota3A_767, %add3A_769 : vector<16xi32>
      %gather3A_771 = arith.constant 2 : i32
      %gather3A_772 = arith.constant 0 : i32
      %gather3A_773 = arith.constant 0 : i32
      %gather3A_774 = tpu.memref_slice %arg15[%gather3A_771, %gather3A_772, %gather3A_773] : memref<4x32x128xf32, #tpu.memory_space<vmem>> -> memref<1x32x128xf32, #tpu.memory_space<vmem>>
      %gather3A_775 = tpu.memref_squeeze %gather3A_774 : memref<1x32x128xf32, #tpu.memory_space<vmem>> -> memref<32x128xf32, #tpu.memory_space<vmem>>
      %gather3A_776 = tpu.vector_load_idx %gather3A_775[%add3A_770, %broadcast_in_dim3A_755] : memref<32x128xf32, #tpu.memory_space<vmem>>[vector<16xi32>, vector<16xi32>], vector<16xf32>,
      tpu.vector_store_idx %arg19[%add3A_770, %broadcast_in_dim3A_756], %gather3A_776 : memref<32x512xf32, #tpu.memory_space<vmem>>[vector<16xi32>, vector<16xi32>], vector<16xf32>,
      %broadcast_in_dim3A_777 = vector.broadcast %min3A_225 : i32 to vector<16xi32>
      %broadcast_in_dim3A_778 = vector.broadcast %add3A_732 : i32 to vector<16xi32>
      %iota3A_779 = tpu.iota {dimensions = array<i32: 0>} : vector<16xi32>
      %add3A_780 = arith.constant 0 : i32
      %add3A_781 = vector.broadcast %add3A_780 : i32 to vector<16xi32>
      %add3A_782 = arith.addi %iota3A_779, %add3A_781 : vector<16xi32>
      %gather3A_783 = arith.constant 2 : i32
      %gather3A_784 = arith.constant 0 : i32
      %gather3A_785 = arith.constant 0 : i32
      %gather3A_786 = tpu.memref_slice %arg16[%gather3A_783, %gather3A_784, %gather3A_785] : memref<4x16x128xf32, #tpu.memory_space<vmem>> -> memref<1x16x128xf32, #tpu.memory_space<vmem>>
      %gather3A_787 = tpu.memref_squeeze %gather3A_786 : memref<1x16x128xf32, #tpu.memory_space<vmem>> -> memref<16x128xf32, #tpu.memory_space<vmem>>
      %gather3A_788 = tpu.vector_load_idx %gather3A_787[%add3A_782, %broadcast_in_dim3A_777] : memref<16x128xf32, #tpu.memory_space<vmem>>[vector<16xi32>, vector<16xi32>], vector<16xf32>,
      tpu.vector_store_idx %arg20[%add3A_782, %broadcast_in_dim3A_778], %gather3A_788 : memref<16x512xf32, #tpu.memory_space<vmem>>[vector<16xi32>, vector<16xi32>], vector<16xf32>,
      %broadcast_in_dim3A_789 = vector.broadcast %min3A_228 : i32 to vector<16xi32>
      %broadcast_in_dim3A_790 = vector.broadcast %add3A_732 : i32 to vector<16xi32>
      %iota3A_791 = tpu.iota {dimensions = array<i32: 0>} : vector<16xi32>
      %add3A_792 = arith.constant 0 : i32
      %add3A_793 = vector.broadcast %add3A_792 : i32 to vector<16xi32>
      %add3A_794 = arith.addi %iota3A_791, %add3A_793 : vector<16xi32>
      %gather3A_795 = arith.constant 2 : i32
      %gather3A_796 = arith.constant 0 : i32
      %gather3A_797 = arith.constant 0 : i32
      %gather3A_798 = tpu.memref_slice %arg17[%gather3A_795, %gather3A_796, %gather3A_797] : memref<4x16x128xf32, #tpu.memory_space<vmem>> -> memref<1x16x128xf32, #tpu.memory_space<vmem>>
      %gather3A_799 = tpu.memref_squeeze %gather3A_798 : memref<1x16x128xf32, #tpu.memory_space<vmem>> -> memref<16x128xf32, #tpu.memory_space<vmem>>
      %gather3A_800 = tpu.vector_load_idx %gather3A_799[%add3A_794, %broadcast_in_dim3A_789] : memref<16x128xf32, #tpu.memory_space<vmem>>[vector<16xi32>, vector<16xi32>], vector<16xf32>,
      tpu.vector_store_idx %arg21[%add3A_794, %broadcast_in_dim3A_790], %gather3A_800 : memref<16x512xf32, #tpu.memory_space<vmem>>[vector<16xi32>, vector<16xi32>], vector<16xf32>,
      %mul3A_801 = arith.constant 16 : i32
      %mul3A_802 = arith.muli %scan3A_8, %mul3A_801 : i32
      %add3A_803 = arith.constant 0 : i32
      %add3A_804 = arith.addi %mul3A_802, %add3A_803 : i32
      %add3A_805 = arith.constant 3 : i32
      %add3A_806 = arith.addi %add3A_804, %add3A_805 : i32
      %broadcast_in_dim3A_807 = vector.broadcast %min3A_317 : i32 to vector<16xi32>
      %broadcast_in_dim3A_808 = vector.broadcast %add3A_806 : i32 to vector<16xi32>
      %iota3A_809 = tpu.iota {dimensions = array<i32: 0>} : vector<16xi32>
      %add3A_810 = arith.constant 0 : i32
      %add3A_811 = vector.broadcast %add3A_810 : i32 to vector<16xi32>
      %add3A_812 = arith.addi %iota3A_809, %add3A_811 : vector<16xi32>
      %gather3A_813 = arith.constant 3 : i32
      %gather3A_814 = arith.constant 0 : i32
      %gather3A_815 = arith.constant 0 : i32
      %gather3A_816 = tpu.memref_slice %arg14[%gather3A_813, %gather3A_814, %gather3A_815] : memref<4x32x128xf32, #tpu.memory_space<vmem>> -> memref<1x32x128xf32, #tpu.memory_space<vmem>>
      %gather3A_817 = tpu.memref_squeeze %gather3A_816 : memref<1x32x128xf32, #tpu.memory_space<vmem>> -> memref<32x128xf32, #tpu.memory_space<vmem>>
      %gather3A_818 = tpu.vector_load_idx %gather3A_817[%add3A_812, %broadcast_in_dim3A_807] : memref<32x128xf32, #tpu.memory_space<vmem>>[vector<16xi32>, vector<16xi32>], vector<16xf32>,
      tpu.vector_store_idx %arg18[%add3A_812, %broadcast_in_dim3A_808], %gather3A_818 : memref<32x512xf32, #tpu.memory_space<vmem>>[vector<16xi32>, vector<16xi32>], vector<16xf32>,
      %iota3A_819 = tpu.iota {dimensions = array<i32: 0>} : vector<16xi32>
      %add3A_820 = arith.constant 16 : i32
      %add3A_821 = vector.broadcast %add3A_820 : i32 to vector<16xi32>
      %add3A_822 = arith.addi %iota3A_819, %add3A_821 : vector<16xi32>
      %gather3A_823 = arith.constant 3 : i32
      %gather3A_824 = arith.constant 0 : i32
      %gather3A_825 = arith.constant 0 : i32
      %gather3A_826 = tpu.memref_slice %arg14[%gather3A_823, %gather3A_824, %gather3A_825] : memref<4x32x128xf32, #tpu.memory_space<vmem>> -> memref<1x32x128xf32, #tpu.memory_space<vmem>>
      %gather3A_827 = tpu.memref_squeeze %gather3A_826 : memref<1x32x128xf32, #tpu.memory_space<vmem>> -> memref<32x128xf32, #tpu.memory_space<vmem>>
      %gather3A_828 = tpu.vector_load_idx %gather3A_827[%add3A_822, %broadcast_in_dim3A_807] : memref<32x128xf32, #tpu.memory_space<vmem>>[vector<16xi32>, vector<16xi32>], vector<16xf32>,
      tpu.vector_store_idx %arg18[%add3A_822, %broadcast_in_dim3A_808], %gather3A_828 : memref<32x512xf32, #tpu.memory_space<vmem>>[vector<16xi32>, vector<16xi32>], vector<16xf32>,
      %broadcast_in_dim3A_829 = vector.broadcast %min3A_320 : i32 to vector<16xi32>
      %broadcast_in_dim3A_830 = vector.broadcast %add3A_806 : i32 to vector<16xi32>
      %iota3A_831 = tpu.iota {dimensions = array<i32: 0>} : vector<16xi32>
      %add3A_832 = arith.constant 0 : i32
      %add3A_833 = vector.broadcast %add3A_832 : i32 to vector<16xi32>
      %add3A_834 = arith.addi %iota3A_831, %add3A_833 : vector<16xi32>
      %gather3A_835 = arith.constant 3 : i32
      %gather3A_836 = arith.constant 0 : i32
      %gather3A_837 = arith.constant 0 : i32
      %gather3A_838 = tpu.memref_slice %arg15[%gather3A_835, %gather3A_836, %gather3A_837] : memref<4x32x128xf32, #tpu.memory_space<vmem>> -> memref<1x32x128xf32, #tpu.memory_space<vmem>>
      %gather3A_839 = tpu.memref_squeeze %gather3A_838 : memref<1x32x128xf32, #tpu.memory_space<vmem>> -> memref<32x128xf32, #tpu.memory_space<vmem>>
      %gather3A_840 = tpu.vector_load_idx %gather3A_839[%add3A_834, %broadcast_in_dim3A_829] : memref<32x128xf32, #tpu.memory_space<vmem>>[vector<16xi32>, vector<16xi32>], vector<16xf32>,
      tpu.vector_store_idx %arg19[%add3A_834, %broadcast_in_dim3A_830], %gather3A_840 : memref<32x512xf32, #tpu.memory_space<vmem>>[vector<16xi32>, vector<16xi32>], vector<16xf32>,
      %iota3A_841 = tpu.iota {dimensions = array<i32: 0>} : vector<16xi32>
      %add3A_842 = arith.constant 16 : i32
      %add3A_843 = vector.broadcast %add3A_842 : i32 to vector<16xi32>
      %add3A_844 = arith.addi %iota3A_841, %add3A_843 : vector<16xi32>
      %gather3A_845 = arith.constant 3 : i32
      %gather3A_846 = arith.constant 0 : i32
      %gather3A_847 = arith.constant 0 : i32
      %gather3A_848 = tpu.memref_slice %arg15[%gather3A_845, %gather3A_846, %gather3A_847] : memref<4x32x128xf32, #tpu.memory_space<vmem>> -> memref<1x32x128xf32, #tpu.memory_space<vmem>>
      %gather3A_849 = tpu.memref_squeeze %gather3A_848 : memref<1x32x128xf32, #tpu.memory_space<vmem>> -> memref<32x128xf32, #tpu.memory_space<vmem>>
      %gather3A_850 = tpu.vector_load_idx %gather3A_849[%add3A_844, %broadcast_in_dim3A_829] : memref<32x128xf32, #tpu.memory_space<vmem>>[vector<16xi32>, vector<16xi32>], vector<16xf32>,
      tpu.vector_store_idx %arg19[%add3A_844, %broadcast_in_dim3A_830], %gather3A_850 : memref<32x512xf32, #tpu.memory_space<vmem>>[vector<16xi32>, vector<16xi32>], vector<16xf32>,
      %broadcast_in_dim3A_851 = vector.broadcast %min3A_317 : i32 to vector<16xi32>
      %broadcast_in_dim3A_852 = vector.broadcast %add3A_806 : i32 to vector<16xi32>
      %iota3A_853 = tpu.iota {dimensions = array<i32: 0>} : vector<16xi32>
      %add3A_854 = arith.constant 0 : i32
      %add3A_855 = vector.broadcast %add3A_854 : i32 to vector<16xi32>
      %add3A_856 = arith.addi %iota3A_853, %add3A_855 : vector<16xi32>
      %gather3A_857 = arith.constant 3 : i32
      %gather3A_858 = arith.constant 0 : i32
      %gather3A_859 = arith.constant 0 : i32
      %gather3A_860 = tpu.memref_slice %arg16[%gather3A_857, %gather3A_858, %gather3A_859] : memref<4x16x128xf32, #tpu.memory_space<vmem>> -> memref<1x16x128xf32, #tpu.memory_space<vmem>>
      %gather3A_861 = tpu.memref_squeeze %gather3A_860 : memref<1x16x128xf32, #tpu.memory_space<vmem>> -> memref<16x128xf32, #tpu.memory_space<vmem>>
      %gather3A_862 = tpu.vector_load_idx %gather3A_861[%add3A_856, %broadcast_in_dim3A_851] : memref<16x128xf32, #tpu.memory_space<vmem>>[vector<16xi32>, vector<16xi32>], vector<16xf32>,
      tpu.vector_store_idx %arg20[%add3A_856, %broadcast_in_dim3A_852], %gather3A_862 : memref<16x512xf32, #tpu.memory_space<vmem>>[vector<16xi32>, vector<16xi32>], vector<16xf32>,
      %broadcast_in_dim3A_863 = vector.broadcast %min3A_320 : i32 to vector<16xi32>
      %broadcast_in_dim3A_864 = vector.broadcast %add3A_806 : i32 to vector<16xi32>
      %iota3A_865 = tpu.iota {dimensions = array<i32: 0>} : vector<16xi32>
      %add3A_866 = arith.constant 0 : i32
      %add3A_867 = vector.broadcast %add3A_866 : i32 to vector<16xi32>
      %add3A_868 = arith.addi %iota3A_865, %add3A_867 : vector<16xi32>
      %gather3A_869 = arith.constant 3 : i32
      %gather3A_870 = arith.constant 0 : i32
      %gather3A_871 = arith.constant 0 : i32
      %gather3A_872 = tpu.memref_slice %arg17[%gather3A_869, %gather3A_870, %gather3A_871] : memref<4x16x128xf32, #tpu.memory_space<vmem>> -> memref<1x16x128xf32, #tpu.memory_space<vmem>>
      %gather3A_873 = tpu.memref_squeeze %gather3A_872 : memref<1x16x128xf32, #tpu.memory_space<vmem>> -> memref<16x128xf32, #tpu.memory_space<vmem>>
      %gather3A_874 = tpu.vector_load_idx %gather3A_873[%add3A_868, %broadcast_in_dim3A_863] : memref<16x128xf32, #tpu.memory_space<vmem>>[vector<16xi32>, vector<16xi32>], vector<16xf32>,
      tpu.vector_store_idx %arg21[%add3A_868, %broadcast_in_dim3A_864], %gather3A_874 : memref<16x512xf32, #tpu.memory_space<vmem>>[vector<16xi32>, vector<16xi32>], vector<16xf32>,
      %eq3A_875 = arith.constant 4 : i32
      %eq3A_876 = vector.broadcast %eq3A_875 : i32 to vector<16xi32>
      %eq3A_877 = arith.cmpi eq, %iota3A, %eq3A_876 : vector<16xi32>
      %jit3A_878 = arith.constant 0 : i32
      %broadcast_in_dim3A_879 = vector.broadcast %jit3A_878 : i32 to vector<16xi32>
      %select_n3A_880 = arith.select %eq3A_877, %get3A_10, %broadcast_in_dim3A_879 : vector<16xi1>, vector<16xi32>
      %reduce_sum3A_881 = arith.constant true
      %reduce_sum3A_882 = vector.broadcast %reduce_sum3A_881 : i1 to vector<16xi1>
      %reduce_sum3A_883 = tpu.scan <sum>, %select_n3A_880 masked %reduce_sum3A_882 : vector<16xi32>, vector<16xi1> -> vector<16xi32>
      %reduce_sum3A_884 = vector.extract %reduce_sum3A_883[15] : i32 from vector<16xi32>
      %eq3A_885 = arith.constant 4 : i32
      %eq3A_886 = vector.broadcast %eq3A_885 : i32 to vector<16xi32>
      %eq3A_887 = arith.cmpi eq, %iota3A, %eq3A_886 : vector<16xi32>
      %jit3A_888 = arith.constant 0 : i32
      %broadcast_in_dim3A_889 = vector.broadcast %jit3A_888 : i32 to vector<16xi32>
      %select_n3A_890 = arith.select %eq3A_887, %get3A_13, %broadcast_in_dim3A_889 : vector<16xi1>, vector<16xi32>
      %reduce_sum3A_891 = arith.constant true
      %reduce_sum3A_892 = vector.broadcast %reduce_sum3A_891 : i1 to vector<16xi1>
      %reduce_sum3A_893 = tpu.scan <sum>, %select_n3A_890 masked %reduce_sum3A_892 : vector<16xi32>, vector<16xi1> -> vector<16xi32>
      %reduce_sum3A_894 = vector.extract %reduce_sum3A_893[15] : i32 from vector<16xi32>
      %shift_right_arithmetic3A_895 = arith.constant 7 : i32
      %shift_right_arithmetic3A_896 = arith.shrsi %reduce_sum3A_884, %shift_right_arithmetic3A_895 : i32
      %mul3A_897 = arith.constant 128 : i32
      %mul3A_898 = arith.muli %shift_right_arithmetic3A_896, %mul3A_897 : i32
      %min3A_899 = arith.constant 999808 : i32
      %min3A_900 = arith.minsi %mul3A_898, %min3A_899 : i32
      %multiple_of3A_901 = tpu.assume_multiple %min3A_900, 128 : i32
      %shift_right_arithmetic3A_902 = arith.constant 7 : i32
      %shift_right_arithmetic3A_903 = arith.shrsi %reduce_sum3A_894, %shift_right_arithmetic3A_902 : i32
      %mul3A_904 = arith.constant 128 : i32
      %mul3A_905 = arith.muli %shift_right_arithmetic3A_903, %mul3A_904 : i32
      %min3A_906 = arith.constant 999808 : i32
      %min3A_907 = arith.minsi %mul3A_905, %min3A_906 : i32
      %multiple_of3A_908 = tpu.assume_multiple %min3A_907, 128 : i32
      %sub3A_909 = arith.subi %reduce_sum3A_884, %multiple_of3A_901 : i32
      %min3A_910 = arith.constant 127 : i32
      %min3A_911 = arith.minsi %sub3A_909, %min3A_910 : i32
      %sub3A_912 = arith.subi %reduce_sum3A_894, %multiple_of3A_908 : i32
      %min3A_913 = arith.constant 127 : i32
      %min3A_914 = arith.minsi %sub3A_912, %min3A_913 : i32
      %dma_start3A_915 = arith.constant 0 : i32
      %dma_start3A_916 = arith.constant 0 : i32
      %dma_start3A_917 = arith.constant 0 : i32
      %dma_start3A_918 = tpu.memref_slice %arg14[%dma_start3A_915, %dma_start3A_916, %dma_start3A_917] : memref<4x32x128xf32, #tpu.memory_space<vmem>> -> memref<1x32x128xf32, #tpu.memory_space<vmem>>
      %dma_start3A_919 = tpu.memref_squeeze %dma_start3A_918 : memref<1x32x128xf32, #tpu.memory_space<vmem>> -> memref<32x128xf32, #tpu.memory_space<vmem>>
      %dma_start3A_920 = arith.constant 0 : i32
      %dma_start3A_921 = tpu.memref_slice %arg4[%dma_start3A_920, %multiple_of3A_901] : memref<32x1000000xf32, #tpu.memory_space<hbm>> -> memref<32x128xf32, #tpu.memory_space<hbm>>
      %dma_start3A_922 = arith.constant 0 : i32
      %dma_start3A_923 = arith.constant 0 : i32
      %dma_start3A_924 = tpu.memref_slice %arg14[%dma_start3A_915, %dma_start3A_922, %dma_start3A_923] : memref<4x32x128xf32, #tpu.memory_space<vmem>> -> memref<1x32x128xf32, #tpu.memory_space<vmem>>
      %dma_start3A_925 = tpu.memref_squeeze %dma_start3A_924 : memref<1x32x128xf32, #tpu.memory_space<vmem>> -> memref<32x128xf32, #tpu.memory_space<vmem>>
      %dma_start3A_926 = arith.constant 0 : i32
      %dma_start3A_927 = tpu.memref_slice %arg4[%dma_start3A_926, %multiple_of3A_901] : memref<32x1000000xf32, #tpu.memory_space<hbm>> -> memref<32x128xf32, #tpu.memory_space<hbm>>
      tpu.enqueue_dma source(%dma_start3A_927 : memref<32x128xf32, #tpu.memory_space<hbm>>) target(%dma_start3A_925 : memref<32x128xf32, #tpu.memory_space<vmem>>) target_semaphore(%arg22 : memref<!tpu.dma_semaphore, #tpu.memory_space<semaphore_mem>>)
      %dma_start3A_928 = arith.constant 0 : i32
      %dma_start3A_929 = arith.constant 0 : i32
      %dma_start3A_930 = arith.constant 0 : i32
      %dma_start3A_931 = tpu.memref_slice %arg15[%dma_start3A_928, %dma_start3A_929, %dma_start3A_930] : memref<4x32x128xf32, #tpu.memory_space<vmem>> -> memref<1x32x128xf32, #tpu.memory_space<vmem>>
      %dma_start3A_932 = tpu.memref_squeeze %dma_start3A_931 : memref<1x32x128xf32, #tpu.memory_space<vmem>> -> memref<32x128xf32, #tpu.memory_space<vmem>>
      %dma_start3A_933 = arith.constant 0 : i32
      %dma_start3A_934 = tpu.memref_slice %arg5[%dma_start3A_933, %multiple_of3A_908] : memref<32x1000000xf32, #tpu.memory_space<hbm>> -> memref<32x128xf32, #tpu.memory_space<hbm>>
      %dma_start3A_935 = arith.constant 0 : i32
      %dma_start3A_936 = arith.constant 0 : i32
      %dma_start3A_937 = tpu.memref_slice %arg15[%dma_start3A_928, %dma_start3A_935, %dma_start3A_936] : memref<4x32x128xf32, #tpu.memory_space<vmem>> -> memref<1x32x128xf32, #tpu.memory_space<vmem>>
      %dma_start3A_938 = tpu.memref_squeeze %dma_start3A_937 : memref<1x32x128xf32, #tpu.memory_space<vmem>> -> memref<32x128xf32, #tpu.memory_space<vmem>>
      %dma_start3A_939 = arith.constant 0 : i32
      %dma_start3A_940 = tpu.memref_slice %arg5[%dma_start3A_939, %multiple_of3A_908] : memref<32x1000000xf32, #tpu.memory_space<hbm>> -> memref<32x128xf32, #tpu.memory_space<hbm>>
      tpu.enqueue_dma source(%dma_start3A_940 : memref<32x128xf32, #tpu.memory_space<hbm>>) target(%dma_start3A_938 : memref<32x128xf32, #tpu.memory_space<vmem>>) target_semaphore(%arg22 : memref<!tpu.dma_semaphore, #tpu.memory_space<semaphore_mem>>)
      %dma_start3A_941 = arith.constant 0 : i32
      %dma_start3A_942 = arith.constant 0 : i32
      %dma_start3A_943 = arith.constant 0 : i32
      %dma_start3A_944 = tpu.memref_slice %arg16[%dma_start3A_941, %dma_start3A_942, %dma_start3A_943] : memref<4x16x128xf32, #tpu.memory_space<vmem>> -> memref<1x16x128xf32, #tpu.memory_space<vmem>>
      %dma_start3A_945 = tpu.memref_squeeze %dma_start3A_944 : memref<1x16x128xf32, #tpu.memory_space<vmem>> -> memref<16x128xf32, #tpu.memory_space<vmem>>
      %dma_start3A_946 = arith.constant 0 : i32
      %dma_start3A_947 = tpu.memref_slice %arg6[%dma_start3A_946, %multiple_of3A_901] : memref<16x1000000xf32, #tpu.memory_space<hbm>> -> memref<16x128xf32, #tpu.memory_space<hbm>>
      %dma_start3A_948 = arith.constant 0 : i32
      %dma_start3A_949 = arith.constant 0 : i32
      %dma_start3A_950 = tpu.memref_slice %arg16[%dma_start3A_941, %dma_start3A_948, %dma_start3A_949] : memref<4x16x128xf32, #tpu.memory_space<vmem>> -> memref<1x16x128xf32, #tpu.memory_space<vmem>>
      %dma_start3A_951 = tpu.memref_squeeze %dma_start3A_950 : memref<1x16x128xf32, #tpu.memory_space<vmem>> -> memref<16x128xf32, #tpu.memory_space<vmem>>
      %dma_start3A_952 = arith.constant 0 : i32
      %dma_start3A_953 = tpu.memref_slice %arg6[%dma_start3A_952, %multiple_of3A_901] : memref<16x1000000xf32, #tpu.memory_space<hbm>> -> memref<16x128xf32, #tpu.memory_space<hbm>>
      tpu.enqueue_dma source(%dma_start3A_953 : memref<16x128xf32, #tpu.memory_space<hbm>>) target(%dma_start3A_951 : memref<16x128xf32, #tpu.memory_space<vmem>>) target_semaphore(%arg22 : memref<!tpu.dma_semaphore, #tpu.memory_space<semaphore_mem>>)
      %dma_start3A_954 = arith.constant 0 : i32
      %dma_start3A_955 = arith.constant 0 : i32
      %dma_start3A_956 = arith.constant 0 : i32
      %dma_start3A_957 = tpu.memref_slice %arg17[%dma_start3A_954, %dma_start3A_955, %dma_start3A_956] : memref<4x16x128xf32, #tpu.memory_space<vmem>> -> memref<1x16x128xf32, #tpu.memory_space<vmem>>
      %dma_start3A_958 = tpu.memref_squeeze %dma_start3A_957 : memref<1x16x128xf32, #tpu.memory_space<vmem>> -> memref<16x128xf32, #tpu.memory_space<vmem>>
      %dma_start3A_959 = arith.constant 0 : i32
      %dma_start3A_960 = tpu.memref_slice %arg7[%dma_start3A_959, %multiple_of3A_908] : memref<16x1000000xf32, #tpu.memory_space<hbm>> -> memref<16x128xf32, #tpu.memory_space<hbm>>
      %dma_start3A_961 = arith.constant 0 : i32
      %dma_start3A_962 = arith.constant 0 : i32
      %dma_start3A_963 = tpu.memref_slice %arg17[%dma_start3A_954, %dma_start3A_961, %dma_start3A_962] : memref<4x16x128xf32, #tpu.memory_space<vmem>> -> memref<1x16x128xf32, #tpu.memory_space<vmem>>
      %dma_start3A_964 = tpu.memref_squeeze %dma_start3A_963 : memref<1x16x128xf32, #tpu.memory_space<vmem>> -> memref<16x128xf32, #tpu.memory_space<vmem>>
      %dma_start3A_965 = arith.constant 0 : i32
      %dma_start3A_966 = tpu.memref_slice %arg7[%dma_start3A_965, %multiple_of3A_908] : memref<16x1000000xf32, #tpu.memory_space<hbm>> -> memref<16x128xf32, #tpu.memory_space<hbm>>
      tpu.enqueue_dma source(%dma_start3A_966 : memref<16x128xf32, #tpu.memory_space<hbm>>) target(%dma_start3A_964 : memref<16x128xf32, #tpu.memory_space<vmem>>) target_semaphore(%arg22 : memref<!tpu.dma_semaphore, #tpu.memory_space<semaphore_mem>>)
      %eq3A_967 = arith.constant 5 : i32
      %eq3A_968 = vector.broadcast %eq3A_967 : i32 to vector<16xi32>
      %eq3A_969 = arith.cmpi eq, %iota3A, %eq3A_968 : vector<16xi32>
      %jit3A_970 = arith.constant 0 : i32
      %broadcast_in_dim3A_971 = vector.broadcast %jit3A_970 : i32 to vector<16xi32>
      %select_n3A_972 = arith.select %eq3A_969, %get3A_10, %broadcast_in_dim3A_971 : vector<16xi1>, vector<16xi32>
      %reduce_sum3A_973 = arith.constant true
      %reduce_sum3A_974 = vector.broadcast %reduce_sum3A_973 : i1 to vector<16xi1>
      %reduce_sum3A_975 = tpu.scan <sum>, %select_n3A_972 masked %reduce_sum3A_974 : vector<16xi32>, vector<16xi1> -> vector<16xi32>
      %reduce_sum3A_976 = vector.extract %reduce_sum3A_975[15] : i32 from vector<16xi32>
      %eq3A_977 = arith.constant 5 : i32
      %eq3A_978 = vector.broadcast %eq3A_977 : i32 to vector<16xi32>
      %eq3A_979 = arith.cmpi eq, %iota3A, %eq3A_978 : vector<16xi32>
      %jit3A_980 = arith.constant 0 : i32
      %broadcast_in_dim3A_981 = vector.broadcast %jit3A_980 : i32 to vector<16xi32>
      %select_n3A_982 = arith.select %eq3A_979, %get3A_13, %broadcast_in_dim3A_981 : vector<16xi1>, vector<16xi32>
      %reduce_sum3A_983 = arith.constant true
      %reduce_sum3A_984 = vector.broadcast %reduce_sum3A_983 : i1 to vector<16xi1>
      %reduce_sum3A_985 = tpu.scan <sum>, %select_n3A_982 masked %reduce_sum3A_984 : vector<16xi32>, vector<16xi1> -> vector<16xi32>
      %reduce_sum3A_986 = vector.extract %reduce_sum3A_985[15] : i32 from vector<16xi32>
      %shift_right_arithmetic3A_987 = arith.constant 7 : i32
      %shift_right_arithmetic3A_988 = arith.shrsi %reduce_sum3A_976, %shift_right_arithmetic3A_987 : i32
      %mul3A_989 = arith.constant 128 : i32
      %mul3A_990 = arith.muli %shift_right_arithmetic3A_988, %mul3A_989 : i32
      %min3A_991 = arith.constant 999808 : i32
      %min3A_992 = arith.minsi %mul3A_990, %min3A_991 : i32
      %multiple_of3A_993 = tpu.assume_multiple %min3A_992, 128 : i32
      %shift_right_arithmetic3A_994 = arith.constant 7 : i32
      %shift_right_arithmetic3A_995 = arith.shrsi %reduce_sum3A_986, %shift_right_arithmetic3A_994 : i32
      %mul3A_996 = arith.constant 128 : i32
      %mul3A_997 = arith.muli %shift_right_arithmetic3A_995, %mul3A_996 : i32
      %min3A_998 = arith.constant 999808 : i32
      %min3A_999 = arith.minsi %mul3A_997, %min3A_998 : i32
      %multiple_of3A_1000 = tpu.assume_multiple %min3A_999, 128 : i32
      %sub3A_1001 = arith.subi %reduce_sum3A_976, %multiple_of3A_993 : i32
      %min3A_1002 = arith.constant 127 : i32
      %min3A_1003 = arith.minsi %sub3A_1001, %min3A_1002 : i32
      %sub3A_1004 = arith.subi %reduce_sum3A_986, %multiple_of3A_1000 : i32
      %min3A_1005 = arith.constant 127 : i32
      %min3A_1006 = arith.minsi %sub3A_1004, %min3A_1005 : i32
      %dma_start3A_1007 = arith.constant 1 : i32
      %dma_start3A_1008 = arith.constant 0 : i32
      %dma_start3A_1009 = arith.constant 0 : i32
      %dma_start3A_1010 = tpu.memref_slice %arg14[%dma_start3A_1007, %dma_start3A_1008, %dma_start3A_1009] : memref<4x32x128xf32, #tpu.memory_space<vmem>> -> memref<1x32x128xf32, #tpu.memory_space<vmem>>
      %dma_start3A_1011 = tpu.memref_squeeze %dma_start3A_1010 : memref<1x32x128xf32, #tpu.memory_space<vmem>> -> memref<32x128xf32, #tpu.memory_space<vmem>>
      %dma_start3A_1012 = arith.constant 0 : i32
      %dma_start3A_1013 = tpu.memref_slice %arg4[%dma_start3A_1012, %multiple_of3A_993] : memref<32x1000000xf32, #tpu.memory_space<hbm>> -> memref<32x128xf32, #tpu.memory_space<hbm>>
      %dma_start3A_1014 = arith.constant 0 : i32
      %dma_start3A_1015 = arith.constant 0 : i32
      %dma_start3A_1016 = tpu.memref_slice %arg14[%dma_start3A_1007, %dma_start3A_1014, %dma_start3A_1015] : memref<4x32x128xf32, #tpu.memory_space<vmem>> -> memref<1x32x128xf32, #tpu.memory_space<vmem>>
      %dma_start3A_1017 = tpu.memref_squeeze %dma_start3A_1016 : memref<1x32x128xf32, #tpu.memory_space<vmem>> -> memref<32x128xf32, #tpu.memory_space<vmem>>
      %dma_start3A_1018 = arith.constant 0 : i32
      %dma_start3A_1019 = tpu.memref_slice %arg4[%dma_start3A_1018, %multiple_of3A_993] : memref<32x1000000xf32, #tpu.memory_space<hbm>> -> memref<32x128xf32, #tpu.memory_space<hbm>>
      tpu.enqueue_dma source(%dma_start3A_1019 : memref<32x128xf32, #tpu.memory_space<hbm>>) target(%dma_start3A_1017 : memref<32x128xf32, #tpu.memory_space<vmem>>) target_semaphore(%arg22 : memref<!tpu.dma_semaphore, #tpu.memory_space<semaphore_mem>>)
      %dma_start3A_1020 = arith.constant 1 : i32
      %dma_start3A_1021 = arith.constant 0 : i32
      %dma_start3A_1022 = arith.constant 0 : i32
      %dma_start3A_1023 = tpu.memref_slice %arg15[%dma_start3A_1020, %dma_start3A_1021, %dma_start3A_1022] : memref<4x32x128xf32, #tpu.memory_space<vmem>> -> memref<1x32x128xf32, #tpu.memory_space<vmem>>
      %dma_start3A_1024 = tpu.memref_squeeze %dma_start3A_1023 : memref<1x32x128xf32, #tpu.memory_space<vmem>> -> memref<32x128xf32, #tpu.memory_space<vmem>>
      %dma_start3A_1025 = arith.constant 0 : i32
      %dma_start3A_1026 = tpu.memref_slice %arg5[%dma_start3A_1025, %multiple_of3A_1000] : memref<32x1000000xf32, #tpu.memory_space<hbm>> -> memref<32x128xf32, #tpu.memory_space<hbm>>
      %dma_start3A_1027 = arith.constant 0 : i32
      %dma_start3A_1028 = arith.constant 0 : i32
      %dma_start3A_1029 = tpu.memref_slice %arg15[%dma_start3A_1020, %dma_start3A_1027, %dma_start3A_1028] : memref<4x32x128xf32, #tpu.memory_space<vmem>> -> memref<1x32x128xf32, #tpu.memory_space<vmem>>
      %dma_start3A_1030 = tpu.memref_squeeze %dma_start3A_1029 : memref<1x32x128xf32, #tpu.memory_space<vmem>> -> memref<32x128xf32, #tpu.memory_space<vmem>>
      %dma_start3A_1031 = arith.constant 0 : i32
      %dma_start3A_1032 = tpu.memref_slice %arg5[%dma_start3A_1031, %multiple_of3A_1000] : memref<32x1000000xf32, #tpu.memory_space<hbm>> -> memref<32x128xf32, #tpu.memory_space<hbm>>
      tpu.enqueue_dma source(%dma_start3A_1032 : memref<32x128xf32, #tpu.memory_space<hbm>>) target(%dma_start3A_1030 : memref<32x128xf32, #tpu.memory_space<vmem>>) target_semaphore(%arg22 : memref<!tpu.dma_semaphore, #tpu.memory_space<semaphore_mem>>)
      %dma_start3A_1033 = arith.constant 1 : i32
      %dma_start3A_1034 = arith.constant 0 : i32
      %dma_start3A_1035 = arith.constant 0 : i32
      %dma_start3A_1036 = tpu.memref_slice %arg16[%dma_start3A_1033, %dma_start3A_1034, %dma_start3A_1035] : memref<4x16x128xf32, #tpu.memory_space<vmem>> -> memref<1x16x128xf32, #tpu.memory_space<vmem>>
      %dma_start3A_1037 = tpu.memref_squeeze %dma_start3A_1036 : memref<1x16x128xf32, #tpu.memory_space<vmem>> -> memref<16x128xf32, #tpu.memory_space<vmem>>
      %dma_start3A_1038 = arith.constant 0 : i32
      %dma_start3A_1039 = tpu.memref_slice %arg6[%dma_start3A_1038, %multiple_of3A_993] : memref<16x1000000xf32, #tpu.memory_space<hbm>> -> memref<16x128xf32, #tpu.memory_space<hbm>>
      %dma_start3A_1040 = arith.constant 0 : i32
      %dma_start3A_1041 = arith.constant 0 : i32
      %dma_start3A_1042 = tpu.memref_slice %arg16[%dma_start3A_1033, %dma_start3A_1040, %dma_start3A_1041] : memref<4x16x128xf32, #tpu.memory_space<vmem>> -> memref<1x16x128xf32, #tpu.memory_space<vmem>>
      %dma_start3A_1043 = tpu.memref_squeeze %dma_start3A_1042 : memref<1x16x128xf32, #tpu.memory_space<vmem>> -> memref<16x128xf32, #tpu.memory_space<vmem>>
      %dma_start3A_1044 = arith.constant 0 : i32
      %dma_start3A_1045 = tpu.memref_slice %arg6[%dma_start3A_1044, %multiple_of3A_993] : memref<16x1000000xf32, #tpu.memory_space<hbm>> -> memref<16x128xf32, #tpu.memory_space<hbm>>
      tpu.enqueue_dma source(%dma_start3A_1045 : memref<16x128xf32, #tpu.memory_space<hbm>>) target(%dma_start3A_1043 : memref<16x128xf32, #tpu.memory_space<vmem>>) target_semaphore(%arg22 : memref<!tpu.dma_semaphore, #tpu.memory_space<semaphore_mem>>)
      %dma_start3A_1046 = arith.constant 1 : i32
      %dma_start3A_1047 = arith.constant 0 : i32
      %dma_start3A_1048 = arith.constant 0 : i32
      %dma_start3A_1049 = tpu.memref_slice %arg17[%dma_start3A_1046, %dma_start3A_1047, %dma_start3A_1048] : memref<4x16x128xf32, #tpu.memory_space<vmem>> -> memref<1x16x128xf32, #tpu.memory_space<vmem>>
      %dma_start3A_1050 = tpu.memref_squeeze %dma_start3A_1049 : memref<1x16x128xf32, #tpu.memory_space<vmem>> -> memref<16x128xf32, #tpu.memory_space<vmem>>
      %dma_start3A_1051 = arith.constant 0 : i32
      %dma_start3A_1052 = tpu.memref_slice %arg7[%dma_start3A_1051, %multiple_of3A_1000] : memref<16x1000000xf32, #tpu.memory_space<hbm>> -> memref<16x128xf32, #tpu.memory_space<hbm>>
      %dma_start3A_1053 = arith.constant 0 : i32
      %dma_start3A_1054 = arith.constant 0 : i32
      %dma_start3A_1055 = tpu.memref_slice %arg17[%dma_start3A_1046, %dma_start3A_1053, %dma_start3A_1054] : memref<4x16x128xf32, #tpu.memory_space<vmem>> -> memref<1x16x128xf32, #tpu.memory_space<vmem>>
      %dma_start3A_1056 = tpu.memref_squeeze %dma_start3A_1055 : memref<1x16x128xf32, #tpu.memory_space<vmem>> -> memref<16x128xf32, #tpu.memory_space<vmem>>
      %dma_start3A_1057 = arith.constant 0 : i32
      %dma_start3A_1058 = tpu.memref_slice %arg7[%dma_start3A_1057, %multiple_of3A_1000] : memref<16x1000000xf32, #tpu.memory_space<hbm>> -> memref<16x128xf32, #tpu.memory_space<hbm>>
      tpu.enqueue_dma source(%dma_start3A_1058 : memref<16x128xf32, #tpu.memory_space<hbm>>) target(%dma_start3A_1056 : memref<16x128xf32, #tpu.memory_space<vmem>>) target_semaphore(%arg22 : memref<!tpu.dma_semaphore, #tpu.memory_space<semaphore_mem>>)
      %eq3A_1059 = arith.constant 6 : i32
      %eq3A_1060 = vector.broadcast %eq3A_1059 : i32 to vector<16xi32>
      %eq3A_1061 = arith.cmpi eq, %iota3A, %eq3A_1060 : vector<16xi32>
      %jit3A_1062 = arith.constant 0 : i32
      %broadcast_in_dim3A_1063 = vector.broadcast %jit3A_1062 : i32 to vector<16xi32>
      %select_n3A_1064 = arith.select %eq3A_1061, %get3A_10, %broadcast_in_dim3A_1063 : vector<16xi1>, vector<16xi32>
      %reduce_sum3A_1065 = arith.constant true
      %reduce_sum3A_1066 = vector.broadcast %reduce_sum3A_1065 : i1 to vector<16xi1>
      %reduce_sum3A_1067 = tpu.scan <sum>, %select_n3A_1064 masked %reduce_sum3A_1066 : vector<16xi32>, vector<16xi1> -> vector<16xi32>
      %reduce_sum3A_1068 = vector.extract %reduce_sum3A_1067[15] : i32 from vector<16xi32>
      %eq3A_1069 = arith.constant 6 : i32
      %eq3A_1070 = vector.broadcast %eq3A_1069 : i32 to vector<16xi32>
      %eq3A_1071 = arith.cmpi eq, %iota3A, %eq3A_1070 : vector<16xi32>
      %jit3A_1072 = arith.constant 0 : i32
      %broadcast_in_dim3A_1073 = vector.broadcast %jit3A_1072 : i32 to vector<16xi32>
      %select_n3A_1074 = arith.select %eq3A_1071, %get3A_13, %broadcast_in_dim3A_1073 : vector<16xi1>, vector<16xi32>
      %reduce_sum3A_1075 = arith.constant true
      %reduce_sum3A_1076 = vector.broadcast %reduce_sum3A_1075 : i1 to vector<16xi1>
      %reduce_sum3A_1077 = tpu.scan <sum>, %select_n3A_1074 masked %reduce_sum3A_1076 : vector<16xi32>, vector<16xi1> -> vector<16xi32>
      %reduce_sum3A_1078 = vector.extract %reduce_sum3A_1077[15] : i32 from vector<16xi32>
      %shift_right_arithmetic3A_1079 = arith.constant 7 : i32
      %shift_right_arithmetic3A_1080 = arith.shrsi %reduce_sum3A_1068, %shift_right_arithmetic3A_1079 : i32
      %mul3A_1081 = arith.constant 128 : i32
      %mul3A_1082 = arith.muli %shift_right_arithmetic3A_1080, %mul3A_1081 : i32
      %min3A_1083 = arith.constant 999808 : i32
      %min3A_1084 = arith.minsi %mul3A_1082, %min3A_1083 : i32
      %multiple_of3A_1085 = tpu.assume_multiple %min3A_1084, 128 : i32
      %shift_right_arithmetic3A_1086 = arith.constant 7 : i32
      %shift_right_arithmetic3A_1087 = arith.shrsi %reduce_sum3A_1078, %shift_right_arithmetic3A_1086 : i32
      %mul3A_1088 = arith.constant 128 : i32
      %mul3A_1089 = arith.muli %shift_right_arithmetic3A_1087, %mul3A_1088 : i32
      %min3A_1090 = arith.constant 999808 : i32
      %min3A_1091 = arith.minsi %mul3A_1089, %min3A_1090 : i32
      %multiple_of3A_1092 = tpu.assume_multiple %min3A_1091, 128 : i32
      %sub3A_1093 = arith.subi %reduce_sum3A_1068, %multiple_of3A_1085 : i32
      %min3A_1094 = arith.constant 127 : i32
      %min3A_1095 = arith.minsi %sub3A_1093, %min3A_1094 : i32
      %sub3A_1096 = arith.subi %reduce_sum3A_1078, %multiple_of3A_1092 : i32
      %min3A_1097 = arith.constant 127 : i32
      %min3A_1098 = arith.minsi %sub3A_1096, %min3A_1097 : i32
      %dma_start3A_1099 = arith.constant 2 : i32
      %dma_start3A_1100 = arith.constant 0 : i32
      %dma_start3A_1101 = arith.constant 0 : i32
      %dma_start3A_1102 = tpu.memref_slice %arg14[%dma_start3A_1099, %dma_start3A_1100, %dma_start3A_1101] : memref<4x32x128xf32, #tpu.memory_space<vmem>> -> memref<1x32x128xf32, #tpu.memory_space<vmem>>
      %dma_start3A_1103 = tpu.memref_squeeze %dma_start3A_1102 : memref<1x32x128xf32, #tpu.memory_space<vmem>> -> memref<32x128xf32, #tpu.memory_space<vmem>>
      %dma_start3A_1104 = arith.constant 0 : i32
      %dma_start3A_1105 = tpu.memref_slice %arg4[%dma_start3A_1104, %multiple_of3A_1085] : memref<32x1000000xf32, #tpu.memory_space<hbm>> -> memref<32x128xf32, #tpu.memory_space<hbm>>
      %dma_start3A_1106 = arith.constant 0 : i32
      %dma_start3A_1107 = arith.constant 0 : i32
      %dma_start3A_1108 = tpu.memref_slice %arg14[%dma_start3A_1099, %dma_start3A_1106, %dma_start3A_1107] : memref<4x32x128xf32, #tpu.memory_space<vmem>> -> memref<1x32x128xf32, #tpu.memory_space<vmem>>
      %dma_start3A_1109 = tpu.memref_squeeze %dma_start3A_1108 : memref<1x32x128xf32, #tpu.memory_space<vmem>> -> memref<32x128xf32, #tpu.memory_space<vmem>>
      %dma_start3A_1110 = arith.constant 0 : i32
      %dma_start3A_1111 = tpu.memref_slice %arg4[%dma_start3A_1110, %multiple_of3A_1085] : memref<32x1000000xf32, #tpu.memory_space<hbm>> -> memref<32x128xf32, #tpu.memory_space<hbm>>
      tpu.enqueue_dma source(%dma_start3A_1111 : memref<32x128xf32, #tpu.memory_space<hbm>>) target(%dma_start3A_1109 : memref<32x128xf32, #tpu.memory_space<vmem>>) target_semaphore(%arg22 : memref<!tpu.dma_semaphore, #tpu.memory_space<semaphore_mem>>)
      %dma_start3A_1112 = arith.constant 2 : i32
      %dma_start3A_1113 = arith.constant 0 : i32
      %dma_start3A_1114 = arith.constant 0 : i32
      %dma_start3A_1115 = tpu.memref_slice %arg15[%dma_start3A_1112, %dma_start3A_1113, %dma_start3A_1114] : memref<4x32x128xf32, #tpu.memory_space<vmem>> -> memref<1x32x128xf32, #tpu.memory_space<vmem>>
      %dma_start3A_1116 = tpu.memref_squeeze %dma_start3A_1115 : memref<1x32x128xf32, #tpu.memory_space<vmem>> -> memref<32x128xf32, #tpu.memory_space<vmem>>
      %dma_start3A_1117 = arith.constant 0 : i32
      %dma_start3A_1118 = tpu.memref_slice %arg5[%dma_start3A_1117, %multiple_of3A_1092] : memref<32x1000000xf32, #tpu.memory_space<hbm>> -> memref<32x128xf32, #tpu.memory_space<hbm>>
      %dma_start3A_1119 = arith.constant 0 : i32
      %dma_start3A_1120 = arith.constant 0 : i32
      %dma_start3A_1121 = tpu.memref_slice %arg15[%dma_start3A_1112, %dma_start3A_1119, %dma_start3A_1120] : memref<4x32x128xf32, #tpu.memory_space<vmem>> -> memref<1x32x128xf32, #tpu.memory_space<vmem>>
      %dma_start3A_1122 = tpu.memref_squeeze %dma_start3A_1121 : memref<1x32x128xf32, #tpu.memory_space<vmem>> -> memref<32x128xf32, #tpu.memory_space<vmem>>
      %dma_start3A_1123 = arith.constant 0 : i32
      %dma_start3A_1124 = tpu.memref_slice %arg5[%dma_start3A_1123, %multiple_of3A_1092] : memref<32x1000000xf32, #tpu.memory_space<hbm>> -> memref<32x128xf32, #tpu.memory_space<hbm>>
      tpu.enqueue_dma source(%dma_start3A_1124 : memref<32x128xf32, #tpu.memory_space<hbm>>) target(%dma_start3A_1122 : memref<32x128xf32, #tpu.memory_space<vmem>>) target_semaphore(%arg22 : memref<!tpu.dma_semaphore, #tpu.memory_space<semaphore_mem>>)
      %dma_start3A_1125 = arith.constant 2 : i32
      %dma_start3A_1126 = arith.constant 0 : i32
      %dma_start3A_1127 = arith.constant 0 : i32
      %dma_start3A_1128 = tpu.memref_slice %arg16[%dma_start3A_1125, %dma_start3A_1126, %dma_start3A_1127] : memref<4x16x128xf32, #tpu.memory_space<vmem>> -> memref<1x16x128xf32, #tpu.memory_space<vmem>>
      %dma_start3A_1129 = tpu.memref_squeeze %dma_start3A_1128 : memref<1x16x128xf32, #tpu.memory_space<vmem>> -> memref<16x128xf32, #tpu.memory_space<vmem>>
      %dma_start3A_1130 = arith.constant 0 : i32
      %dma_start3A_1131 = tpu.memref_slice %arg6[%dma_start3A_1130, %multiple_of3A_1085] : memref<16x1000000xf32, #tpu.memory_space<hbm>> -> memref<16x128xf32, #tpu.memory_space<hbm>>
      %dma_start3A_1132 = arith.constant 0 : i32
      %dma_start3A_1133 = arith.constant 0 : i32
      %dma_start3A_1134 = tpu.memref_slice %arg16[%dma_start3A_1125, %dma_start3A_1132, %dma_start3A_1133] : memref<4x16x128xf32, #tpu.memory_space<vmem>> -> memref<1x16x128xf32, #tpu.memory_space<vmem>>
      %dma_start3A_1135 = tpu.memref_squeeze %dma_start3A_1134 : memref<1x16x128xf32, #tpu.memory_space<vmem>> -> memref<16x128xf32, #tpu.memory_space<vmem>>
      %dma_start3A_1136 = arith.constant 0 : i32
      %dma_start3A_1137 = tpu.memref_slice %arg6[%dma_start3A_1136, %multiple_of3A_1085] : memref<16x1000000xf32, #tpu.memory_space<hbm>> -> memref<16x128xf32, #tpu.memory_space<hbm>>
      tpu.enqueue_dma source(%dma_start3A_1137 : memref<16x128xf32, #tpu.memory_space<hbm>>) target(%dma_start3A_1135 : memref<16x128xf32, #tpu.memory_space<vmem>>) target_semaphore(%arg22 : memref<!tpu.dma_semaphore, #tpu.memory_space<semaphore_mem>>)
      %dma_start3A_1138 = arith.constant 2 : i32
      %dma_start3A_1139 = arith.constant 0 : i32
      %dma_start3A_1140 = arith.constant 0 : i32
      %dma_start3A_1141 = tpu.memref_slice %arg17[%dma_start3A_1138, %dma_start3A_1139, %dma_start3A_1140] : memref<4x16x128xf32, #tpu.memory_space<vmem>> -> memref<1x16x128xf32, #tpu.memory_space<vmem>>
      %dma_start3A_1142 = tpu.memref_squeeze %dma_start3A_1141 : memref<1x16x128xf32, #tpu.memory_space<vmem>> -> memref<16x128xf32, #tpu.memory_space<vmem>>
      %dma_start3A_1143 = arith.constant 0 : i32
      %dma_start3A_1144 = tpu.memref_slice %arg7[%dma_start3A_1143, %multiple_of3A_1092] : memref<16x1000000xf32, #tpu.memory_space<hbm>> -> memref<16x128xf32, #tpu.memory_space<hbm>>
      %dma_start3A_1145 = arith.constant 0 : i32
      %dma_start3A_1146 = arith.constant 0 : i32
      %dma_start3A_1147 = tpu.memref_slice %arg17[%dma_start3A_1138, %dma_start3A_1145, %dma_start3A_1146] : memref<4x16x128xf32, #tpu.memory_space<vmem>> -> memref<1x16x128xf32, #tpu.memory_space<vmem>>
      %dma_start3A_1148 = tpu.memref_squeeze %dma_start3A_1147 : memref<1x16x128xf32, #tpu.memory_space<vmem>> -> memref<16x128xf32, #tpu.memory_space<vmem>>
      %dma_start3A_1149 = arith.constant 0 : i32
      %dma_start3A_1150 = tpu.memref_slice %arg7[%dma_start3A_1149, %multiple_of3A_1092] : memref<16x1000000xf32, #tpu.memory_space<hbm>> -> memref<16x128xf32, #tpu.memory_space<hbm>>
      tpu.enqueue_dma source(%dma_start3A_1150 : memref<16x128xf32, #tpu.memory_space<hbm>>) target(%dma_start3A_1148 : memref<16x128xf32, #tpu.memory_space<vmem>>) target_semaphore(%arg22 : memref<!tpu.dma_semaphore, #tpu.memory_space<semaphore_mem>>)
      %eq3A_1151 = arith.constant 7 : i32
      %eq3A_1152 = vector.broadcast %eq3A_1151 : i32 to vector<16xi32>
      %eq3A_1153 = arith.cmpi eq, %iota3A, %eq3A_1152 : vector<16xi32>
      %jit3A_1154 = arith.constant 0 : i32
      %broadcast_in_dim3A_1155 = vector.broadcast %jit3A_1154 : i32 to vector<16xi32>
      %select_n3A_1156 = arith.select %eq3A_1153, %get3A_10, %broadcast_in_dim3A_1155 : vector<16xi1>, vector<16xi32>
      %reduce_sum3A_1157 = arith.constant true
      %reduce_sum3A_1158 = vector.broadcast %reduce_sum3A_1157 : i1 to vector<16xi1>
      %reduce_sum3A_1159 = tpu.scan <sum>, %select_n3A_1156 masked %reduce_sum3A_1158 : vector<16xi32>, vector<16xi1> -> vector<16xi32>
      %reduce_sum3A_1160 = vector.extract %reduce_sum3A_1159[15] : i32 from vector<16xi32>
      %eq3A_1161 = arith.constant 7 : i32
      %eq3A_1162 = vector.broadcast %eq3A_1161 : i32 to vector<16xi32>
      %eq3A_1163 = arith.cmpi eq, %iota3A, %eq3A_1162 : vector<16xi32>
      %jit3A_1164 = arith.constant 0 : i32
      %broadcast_in_dim3A_1165 = vector.broadcast %jit3A_1164 : i32 to vector<16xi32>
      %select_n3A_1166 = arith.select %eq3A_1163, %get3A_13, %broadcast_in_dim3A_1165 : vector<16xi1>, vector<16xi32>
      %reduce_sum3A_1167 = arith.constant true
      %reduce_sum3A_1168 = vector.broadcast %reduce_sum3A_1167 : i1 to vector<16xi1>
      %reduce_sum3A_1169 = tpu.scan <sum>, %select_n3A_1166 masked %reduce_sum3A_1168 : vector<16xi32>, vector<16xi1> -> vector<16xi32>
      %reduce_sum3A_1170 = vector.extract %reduce_sum3A_1169[15] : i32 from vector<16xi32>
      %shift_right_arithmetic3A_1171 = arith.constant 7 : i32
      %shift_right_arithmetic3A_1172 = arith.shrsi %reduce_sum3A_1160, %shift_right_arithmetic3A_1171 : i32
      %mul3A_1173 = arith.constant 128 : i32
      %mul3A_1174 = arith.muli %shift_right_arithmetic3A_1172, %mul3A_1173 : i32
      %min3A_1175 = arith.constant 999808 : i32
      %min3A_1176 = arith.minsi %mul3A_1174, %min3A_1175 : i32
      %multiple_of3A_1177 = tpu.assume_multiple %min3A_1176, 128 : i32
      %shift_right_arithmetic3A_1178 = arith.constant 7 : i32
      %shift_right_arithmetic3A_1179 = arith.shrsi %reduce_sum3A_1170, %shift_right_arithmetic3A_1178 : i32
      %mul3A_1180 = arith.constant 128 : i32
      %mul3A_1181 = arith.muli %shift_right_arithmetic3A_1179, %mul3A_1180 : i32
      %min3A_1182 = arith.constant 999808 : i32
      %min3A_1183 = arith.minsi %mul3A_1181, %min3A_1182 : i32
      %multiple_of3A_1184 = tpu.assume_multiple %min3A_1183, 128 : i32
      %sub3A_1185 = arith.subi %reduce_sum3A_1160, %multiple_of3A_1177 : i32
      %min3A_1186 = arith.constant 127 : i32
      %min3A_1187 = arith.minsi %sub3A_1185, %min3A_1186 : i32
      %sub3A_1188 = arith.subi %reduce_sum3A_1170, %multiple_of3A_1184 : i32
      %min3A_1189 = arith.constant 127 : i32
      %min3A_1190 = arith.minsi %sub3A_1188, %min3A_1189 : i32
      %dma_start3A_1191 = arith.constant 3 : i32
      %dma_start3A_1192 = arith.constant 0 : i32
      %dma_start3A_1193 = arith.constant 0 : i32
      %dma_start3A_1194 = tpu.memref_slice %arg14[%dma_start3A_1191, %dma_start3A_1192, %dma_start3A_1193] : memref<4x32x128xf32, #tpu.memory_space<vmem>> -> memref<1x32x128xf32, #tpu.memory_space<vmem>>
      %dma_start3A_1195 = tpu.memref_squeeze %dma_start3A_1194 : memref<1x32x128xf32, #tpu.memory_space<vmem>> -> memref<32x128xf32, #tpu.memory_space<vmem>>
      %dma_start3A_1196 = arith.constant 0 : i32
      %dma_start3A_1197 = tpu.memref_slice %arg4[%dma_start3A_1196, %multiple_of3A_1177] : memref<32x1000000xf32, #tpu.memory_space<hbm>> -> memref<32x128xf32, #tpu.memory_space<hbm>>
      %dma_start3A_1198 = arith.constant 0 : i32
      %dma_start3A_1199 = arith.constant 0 : i32
      %dma_start3A_1200 = tpu.memref_slice %arg14[%dma_start3A_1191, %dma_start3A_1198, %dma_start3A_1199] : memref<4x32x128xf32, #tpu.memory_space<vmem>> -> memref<1x32x128xf32, #tpu.memory_space<vmem>>
      %dma_start3A_1201 = tpu.memref_squeeze %dma_start3A_1200 : memref<1x32x128xf32, #tpu.memory_space<vmem>> -> memref<32x128xf32, #tpu.memory_space<vmem>>
      %dma_start3A_1202 = arith.constant 0 : i32
      %dma_start3A_1203 = tpu.memref_slice %arg4[%dma_start3A_1202, %multiple_of3A_1177] : memref<32x1000000xf32, #tpu.memory_space<hbm>> -> memref<32x128xf32, #tpu.memory_space<hbm>>
      tpu.enqueue_dma source(%dma_start3A_1203 : memref<32x128xf32, #tpu.memory_space<hbm>>) target(%dma_start3A_1201 : memref<32x128xf32, #tpu.memory_space<vmem>>) target_semaphore(%arg22 : memref<!tpu.dma_semaphore, #tpu.memory_space<semaphore_mem>>)
      %dma_start3A_1204 = arith.constant 3 : i32
      %dma_start3A_1205 = arith.constant 0 : i32
      %dma_start3A_1206 = arith.constant 0 : i32
      %dma_start3A_1207 = tpu.memref_slice %arg15[%dma_start3A_1204, %dma_start3A_1205, %dma_start3A_1206] : memref<4x32x128xf32, #tpu.memory_space<vmem>> -> memref<1x32x128xf32, #tpu.memory_space<vmem>>
      %dma_start3A_1208 = tpu.memref_squeeze %dma_start3A_1207 : memref<1x32x128xf32, #tpu.memory_space<vmem>> -> memref<32x128xf32, #tpu.memory_space<vmem>>
      %dma_start3A_1209 = arith.constant 0 : i32
      %dma_start3A_1210 = tpu.memref_slice %arg5[%dma_start3A_1209, %multiple_of3A_1184] : memref<32x1000000xf32, #tpu.memory_space<hbm>> -> memref<32x128xf32, #tpu.memory_space<hbm>>
      %dma_start3A_1211 = arith.constant 0 : i32
      %dma_start3A_1212 = arith.constant 0 : i32
      %dma_start3A_1213 = tpu.memref_slice %arg15[%dma_start3A_1204, %dma_start3A_1211, %dma_start3A_1212] : memref<4x32x128xf32, #tpu.memory_space<vmem>> -> memref<1x32x128xf32, #tpu.memory_space<vmem>>
      %dma_start3A_1214 = tpu.memref_squeeze %dma_start3A_1213 : memref<1x32x128xf32, #tpu.memory_space<vmem>> -> memref<32x128xf32, #tpu.memory_space<vmem>>
      %dma_start3A_1215 = arith.constant 0 : i32
      %dma_start3A_1216 = tpu.memref_slice %arg5[%dma_start3A_1215, %multiple_of3A_1184] : memref<32x1000000xf32, #tpu.memory_space<hbm>> -> memref<32x128xf32, #tpu.memory_space<hbm>>
      tpu.enqueue_dma source(%dma_start3A_1216 : memref<32x128xf32, #tpu.memory_space<hbm>>) target(%dma_start3A_1214 : memref<32x128xf32, #tpu.memory_space<vmem>>) target_semaphore(%arg22 : memref<!tpu.dma_semaphore, #tpu.memory_space<semaphore_mem>>)
      %dma_start3A_1217 = arith.constant 3 : i32
      %dma_start3A_1218 = arith.constant 0 : i32
      %dma_start3A_1219 = arith.constant 0 : i32
      %dma_start3A_1220 = tpu.memref_slice %arg16[%dma_start3A_1217, %dma_start3A_1218, %dma_start3A_1219] : memref<4x16x128xf32, #tpu.memory_space<vmem>> -> memref<1x16x128xf32, #tpu.memory_space<vmem>>
      %dma_start3A_1221 = tpu.memref_squeeze %dma_start3A_1220 : memref<1x16x128xf32, #tpu.memory_space<vmem>> -> memref<16x128xf32, #tpu.memory_space<vmem>>
      %dma_start3A_1222 = arith.constant 0 : i32
      %dma_start3A_1223 = tpu.memref_slice %arg6[%dma_start3A_1222, %multiple_of3A_1177] : memref<16x1000000xf32, #tpu.memory_space<hbm>> -> memref<16x128xf32, #tpu.memory_space<hbm>>
      %dma_start3A_1224 = arith.constant 0 : i32
      %dma_start3A_1225 = arith.constant 0 : i32
      %dma_start3A_1226 = tpu.memref_slice %arg16[%dma_start3A_1217, %dma_start3A_1224, %dma_start3A_1225] : memref<4x16x128xf32, #tpu.memory_space<vmem>> -> memref<1x16x128xf32, #tpu.memory_space<vmem>>
      %dma_start3A_1227 = tpu.memref_squeeze %dma_start3A_1226 : memref<1x16x128xf32, #tpu.memory_space<vmem>> -> memref<16x128xf32, #tpu.memory_space<vmem>>
      %dma_start3A_1228 = arith.constant 0 : i32
      %dma_start3A_1229 = tpu.memref_slice %arg6[%dma_start3A_1228, %multiple_of3A_1177] : memref<16x1000000xf32, #tpu.memory_space<hbm>> -> memref<16x128xf32, #tpu.memory_space<hbm>>
      tpu.enqueue_dma source(%dma_start3A_1229 : memref<16x128xf32, #tpu.memory_space<hbm>>) target(%dma_start3A_1227 : memref<16x128xf32, #tpu.memory_space<vmem>>) target_semaphore(%arg22 : memref<!tpu.dma_semaphore, #tpu.memory_space<semaphore_mem>>)
      %dma_start3A_1230 = arith.constant 3 : i32
      %dma_start3A_1231 = arith.constant 0 : i32
      %dma_start3A_1232 = arith.constant 0 : i32
      %dma_start3A_1233 = tpu.memref_slice %arg17[%dma_start3A_1230, %dma_start3A_1231, %dma_start3A_1232] : memref<4x16x128xf32, #tpu.memory_space<vmem>> -> memref<1x16x128xf32, #tpu.memory_space<vmem>>
      %dma_start3A_1234 = tpu.memref_squeeze %dma_start3A_1233 : memref<1x16x128xf32, #tpu.memory_space<vmem>> -> memref<16x128xf32, #tpu.memory_space<vmem>>
      %dma_start3A_1235 = arith.constant 0 : i32
      %dma_start3A_1236 = tpu.memref_slice %arg7[%dma_start3A_1235, %multiple_of3A_1184] : memref<16x1000000xf32, #tpu.memory_space<hbm>> -> memref<16x128xf32, #tpu.memory_space<hbm>>
      %dma_start3A_1237 = arith.constant 0 : i32
      %dma_start3A_1238 = arith.constant 0 : i32
      %dma_start3A_1239 = tpu.memref_slice %arg17[%dma_start3A_1230, %dma_start3A_1237, %dma_start3A_1238] : memref<4x16x128xf32, #tpu.memory_space<vmem>> -> memref<1x16x128xf32, #tpu.memory_space<vmem>>
      %dma_start3A_1240 = tpu.memref_squeeze %dma_start3A_1239 : memref<1x16x128xf32, #tpu.memory_space<vmem>> -> memref<16x128xf32, #tpu.memory_space<vmem>>
      %dma_start3A_1241 = arith.constant 0 : i32
      %dma_start3A_1242 = tpu.memref_slice %arg7[%dma_start3A_1241, %multiple_of3A_1184] : memref<16x1000000xf32, #tpu.memory_space<hbm>> -> memref<16x128xf32, #tpu.memory_space<hbm>>
      tpu.enqueue_dma source(%dma_start3A_1242 : memref<16x128xf32, #tpu.memory_space<hbm>>) target(%dma_start3A_1240 : memref<16x128xf32, #tpu.memory_space<vmem>>) target_semaphore(%arg22 : memref<!tpu.dma_semaphore, #tpu.memory_space<semaphore_mem>>)
      %dma_wait3A_1243 = arith.constant 0 : i32
      %dma_wait3A_1244 = arith.constant 0 : i32
      %dma_wait3A_1245 = arith.constant 0 : i32
      %dma_wait3A_1246 = tpu.memref_slice %arg14[%dma_wait3A_1243, %dma_wait3A_1244, %dma_wait3A_1245] : memref<4x32x128xf32, #tpu.memory_space<vmem>> -> memref<1x32x128xf32, #tpu.memory_space<vmem>>
      %dma_wait3A_1247 = tpu.memref_squeeze %dma_wait3A_1246 : memref<1x32x128xf32, #tpu.memory_space<vmem>> -> memref<32x128xf32, #tpu.memory_space<vmem>>
      %dma_wait3A_1248 = arith.constant 0 : i32
      %dma_wait3A_1249 = tpu.memref_slice %arg4[%dma_wait3A_1248, %multiple_of3A_901] : memref<32x1000000xf32, #tpu.memory_space<hbm>> -> memref<32x128xf32, #tpu.memory_space<hbm>>
      %dma_wait3A_1250 = arith.constant 0 : i32
      %dma_wait3A_1251 = arith.constant 0 : i32
      %dma_wait3A_1252 = tpu.memref_slice %arg14[%dma_wait3A_1243, %dma_wait3A_1250, %dma_wait3A_1251] : memref<4x32x128xf32, #tpu.memory_space<vmem>> -> memref<1x32x128xf32, #tpu.memory_space<vmem>>
      %dma_wait3A_1253 = tpu.memref_squeeze %dma_wait3A_1252 : memref<1x32x128xf32, #tpu.memory_space<vmem>> -> memref<32x128xf32, #tpu.memory_space<vmem>>
      %dma_wait3A_1254 = arith.constant 0 : i32
      %dma_wait3A_1255 = tpu.memref_slice %arg4[%dma_wait3A_1254, %multiple_of3A_901] : memref<32x1000000xf32, #tpu.memory_space<hbm>> -> memref<32x128xf32, #tpu.memory_space<hbm>>
      tpu.wait_dma2 semaphore(%arg22 : memref<!tpu.dma_semaphore, #tpu.memory_space<semaphore_mem>>) src(%dma_wait3A_1255 : memref<32x128xf32, #tpu.memory_space<hbm>>) dst(%dma_wait3A_1253 : memref<32x128xf32, #tpu.memory_space<vmem>>)
      %dma_wait3A_1256 = arith.constant 0 : i32
      %dma_wait3A_1257 = arith.constant 0 : i32
      %dma_wait3A_1258 = arith.constant 0 : i32
      %dma_wait3A_1259 = tpu.memref_slice %arg15[%dma_wait3A_1256, %dma_wait3A_1257, %dma_wait3A_1258] : memref<4x32x128xf32, #tpu.memory_space<vmem>> -> memref<1x32x128xf32, #tpu.memory_space<vmem>>
      %dma_wait3A_1260 = tpu.memref_squeeze %dma_wait3A_1259 : memref<1x32x128xf32, #tpu.memory_space<vmem>> -> memref<32x128xf32, #tpu.memory_space<vmem>>
      %dma_wait3A_1261 = arith.constant 0 : i32
      %dma_wait3A_1262 = tpu.memref_slice %arg5[%dma_wait3A_1261, %multiple_of3A_908] : memref<32x1000000xf32, #tpu.memory_space<hbm>> -> memref<32x128xf32, #tpu.memory_space<hbm>>
      %dma_wait3A_1263 = arith.constant 0 : i32
      %dma_wait3A_1264 = arith.constant 0 : i32
      %dma_wait3A_1265 = tpu.memref_slice %arg15[%dma_wait3A_1256, %dma_wait3A_1263, %dma_wait3A_1264] : memref<4x32x128xf32, #tpu.memory_space<vmem>> -> memref<1x32x128xf32, #tpu.memory_space<vmem>>
      %dma_wait3A_1266 = tpu.memref_squeeze %dma_wait3A_1265 : memref<1x32x128xf32, #tpu.memory_space<vmem>> -> memref<32x128xf32, #tpu.memory_space<vmem>>
      %dma_wait3A_1267 = arith.constant 0 : i32
      %dma_wait3A_1268 = tpu.memref_slice %arg5[%dma_wait3A_1267, %multiple_of3A_908] : memref<32x1000000xf32, #tpu.memory_space<hbm>> -> memref<32x128xf32, #tpu.memory_space<hbm>>
      tpu.wait_dma2 semaphore(%arg22 : memref<!tpu.dma_semaphore, #tpu.memory_space<semaphore_mem>>) src(%dma_wait3A_1268 : memref<32x128xf32, #tpu.memory_space<hbm>>) dst(%dma_wait3A_1266 : memref<32x128xf32, #tpu.memory_space<vmem>>)
      %dma_wait3A_1269 = arith.constant 0 : i32
      %dma_wait3A_1270 = arith.constant 0 : i32
      %dma_wait3A_1271 = arith.constant 0 : i32
      %dma_wait3A_1272 = tpu.memref_slice %arg16[%dma_wait3A_1269, %dma_wait3A_1270, %dma_wait3A_1271] : memref<4x16x128xf32, #tpu.memory_space<vmem>> -> memref<1x16x128xf32, #tpu.memory_space<vmem>>
      %dma_wait3A_1273 = tpu.memref_squeeze %dma_wait3A_1272 : memref<1x16x128xf32, #tpu.memory_space<vmem>> -> memref<16x128xf32, #tpu.memory_space<vmem>>
      %dma_wait3A_1274 = arith.constant 0 : i32
      %dma_wait3A_1275 = tpu.memref_slice %arg6[%dma_wait3A_1274, %multiple_of3A_901] : memref<16x1000000xf32, #tpu.memory_space<hbm>> -> memref<16x128xf32, #tpu.memory_space<hbm>>
      %dma_wait3A_1276 = arith.constant 0 : i32
      %dma_wait3A_1277 = arith.constant 0 : i32
      %dma_wait3A_1278 = tpu.memref_slice %arg16[%dma_wait3A_1269, %dma_wait3A_1276, %dma_wait3A_1277] : memref<4x16x128xf32, #tpu.memory_space<vmem>> -> memref<1x16x128xf32, #tpu.memory_space<vmem>>
      %dma_wait3A_1279 = tpu.memref_squeeze %dma_wait3A_1278 : memref<1x16x128xf32, #tpu.memory_space<vmem>> -> memref<16x128xf32, #tpu.memory_space<vmem>>
      %dma_wait3A_1280 = arith.constant 0 : i32
      %dma_wait3A_1281 = tpu.memref_slice %arg6[%dma_wait3A_1280, %multiple_of3A_901] : memref<16x1000000xf32, #tpu.memory_space<hbm>> -> memref<16x128xf32, #tpu.memory_space<hbm>>
      tpu.wait_dma2 semaphore(%arg22 : memref<!tpu.dma_semaphore, #tpu.memory_space<semaphore_mem>>) src(%dma_wait3A_1281 : memref<16x128xf32, #tpu.memory_space<hbm>>) dst(%dma_wait3A_1279 : memref<16x128xf32, #tpu.memory_space<vmem>>)
      %dma_wait3A_1282 = arith.constant 0 : i32
      %dma_wait3A_1283 = arith.constant 0 : i32
      %dma_wait3A_1284 = arith.constant 0 : i32
      %dma_wait3A_1285 = tpu.memref_slice %arg17[%dma_wait3A_1282, %dma_wait3A_1283, %dma_wait3A_1284] : memref<4x16x128xf32, #tpu.memory_space<vmem>> -> memref<1x16x128xf32, #tpu.memory_space<vmem>>
      %dma_wait3A_1286 = tpu.memref_squeeze %dma_wait3A_1285 : memref<1x16x128xf32, #tpu.memory_space<vmem>> -> memref<16x128xf32, #tpu.memory_space<vmem>>
      %dma_wait3A_1287 = arith.constant 0 : i32
      %dma_wait3A_1288 = tpu.memref_slice %arg7[%dma_wait3A_1287, %multiple_of3A_908] : memref<16x1000000xf32, #tpu.memory_space<hbm>> -> memref<16x128xf32, #tpu.memory_space<hbm>>
      %dma_wait3A_1289 = arith.constant 0 : i32
      %dma_wait3A_1290 = arith.constant 0 : i32
      %dma_wait3A_1291 = tpu.memref_slice %arg17[%dma_wait3A_1282, %dma_wait3A_1289, %dma_wait3A_1290] : memref<4x16x128xf32, #tpu.memory_space<vmem>> -> memref<1x16x128xf32, #tpu.memory_space<vmem>>
      %dma_wait3A_1292 = tpu.memref_squeeze %dma_wait3A_1291 : memref<1x16x128xf32, #tpu.memory_space<vmem>> -> memref<16x128xf32, #tpu.memory_space<vmem>>
      %dma_wait3A_1293 = arith.constant 0 : i32
      %dma_wait3A_1294 = tpu.memref_slice %arg7[%dma_wait3A_1293, %multiple_of3A_908] : memref<16x1000000xf32, #tpu.memory_space<hbm>> -> memref<16x128xf32, #tpu.memory_space<hbm>>
      tpu.wait_dma2 semaphore(%arg22 : memref<!tpu.dma_semaphore, #tpu.memory_space<semaphore_mem>>) src(%dma_wait3A_1294 : memref<16x128xf32, #tpu.memory_space<hbm>>) dst(%dma_wait3A_1292 : memref<16x128xf32, #tpu.memory_space<vmem>>)
      %dma_wait3A_1295 = arith.constant 1 : i32
      %dma_wait3A_1296 = arith.constant 0 : i32
      %dma_wait3A_1297 = arith.constant 0 : i32
      %dma_wait3A_1298 = tpu.memref_slice %arg14[%dma_wait3A_1295, %dma_wait3A_1296, %dma_wait3A_1297] : memref<4x32x128xf32, #tpu.memory_space<vmem>> -> memref<1x32x128xf32, #tpu.memory_space<vmem>>
      %dma_wait3A_1299 = tpu.memref_squeeze %dma_wait3A_1298 : memref<1x32x128xf32, #tpu.memory_space<vmem>> -> memref<32x128xf32, #tpu.memory_space<vmem>>
      %dma_wait3A_1300 = arith.constant 0 : i32
      %dma_wait3A_1301 = tpu.memref_slice %arg4[%dma_wait3A_1300, %multiple_of3A_993] : memref<32x1000000xf32, #tpu.memory_space<hbm>> -> memref<32x128xf32, #tpu.memory_space<hbm>>
      %dma_wait3A_1302 = arith.constant 0 : i32
      %dma_wait3A_1303 = arith.constant 0 : i32
      %dma_wait3A_1304 = tpu.memref_slice %arg14[%dma_wait3A_1295, %dma_wait3A_1302, %dma_wait3A_1303] : memref<4x32x128xf32, #tpu.memory_space<vmem>> -> memref<1x32x128xf32, #tpu.memory_space<vmem>>
      %dma_wait3A_1305 = tpu.memref_squeeze %dma_wait3A_1304 : memref<1x32x128xf32, #tpu.memory_space<vmem>> -> memref<32x128xf32, #tpu.memory_space<vmem>>
      %dma_wait3A_1306 = arith.constant 0 : i32
      %dma_wait3A_1307 = tpu.memref_slice %arg4[%dma_wait3A_1306, %multiple_of3A_993] : memref<32x1000000xf32, #tpu.memory_space<hbm>> -> memref<32x128xf32, #tpu.memory_space<hbm>>
      tpu.wait_dma2 semaphore(%arg22 : memref<!tpu.dma_semaphore, #tpu.memory_space<semaphore_mem>>) src(%dma_wait3A_1307 : memref<32x128xf32, #tpu.memory_space<hbm>>) dst(%dma_wait3A_1305 : memref<32x128xf32, #tpu.memory_space<vmem>>)
      %dma_wait3A_1308 = arith.constant 1 : i32
      %dma_wait3A_1309 = arith.constant 0 : i32
      %dma_wait3A_1310 = arith.constant 0 : i32
      %dma_wait3A_1311 = tpu.memref_slice %arg15[%dma_wait3A_1308, %dma_wait3A_1309, %dma_wait3A_1310] : memref<4x32x128xf32, #tpu.memory_space<vmem>> -> memref<1x32x128xf32, #tpu.memory_space<vmem>>
      %dma_wait3A_1312 = tpu.memref_squeeze %dma_wait3A_1311 : memref<1x32x128xf32, #tpu.memory_space<vmem>> -> memref<32x128xf32, #tpu.memory_space<vmem>>
      %dma_wait3A_1313 = arith.constant 0 : i32
      %dma_wait3A_1314 = tpu.memref_slice %arg5[%dma_wait3A_1313, %multiple_of3A_1000] : memref<32x1000000xf32, #tpu.memory_space<hbm>> -> memref<32x128xf32, #tpu.memory_space<hbm>>
      %dma_wait3A_1315 = arith.constant 0 : i32
      %dma_wait3A_1316 = arith.constant 0 : i32
      %dma_wait3A_1317 = tpu.memref_slice %arg15[%dma_wait3A_1308, %dma_wait3A_1315, %dma_wait3A_1316] : memref<4x32x128xf32, #tpu.memory_space<vmem>> -> memref<1x32x128xf32, #tpu.memory_space<vmem>>
      %dma_wait3A_1318 = tpu.memref_squeeze %dma_wait3A_1317 : memref<1x32x128xf32, #tpu.memory_space<vmem>> -> memref<32x128xf32, #tpu.memory_space<vmem>>
      %dma_wait3A_1319 = arith.constant 0 : i32
      %dma_wait3A_1320 = tpu.memref_slice %arg5[%dma_wait3A_1319, %multiple_of3A_1000] : memref<32x1000000xf32, #tpu.memory_space<hbm>> -> memref<32x128xf32, #tpu.memory_space<hbm>>
      tpu.wait_dma2 semaphore(%arg22 : memref<!tpu.dma_semaphore, #tpu.memory_space<semaphore_mem>>) src(%dma_wait3A_1320 : memref<32x128xf32, #tpu.memory_space<hbm>>) dst(%dma_wait3A_1318 : memref<32x128xf32, #tpu.memory_space<vmem>>)
      %dma_wait3A_1321 = arith.constant 1 : i32
      %dma_wait3A_1322 = arith.constant 0 : i32
      %dma_wait3A_1323 = arith.constant 0 : i32
      %dma_wait3A_1324 = tpu.memref_slice %arg16[%dma_wait3A_1321, %dma_wait3A_1322, %dma_wait3A_1323] : memref<4x16x128xf32, #tpu.memory_space<vmem>> -> memref<1x16x128xf32, #tpu.memory_space<vmem>>
      %dma_wait3A_1325 = tpu.memref_squeeze %dma_wait3A_1324 : memref<1x16x128xf32, #tpu.memory_space<vmem>> -> memref<16x128xf32, #tpu.memory_space<vmem>>
      %dma_wait3A_1326 = arith.constant 0 : i32
      %dma_wait3A_1327 = tpu.memref_slice %arg6[%dma_wait3A_1326, %multiple_of3A_993] : memref<16x1000000xf32, #tpu.memory_space<hbm>> -> memref<16x128xf32, #tpu.memory_space<hbm>>
      %dma_wait3A_1328 = arith.constant 0 : i32
      %dma_wait3A_1329 = arith.constant 0 : i32
      %dma_wait3A_1330 = tpu.memref_slice %arg16[%dma_wait3A_1321, %dma_wait3A_1328, %dma_wait3A_1329] : memref<4x16x128xf32, #tpu.memory_space<vmem>> -> memref<1x16x128xf32, #tpu.memory_space<vmem>>
      %dma_wait3A_1331 = tpu.memref_squeeze %dma_wait3A_1330 : memref<1x16x128xf32, #tpu.memory_space<vmem>> -> memref<16x128xf32, #tpu.memory_space<vmem>>
      %dma_wait3A_1332 = arith.constant 0 : i32
      %dma_wait3A_1333 = tpu.memref_slice %arg6[%dma_wait3A_1332, %multiple_of3A_993] : memref<16x1000000xf32, #tpu.memory_space<hbm>> -> memref<16x128xf32, #tpu.memory_space<hbm>>
      tpu.wait_dma2 semaphore(%arg22 : memref<!tpu.dma_semaphore, #tpu.memory_space<semaphore_mem>>) src(%dma_wait3A_1333 : memref<16x128xf32, #tpu.memory_space<hbm>>) dst(%dma_wait3A_1331 : memref<16x128xf32, #tpu.memory_space<vmem>>)
      %dma_wait3A_1334 = arith.constant 1 : i32
      %dma_wait3A_1335 = arith.constant 0 : i32
      %dma_wait3A_1336 = arith.constant 0 : i32
      %dma_wait3A_1337 = tpu.memref_slice %arg17[%dma_wait3A_1334, %dma_wait3A_1335, %dma_wait3A_1336] : memref<4x16x128xf32, #tpu.memory_space<vmem>> -> memref<1x16x128xf32, #tpu.memory_space<vmem>>
      %dma_wait3A_1338 = tpu.memref_squeeze %dma_wait3A_1337 : memref<1x16x128xf32, #tpu.memory_space<vmem>> -> memref<16x128xf32, #tpu.memory_space<vmem>>
      %dma_wait3A_1339 = arith.constant 0 : i32
      %dma_wait3A_1340 = tpu.memref_slice %arg7[%dma_wait3A_1339, %multiple_of3A_1000] : memref<16x1000000xf32, #tpu.memory_space<hbm>> -> memref<16x128xf32, #tpu.memory_space<hbm>>
      %dma_wait3A_1341 = arith.constant 0 : i32
      %dma_wait3A_1342 = arith.constant 0 : i32
      %dma_wait3A_1343 = tpu.memref_slice %arg17[%dma_wait3A_1334, %dma_wait3A_1341, %dma_wait3A_1342] : memref<4x16x128xf32, #tpu.memory_space<vmem>> -> memref<1x16x128xf32, #tpu.memory_space<vmem>>
      %dma_wait3A_1344 = tpu.memref_squeeze %dma_wait3A_1343 : memref<1x16x128xf32, #tpu.memory_space<vmem>> -> memref<16x128xf32, #tpu.memory_space<vmem>>
      %dma_wait3A_1345 = arith.constant 0 : i32
      %dma_wait3A_1346 = tpu.memref_slice %arg7[%dma_wait3A_1345, %multiple_of3A_1000] : memref<16x1000000xf32, #tpu.memory_space<hbm>> -> memref<16x128xf32, #tpu.memory_space<hbm>>
      tpu.wait_dma2 semaphore(%arg22 : memref<!tpu.dma_semaphore, #tpu.memory_space<semaphore_mem>>) src(%dma_wait3A_1346 : memref<16x128xf32, #tpu.memory_space<hbm>>) dst(%dma_wait3A_1344 : memref<16x128xf32, #tpu.memory_space<vmem>>)
      %dma_wait3A_1347 = arith.constant 2 : i32
      %dma_wait3A_1348 = arith.constant 0 : i32
      %dma_wait3A_1349 = arith.constant 0 : i32
      %dma_wait3A_1350 = tpu.memref_slice %arg14[%dma_wait3A_1347, %dma_wait3A_1348, %dma_wait3A_1349] : memref<4x32x128xf32, #tpu.memory_space<vmem>> -> memref<1x32x128xf32, #tpu.memory_space<vmem>>
      %dma_wait3A_1351 = tpu.memref_squeeze %dma_wait3A_1350 : memref<1x32x128xf32, #tpu.memory_space<vmem>> -> memref<32x128xf32, #tpu.memory_space<vmem>>
      %dma_wait3A_1352 = arith.constant 0 : i32
      %dma_wait3A_1353 = tpu.memref_slice %arg4[%dma_wait3A_1352, %multiple_of3A_1085] : memref<32x1000000xf32, #tpu.memory_space<hbm>> -> memref<32x128xf32, #tpu.memory_space<hbm>>
      %dma_wait3A_1354 = arith.constant 0 : i32
      %dma_wait3A_1355 = arith.constant 0 : i32
      %dma_wait3A_1356 = tpu.memref_slice %arg14[%dma_wait3A_1347, %dma_wait3A_1354, %dma_wait3A_1355] : memref<4x32x128xf32, #tpu.memory_space<vmem>> -> memref<1x32x128xf32, #tpu.memory_space<vmem>>
      %dma_wait3A_1357 = tpu.memref_squeeze %dma_wait3A_1356 : memref<1x32x128xf32, #tpu.memory_space<vmem>> -> memref<32x128xf32, #tpu.memory_space<vmem>>
      %dma_wait3A_1358 = arith.constant 0 : i32
      %dma_wait3A_1359 = tpu.memref_slice %arg4[%dma_wait3A_1358, %multiple_of3A_1085] : memref<32x1000000xf32, #tpu.memory_space<hbm>> -> memref<32x128xf32, #tpu.memory_space<hbm>>
      tpu.wait_dma2 semaphore(%arg22 : memref<!tpu.dma_semaphore, #tpu.memory_space<semaphore_mem>>) src(%dma_wait3A_1359 : memref<32x128xf32, #tpu.memory_space<hbm>>) dst(%dma_wait3A_1357 : memref<32x128xf32, #tpu.memory_space<vmem>>)
      %dma_wait3A_1360 = arith.constant 2 : i32
      %dma_wait3A_1361 = arith.constant 0 : i32
      %dma_wait3A_1362 = arith.constant 0 : i32
      %dma_wait3A_1363 = tpu.memref_slice %arg15[%dma_wait3A_1360, %dma_wait3A_1361, %dma_wait3A_1362] : memref<4x32x128xf32, #tpu.memory_space<vmem>> -> memref<1x32x128xf32, #tpu.memory_space<vmem>>
      %dma_wait3A_1364 = tpu.memref_squeeze %dma_wait3A_1363 : memref<1x32x128xf32, #tpu.memory_space<vmem>> -> memref<32x128xf32, #tpu.memory_space<vmem>>
      %dma_wait3A_1365 = arith.constant 0 : i32
      %dma_wait3A_1366 = tpu.memref_slice %arg5[%dma_wait3A_1365, %multiple_of3A_1092] : memref<32x1000000xf32, #tpu.memory_space<hbm>> -> memref<32x128xf32, #tpu.memory_space<hbm>>
      %dma_wait3A_1367 = arith.constant 0 : i32
      %dma_wait3A_1368 = arith.constant 0 : i32
      %dma_wait3A_1369 = tpu.memref_slice %arg15[%dma_wait3A_1360, %dma_wait3A_1367, %dma_wait3A_1368] : memref<4x32x128xf32, #tpu.memory_space<vmem>> -> memref<1x32x128xf32, #tpu.memory_space<vmem>>
      %dma_wait3A_1370 = tpu.memref_squeeze %dma_wait3A_1369 : memref<1x32x128xf32, #tpu.memory_space<vmem>> -> memref<32x128xf32, #tpu.memory_space<vmem>>
      %dma_wait3A_1371 = arith.constant 0 : i32
      %dma_wait3A_1372 = tpu.memref_slice %arg5[%dma_wait3A_1371, %multiple_of3A_1092] : memref<32x1000000xf32, #tpu.memory_space<hbm>> -> memref<32x128xf32, #tpu.memory_space<hbm>>
      tpu.wait_dma2 semaphore(%arg22 : memref<!tpu.dma_semaphore, #tpu.memory_space<semaphore_mem>>) src(%dma_wait3A_1372 : memref<32x128xf32, #tpu.memory_space<hbm>>) dst(%dma_wait3A_1370 : memref<32x128xf32, #tpu.memory_space<vmem>>)
      %dma_wait3A_1373 = arith.constant 2 : i32
      %dma_wait3A_1374 = arith.constant 0 : i32
      %dma_wait3A_1375 = arith.constant 0 : i32
      %dma_wait3A_1376 = tpu.memref_slice %arg16[%dma_wait3A_1373, %dma_wait3A_1374, %dma_wait3A_1375] : memref<4x16x128xf32, #tpu.memory_space<vmem>> -> memref<1x16x128xf32, #tpu.memory_space<vmem>>
      %dma_wait3A_1377 = tpu.memref_squeeze %dma_wait3A_1376 : memref<1x16x128xf32, #tpu.memory_space<vmem>> -> memref<16x128xf32, #tpu.memory_space<vmem>>
      %dma_wait3A_1378 = arith.constant 0 : i32
      %dma_wait3A_1379 = tpu.memref_slice %arg6[%dma_wait3A_1378, %multiple_of3A_1085] : memref<16x1000000xf32, #tpu.memory_space<hbm>> -> memref<16x128xf32, #tpu.memory_space<hbm>>
      %dma_wait3A_1380 = arith.constant 0 : i32
      %dma_wait3A_1381 = arith.constant 0 : i32
      %dma_wait3A_1382 = tpu.memref_slice %arg16[%dma_wait3A_1373, %dma_wait3A_1380, %dma_wait3A_1381] : memref<4x16x128xf32, #tpu.memory_space<vmem>> -> memref<1x16x128xf32, #tpu.memory_space<vmem>>
      %dma_wait3A_1383 = tpu.memref_squeeze %dma_wait3A_1382 : memref<1x16x128xf32, #tpu.memory_space<vmem>> -> memref<16x128xf32, #tpu.memory_space<vmem>>
      %dma_wait3A_1384 = arith.constant 0 : i32
      %dma_wait3A_1385 = tpu.memref_slice %arg6[%dma_wait3A_1384, %multiple_of3A_1085] : memref<16x1000000xf32, #tpu.memory_space<hbm>> -> memref<16x128xf32, #tpu.memory_space<hbm>>
      tpu.wait_dma2 semaphore(%arg22 : memref<!tpu.dma_semaphore, #tpu.memory_space<semaphore_mem>>) src(%dma_wait3A_1385 : memref<16x128xf32, #tpu.memory_space<hbm>>) dst(%dma_wait3A_1383 : memref<16x128xf32, #tpu.memory_space<vmem>>)
      %dma_wait3A_1386 = arith.constant 2 : i32
      %dma_wait3A_1387 = arith.constant 0 : i32
      %dma_wait3A_1388 = arith.constant 0 : i32
      %dma_wait3A_1389 = tpu.memref_slice %arg17[%dma_wait3A_1386, %dma_wait3A_1387, %dma_wait3A_1388] : memref<4x16x128xf32, #tpu.memory_space<vmem>> -> memref<1x16x128xf32, #tpu.memory_space<vmem>>
      %dma_wait3A_1390 = tpu.memref_squeeze %dma_wait3A_1389 : memref<1x16x128xf32, #tpu.memory_space<vmem>> -> memref<16x128xf32, #tpu.memory_space<vmem>>
      %dma_wait3A_1391 = arith.constant 0 : i32
      %dma_wait3A_1392 = tpu.memref_slice %arg7[%dma_wait3A_1391, %multiple_of3A_1092] : memref<16x1000000xf32, #tpu.memory_space<hbm>> -> memref<16x128xf32, #tpu.memory_space<hbm>>
      %dma_wait3A_1393 = arith.constant 0 : i32
      %dma_wait3A_1394 = arith.constant 0 : i32
      %dma_wait3A_1395 = tpu.memref_slice %arg17[%dma_wait3A_1386, %dma_wait3A_1393, %dma_wait3A_1394] : memref<4x16x128xf32, #tpu.memory_space<vmem>> -> memref<1x16x128xf32, #tpu.memory_space<vmem>>
      %dma_wait3A_1396 = tpu.memref_squeeze %dma_wait3A_1395 : memref<1x16x128xf32, #tpu.memory_space<vmem>> -> memref<16x128xf32, #tpu.memory_space<vmem>>
      %dma_wait3A_1397 = arith.constant 0 : i32
      %dma_wait3A_1398 = tpu.memref_slice %arg7[%dma_wait3A_1397, %multiple_of3A_1092] : memref<16x1000000xf32, #tpu.memory_space<hbm>> -> memref<16x128xf32, #tpu.memory_space<hbm>>
      tpu.wait_dma2 semaphore(%arg22 : memref<!tpu.dma_semaphore, #tpu.memory_space<semaphore_mem>>) src(%dma_wait3A_1398 : memref<16x128xf32, #tpu.memory_space<hbm>>) dst(%dma_wait3A_1396 : memref<16x128xf32, #tpu.memory_space<vmem>>)
      %dma_wait3A_1399 = arith.constant 3 : i32
      %dma_wait3A_1400 = arith.constant 0 : i32
      %dma_wait3A_1401 = arith.constant 0 : i32
      %dma_wait3A_1402 = tpu.memref_slice %arg14[%dma_wait3A_1399, %dma_wait3A_1400, %dma_wait3A_1401] : memref<4x32x128xf32, #tpu.memory_space<vmem>> -> memref<1x32x128xf32, #tpu.memory_space<vmem>>
      %dma_wait3A_1403 = tpu.memref_squeeze %dma_wait3A_1402 : memref<1x32x128xf32, #tpu.memory_space<vmem>> -> memref<32x128xf32, #tpu.memory_space<vmem>>
      %dma_wait3A_1404 = arith.constant 0 : i32
      %dma_wait3A_1405 = tpu.memref_slice %arg4[%dma_wait3A_1404, %multiple_of3A_1177] : memref<32x1000000xf32, #tpu.memory_space<hbm>> -> memref<32x128xf32, #tpu.memory_space<hbm>>
      %dma_wait3A_1406 = arith.constant 0 : i32
      %dma_wait3A_1407 = arith.constant 0 : i32
      %dma_wait3A_1408 = tpu.memref_slice %arg14[%dma_wait3A_1399, %dma_wait3A_1406, %dma_wait3A_1407] : memref<4x32x128xf32, #tpu.memory_space<vmem>> -> memref<1x32x128xf32, #tpu.memory_space<vmem>>
      %dma_wait3A_1409 = tpu.memref_squeeze %dma_wait3A_1408 : memref<1x32x128xf32, #tpu.memory_space<vmem>> -> memref<32x128xf32, #tpu.memory_space<vmem>>
      %dma_wait3A_1410 = arith.constant 0 : i32
      %dma_wait3A_1411 = tpu.memref_slice %arg4[%dma_wait3A_1410, %multiple_of3A_1177] : memref<32x1000000xf32, #tpu.memory_space<hbm>> -> memref<32x128xf32, #tpu.memory_space<hbm>>
      tpu.wait_dma2 semaphore(%arg22 : memref<!tpu.dma_semaphore, #tpu.memory_space<semaphore_mem>>) src(%dma_wait3A_1411 : memref<32x128xf32, #tpu.memory_space<hbm>>) dst(%dma_wait3A_1409 : memref<32x128xf32, #tpu.memory_space<vmem>>)
      %dma_wait3A_1412 = arith.constant 3 : i32
      %dma_wait3A_1413 = arith.constant 0 : i32
      %dma_wait3A_1414 = arith.constant 0 : i32
      %dma_wait3A_1415 = tpu.memref_slice %arg15[%dma_wait3A_1412, %dma_wait3A_1413, %dma_wait3A_1414] : memref<4x32x128xf32, #tpu.memory_space<vmem>> -> memref<1x32x128xf32, #tpu.memory_space<vmem>>
      %dma_wait3A_1416 = tpu.memref_squeeze %dma_wait3A_1415 : memref<1x32x128xf32, #tpu.memory_space<vmem>> -> memref<32x128xf32, #tpu.memory_space<vmem>>
      %dma_wait3A_1417 = arith.constant 0 : i32
      %dma_wait3A_1418 = tpu.memref_slice %arg5[%dma_wait3A_1417, %multiple_of3A_1184] : memref<32x1000000xf32, #tpu.memory_space<hbm>> -> memref<32x128xf32, #tpu.memory_space<hbm>>
      %dma_wait3A_1419 = arith.constant 0 : i32
      %dma_wait3A_1420 = arith.constant 0 : i32
      %dma_wait3A_1421 = tpu.memref_slice %arg15[%dma_wait3A_1412, %dma_wait3A_1419, %dma_wait3A_1420] : memref<4x32x128xf32, #tpu.memory_space<vmem>> -> memref<1x32x128xf32, #tpu.memory_space<vmem>>
      %dma_wait3A_1422 = tpu.memref_squeeze %dma_wait3A_1421 : memref<1x32x128xf32, #tpu.memory_space<vmem>> -> memref<32x128xf32, #tpu.memory_space<vmem>>
      %dma_wait3A_1423 = arith.constant 0 : i32
      %dma_wait3A_1424 = tpu.memref_slice %arg5[%dma_wait3A_1423, %multiple_of3A_1184] : memref<32x1000000xf32, #tpu.memory_space<hbm>> -> memref<32x128xf32, #tpu.memory_space<hbm>>
      tpu.wait_dma2 semaphore(%arg22 : memref<!tpu.dma_semaphore, #tpu.memory_space<semaphore_mem>>) src(%dma_wait3A_1424 : memref<32x128xf32, #tpu.memory_space<hbm>>) dst(%dma_wait3A_1422 : memref<32x128xf32, #tpu.memory_space<vmem>>)
      %dma_wait3A_1425 = arith.constant 3 : i32
      %dma_wait3A_1426 = arith.constant 0 : i32
      %dma_wait3A_1427 = arith.constant 0 : i32
      %dma_wait3A_1428 = tpu.memref_slice %arg16[%dma_wait3A_1425, %dma_wait3A_1426, %dma_wait3A_1427] : memref<4x16x128xf32, #tpu.memory_space<vmem>> -> memref<1x16x128xf32, #tpu.memory_space<vmem>>
      %dma_wait3A_1429 = tpu.memref_squeeze %dma_wait3A_1428 : memref<1x16x128xf32, #tpu.memory_space<vmem>> -> memref<16x128xf32, #tpu.memory_space<vmem>>
      %dma_wait3A_1430 = arith.constant 0 : i32
      %dma_wait3A_1431 = tpu.memref_slice %arg6[%dma_wait3A_1430, %multiple_of3A_1177] : memref<16x1000000xf32, #tpu.memory_space<hbm>> -> memref<16x128xf32, #tpu.memory_space<hbm>>
      %dma_wait3A_1432 = arith.constant 0 : i32
      %dma_wait3A_1433 = arith.constant 0 : i32
      %dma_wait3A_1434 = tpu.memref_slice %arg16[%dma_wait3A_1425, %dma_wait3A_1432, %dma_wait3A_1433] : memref<4x16x128xf32, #tpu.memory_space<vmem>> -> memref<1x16x128xf32, #tpu.memory_space<vmem>>
      %dma_wait3A_1435 = tpu.memref_squeeze %dma_wait3A_1434 : memref<1x16x128xf32, #tpu.memory_space<vmem>> -> memref<16x128xf32, #tpu.memory_space<vmem>>
      %dma_wait3A_1436 = arith.constant 0 : i32
      %dma_wait3A_1437 = tpu.memref_slice %arg6[%dma_wait3A_1436, %multiple_of3A_1177] : memref<16x1000000xf32, #tpu.memory_space<hbm>> -> memref<16x128xf32, #tpu.memory_space<hbm>>
      tpu.wait_dma2 semaphore(%arg22 : memref<!tpu.dma_semaphore, #tpu.memory_space<semaphore_mem>>) src(%dma_wait3A_1437 : memref<16x128xf32, #tpu.memory_space<hbm>>) dst(%dma_wait3A_1435 : memref<16x128xf32, #tpu.memory_space<vmem>>)
      %dma_wait3A_1438 = arith.constant 3 : i32
      %dma_wait3A_1439 = arith.constant 0 : i32
      %dma_wait3A_1440 = arith.constant 0 : i32
      %dma_wait3A_1441 = tpu.memref_slice %arg17[%dma_wait3A_1438, %dma_wait3A_1439, %dma_wait3A_1440] : memref<4x16x128xf32, #tpu.memory_space<vmem>> -> memref<1x16x128xf32, #tpu.memory_space<vmem>>
      %dma_wait3A_1442 = tpu.memref_squeeze %dma_wait3A_1441 : memref<1x16x128xf32, #tpu.memory_space<vmem>> -> memref<16x128xf32, #tpu.memory_space<vmem>>
      %dma_wait3A_1443 = arith.constant 0 : i32
      %dma_wait3A_1444 = tpu.memref_slice %arg7[%dma_wait3A_1443, %multiple_of3A_1184] : memref<16x1000000xf32, #tpu.memory_space<hbm>> -> memref<16x128xf32, #tpu.memory_space<hbm>>
      %dma_wait3A_1445 = arith.constant 0 : i32
      %dma_wait3A_1446 = arith.constant 0 : i32
      %dma_wait3A_1447 = tpu.memref_slice %arg17[%dma_wait3A_1438, %dma_wait3A_1445, %dma_wait3A_1446] : memref<4x16x128xf32, #tpu.memory_space<vmem>> -> memref<1x16x128xf32, #tpu.memory_space<vmem>>
      %dma_wait3A_1448 = tpu.memref_squeeze %dma_wait3A_1447 : memref<1x16x128xf32, #tpu.memory_space<vmem>> -> memref<16x128xf32, #tpu.memory_space<vmem>>
      %dma_wait3A_1449 = arith.constant 0 : i32
      %dma_wait3A_1450 = tpu.memref_slice %arg7[%dma_wait3A_1449, %multiple_of3A_1184] : memref<16x1000000xf32, #tpu.memory_space<hbm>> -> memref<16x128xf32, #tpu.memory_space<hbm>>
      tpu.wait_dma2 semaphore(%arg22 : memref<!tpu.dma_semaphore, #tpu.memory_space<semaphore_mem>>) src(%dma_wait3A_1450 : memref<16x128xf32, #tpu.memory_space<hbm>>) dst(%dma_wait3A_1448 : memref<16x128xf32, #tpu.memory_space<vmem>>)
      %mul3A_1451 = arith.constant 16 : i32
      %mul3A_1452 = arith.muli %scan3A_8, %mul3A_1451 : i32
      %add3A_1453 = arith.constant 4 : i32
      %add3A_1454 = arith.addi %mul3A_1452, %add3A_1453 : i32
      %add3A_1455 = arith.constant 0 : i32
      %add3A_1456 = arith.addi %add3A_1454, %add3A_1455 : i32
      %broadcast_in_dim3A_1457 = vector.broadcast %min3A_911 : i32 to vector<16xi32>
      %broadcast_in_dim3A_1458 = vector.broadcast %add3A_1456 : i32 to vector<16xi32>
      %iota3A_1459 = tpu.iota {dimensions = array<i32: 0>} : vector<16xi32>
      %add3A_1460 = arith.constant 0 : i32
      %add3A_1461 = vector.broadcast %add3A_1460 : i32 to vector<16xi32>
      %add3A_1462 = arith.addi %iota3A_1459, %add3A_1461 : vector<16xi32>
      %gather3A_1463 = arith.constant 0 : i32
      %gather3A_1464 = arith.constant 0 : i32
      %gather3A_1465 = arith.constant 0 : i32
      %gather3A_1466 = tpu.memref_slice %arg14[%gather3A_1463, %gather3A_1464, %gather3A_1465] : memref<4x32x128xf32, #tpu.memory_space<vmem>> -> memref<1x32x128xf32, #tpu.memory_space<vmem>>
      %gather3A_1467 = tpu.memref_squeeze %gather3A_1466 : memref<1x32x128xf32, #tpu.memory_space<vmem>> -> memref<32x128xf32, #tpu.memory_space<vmem>>
      %gather3A_1468 = tpu.vector_load_idx %gather3A_1467[%add3A_1462, %broadcast_in_dim3A_1457] : memref<32x128xf32, #tpu.memory_space<vmem>>[vector<16xi32>, vector<16xi32>], vector<16xf32>,
      tpu.vector_store_idx %arg18[%add3A_1462, %broadcast_in_dim3A_1458], %gather3A_1468 : memref<32x512xf32, #tpu.memory_space<vmem>>[vector<16xi32>, vector<16xi32>], vector<16xf32>,
      %iota3A_1469 = tpu.iota {dimensions = array<i32: 0>} : vector<16xi32>
      %add3A_1470 = arith.constant 16 : i32
      %add3A_1471 = vector.broadcast %add3A_1470 : i32 to vector<16xi32>
      %add3A_1472 = arith.addi %iota3A_1469, %add3A_1471 : vector<16xi32>
      %gather3A_1473 = arith.constant 0 : i32
      %gather3A_1474 = arith.constant 0 : i32
      %gather3A_1475 = arith.constant 0 : i32
      %gather3A_1476 = tpu.memref_slice %arg14[%gather3A_1473, %gather3A_1474, %gather3A_1475] : memref<4x32x128xf32, #tpu.memory_space<vmem>> -> memref<1x32x128xf32, #tpu.memory_space<vmem>>
      %gather3A_1477 = tpu.memref_squeeze %gather3A_1476 : memref<1x32x128xf32, #tpu.memory_space<vmem>> -> memref<32x128xf32, #tpu.memory_space<vmem>>
      %gather3A_1478 = tpu.vector_load_idx %gather3A_1477[%add3A_1472, %broadcast_in_dim3A_1457] : memref<32x128xf32, #tpu.memory_space<vmem>>[vector<16xi32>, vector<16xi32>], vector<16xf32>,
      tpu.vector_store_idx %arg18[%add3A_1472, %broadcast_in_dim3A_1458], %gather3A_1478 : memref<32x512xf32, #tpu.memory_space<vmem>>[vector<16xi32>, vector<16xi32>], vector<16xf32>,
      %broadcast_in_dim3A_1479 = vector.broadcast %min3A_914 : i32 to vector<16xi32>
      %broadcast_in_dim3A_1480 = vector.broadcast %add3A_1456 : i32 to vector<16xi32>
      %iota3A_1481 = tpu.iota {dimensions = array<i32: 0>} : vector<16xi32>
      %add3A_1482 = arith.constant 0 : i32
      %add3A_1483 = vector.broadcast %add3A_1482 : i32 to vector<16xi32>
      %add3A_1484 = arith.addi %iota3A_1481, %add3A_1483 : vector<16xi32>
      %gather3A_1485 = arith.constant 0 : i32
      %gather3A_1486 = arith.constant 0 : i32
      %gather3A_1487 = arith.constant 0 : i32
      %gather3A_1488 = tpu.memref_slice %arg15[%gather3A_1485, %gather3A_1486, %gather3A_1487] : memref<4x32x128xf32, #tpu.memory_space<vmem>> -> memref<1x32x128xf32, #tpu.memory_space<vmem>>
      %gather3A_1489 = tpu.memref_squeeze %gather3A_1488 : memref<1x32x128xf32, #tpu.memory_space<vmem>> -> memref<32x128xf32, #tpu.memory_space<vmem>>
      %gather3A_1490 = tpu.vector_load_idx %gather3A_1489[%add3A_1484, %broadcast_in_dim3A_1479] : memref<32x128xf32, #tpu.memory_space<vmem>>[vector<16xi32>, vector<16xi32>], vector<16xf32>,
      tpu.vector_store_idx %arg19[%add3A_1484, %broadcast_in_dim3A_1480], %gather3A_1490 : memref<32x512xf32, #tpu.memory_space<vmem>>[vector<16xi32>, vector<16xi32>], vector<16xf32>,
      %iota3A_1491 = tpu.iota {dimensions = array<i32: 0>} : vector<16xi32>
      %add3A_1492 = arith.constant 16 : i32
      %add3A_1493 = vector.broadcast %add3A_1492 : i32 to vector<16xi32>
      %add3A_1494 = arith.addi %iota3A_1491, %add3A_1493 : vector<16xi32>
      %gather3A_1495 = arith.constant 0 : i32
      %gather3A_1496 = arith.constant 0 : i32
      %gather3A_1497 = arith.constant 0 : i32
      %gather3A_1498 = tpu.memref_slice %arg15[%gather3A_1495, %gather3A_1496, %gather3A_1497] : memref<4x32x128xf32, #tpu.memory_space<vmem>> -> memref<1x32x128xf32, #tpu.memory_space<vmem>>
      %gather3A_1499 = tpu.memref_squeeze %gather3A_1498 : memref<1x32x128xf32, #tpu.memory_space<vmem>> -> memref<32x128xf32, #tpu.memory_space<vmem>>
      %gather3A_1500 = tpu.vector_load_idx %gather3A_1499[%add3A_1494, %broadcast_in_dim3A_1479] : memref<32x128xf32, #tpu.memory_space<vmem>>[vector<16xi32>, vector<16xi32>], vector<16xf32>,
      tpu.vector_store_idx %arg19[%add3A_1494, %broadcast_in_dim3A_1480], %gather3A_1500 : memref<32x512xf32, #tpu.memory_space<vmem>>[vector<16xi32>, vector<16xi32>], vector<16xf32>,
      %broadcast_in_dim3A_1501 = vector.broadcast %min3A_911 : i32 to vector<16xi32>
      %broadcast_in_dim3A_1502 = vector.broadcast %add3A_1456 : i32 to vector<16xi32>
      %iota3A_1503 = tpu.iota {dimensions = array<i32: 0>} : vector<16xi32>
      %add3A_1504 = arith.constant 0 : i32
      %add3A_1505 = vector.broadcast %add3A_1504 : i32 to vector<16xi32>
      %add3A_1506 = arith.addi %iota3A_1503, %add3A_1505 : vector<16xi32>
      %gather3A_1507 = arith.constant 0 : i32
      %gather3A_1508 = arith.constant 0 : i32
      %gather3A_1509 = arith.constant 0 : i32
      %gather3A_1510 = tpu.memref_slice %arg16[%gather3A_1507, %gather3A_1508, %gather3A_1509] : memref<4x16x128xf32, #tpu.memory_space<vmem>> -> memref<1x16x128xf32, #tpu.memory_space<vmem>>
      %gather3A_1511 = tpu.memref_squeeze %gather3A_1510 : memref<1x16x128xf32, #tpu.memory_space<vmem>> -> memref<16x128xf32, #tpu.memory_space<vmem>>
      %gather3A_1512 = tpu.vector_load_idx %gather3A_1511[%add3A_1506, %broadcast_in_dim3A_1501] : memref<16x128xf32, #tpu.memory_space<vmem>>[vector<16xi32>, vector<16xi32>], vector<16xf32>,
      tpu.vector_store_idx %arg20[%add3A_1506, %broadcast_in_dim3A_1502], %gather3A_1512 : memref<16x512xf32, #tpu.memory_space<vmem>>[vector<16xi32>, vector<16xi32>], vector<16xf32>,
      %broadcast_in_dim3A_1513 = vector.broadcast %min3A_914 : i32 to vector<16xi32>
      %broadcast_in_dim3A_1514 = vector.broadcast %add3A_1456 : i32 to vector<16xi32>
      %iota3A_1515 = tpu.iota {dimensions = array<i32: 0>} : vector<16xi32>
      %add3A_1516 = arith.constant 0 : i32
      %add3A_1517 = vector.broadcast %add3A_1516 : i32 to vector<16xi32>
      %add3A_1518 = arith.addi %iota3A_1515, %add3A_1517 : vector<16xi32>
      %gather3A_1519 = arith.constant 0 : i32
      %gather3A_1520 = arith.constant 0 : i32
      %gather3A_1521 = arith.constant 0 : i32
      %gather3A_1522 = tpu.memref_slice %arg17[%gather3A_1519, %gather3A_1520, %gather3A_1521] : memref<4x16x128xf32, #tpu.memory_space<vmem>> -> memref<1x16x128xf32, #tpu.memory_space<vmem>>
      %gather3A_1523 = tpu.memref_squeeze %gather3A_1522 : memref<1x16x128xf32, #tpu.memory_space<vmem>> -> memref<16x128xf32, #tpu.memory_space<vmem>>
      %gather3A_1524 = tpu.vector_load_idx %gather3A_1523[%add3A_1518, %broadcast_in_dim3A_1513] : memref<16x128xf32, #tpu.memory_space<vmem>>[vector<16xi32>, vector<16xi32>], vector<16xf32>,
      tpu.vector_store_idx %arg21[%add3A_1518, %broadcast_in_dim3A_1514], %gather3A_1524 : memref<16x512xf32, #tpu.memory_space<vmem>>[vector<16xi32>, vector<16xi32>], vector<16xf32>,
      %mul3A_1525 = arith.constant 16 : i32
      %mul3A_1526 = arith.muli %scan3A_8, %mul3A_1525 : i32
      %add3A_1527 = arith.constant 4 : i32
      %add3A_1528 = arith.addi %mul3A_1526, %add3A_1527 : i32
      %add3A_1529 = arith.constant 1 : i32
      %add3A_1530 = arith.addi %add3A_1528, %add3A_1529 : i32
      %broadcast_in_dim3A_1531 = vector.broadcast %min3A_1003 : i32 to vector<16xi32>
      %broadcast_in_dim3A_1532 = vector.broadcast %add3A_1530 : i32 to vector<16xi32>
      %iota3A_1533 = tpu.iota {dimensions = array<i32: 0>} : vector<16xi32>
      %add3A_1534 = arith.constant 0 : i32
      %add3A_1535 = vector.broadcast %add3A_1534 : i32 to vector<16xi32>
      %add3A_1536 = arith.addi %iota3A_1533, %add3A_1535 : vector<16xi32>
      %gather3A_1537 = arith.constant 1 : i32
      %gather3A_1538 = arith.constant 0 : i32
      %gather3A_1539 = arith.constant 0 : i32
      %gather3A_1540 = tpu.memref_slice %arg14[%gather3A_1537, %gather3A_1538, %gather3A_1539] : memref<4x32x128xf32, #tpu.memory_space<vmem>> -> memref<1x32x128xf32, #tpu.memory_space<vmem>>
      %gather3A_1541 = tpu.memref_squeeze %gather3A_1540 : memref<1x32x128xf32, #tpu.memory_space<vmem>> -> memref<32x128xf32, #tpu.memory_space<vmem>>
      %gather3A_1542 = tpu.vector_load_idx %gather3A_1541[%add3A_1536, %broadcast_in_dim3A_1531] : memref<32x128xf32, #tpu.memory_space<vmem>>[vector<16xi32>, vector<16xi32>], vector<16xf32>,
      tpu.vector_store_idx %arg18[%add3A_1536, %broadcast_in_dim3A_1532], %gather3A_1542 : memref<32x512xf32, #tpu.memory_space<vmem>>[vector<16xi32>, vector<16xi32>], vector<16xf32>,
      %iota3A_1543 = tpu.iota {dimensions = array<i32: 0>} : vector<16xi32>
      %add3A_1544 = arith.constant 16 : i32
      %add3A_1545 = vector.broadcast %add3A_1544 : i32 to vector<16xi32>
      %add3A_1546 = arith.addi %iota3A_1543, %add3A_1545 : vector<16xi32>
      %gather3A_1547 = arith.constant 1 : i32
      %gather3A_1548 = arith.constant 0 : i32
      %gather3A_1549 = arith.constant 0 : i32
      %gather3A_1550 = tpu.memref_slice %arg14[%gather3A_1547, %gather3A_1548, %gather3A_1549] : memref<4x32x128xf32, #tpu.memory_space<vmem>> -> memref<1x32x128xf32, #tpu.memory_space<vmem>>
      %gather3A_1551 = tpu.memref_squeeze %gather3A_1550 : memref<1x32x128xf32, #tpu.memory_space<vmem>> -> memref<32x128xf32, #tpu.memory_space<vmem>>
      %gather3A_1552 = tpu.vector_load_idx %gather3A_1551[%add3A_1546, %broadcast_in_dim3A_1531] : memref<32x128xf32, #tpu.memory_space<vmem>>[vector<16xi32>, vector<16xi32>], vector<16xf32>,
      tpu.vector_store_idx %arg18[%add3A_1546, %broadcast_in_dim3A_1532], %gather3A_1552 : memref<32x512xf32, #tpu.memory_space<vmem>>[vector<16xi32>, vector<16xi32>], vector<16xf32>,
      %broadcast_in_dim3A_1553 = vector.broadcast %min3A_1006 : i32 to vector<16xi32>
      %broadcast_in_dim3A_1554 = vector.broadcast %add3A_1530 : i32 to vector<16xi32>
      %iota3A_1555 = tpu.iota {dimensions = array<i32: 0>} : vector<16xi32>
      %add3A_1556 = arith.constant 0 : i32
      %add3A_1557 = vector.broadcast %add3A_1556 : i32 to vector<16xi32>
      %add3A_1558 = arith.addi %iota3A_1555, %add3A_1557 : vector<16xi32>
      %gather3A_1559 = arith.constant 1 : i32
      %gather3A_1560 = arith.constant 0 : i32
      %gather3A_1561 = arith.constant 0 : i32
      %gather3A_1562 = tpu.memref_slice %arg15[%gather3A_1559, %gather3A_1560, %gather3A_1561] : memref<4x32x128xf32, #tpu.memory_space<vmem>> -> memref<1x32x128xf32, #tpu.memory_space<vmem>>
      %gather3A_1563 = tpu.memref_squeeze %gather3A_1562 : memref<1x32x128xf32, #tpu.memory_space<vmem>> -> memref<32x128xf32, #tpu.memory_space<vmem>>
      %gather3A_1564 = tpu.vector_load_idx %gather3A_1563[%add3A_1558, %broadcast_in_dim3A_1553] : memref<32x128xf32, #tpu.memory_space<vmem>>[vector<16xi32>, vector<16xi32>], vector<16xf32>,
      tpu.vector_store_idx %arg19[%add3A_1558, %broadcast_in_dim3A_1554], %gather3A_1564 : memref<32x512xf32, #tpu.memory_space<vmem>>[vector<16xi32>, vector<16xi32>], vector<16xf32>,
      %iota3A_1565 = tpu.iota {dimensions = array<i32: 0>} : vector<16xi32>
      %add3A_1566 = arith.constant 16 : i32
      %add3A_1567 = vector.broadcast %add3A_1566 : i32 to vector<16xi32>
      %add3A_1568 = arith.addi %iota3A_1565, %add3A_1567 : vector<16xi32>
      %gather3A_1569 = arith.constant 1 : i32
      %gather3A_1570 = arith.constant 0 : i32
      %gather3A_1571 = arith.constant 0 : i32
      %gather3A_1572 = tpu.memref_slice %arg15[%gather3A_1569, %gather3A_1570, %gather3A_1571] : memref<4x32x128xf32, #tpu.memory_space<vmem>> -> memref<1x32x128xf32, #tpu.memory_space<vmem>>
      %gather3A_1573 = tpu.memref_squeeze %gather3A_1572 : memref<1x32x128xf32, #tpu.memory_space<vmem>> -> memref<32x128xf32, #tpu.memory_space<vmem>>
      %gather3A_1574 = tpu.vector_load_idx %gather3A_1573[%add3A_1568, %broadcast_in_dim3A_1553] : memref<32x128xf32, #tpu.memory_space<vmem>>[vector<16xi32>, vector<16xi32>], vector<16xf32>,
      tpu.vector_store_idx %arg19[%add3A_1568, %broadcast_in_dim3A_1554], %gather3A_1574 : memref<32x512xf32, #tpu.memory_space<vmem>>[vector<16xi32>, vector<16xi32>], vector<16xf32>,
      %broadcast_in_dim3A_1575 = vector.broadcast %min3A_1003 : i32 to vector<16xi32>
      %broadcast_in_dim3A_1576 = vector.broadcast %add3A_1530 : i32 to vector<16xi32>
      %iota3A_1577 = tpu.iota {dimensions = array<i32: 0>} : vector<16xi32>
      %add3A_1578 = arith.constant 0 : i32
      %add3A_1579 = vector.broadcast %add3A_1578 : i32 to vector<16xi32>
      %add3A_1580 = arith.addi %iota3A_1577, %add3A_1579 : vector<16xi32>
      %gather3A_1581 = arith.constant 1 : i32
      %gather3A_1582 = arith.constant 0 : i32
      %gather3A_1583 = arith.constant 0 : i32
      %gather3A_1584 = tpu.memref_slice %arg16[%gather3A_1581, %gather3A_1582, %gather3A_1583] : memref<4x16x128xf32, #tpu.memory_space<vmem>> -> memref<1x16x128xf32, #tpu.memory_space<vmem>>
      %gather3A_1585 = tpu.memref_squeeze %gather3A_1584 : memref<1x16x128xf32, #tpu.memory_space<vmem>> -> memref<16x128xf32, #tpu.memory_space<vmem>>
      %gather3A_1586 = tpu.vector_load_idx %gather3A_1585[%add3A_1580, %broadcast_in_dim3A_1575] : memref<16x128xf32, #tpu.memory_space<vmem>>[vector<16xi32>, vector<16xi32>], vector<16xf32>,
      tpu.vector_store_idx %arg20[%add3A_1580, %broadcast_in_dim3A_1576], %gather3A_1586 : memref<16x512xf32, #tpu.memory_space<vmem>>[vector<16xi32>, vector<16xi32>], vector<16xf32>,
      %broadcast_in_dim3A_1587 = vector.broadcast %min3A_1006 : i32 to vector<16xi32>
      %broadcast_in_dim3A_1588 = vector.broadcast %add3A_1530 : i32 to vector<16xi32>
      %iota3A_1589 = tpu.iota {dimensions = array<i32: 0>} : vector<16xi32>
      %add3A_1590 = arith.constant 0 : i32
      %add3A_1591 = vector.broadcast %add3A_1590 : i32 to vector<16xi32>
      %add3A_1592 = arith.addi %iota3A_1589, %add3A_1591 : vector<16xi32>
      %gather3A_1593 = arith.constant 1 : i32
      %gather3A_1594 = arith.constant 0 : i32
      %gather3A_1595 = arith.constant 0 : i32
      %gather3A_1596 = tpu.memref_slice %arg17[%gather3A_1593, %gather3A_1594, %gather3A_1595] : memref<4x16x128xf32, #tpu.memory_space<vmem>> -> memref<1x16x128xf32, #tpu.memory_space<vmem>>
      %gather3A_1597 = tpu.memref_squeeze %gather3A_1596 : memref<1x16x128xf32, #tpu.memory_space<vmem>> -> memref<16x128xf32, #tpu.memory_space<vmem>>
      %gather3A_1598 = tpu.vector_load_idx %gather3A_1597[%add3A_1592, %broadcast_in_dim3A_1587] : memref<16x128xf32, #tpu.memory_space<vmem>>[vector<16xi32>, vector<16xi32>], vector<16xf32>,
      tpu.vector_store_idx %arg21[%add3A_1592, %broadcast_in_dim3A_1588], %gather3A_1598 : memref<16x512xf32, #tpu.memory_space<vmem>>[vector<16xi32>, vector<16xi32>], vector<16xf32>,
      %mul3A_1599 = arith.constant 16 : i32
      %mul3A_1600 = arith.muli %scan3A_8, %mul3A_1599 : i32
      %add3A_1601 = arith.constant 4 : i32
      %add3A_1602 = arith.addi %mul3A_1600, %add3A_1601 : i32
      %add3A_1603 = arith.constant 2 : i32
      %add3A_1604 = arith.addi %add3A_1602, %add3A_1603 : i32
      %broadcast_in_dim3A_1605 = vector.broadcast %min3A_1095 : i32 to vector<16xi32>
      %broadcast_in_dim3A_1606 = vector.broadcast %add3A_1604 : i32 to vector<16xi32>
      %iota3A_1607 = tpu.iota {dimensions = array<i32: 0>} : vector<16xi32>
      %add3A_1608 = arith.constant 0 : i32
      %add3A_1609 = vector.broadcast %add3A_1608 : i32 to vector<16xi32>
      %add3A_1610 = arith.addi %iota3A_1607, %add3A_1609 : vector<16xi32>
      %gather3A_1611 = arith.constant 2 : i32
      %gather3A_1612 = arith.constant 0 : i32
      %gather3A_1613 = arith.constant 0 : i32
      %gather3A_1614 = tpu.memref_slice %arg14[%gather3A_1611, %gather3A_1612, %gather3A_1613] : memref<4x32x128xf32, #tpu.memory_space<vmem>> -> memref<1x32x128xf32, #tpu.memory_space<vmem>>
      %gather3A_1615 = tpu.memref_squeeze %gather3A_1614 : memref<1x32x128xf32, #tpu.memory_space<vmem>> -> memref<32x128xf32, #tpu.memory_space<vmem>>
      %gather3A_1616 = tpu.vector_load_idx %gather3A_1615[%add3A_1610, %broadcast_in_dim3A_1605] : memref<32x128xf32, #tpu.memory_space<vmem>>[vector<16xi32>, vector<16xi32>], vector<16xf32>,
      tpu.vector_store_idx %arg18[%add3A_1610, %broadcast_in_dim3A_1606], %gather3A_1616 : memref<32x512xf32, #tpu.memory_space<vmem>>[vector<16xi32>, vector<16xi32>], vector<16xf32>,
      %iota3A_1617 = tpu.iota {dimensions = array<i32: 0>} : vector<16xi32>
      %add3A_1618 = arith.constant 16 : i32
      %add3A_1619 = vector.broadcast %add3A_1618 : i32 to vector<16xi32>
      %add3A_1620 = arith.addi %iota3A_1617, %add3A_1619 : vector<16xi32>
      %gather3A_1621 = arith.constant 2 : i32
      %gather3A_1622 = arith.constant 0 : i32
      %gather3A_1623 = arith.constant 0 : i32
      %gather3A_1624 = tpu.memref_slice %arg14[%gather3A_1621, %gather3A_1622, %gather3A_1623] : memref<4x32x128xf32, #tpu.memory_space<vmem>> -> memref<1x32x128xf32, #tpu.memory_space<vmem>>
      %gather3A_1625 = tpu.memref_squeeze %gather3A_1624 : memref<1x32x128xf32, #tpu.memory_space<vmem>> -> memref<32x128xf32, #tpu.memory_space<vmem>>
      %gather3A_1626 = tpu.vector_load_idx %gather3A_1625[%add3A_1620, %broadcast_in_dim3A_1605] : memref<32x128xf32, #tpu.memory_space<vmem>>[vector<16xi32>, vector<16xi32>], vector<16xf32>,
      tpu.vector_store_idx %arg18[%add3A_1620, %broadcast_in_dim3A_1606], %gather3A_1626 : memref<32x512xf32, #tpu.memory_space<vmem>>[vector<16xi32>, vector<16xi32>], vector<16xf32>,
      %broadcast_in_dim3A_1627 = vector.broadcast %min3A_1098 : i32 to vector<16xi32>
      %broadcast_in_dim3A_1628 = vector.broadcast %add3A_1604 : i32 to vector<16xi32>
      %iota3A_1629 = tpu.iota {dimensions = array<i32: 0>} : vector<16xi32>
      %add3A_1630 = arith.constant 0 : i32
      %add3A_1631 = vector.broadcast %add3A_1630 : i32 to vector<16xi32>
      %add3A_1632 = arith.addi %iota3A_1629, %add3A_1631 : vector<16xi32>
      %gather3A_1633 = arith.constant 2 : i32
      %gather3A_1634 = arith.constant 0 : i32
      %gather3A_1635 = arith.constant 0 : i32
      %gather3A_1636 = tpu.memref_slice %arg15[%gather3A_1633, %gather3A_1634, %gather3A_1635] : memref<4x32x128xf32, #tpu.memory_space<vmem>> -> memref<1x32x128xf32, #tpu.memory_space<vmem>>
      %gather3A_1637 = tpu.memref_squeeze %gather3A_1636 : memref<1x32x128xf32, #tpu.memory_space<vmem>> -> memref<32x128xf32, #tpu.memory_space<vmem>>
      %gather3A_1638 = tpu.vector_load_idx %gather3A_1637[%add3A_1632, %broadcast_in_dim3A_1627] : memref<32x128xf32, #tpu.memory_space<vmem>>[vector<16xi32>, vector<16xi32>], vector<16xf32>,
      tpu.vector_store_idx %arg19[%add3A_1632, %broadcast_in_dim3A_1628], %gather3A_1638 : memref<32x512xf32, #tpu.memory_space<vmem>>[vector<16xi32>, vector<16xi32>], vector<16xf32>,
      %iota3A_1639 = tpu.iota {dimensions = array<i32: 0>} : vector<16xi32>
      %add3A_1640 = arith.constant 16 : i32
      %add3A_1641 = vector.broadcast %add3A_1640 : i32 to vector<16xi32>
      %add3A_1642 = arith.addi %iota3A_1639, %add3A_1641 : vector<16xi32>
      %gather3A_1643 = arith.constant 2 : i32
      %gather3A_1644 = arith.constant 0 : i32
      %gather3A_1645 = arith.constant 0 : i32
      %gather3A_1646 = tpu.memref_slice %arg15[%gather3A_1643, %gather3A_1644, %gather3A_1645] : memref<4x32x128xf32, #tpu.memory_space<vmem>> -> memref<1x32x128xf32, #tpu.memory_space<vmem>>
      %gather3A_1647 = tpu.memref_squeeze %gather3A_1646 : memref<1x32x128xf32, #tpu.memory_space<vmem>> -> memref<32x128xf32, #tpu.memory_space<vmem>>
      %gather3A_1648 = tpu.vector_load_idx %gather3A_1647[%add3A_1642, %broadcast_in_dim3A_1627] : memref<32x128xf32, #tpu.memory_space<vmem>>[vector<16xi32>, vector<16xi32>], vector<16xf32>,
      tpu.vector_store_idx %arg19[%add3A_1642, %broadcast_in_dim3A_1628], %gather3A_1648 : memref<32x512xf32, #tpu.memory_space<vmem>>[vector<16xi32>, vector<16xi32>], vector<16xf32>,
      %broadcast_in_dim3A_1649 = vector.broadcast %min3A_1095 : i32 to vector<16xi32>
      %broadcast_in_dim3A_1650 = vector.broadcast %add3A_1604 : i32 to vector<16xi32>
      %iota3A_1651 = tpu.iota {dimensions = array<i32: 0>} : vector<16xi32>
      %add3A_1652 = arith.constant 0 : i32
      %add3A_1653 = vector.broadcast %add3A_1652 : i32 to vector<16xi32>
      %add3A_1654 = arith.addi %iota3A_1651, %add3A_1653 : vector<16xi32>
      %gather3A_1655 = arith.constant 2 : i32
      %gather3A_1656 = arith.constant 0 : i32
      %gather3A_1657 = arith.constant 0 : i32
      %gather3A_1658 = tpu.memref_slice %arg16[%gather3A_1655, %gather3A_1656, %gather3A_1657] : memref<4x16x128xf32, #tpu.memory_space<vmem>> -> memref<1x16x128xf32, #tpu.memory_space<vmem>>
      %gather3A_1659 = tpu.memref_squeeze %gather3A_1658 : memref<1x16x128xf32, #tpu.memory_space<vmem>> -> memref<16x128xf32, #tpu.memory_space<vmem>>
      %gather3A_1660 = tpu.vector_load_idx %gather3A_1659[%add3A_1654, %broadcast_in_dim3A_1649] : memref<16x128xf32, #tpu.memory_space<vmem>>[vector<16xi32>, vector<16xi32>], vector<16xf32>,
      tpu.vector_store_idx %arg20[%add3A_1654, %broadcast_in_dim3A_1650], %gather3A_1660 : memref<16x512xf32, #tpu.memory_space<vmem>>[vector<16xi32>, vector<16xi32>], vector<16xf32>,
      %broadcast_in_dim3A_1661 = vector.broadcast %min3A_1098 : i32 to vector<16xi32>
      %broadcast_in_dim3A_1662 = vector.broadcast %add3A_1604 : i32 to vector<16xi32>
      %iota3A_1663 = tpu.iota {dimensions = array<i32: 0>} : vector<16xi32>
      %add3A_1664 = arith.constant 0 : i32
      %add3A_1665 = vector.broadcast %add3A_1664 : i32 to vector<16xi32>
      %add3A_1666 = arith.addi %iota3A_1663, %add3A_1665 : vector<16xi32>
      %gather3A_1667 = arith.constant 2 : i32
      %gather3A_1668 = arith.constant 0 : i32
      %gather3A_1669 = arith.constant 0 : i32
      %gather3A_1670 = tpu.memref_slice %arg17[%gather3A_1667, %gather3A_1668, %gather3A_1669] : memref<4x16x128xf32, #tpu.memory_space<vmem>> -> memref<1x16x128xf32, #tpu.memory_space<vmem>>
      %gather3A_1671 = tpu.memref_squeeze %gather3A_1670 : memref<1x16x128xf32, #tpu.memory_space<vmem>> -> memref<16x128xf32, #tpu.memory_space<vmem>>
      %gather3A_1672 = tpu.vector_load_idx %gather3A_1671[%add3A_1666, %broadcast_in_dim3A_1661] : memref<16x128xf32, #tpu.memory_space<vmem>>[vector<16xi32>, vector<16xi32>], vector<16xf32>,
      tpu.vector_store_idx %arg21[%add3A_1666, %broadcast_in_dim3A_1662], %gather3A_1672 : memref<16x512xf32, #tpu.memory_space<vmem>>[vector<16xi32>, vector<16xi32>], vector<16xf32>,
      %mul3A_1673 = arith.constant 16 : i32
      %mul3A_1674 = arith.muli %scan3A_8, %mul3A_1673 : i32
      %add3A_1675 = arith.constant 4 : i32
      %add3A_1676 = arith.addi %mul3A_1674, %add3A_1675 : i32
      %add3A_1677 = arith.constant 3 : i32
      %add3A_1678 = arith.addi %add3A_1676, %add3A_1677 : i32
      %broadcast_in_dim3A_1679 = vector.broadcast %min3A_1187 : i32 to vector<16xi32>
      %broadcast_in_dim3A_1680 = vector.broadcast %add3A_1678 : i32 to vector<16xi32>
      %iota3A_1681 = tpu.iota {dimensions = array<i32: 0>} : vector<16xi32>
      %add3A_1682 = arith.constant 0 : i32
      %add3A_1683 = vector.broadcast %add3A_1682 : i32 to vector<16xi32>
      %add3A_1684 = arith.addi %iota3A_1681, %add3A_1683 : vector<16xi32>
      %gather3A_1685 = arith.constant 3 : i32
      %gather3A_1686 = arith.constant 0 : i32
      %gather3A_1687 = arith.constant 0 : i32
      %gather3A_1688 = tpu.memref_slice %arg14[%gather3A_1685, %gather3A_1686, %gather3A_1687] : memref<4x32x128xf32, #tpu.memory_space<vmem>> -> memref<1x32x128xf32, #tpu.memory_space<vmem>>
      %gather3A_1689 = tpu.memref_squeeze %gather3A_1688 : memref<1x32x128xf32, #tpu.memory_space<vmem>> -> memref<32x128xf32, #tpu.memory_space<vmem>>
      %gather3A_1690 = tpu.vector_load_idx %gather3A_1689[%add3A_1684, %broadcast_in_dim3A_1679] : memref<32x128xf32, #tpu.memory_space<vmem>>[vector<16xi32>, vector<16xi32>], vector<16xf32>,
      tpu.vector_store_idx %arg18[%add3A_1684, %broadcast_in_dim3A_1680], %gather3A_1690 : memref<32x512xf32, #tpu.memory_space<vmem>>[vector<16xi32>, vector<16xi32>], vector<16xf32>,
      %iota3A_1691 = tpu.iota {dimensions = array<i32: 0>} : vector<16xi32>
      %add3A_1692 = arith.constant 16 : i32
      %add3A_1693 = vector.broadcast %add3A_1692 : i32 to vector<16xi32>
      %add3A_1694 = arith.addi %iota3A_1691, %add3A_1693 : vector<16xi32>
      %gather3A_1695 = arith.constant 3 : i32
      %gather3A_1696 = arith.constant 0 : i32
      %gather3A_1697 = arith.constant 0 : i32
      %gather3A_1698 = tpu.memref_slice %arg14[%gather3A_1695, %gather3A_1696, %gather3A_1697] : memref<4x32x128xf32, #tpu.memory_space<vmem>> -> memref<1x32x128xf32, #tpu.memory_space<vmem>>
      %gather3A_1699 = tpu.memref_squeeze %gather3A_1698 : memref<1x32x128xf32, #tpu.memory_space<vmem>> -> memref<32x128xf32, #tpu.memory_space<vmem>>
      %gather3A_1700 = tpu.vector_load_idx %gather3A_1699[%add3A_1694, %broadcast_in_dim3A_1679] : memref<32x128xf32, #tpu.memory_space<vmem>>[vector<16xi32>, vector<16xi32>], vector<16xf32>,
      tpu.vector_store_idx %arg18[%add3A_1694, %broadcast_in_dim3A_1680], %gather3A_1700 : memref<32x512xf32, #tpu.memory_space<vmem>>[vector<16xi32>, vector<16xi32>], vector<16xf32>,
      %broadcast_in_dim3A_1701 = vector.broadcast %min3A_1190 : i32 to vector<16xi32>
      %broadcast_in_dim3A_1702 = vector.broadcast %add3A_1678 : i32 to vector<16xi32>
      %iota3A_1703 = tpu.iota {dimensions = array<i32: 0>} : vector<16xi32>
      %add3A_1704 = arith.constant 0 : i32
      %add3A_1705 = vector.broadcast %add3A_1704 : i32 to vector<16xi32>
      %add3A_1706 = arith.addi %iota3A_1703, %add3A_1705 : vector<16xi32>
      %gather3A_1707 = arith.constant 3 : i32
      %gather3A_1708 = arith.constant 0 : i32
      %gather3A_1709 = arith.constant 0 : i32
      %gather3A_1710 = tpu.memref_slice %arg15[%gather3A_1707, %gather3A_1708, %gather3A_1709] : memref<4x32x128xf32, #tpu.memory_space<vmem>> -> memref<1x32x128xf32, #tpu.memory_space<vmem>>
      %gather3A_1711 = tpu.memref_squeeze %gather3A_1710 : memref<1x32x128xf32, #tpu.memory_space<vmem>> -> memref<32x128xf32, #tpu.memory_space<vmem>>
      %gather3A_1712 = tpu.vector_load_idx %gather3A_1711[%add3A_1706, %broadcast_in_dim3A_1701] : memref<32x128xf32, #tpu.memory_space<vmem>>[vector<16xi32>, vector<16xi32>], vector<16xf32>,
      tpu.vector_store_idx %arg19[%add3A_1706, %broadcast_in_dim3A_1702], %gather3A_1712 : memref<32x512xf32, #tpu.memory_space<vmem>>[vector<16xi32>, vector<16xi32>], vector<16xf32>,
      %iota3A_1713 = tpu.iota {dimensions = array<i32: 0>} : vector<16xi32>
      %add3A_1714 = arith.constant 16 : i32
      %add3A_1715 = vector.broadcast %add3A_1714 : i32 to vector<16xi32>
      %add3A_1716 = arith.addi %iota3A_1713, %add3A_1715 : vector<16xi32>
      %gather3A_1717 = arith.constant 3 : i32
      %gather3A_1718 = arith.constant 0 : i32
      %gather3A_1719 = arith.constant 0 : i32
      %gather3A_1720 = tpu.memref_slice %arg15[%gather3A_1717, %gather3A_1718, %gather3A_1719] : memref<4x32x128xf32, #tpu.memory_space<vmem>> -> memref<1x32x128xf32, #tpu.memory_space<vmem>>
      %gather3A_1721 = tpu.memref_squeeze %gather3A_1720 : memref<1x32x128xf32, #tpu.memory_space<vmem>> -> memref<32x128xf32, #tpu.memory_space<vmem>>
      %gather3A_1722 = tpu.vector_load_idx %gather3A_1721[%add3A_1716, %broadcast_in_dim3A_1701] : memref<32x128xf32, #tpu.memory_space<vmem>>[vector<16xi32>, vector<16xi32>], vector<16xf32>,
      tpu.vector_store_idx %arg19[%add3A_1716, %broadcast_in_dim3A_1702], %gather3A_1722 : memref<32x512xf32, #tpu.memory_space<vmem>>[vector<16xi32>, vector<16xi32>], vector<16xf32>,
      %broadcast_in_dim3A_1723 = vector.broadcast %min3A_1187 : i32 to vector<16xi32>
      %broadcast_in_dim3A_1724 = vector.broadcast %add3A_1678 : i32 to vector<16xi32>
      %iota3A_1725 = tpu.iota {dimensions = array<i32: 0>} : vector<16xi32>
      %add3A_1726 = arith.constant 0 : i32
      %add3A_1727 = vector.broadcast %add3A_1726 : i32 to vector<16xi32>
      %add3A_1728 = arith.addi %iota3A_1725, %add3A_1727 : vector<16xi32>
      %gather3A_1729 = arith.constant 3 : i32
      %gather3A_1730 = arith.constant 0 : i32
      %gather3A_1731 = arith.constant 0 : i32
      %gather3A_1732 = tpu.memref_slice %arg16[%gather3A_1729, %gather3A_1730, %gather3A_1731] : memref<4x16x128xf32, #tpu.memory_space<vmem>> -> memref<1x16x128xf32, #tpu.memory_space<vmem>>
      %gather3A_1733 = tpu.memref_squeeze %gather3A_1732 : memref<1x16x128xf32, #tpu.memory_space<vmem>> -> memref<16x128xf32, #tpu.memory_space<vmem>>
      %gather3A_1734 = tpu.vector_load_idx %gather3A_1733[%add3A_1728, %broadcast_in_dim3A_1723] : memref<16x128xf32, #tpu.memory_space<vmem>>[vector<16xi32>, vector<16xi32>], vector<16xf32>,
      tpu.vector_store_idx %arg20[%add3A_1728, %broadcast_in_dim3A_1724], %gather3A_1734 : memref<16x512xf32, #tpu.memory_space<vmem>>[vector<16xi32>, vector<16xi32>], vector<16xf32>,
      %broadcast_in_dim3A_1735 = vector.broadcast %min3A_1190 : i32 to vector<16xi32>
      %broadcast_in_dim3A_1736 = vector.broadcast %add3A_1678 : i32 to vector<16xi32>
      %iota3A_1737 = tpu.iota {dimensions = array<i32: 0>} : vector<16xi32>
      %add3A_1738 = arith.constant 0 : i32
      %add3A_1739 = vector.broadcast %add3A_1738 : i32 to vector<16xi32>
      %add3A_1740 = arith.addi %iota3A_1737, %add3A_1739 : vector<16xi32>
      %gather3A_1741 = arith.constant 3 : i32
      %gather3A_1742 = arith.constant 0 : i32
      %gather3A_1743 = arith.constant 0 : i32
      %gather3A_1744 = tpu.memref_slice %arg17[%gather3A_1741, %gather3A_1742, %gather3A_1743] : memref<4x16x128xf32, #tpu.memory_space<vmem>> -> memref<1x16x128xf32, #tpu.memory_space<vmem>>
      %gather3A_1745 = tpu.memref_squeeze %gather3A_1744 : memref<1x16x128xf32, #tpu.memory_space<vmem>> -> memref<16x128xf32, #tpu.memory_space<vmem>>
      %gather3A_1746 = tpu.vector_load_idx %gather3A_1745[%add3A_1740, %broadcast_in_dim3A_1735] : memref<16x128xf32, #tpu.memory_space<vmem>>[vector<16xi32>, vector<16xi32>], vector<16xf32>,
      tpu.vector_store_idx %arg21[%add3A_1740, %broadcast_in_dim3A_1736], %gather3A_1746 : memref<16x512xf32, #tpu.memory_space<vmem>>[vector<16xi32>, vector<16xi32>], vector<16xf32>,
      %eq3A_1747 = arith.constant 8 : i32
      %eq3A_1748 = vector.broadcast %eq3A_1747 : i32 to vector<16xi32>
      %eq3A_1749 = arith.cmpi eq, %iota3A, %eq3A_1748 : vector<16xi32>
      %jit3A_1750 = arith.constant 0 : i32
      %broadcast_in_dim3A_1751 = vector.broadcast %jit3A_1750 : i32 to vector<16xi32>
      %select_n3A_1752 = arith.select %eq3A_1749, %get3A_10, %broadcast_in_dim3A_1751 : vector<16xi1>, vector<16xi32>
      %reduce_sum3A_1753 = arith.constant true
      %reduce_sum3A_1754 = vector.broadcast %reduce_sum3A_1753 : i1 to vector<16xi1>
      %reduce_sum3A_1755 = tpu.scan <sum>, %select_n3A_1752 masked %reduce_sum3A_1754 : vector<16xi32>, vector<16xi1> -> vector<16xi32>
      %reduce_sum3A_1756 = vector.extract %reduce_sum3A_1755[15] : i32 from vector<16xi32>
      %eq3A_1757 = arith.constant 8 : i32
      %eq3A_1758 = vector.broadcast %eq3A_1757 : i32 to vector<16xi32>
      %eq3A_1759 = arith.cmpi eq, %iota3A, %eq3A_1758 : vector<16xi32>
      %jit3A_1760 = arith.constant 0 : i32
      %broadcast_in_dim3A_1761 = vector.broadcast %jit3A_1760 : i32 to vector<16xi32>
      %select_n3A_1762 = arith.select %eq3A_1759, %get3A_13, %broadcast_in_dim3A_1761 : vector<16xi1>, vector<16xi32>
      %reduce_sum3A_1763 = arith.constant true
      %reduce_sum3A_1764 = vector.broadcast %reduce_sum3A_1763 : i1 to vector<16xi1>
      %reduce_sum3A_1765 = tpu.scan <sum>, %select_n3A_1762 masked %reduce_sum3A_1764 : vector<16xi32>, vector<16xi1> -> vector<16xi32>
      %reduce_sum3A_1766 = vector.extract %reduce_sum3A_1765[15] : i32 from vector<16xi32>
      %shift_right_arithmetic3A_1767 = arith.constant 7 : i32
      %shift_right_arithmetic3A_1768 = arith.shrsi %reduce_sum3A_1756, %shift_right_arithmetic3A_1767 : i32
      %mul3A_1769 = arith.constant 128 : i32
      %mul3A_1770 = arith.muli %shift_right_arithmetic3A_1768, %mul3A_1769 : i32
      %min3A_1771 = arith.constant 999808 : i32
      %min3A_1772 = arith.minsi %mul3A_1770, %min3A_1771 : i32
      %multiple_of3A_1773 = tpu.assume_multiple %min3A_1772, 128 : i32
      %shift_right_arithmetic3A_1774 = arith.constant 7 : i32
      %shift_right_arithmetic3A_1775 = arith.shrsi %reduce_sum3A_1766, %shift_right_arithmetic3A_1774 : i32
      %mul3A_1776 = arith.constant 128 : i32
      %mul3A_1777 = arith.muli %shift_right_arithmetic3A_1775, %mul3A_1776 : i32
      %min3A_1778 = arith.constant 999808 : i32
      %min3A_1779 = arith.minsi %mul3A_1777, %min3A_1778 : i32
      %multiple_of3A_1780 = tpu.assume_multiple %min3A_1779, 128 : i32
      %sub3A_1781 = arith.subi %reduce_sum3A_1756, %multiple_of3A_1773 : i32
      %min3A_1782 = arith.constant 127 : i32
      %min3A_1783 = arith.minsi %sub3A_1781, %min3A_1782 : i32
      %sub3A_1784 = arith.subi %reduce_sum3A_1766, %multiple_of3A_1780 : i32
      %min3A_1785 = arith.constant 127 : i32
      %min3A_1786 = arith.minsi %sub3A_1784, %min3A_1785 : i32
      %dma_start3A_1787 = arith.constant 0 : i32
      %dma_start3A_1788 = arith.constant 0 : i32
      %dma_start3A_1789 = arith.constant 0 : i32
      %dma_start3A_1790 = tpu.memref_slice %arg14[%dma_start3A_1787, %dma_start3A_1788, %dma_start3A_1789] : memref<4x32x128xf32, #tpu.memory_space<vmem>> -> memref<1x32x128xf32, #tpu.memory_space<vmem>>
      %dma_start3A_1791 = tpu.memref_squeeze %dma_start3A_1790 : memref<1x32x128xf32, #tpu.memory_space<vmem>> -> memref<32x128xf32, #tpu.memory_space<vmem>>
      %dma_start3A_1792 = arith.constant 0 : i32
      %dma_start3A_1793 = tpu.memref_slice %arg4[%dma_start3A_1792, %multiple_of3A_1773] : memref<32x1000000xf32, #tpu.memory_space<hbm>> -> memref<32x128xf32, #tpu.memory_space<hbm>>
      %dma_start3A_1794 = arith.constant 0 : i32
      %dma_start3A_1795 = arith.constant 0 : i32
      %dma_start3A_1796 = tpu.memref_slice %arg14[%dma_start3A_1787, %dma_start3A_1794, %dma_start3A_1795] : memref<4x32x128xf32, #tpu.memory_space<vmem>> -> memref<1x32x128xf32, #tpu.memory_space<vmem>>
      %dma_start3A_1797 = tpu.memref_squeeze %dma_start3A_1796 : memref<1x32x128xf32, #tpu.memory_space<vmem>> -> memref<32x128xf32, #tpu.memory_space<vmem>>
      %dma_start3A_1798 = arith.constant 0 : i32
      %dma_start3A_1799 = tpu.memref_slice %arg4[%dma_start3A_1798, %multiple_of3A_1773] : memref<32x1000000xf32, #tpu.memory_space<hbm>> -> memref<32x128xf32, #tpu.memory_space<hbm>>
      tpu.enqueue_dma source(%dma_start3A_1799 : memref<32x128xf32, #tpu.memory_space<hbm>>) target(%dma_start3A_1797 : memref<32x128xf32, #tpu.memory_space<vmem>>) target_semaphore(%arg22 : memref<!tpu.dma_semaphore, #tpu.memory_space<semaphore_mem>>)
      %dma_start3A_1800 = arith.constant 0 : i32
      %dma_start3A_1801 = arith.constant 0 : i32
      %dma_start3A_1802 = arith.constant 0 : i32
      %dma_start3A_1803 = tpu.memref_slice %arg15[%dma_start3A_1800, %dma_start3A_1801, %dma_start3A_1802] : memref<4x32x128xf32, #tpu.memory_space<vmem>> -> memref<1x32x128xf32, #tpu.memory_space<vmem>>
      %dma_start3A_1804 = tpu.memref_squeeze %dma_start3A_1803 : memref<1x32x128xf32, #tpu.memory_space<vmem>> -> memref<32x128xf32, #tpu.memory_space<vmem>>
      %dma_start3A_1805 = arith.constant 0 : i32
      %dma_start3A_1806 = tpu.memref_slice %arg5[%dma_start3A_1805, %multiple_of3A_1780] : memref<32x1000000xf32, #tpu.memory_space<hbm>> -> memref<32x128xf32, #tpu.memory_space<hbm>>
      %dma_start3A_1807 = arith.constant 0 : i32
      %dma_start3A_1808 = arith.constant 0 : i32
      %dma_start3A_1809 = tpu.memref_slice %arg15[%dma_start3A_1800, %dma_start3A_1807, %dma_start3A_1808] : memref<4x32x128xf32, #tpu.memory_space<vmem>> -> memref<1x32x128xf32, #tpu.memory_space<vmem>>
      %dma_start3A_1810 = tpu.memref_squeeze %dma_start3A_1809 : memref<1x32x128xf32, #tpu.memory_space<vmem>> -> memref<32x128xf32, #tpu.memory_space<vmem>>
      %dma_start3A_1811 = arith.constant 0 : i32
      %dma_start3A_1812 = tpu.memref_slice %arg5[%dma_start3A_1811, %multiple_of3A_1780] : memref<32x1000000xf32, #tpu.memory_space<hbm>> -> memref<32x128xf32, #tpu.memory_space<hbm>>
      tpu.enqueue_dma source(%dma_start3A_1812 : memref<32x128xf32, #tpu.memory_space<hbm>>) target(%dma_start3A_1810 : memref<32x128xf32, #tpu.memory_space<vmem>>) target_semaphore(%arg22 : memref<!tpu.dma_semaphore, #tpu.memory_space<semaphore_mem>>)
      %dma_start3A_1813 = arith.constant 0 : i32
      %dma_start3A_1814 = arith.constant 0 : i32
      %dma_start3A_1815 = arith.constant 0 : i32
      %dma_start3A_1816 = tpu.memref_slice %arg16[%dma_start3A_1813, %dma_start3A_1814, %dma_start3A_1815] : memref<4x16x128xf32, #tpu.memory_space<vmem>> -> memref<1x16x128xf32, #tpu.memory_space<vmem>>
      %dma_start3A_1817 = tpu.memref_squeeze %dma_start3A_1816 : memref<1x16x128xf32, #tpu.memory_space<vmem>> -> memref<16x128xf32, #tpu.memory_space<vmem>>
      %dma_start3A_1818 = arith.constant 0 : i32
      %dma_start3A_1819 = tpu.memref_slice %arg6[%dma_start3A_1818, %multiple_of3A_1773] : memref<16x1000000xf32, #tpu.memory_space<hbm>> -> memref<16x128xf32, #tpu.memory_space<hbm>>
      %dma_start3A_1820 = arith.constant 0 : i32
      %dma_start3A_1821 = arith.constant 0 : i32
      %dma_start3A_1822 = tpu.memref_slice %arg16[%dma_start3A_1813, %dma_start3A_1820, %dma_start3A_1821] : memref<4x16x128xf32, #tpu.memory_space<vmem>> -> memref<1x16x128xf32, #tpu.memory_space<vmem>>
      %dma_start3A_1823 = tpu.memref_squeeze %dma_start3A_1822 : memref<1x16x128xf32, #tpu.memory_space<vmem>> -> memref<16x128xf32, #tpu.memory_space<vmem>>
      %dma_start3A_1824 = arith.constant 0 : i32
      %dma_start3A_1825 = tpu.memref_slice %arg6[%dma_start3A_1824, %multiple_of3A_1773] : memref<16x1000000xf32, #tpu.memory_space<hbm>> -> memref<16x128xf32, #tpu.memory_space<hbm>>
      tpu.enqueue_dma source(%dma_start3A_1825 : memref<16x128xf32, #tpu.memory_space<hbm>>) target(%dma_start3A_1823 : memref<16x128xf32, #tpu.memory_space<vmem>>) target_semaphore(%arg22 : memref<!tpu.dma_semaphore, #tpu.memory_space<semaphore_mem>>)
      %dma_start3A_1826 = arith.constant 0 : i32
      %dma_start3A_1827 = arith.constant 0 : i32
      %dma_start3A_1828 = arith.constant 0 : i32
      %dma_start3A_1829 = tpu.memref_slice %arg17[%dma_start3A_1826, %dma_start3A_1827, %dma_start3A_1828] : memref<4x16x128xf32, #tpu.memory_space<vmem>> -> memref<1x16x128xf32, #tpu.memory_space<vmem>>
      %dma_start3A_1830 = tpu.memref_squeeze %dma_start3A_1829 : memref<1x16x128xf32, #tpu.memory_space<vmem>> -> memref<16x128xf32, #tpu.memory_space<vmem>>
      %dma_start3A_1831 = arith.constant 0 : i32
      %dma_start3A_1832 = tpu.memref_slice %arg7[%dma_start3A_1831, %multiple_of3A_1780] : memref<16x1000000xf32, #tpu.memory_space<hbm>> -> memref<16x128xf32, #tpu.memory_space<hbm>>
      %dma_start3A_1833 = arith.constant 0 : i32
      %dma_start3A_1834 = arith.constant 0 : i32
      %dma_start3A_1835 = tpu.memref_slice %arg17[%dma_start3A_1826, %dma_start3A_1833, %dma_start3A_1834] : memref<4x16x128xf32, #tpu.memory_space<vmem>> -> memref<1x16x128xf32, #tpu.memory_space<vmem>>
      %dma_start3A_1836 = tpu.memref_squeeze %dma_start3A_1835 : memref<1x16x128xf32, #tpu.memory_space<vmem>> -> memref<16x128xf32, #tpu.memory_space<vmem>>
      %dma_start3A_1837 = arith.constant 0 : i32
      %dma_start3A_1838 = tpu.memref_slice %arg7[%dma_start3A_1837, %multiple_of3A_1780] : memref<16x1000000xf32, #tpu.memory_space<hbm>> -> memref<16x128xf32, #tpu.memory_space<hbm>>
      tpu.enqueue_dma source(%dma_start3A_1838 : memref<16x128xf32, #tpu.memory_space<hbm>>) target(%dma_start3A_1836 : memref<16x128xf32, #tpu.memory_space<vmem>>) target_semaphore(%arg22 : memref<!tpu.dma_semaphore, #tpu.memory_space<semaphore_mem>>)
      %eq3A_1839 = arith.constant 9 : i32
      %eq3A_1840 = vector.broadcast %eq3A_1839 : i32 to vector<16xi32>
      %eq3A_1841 = arith.cmpi eq, %iota3A, %eq3A_1840 : vector<16xi32>
      %jit3A_1842 = arith.constant 0 : i32
      %broadcast_in_dim3A_1843 = vector.broadcast %jit3A_1842 : i32 to vector<16xi32>
      %select_n3A_1844 = arith.select %eq3A_1841, %get3A_10, %broadcast_in_dim3A_1843 : vector<16xi1>, vector<16xi32>
      %reduce_sum3A_1845 = arith.constant true
      %reduce_sum3A_1846 = vector.broadcast %reduce_sum3A_1845 : i1 to vector<16xi1>
      %reduce_sum3A_1847 = tpu.scan <sum>, %select_n3A_1844 masked %reduce_sum3A_1846 : vector<16xi32>, vector<16xi1> -> vector<16xi32>
      %reduce_sum3A_1848 = vector.extract %reduce_sum3A_1847[15] : i32 from vector<16xi32>
      %eq3A_1849 = arith.constant 9 : i32
      %eq3A_1850 = vector.broadcast %eq3A_1849 : i32 to vector<16xi32>
      %eq3A_1851 = arith.cmpi eq, %iota3A, %eq3A_1850 : vector<16xi32>
      %jit3A_1852 = arith.constant 0 : i32
      %broadcast_in_dim3A_1853 = vector.broadcast %jit3A_1852 : i32 to vector<16xi32>
      %select_n3A_1854 = arith.select %eq3A_1851, %get3A_13, %broadcast_in_dim3A_1853 : vector<16xi1>, vector<16xi32>
      %reduce_sum3A_1855 = arith.constant true
      %reduce_sum3A_1856 = vector.broadcast %reduce_sum3A_1855 : i1 to vector<16xi1>
      %reduce_sum3A_1857 = tpu.scan <sum>, %select_n3A_1854 masked %reduce_sum3A_1856 : vector<16xi32>, vector<16xi1> -> vector<16xi32>
      %reduce_sum3A_1858 = vector.extract %reduce_sum3A_1857[15] : i32 from vector<16xi32>
      %shift_right_arithmetic3A_1859 = arith.constant 7 : i32
      %shift_right_arithmetic3A_1860 = arith.shrsi %reduce_sum3A_1848, %shift_right_arithmetic3A_1859 : i32
      %mul3A_1861 = arith.constant 128 : i32
      %mul3A_1862 = arith.muli %shift_right_arithmetic3A_1860, %mul3A_1861 : i32
      %min3A_1863 = arith.constant 999808 : i32
      %min3A_1864 = arith.minsi %mul3A_1862, %min3A_1863 : i32
      %multiple_of3A_1865 = tpu.assume_multiple %min3A_1864, 128 : i32
      %shift_right_arithmetic3A_1866 = arith.constant 7 : i32
      %shift_right_arithmetic3A_1867 = arith.shrsi %reduce_sum3A_1858, %shift_right_arithmetic3A_1866 : i32
      %mul3A_1868 = arith.constant 128 : i32
      %mul3A_1869 = arith.muli %shift_right_arithmetic3A_1867, %mul3A_1868 : i32
      %min3A_1870 = arith.constant 999808 : i32
      %min3A_1871 = arith.minsi %mul3A_1869, %min3A_1870 : i32
      %multiple_of3A_1872 = tpu.assume_multiple %min3A_1871, 128 : i32
      %sub3A_1873 = arith.subi %reduce_sum3A_1848, %multiple_of3A_1865 : i32
      %min3A_1874 = arith.constant 127 : i32
      %min3A_1875 = arith.minsi %sub3A_1873, %min3A_1874 : i32
      %sub3A_1876 = arith.subi %reduce_sum3A_1858, %multiple_of3A_1872 : i32
      %min3A_1877 = arith.constant 127 : i32
      %min3A_1878 = arith.minsi %sub3A_1876, %min3A_1877 : i32
      %dma_start3A_1879 = arith.constant 1 : i32
      %dma_start3A_1880 = arith.constant 0 : i32
      %dma_start3A_1881 = arith.constant 0 : i32
      %dma_start3A_1882 = tpu.memref_slice %arg14[%dma_start3A_1879, %dma_start3A_1880, %dma_start3A_1881] : memref<4x32x128xf32, #tpu.memory_space<vmem>> -> memref<1x32x128xf32, #tpu.memory_space<vmem>>
      %dma_start3A_1883 = tpu.memref_squeeze %dma_start3A_1882 : memref<1x32x128xf32, #tpu.memory_space<vmem>> -> memref<32x128xf32, #tpu.memory_space<vmem>>
      %dma_start3A_1884 = arith.constant 0 : i32
      %dma_start3A_1885 = tpu.memref_slice %arg4[%dma_start3A_1884, %multiple_of3A_1865] : memref<32x1000000xf32, #tpu.memory_space<hbm>> -> memref<32x128xf32, #tpu.memory_space<hbm>>
      %dma_start3A_1886 = arith.constant 0 : i32
      %dma_start3A_1887 = arith.constant 0 : i32
      %dma_start3A_1888 = tpu.memref_slice %arg14[%dma_start3A_1879, %dma_start3A_1886, %dma_start3A_1887] : memref<4x32x128xf32, #tpu.memory_space<vmem>> -> memref<1x32x128xf32, #tpu.memory_space<vmem>>
      %dma_start3A_1889 = tpu.memref_squeeze %dma_start3A_1888 : memref<1x32x128xf32, #tpu.memory_space<vmem>> -> memref<32x128xf32, #tpu.memory_space<vmem>>
      %dma_start3A_1890 = arith.constant 0 : i32
      %dma_start3A_1891 = tpu.memref_slice %arg4[%dma_start3A_1890, %multiple_of3A_1865] : memref<32x1000000xf32, #tpu.memory_space<hbm>> -> memref<32x128xf32, #tpu.memory_space<hbm>>
      tpu.enqueue_dma source(%dma_start3A_1891 : memref<32x128xf32, #tpu.memory_space<hbm>>) target(%dma_start3A_1889 : memref<32x128xf32, #tpu.memory_space<vmem>>) target_semaphore(%arg22 : memref<!tpu.dma_semaphore, #tpu.memory_space<semaphore_mem>>)
      %dma_start3A_1892 = arith.constant 1 : i32
      %dma_start3A_1893 = arith.constant 0 : i32
      %dma_start3A_1894 = arith.constant 0 : i32
      %dma_start3A_1895 = tpu.memref_slice %arg15[%dma_start3A_1892, %dma_start3A_1893, %dma_start3A_1894] : memref<4x32x128xf32, #tpu.memory_space<vmem>> -> memref<1x32x128xf32, #tpu.memory_space<vmem>>
      %dma_start3A_1896 = tpu.memref_squeeze %dma_start3A_1895 : memref<1x32x128xf32, #tpu.memory_space<vmem>> -> memref<32x128xf32, #tpu.memory_space<vmem>>
      %dma_start3A_1897 = arith.constant 0 : i32
      %dma_start3A_1898 = tpu.memref_slice %arg5[%dma_start3A_1897, %multiple_of3A_1872] : memref<32x1000000xf32, #tpu.memory_space<hbm>> -> memref<32x128xf32, #tpu.memory_space<hbm>>
      %dma_start3A_1899 = arith.constant 0 : i32
      %dma_start3A_1900 = arith.constant 0 : i32
      %dma_start3A_1901 = tpu.memref_slice %arg15[%dma_start3A_1892, %dma_start3A_1899, %dma_start3A_1900] : memref<4x32x128xf32, #tpu.memory_space<vmem>> -> memref<1x32x128xf32, #tpu.memory_space<vmem>>
      %dma_start3A_1902 = tpu.memref_squeeze %dma_start3A_1901 : memref<1x32x128xf32, #tpu.memory_space<vmem>> -> memref<32x128xf32, #tpu.memory_space<vmem>>
      %dma_start3A_1903 = arith.constant 0 : i32
      %dma_start3A_1904 = tpu.memref_slice %arg5[%dma_start3A_1903, %multiple_of3A_1872] : memref<32x1000000xf32, #tpu.memory_space<hbm>> -> memref<32x128xf32, #tpu.memory_space<hbm>>
      tpu.enqueue_dma source(%dma_start3A_1904 : memref<32x128xf32, #tpu.memory_space<hbm>>) target(%dma_start3A_1902 : memref<32x128xf32, #tpu.memory_space<vmem>>) target_semaphore(%arg22 : memref<!tpu.dma_semaphore, #tpu.memory_space<semaphore_mem>>)
      %dma_start3A_1905 = arith.constant 1 : i32
      %dma_start3A_1906 = arith.constant 0 : i32
      %dma_start3A_1907 = arith.constant 0 : i32
      %dma_start3A_1908 = tpu.memref_slice %arg16[%dma_start3A_1905, %dma_start3A_1906, %dma_start3A_1907] : memref<4x16x128xf32, #tpu.memory_space<vmem>> -> memref<1x16x128xf32, #tpu.memory_space<vmem>>
      %dma_start3A_1909 = tpu.memref_squeeze %dma_start3A_1908 : memref<1x16x128xf32, #tpu.memory_space<vmem>> -> memref<16x128xf32, #tpu.memory_space<vmem>>
      %dma_start3A_1910 = arith.constant 0 : i32
      %dma_start3A_1911 = tpu.memref_slice %arg6[%dma_start3A_1910, %multiple_of3A_1865] : memref<16x1000000xf32, #tpu.memory_space<hbm>> -> memref<16x128xf32, #tpu.memory_space<hbm>>
      %dma_start3A_1912 = arith.constant 0 : i32
      %dma_start3A_1913 = arith.constant 0 : i32
      %dma_start3A_1914 = tpu.memref_slice %arg16[%dma_start3A_1905, %dma_start3A_1912, %dma_start3A_1913] : memref<4x16x128xf32, #tpu.memory_space<vmem>> -> memref<1x16x128xf32, #tpu.memory_space<vmem>>
      %dma_start3A_1915 = tpu.memref_squeeze %dma_start3A_1914 : memref<1x16x128xf32, #tpu.memory_space<vmem>> -> memref<16x128xf32, #tpu.memory_space<vmem>>
      %dma_start3A_1916 = arith.constant 0 : i32
      %dma_start3A_1917 = tpu.memref_slice %arg6[%dma_start3A_1916, %multiple_of3A_1865] : memref<16x1000000xf32, #tpu.memory_space<hbm>> -> memref<16x128xf32, #tpu.memory_space<hbm>>
      tpu.enqueue_dma source(%dma_start3A_1917 : memref<16x128xf32, #tpu.memory_space<hbm>>) target(%dma_start3A_1915 : memref<16x128xf32, #tpu.memory_space<vmem>>) target_semaphore(%arg22 : memref<!tpu.dma_semaphore, #tpu.memory_space<semaphore_mem>>)
      %dma_start3A_1918 = arith.constant 1 : i32
      %dma_start3A_1919 = arith.constant 0 : i32
      %dma_start3A_1920 = arith.constant 0 : i32
      %dma_start3A_1921 = tpu.memref_slice %arg17[%dma_start3A_1918, %dma_start3A_1919, %dma_start3A_1920] : memref<4x16x128xf32, #tpu.memory_space<vmem>> -> memref<1x16x128xf32, #tpu.memory_space<vmem>>
      %dma_start3A_1922 = tpu.memref_squeeze %dma_start3A_1921 : memref<1x16x128xf32, #tpu.memory_space<vmem>> -> memref<16x128xf32, #tpu.memory_space<vmem>>
      %dma_start3A_1923 = arith.constant 0 : i32
      %dma_start3A_1924 = tpu.memref_slice %arg7[%dma_start3A_1923, %multiple_of3A_1872] : memref<16x1000000xf32, #tpu.memory_space<hbm>> -> memref<16x128xf32, #tpu.memory_space<hbm>>
      %dma_start3A_1925 = arith.constant 0 : i32
      %dma_start3A_1926 = arith.constant 0 : i32
      %dma_start3A_1927 = tpu.memref_slice %arg17[%dma_start3A_1918, %dma_start3A_1925, %dma_start3A_1926] : memref<4x16x128xf32, #tpu.memory_space<vmem>> -> memref<1x16x128xf32, #tpu.memory_space<vmem>>
      %dma_start3A_1928 = tpu.memref_squeeze %dma_start3A_1927 : memref<1x16x128xf32, #tpu.memory_space<vmem>> -> memref<16x128xf32, #tpu.memory_space<vmem>>
      %dma_start3A_1929 = arith.constant 0 : i32
      %dma_start3A_1930 = tpu.memref_slice %arg7[%dma_start3A_1929, %multiple_of3A_1872] : memref<16x1000000xf32, #tpu.memory_space<hbm>> -> memref<16x128xf32, #tpu.memory_space<hbm>>
      tpu.enqueue_dma source(%dma_start3A_1930 : memref<16x128xf32, #tpu.memory_space<hbm>>) target(%dma_start3A_1928 : memref<16x128xf32, #tpu.memory_space<vmem>>) target_semaphore(%arg22 : memref<!tpu.dma_semaphore, #tpu.memory_space<semaphore_mem>>)
      %eq3A_1931 = arith.constant 10 : i32
      %eq3A_1932 = vector.broadcast %eq3A_1931 : i32 to vector<16xi32>
      %eq3A_1933 = arith.cmpi eq, %iota3A, %eq3A_1932 : vector<16xi32>
      %jit3A_1934 = arith.constant 0 : i32
      %broadcast_in_dim3A_1935 = vector.broadcast %jit3A_1934 : i32 to vector<16xi32>
      %select_n3A_1936 = arith.select %eq3A_1933, %get3A_10, %broadcast_in_dim3A_1935 : vector<16xi1>, vector<16xi32>
      %reduce_sum3A_1937 = arith.constant true
      %reduce_sum3A_1938 = vector.broadcast %reduce_sum3A_1937 : i1 to vector<16xi1>
      %reduce_sum3A_1939 = tpu.scan <sum>, %select_n3A_1936 masked %reduce_sum3A_1938 : vector<16xi32>, vector<16xi1> -> vector<16xi32>
      %reduce_sum3A_1940 = vector.extract %reduce_sum3A_1939[15] : i32 from vector<16xi32>
      %eq3A_1941 = arith.constant 10 : i32
      %eq3A_1942 = vector.broadcast %eq3A_1941 : i32 to vector<16xi32>
      %eq3A_1943 = arith.cmpi eq, %iota3A, %eq3A_1942 : vector<16xi32>
      %jit3A_1944 = arith.constant 0 : i32
      %broadcast_in_dim3A_1945 = vector.broadcast %jit3A_1944 : i32 to vector<16xi32>
      %select_n3A_1946 = arith.select %eq3A_1943, %get3A_13, %broadcast_in_dim3A_1945 : vector<16xi1>, vector<16xi32>
      %reduce_sum3A_1947 = arith.constant true
      %reduce_sum3A_1948 = vector.broadcast %reduce_sum3A_1947 : i1 to vector<16xi1>
      %reduce_sum3A_1949 = tpu.scan <sum>, %select_n3A_1946 masked %reduce_sum3A_1948 : vector<16xi32>, vector<16xi1> -> vector<16xi32>
      %reduce_sum3A_1950 = vector.extract %reduce_sum3A_1949[15] : i32 from vector<16xi32>
      %shift_right_arithmetic3A_1951 = arith.constant 7 : i32
      %shift_right_arithmetic3A_1952 = arith.shrsi %reduce_sum3A_1940, %shift_right_arithmetic3A_1951 : i32
      %mul3A_1953 = arith.constant 128 : i32
      %mul3A_1954 = arith.muli %shift_right_arithmetic3A_1952, %mul3A_1953 : i32
      %min3A_1955 = arith.constant 999808 : i32
      %min3A_1956 = arith.minsi %mul3A_1954, %min3A_1955 : i32
      %multiple_of3A_1957 = tpu.assume_multiple %min3A_1956, 128 : i32
      %shift_right_arithmetic3A_1958 = arith.constant 7 : i32
      %shift_right_arithmetic3A_1959 = arith.shrsi %reduce_sum3A_1950, %shift_right_arithmetic3A_1958 : i32
      %mul3A_1960 = arith.constant 128 : i32
      %mul3A_1961 = arith.muli %shift_right_arithmetic3A_1959, %mul3A_1960 : i32
      %min3A_1962 = arith.constant 999808 : i32
      %min3A_1963 = arith.minsi %mul3A_1961, %min3A_1962 : i32
      %multiple_of3A_1964 = tpu.assume_multiple %min3A_1963, 128 : i32
      %sub3A_1965 = arith.subi %reduce_sum3A_1940, %multiple_of3A_1957 : i32
      %min3A_1966 = arith.constant 127 : i32
      %min3A_1967 = arith.minsi %sub3A_1965, %min3A_1966 : i32
      %sub3A_1968 = arith.subi %reduce_sum3A_1950, %multiple_of3A_1964 : i32
      %min3A_1969 = arith.constant 127 : i32
      %min3A_1970 = arith.minsi %sub3A_1968, %min3A_1969 : i32
      %dma_start3A_1971 = arith.constant 2 : i32
      %dma_start3A_1972 = arith.constant 0 : i32
      %dma_start3A_1973 = arith.constant 0 : i32
      %dma_start3A_1974 = tpu.memref_slice %arg14[%dma_start3A_1971, %dma_start3A_1972, %dma_start3A_1973] : memref<4x32x128xf32, #tpu.memory_space<vmem>> -> memref<1x32x128xf32, #tpu.memory_space<vmem>>
      %dma_start3A_1975 = tpu.memref_squeeze %dma_start3A_1974 : memref<1x32x128xf32, #tpu.memory_space<vmem>> -> memref<32x128xf32, #tpu.memory_space<vmem>>
      %dma_start3A_1976 = arith.constant 0 : i32
      %dma_start3A_1977 = tpu.memref_slice %arg4[%dma_start3A_1976, %multiple_of3A_1957] : memref<32x1000000xf32, #tpu.memory_space<hbm>> -> memref<32x128xf32, #tpu.memory_space<hbm>>
      %dma_start3A_1978 = arith.constant 0 : i32
      %dma_start3A_1979 = arith.constant 0 : i32
      %dma_start3A_1980 = tpu.memref_slice %arg14[%dma_start3A_1971, %dma_start3A_1978, %dma_start3A_1979] : memref<4x32x128xf32, #tpu.memory_space<vmem>> -> memref<1x32x128xf32, #tpu.memory_space<vmem>>
      %dma_start3A_1981 = tpu.memref_squeeze %dma_start3A_1980 : memref<1x32x128xf32, #tpu.memory_space<vmem>> -> memref<32x128xf32, #tpu.memory_space<vmem>>
      %dma_start3A_1982 = arith.constant 0 : i32
      %dma_start3A_1983 = tpu.memref_slice %arg4[%dma_start3A_1982, %multiple_of3A_1957] : memref<32x1000000xf32, #tpu.memory_space<hbm>> -> memref<32x128xf32, #tpu.memory_space<hbm>>
      tpu.enqueue_dma source(%dma_start3A_1983 : memref<32x128xf32, #tpu.memory_space<hbm>>) target(%dma_start3A_1981 : memref<32x128xf32, #tpu.memory_space<vmem>>) target_semaphore(%arg22 : memref<!tpu.dma_semaphore, #tpu.memory_space<semaphore_mem>>)
      %dma_start3A_1984 = arith.constant 2 : i32
      %dma_start3A_1985 = arith.constant 0 : i32
      %dma_start3A_1986 = arith.constant 0 : i32
      %dma_start3A_1987 = tpu.memref_slice %arg15[%dma_start3A_1984, %dma_start3A_1985, %dma_start3A_1986] : memref<4x32x128xf32, #tpu.memory_space<vmem>> -> memref<1x32x128xf32, #tpu.memory_space<vmem>>
      %dma_start3A_1988 = tpu.memref_squeeze %dma_start3A_1987 : memref<1x32x128xf32, #tpu.memory_space<vmem>> -> memref<32x128xf32, #tpu.memory_space<vmem>>
      %dma_start3A_1989 = arith.constant 0 : i32
      %dma_start3A_1990 = tpu.memref_slice %arg5[%dma_start3A_1989, %multiple_of3A_1964] : memref<32x1000000xf32, #tpu.memory_space<hbm>> -> memref<32x128xf32, #tpu.memory_space<hbm>>
      %dma_start3A_1991 = arith.constant 0 : i32
      %dma_start3A_1992 = arith.constant 0 : i32
      %dma_start3A_1993 = tpu.memref_slice %arg15[%dma_start3A_1984, %dma_start3A_1991, %dma_start3A_1992] : memref<4x32x128xf32, #tpu.memory_space<vmem>> -> memref<1x32x128xf32, #tpu.memory_space<vmem>>
      %dma_start3A_1994 = tpu.memref_squeeze %dma_start3A_1993 : memref<1x32x128xf32, #tpu.memory_space<vmem>> -> memref<32x128xf32, #tpu.memory_space<vmem>>
      %dma_start3A_1995 = arith.constant 0 : i32
      %dma_start3A_1996 = tpu.memref_slice %arg5[%dma_start3A_1995, %multiple_of3A_1964] : memref<32x1000000xf32, #tpu.memory_space<hbm>> -> memref<32x128xf32, #tpu.memory_space<hbm>>
      tpu.enqueue_dma source(%dma_start3A_1996 : memref<32x128xf32, #tpu.memory_space<hbm>>) target(%dma_start3A_1994 : memref<32x128xf32, #tpu.memory_space<vmem>>) target_semaphore(%arg22 : memref<!tpu.dma_semaphore, #tpu.memory_space<semaphore_mem>>)
      %dma_start3A_1997 = arith.constant 2 : i32
      %dma_start3A_1998 = arith.constant 0 : i32
      %dma_start3A_1999 = arith.constant 0 : i32
      %dma_start3A_2000 = tpu.memref_slice %arg16[%dma_start3A_1997, %dma_start3A_1998, %dma_start3A_1999] : memref<4x16x128xf32, #tpu.memory_space<vmem>> -> memref<1x16x128xf32, #tpu.memory_space<vmem>>
      %dma_start3A_2001 = tpu.memref_squeeze %dma_start3A_2000 : memref<1x16x128xf32, #tpu.memory_space<vmem>> -> memref<16x128xf32, #tpu.memory_space<vmem>>
      %dma_start3A_2002 = arith.constant 0 : i32
      %dma_start3A_2003 = tpu.memref_slice %arg6[%dma_start3A_2002, %multiple_of3A_1957] : memref<16x1000000xf32, #tpu.memory_space<hbm>> -> memref<16x128xf32, #tpu.memory_space<hbm>>
      %dma_start3A_2004 = arith.constant 0 : i32
      %dma_start3A_2005 = arith.constant 0 : i32
      %dma_start3A_2006 = tpu.memref_slice %arg16[%dma_start3A_1997, %dma_start3A_2004, %dma_start3A_2005] : memref<4x16x128xf32, #tpu.memory_space<vmem>> -> memref<1x16x128xf32, #tpu.memory_space<vmem>>
      %dma_start3A_2007 = tpu.memref_squeeze %dma_start3A_2006 : memref<1x16x128xf32, #tpu.memory_space<vmem>> -> memref<16x128xf32, #tpu.memory_space<vmem>>
      %dma_start3A_2008 = arith.constant 0 : i32
      %dma_start3A_2009 = tpu.memref_slice %arg6[%dma_start3A_2008, %multiple_of3A_1957] : memref<16x1000000xf32, #tpu.memory_space<hbm>> -> memref<16x128xf32, #tpu.memory_space<hbm>>
      tpu.enqueue_dma source(%dma_start3A_2009 : memref<16x128xf32, #tpu.memory_space<hbm>>) target(%dma_start3A_2007 : memref<16x128xf32, #tpu.memory_space<vmem>>) target_semaphore(%arg22 : memref<!tpu.dma_semaphore, #tpu.memory_space<semaphore_mem>>)
      %dma_start3A_2010 = arith.constant 2 : i32
      %dma_start3A_2011 = arith.constant 0 : i32
      %dma_start3A_2012 = arith.constant 0 : i32
      %dma_start3A_2013 = tpu.memref_slice %arg17[%dma_start3A_2010, %dma_start3A_2011, %dma_start3A_2012] : memref<4x16x128xf32, #tpu.memory_space<vmem>> -> memref<1x16x128xf32, #tpu.memory_space<vmem>>
      %dma_start3A_2014 = tpu.memref_squeeze %dma_start3A_2013 : memref<1x16x128xf32, #tpu.memory_space<vmem>> -> memref<16x128xf32, #tpu.memory_space<vmem>>
      %dma_start3A_2015 = arith.constant 0 : i32
      %dma_start3A_2016 = tpu.memref_slice %arg7[%dma_start3A_2015, %multiple_of3A_1964] : memref<16x1000000xf32, #tpu.memory_space<hbm>> -> memref<16x128xf32, #tpu.memory_space<hbm>>
      %dma_start3A_2017 = arith.constant 0 : i32
      %dma_start3A_2018 = arith.constant 0 : i32
      %dma_start3A_2019 = tpu.memref_slice %arg17[%dma_start3A_2010, %dma_start3A_2017, %dma_start3A_2018] : memref<4x16x128xf32, #tpu.memory_space<vmem>> -> memref<1x16x128xf32, #tpu.memory_space<vmem>>
      %dma_start3A_2020 = tpu.memref_squeeze %dma_start3A_2019 : memref<1x16x128xf32, #tpu.memory_space<vmem>> -> memref<16x128xf32, #tpu.memory_space<vmem>>
      %dma_start3A_2021 = arith.constant 0 : i32
      %dma_start3A_2022 = tpu.memref_slice %arg7[%dma_start3A_2021, %multiple_of3A_1964] : memref<16x1000000xf32, #tpu.memory_space<hbm>> -> memref<16x128xf32, #tpu.memory_space<hbm>>
      tpu.enqueue_dma source(%dma_start3A_2022 : memref<16x128xf32, #tpu.memory_space<hbm>>) target(%dma_start3A_2020 : memref<16x128xf32, #tpu.memory_space<vmem>>) target_semaphore(%arg22 : memref<!tpu.dma_semaphore, #tpu.memory_space<semaphore_mem>>)
      %eq3A_2023 = arith.constant 11 : i32
      %eq3A_2024 = vector.broadcast %eq3A_2023 : i32 to vector<16xi32>
      %eq3A_2025 = arith.cmpi eq, %iota3A, %eq3A_2024 : vector<16xi32>
      %jit3A_2026 = arith.constant 0 : i32
      %broadcast_in_dim3A_2027 = vector.broadcast %jit3A_2026 : i32 to vector<16xi32>
      %select_n3A_2028 = arith.select %eq3A_2025, %get3A_10, %broadcast_in_dim3A_2027 : vector<16xi1>, vector<16xi32>
      %reduce_sum3A_2029 = arith.constant true
      %reduce_sum3A_2030 = vector.broadcast %reduce_sum3A_2029 : i1 to vector<16xi1>
      %reduce_sum3A_2031 = tpu.scan <sum>, %select_n3A_2028 masked %reduce_sum3A_2030 : vector<16xi32>, vector<16xi1> -> vector<16xi32>
      %reduce_sum3A_2032 = vector.extract %reduce_sum3A_2031[15] : i32 from vector<16xi32>
      %eq3A_2033 = arith.constant 11 : i32
      %eq3A_2034 = vector.broadcast %eq3A_2033 : i32 to vector<16xi32>
      %eq3A_2035 = arith.cmpi eq, %iota3A, %eq3A_2034 : vector<16xi32>
      %jit3A_2036 = arith.constant 0 : i32
      %broadcast_in_dim3A_2037 = vector.broadcast %jit3A_2036 : i32 to vector<16xi32>
      %select_n3A_2038 = arith.select %eq3A_2035, %get3A_13, %broadcast_in_dim3A_2037 : vector<16xi1>, vector<16xi32>
      %reduce_sum3A_2039 = arith.constant true
      %reduce_sum3A_2040 = vector.broadcast %reduce_sum3A_2039 : i1 to vector<16xi1>
      %reduce_sum3A_2041 = tpu.scan <sum>, %select_n3A_2038 masked %reduce_sum3A_2040 : vector<16xi32>, vector<16xi1> -> vector<16xi32>
      %reduce_sum3A_2042 = vector.extract %reduce_sum3A_2041[15] : i32 from vector<16xi32>
      %shift_right_arithmetic3A_2043 = arith.constant 7 : i32
      %shift_right_arithmetic3A_2044 = arith.shrsi %reduce_sum3A_2032, %shift_right_arithmetic3A_2043 : i32
      %mul3A_2045 = arith.constant 128 : i32
      %mul3A_2046 = arith.muli %shift_right_arithmetic3A_2044, %mul3A_2045 : i32
      %min3A_2047 = arith.constant 999808 : i32
      %min3A_2048 = arith.minsi %mul3A_2046, %min3A_2047 : i32
      %multiple_of3A_2049 = tpu.assume_multiple %min3A_2048, 128 : i32
      %shift_right_arithmetic3A_2050 = arith.constant 7 : i32
      %shift_right_arithmetic3A_2051 = arith.shrsi %reduce_sum3A_2042, %shift_right_arithmetic3A_2050 : i32
      %mul3A_2052 = arith.constant 128 : i32
      %mul3A_2053 = arith.muli %shift_right_arithmetic3A_2051, %mul3A_2052 : i32
      %min3A_2054 = arith.constant 999808 : i32
      %min3A_2055 = arith.minsi %mul3A_2053, %min3A_2054 : i32
      %multiple_of3A_2056 = tpu.assume_multiple %min3A_2055, 128 : i32
      %sub3A_2057 = arith.subi %reduce_sum3A_2032, %multiple_of3A_2049 : i32
      %min3A_2058 = arith.constant 127 : i32
      %min3A_2059 = arith.minsi %sub3A_2057, %min3A_2058 : i32
      %sub3A_2060 = arith.subi %reduce_sum3A_2042, %multiple_of3A_2056 : i32
      %min3A_2061 = arith.constant 127 : i32
      %min3A_2062 = arith.minsi %sub3A_2060, %min3A_2061 : i32
      %dma_start3A_2063 = arith.constant 3 : i32
      %dma_start3A_2064 = arith.constant 0 : i32
      %dma_start3A_2065 = arith.constant 0 : i32
      %dma_start3A_2066 = tpu.memref_slice %arg14[%dma_start3A_2063, %dma_start3A_2064, %dma_start3A_2065] : memref<4x32x128xf32, #tpu.memory_space<vmem>> -> memref<1x32x128xf32, #tpu.memory_space<vmem>>
      %dma_start3A_2067 = tpu.memref_squeeze %dma_start3A_2066 : memref<1x32x128xf32, #tpu.memory_space<vmem>> -> memref<32x128xf32, #tpu.memory_space<vmem>>
      %dma_start3A_2068 = arith.constant 0 : i32
      %dma_start3A_2069 = tpu.memref_slice %arg4[%dma_start3A_2068, %multiple_of3A_2049] : memref<32x1000000xf32, #tpu.memory_space<hbm>> -> memref<32x128xf32, #tpu.memory_space<hbm>>
      %dma_start3A_2070 = arith.constant 0 : i32
      %dma_start3A_2071 = arith.constant 0 : i32
      %dma_start3A_2072 = tpu.memref_slice %arg14[%dma_start3A_2063, %dma_start3A_2070, %dma_start3A_2071] : memref<4x32x128xf32, #tpu.memory_space<vmem>> -> memref<1x32x128xf32, #tpu.memory_space<vmem>>
      %dma_start3A_2073 = tpu.memref_squeeze %dma_start3A_2072 : memref<1x32x128xf32, #tpu.memory_space<vmem>> -> memref<32x128xf32, #tpu.memory_space<vmem>>
      %dma_start3A_2074 = arith.constant 0 : i32
      %dma_start3A_2075 = tpu.memref_slice %arg4[%dma_start3A_2074, %multiple_of3A_2049] : memref<32x1000000xf32, #tpu.memory_space<hbm>> -> memref<32x128xf32, #tpu.memory_space<hbm>>
      tpu.enqueue_dma source(%dma_start3A_2075 : memref<32x128xf32, #tpu.memory_space<hbm>>) target(%dma_start3A_2073 : memref<32x128xf32, #tpu.memory_space<vmem>>) target_semaphore(%arg22 : memref<!tpu.dma_semaphore, #tpu.memory_space<semaphore_mem>>)
      %dma_start3A_2076 = arith.constant 3 : i32
      %dma_start3A_2077 = arith.constant 0 : i32
      %dma_start3A_2078 = arith.constant 0 : i32
      %dma_start3A_2079 = tpu.memref_slice %arg15[%dma_start3A_2076, %dma_start3A_2077, %dma_start3A_2078] : memref<4x32x128xf32, #tpu.memory_space<vmem>> -> memref<1x32x128xf32, #tpu.memory_space<vmem>>
      %dma_start3A_2080 = tpu.memref_squeeze %dma_start3A_2079 : memref<1x32x128xf32, #tpu.memory_space<vmem>> -> memref<32x128xf32, #tpu.memory_space<vmem>>
      %dma_start3A_2081 = arith.constant 0 : i32
      %dma_start3A_2082 = tpu.memref_slice %arg5[%dma_start3A_2081, %multiple_of3A_2056] : memref<32x1000000xf32, #tpu.memory_space<hbm>> -> memref<32x128xf32, #tpu.memory_space<hbm>>
      %dma_start3A_2083 = arith.constant 0 : i32
      %dma_start3A_2084 = arith.constant 0 : i32
      %dma_start3A_2085 = tpu.memref_slice %arg15[%dma_start3A_2076, %dma_start3A_2083, %dma_start3A_2084] : memref<4x32x128xf32, #tpu.memory_space<vmem>> -> memref<1x32x128xf32, #tpu.memory_space<vmem>>
      %dma_start3A_2086 = tpu.memref_squeeze %dma_start3A_2085 : memref<1x32x128xf32, #tpu.memory_space<vmem>> -> memref<32x128xf32, #tpu.memory_space<vmem>>
      %dma_start3A_2087 = arith.constant 0 : i32
      %dma_start3A_2088 = tpu.memref_slice %arg5[%dma_start3A_2087, %multiple_of3A_2056] : memref<32x1000000xf32, #tpu.memory_space<hbm>> -> memref<32x128xf32, #tpu.memory_space<hbm>>
      tpu.enqueue_dma source(%dma_start3A_2088 : memref<32x128xf32, #tpu.memory_space<hbm>>) target(%dma_start3A_2086 : memref<32x128xf32, #tpu.memory_space<vmem>>) target_semaphore(%arg22 : memref<!tpu.dma_semaphore, #tpu.memory_space<semaphore_mem>>)
      %dma_start3A_2089 = arith.constant 3 : i32
      %dma_start3A_2090 = arith.constant 0 : i32
      %dma_start3A_2091 = arith.constant 0 : i32
      %dma_start3A_2092 = tpu.memref_slice %arg16[%dma_start3A_2089, %dma_start3A_2090, %dma_start3A_2091] : memref<4x16x128xf32, #tpu.memory_space<vmem>> -> memref<1x16x128xf32, #tpu.memory_space<vmem>>
      %dma_start3A_2093 = tpu.memref_squeeze %dma_start3A_2092 : memref<1x16x128xf32, #tpu.memory_space<vmem>> -> memref<16x128xf32, #tpu.memory_space<vmem>>
      %dma_start3A_2094 = arith.constant 0 : i32
      %dma_start3A_2095 = tpu.memref_slice %arg6[%dma_start3A_2094, %multiple_of3A_2049] : memref<16x1000000xf32, #tpu.memory_space<hbm>> -> memref<16x128xf32, #tpu.memory_space<hbm>>
      %dma_start3A_2096 = arith.constant 0 : i32
      %dma_start3A_2097 = arith.constant 0 : i32
      %dma_start3A_2098 = tpu.memref_slice %arg16[%dma_start3A_2089, %dma_start3A_2096, %dma_start3A_2097] : memref<4x16x128xf32, #tpu.memory_space<vmem>> -> memref<1x16x128xf32, #tpu.memory_space<vmem>>
      %dma_start3A_2099 = tpu.memref_squeeze %dma_start3A_2098 : memref<1x16x128xf32, #tpu.memory_space<vmem>> -> memref<16x128xf32, #tpu.memory_space<vmem>>
      %dma_start3A_2100 = arith.constant 0 : i32
      %dma_start3A_2101 = tpu.memref_slice %arg6[%dma_start3A_2100, %multiple_of3A_2049] : memref<16x1000000xf32, #tpu.memory_space<hbm>> -> memref<16x128xf32, #tpu.memory_space<hbm>>
      tpu.enqueue_dma source(%dma_start3A_2101 : memref<16x128xf32, #tpu.memory_space<hbm>>) target(%dma_start3A_2099 : memref<16x128xf32, #tpu.memory_space<vmem>>) target_semaphore(%arg22 : memref<!tpu.dma_semaphore, #tpu.memory_space<semaphore_mem>>)
      %dma_start3A_2102 = arith.constant 3 : i32
      %dma_start3A_2103 = arith.constant 0 : i32
      %dma_start3A_2104 = arith.constant 0 : i32
      %dma_start3A_2105 = tpu.memref_slice %arg17[%dma_start3A_2102, %dma_start3A_2103, %dma_start3A_2104] : memref<4x16x128xf32, #tpu.memory_space<vmem>> -> memref<1x16x128xf32, #tpu.memory_space<vmem>>
      %dma_start3A_2106 = tpu.memref_squeeze %dma_start3A_2105 : memref<1x16x128xf32, #tpu.memory_space<vmem>> -> memref<16x128xf32, #tpu.memory_space<vmem>>
      %dma_start3A_2107 = arith.constant 0 : i32
      %dma_start3A_2108 = tpu.memref_slice %arg7[%dma_start3A_2107, %multiple_of3A_2056] : memref<16x1000000xf32, #tpu.memory_space<hbm>> -> memref<16x128xf32, #tpu.memory_space<hbm>>
      %dma_start3A_2109 = arith.constant 0 : i32
      %dma_start3A_2110 = arith.constant 0 : i32
      %dma_start3A_2111 = tpu.memref_slice %arg17[%dma_start3A_2102, %dma_start3A_2109, %dma_start3A_2110] : memref<4x16x128xf32, #tpu.memory_space<vmem>> -> memref<1x16x128xf32, #tpu.memory_space<vmem>>
      %dma_start3A_2112 = tpu.memref_squeeze %dma_start3A_2111 : memref<1x16x128xf32, #tpu.memory_space<vmem>> -> memref<16x128xf32, #tpu.memory_space<vmem>>
      %dma_start3A_2113 = arith.constant 0 : i32
      %dma_start3A_2114 = tpu.memref_slice %arg7[%dma_start3A_2113, %multiple_of3A_2056] : memref<16x1000000xf32, #tpu.memory_space<hbm>> -> memref<16x128xf32, #tpu.memory_space<hbm>>
      tpu.enqueue_dma source(%dma_start3A_2114 : memref<16x128xf32, #tpu.memory_space<hbm>>) target(%dma_start3A_2112 : memref<16x128xf32, #tpu.memory_space<vmem>>) target_semaphore(%arg22 : memref<!tpu.dma_semaphore, #tpu.memory_space<semaphore_mem>>)
      %dma_wait3A_2115 = arith.constant 0 : i32
      %dma_wait3A_2116 = arith.constant 0 : i32
      %dma_wait3A_2117 = arith.constant 0 : i32
      %dma_wait3A_2118 = tpu.memref_slice %arg14[%dma_wait3A_2115, %dma_wait3A_2116, %dma_wait3A_2117] : memref<4x32x128xf32, #tpu.memory_space<vmem>> -> memref<1x32x128xf32, #tpu.memory_space<vmem>>
      %dma_wait3A_2119 = tpu.memref_squeeze %dma_wait3A_2118 : memref<1x32x128xf32, #tpu.memory_space<vmem>> -> memref<32x128xf32, #tpu.memory_space<vmem>>
      %dma_wait3A_2120 = arith.constant 0 : i32
      %dma_wait3A_2121 = tpu.memref_slice %arg4[%dma_wait3A_2120, %multiple_of3A_1773] : memref<32x1000000xf32, #tpu.memory_space<hbm>> -> memref<32x128xf32, #tpu.memory_space<hbm>>
      %dma_wait3A_2122 = arith.constant 0 : i32
      %dma_wait3A_2123 = arith.constant 0 : i32
      %dma_wait3A_2124 = tpu.memref_slice %arg14[%dma_wait3A_2115, %dma_wait3A_2122, %dma_wait3A_2123] : memref<4x32x128xf32, #tpu.memory_space<vmem>> -> memref<1x32x128xf32, #tpu.memory_space<vmem>>
      %dma_wait3A_2125 = tpu.memref_squeeze %dma_wait3A_2124 : memref<1x32x128xf32, #tpu.memory_space<vmem>> -> memref<32x128xf32, #tpu.memory_space<vmem>>
      %dma_wait3A_2126 = arith.constant 0 : i32
      %dma_wait3A_2127 = tpu.memref_slice %arg4[%dma_wait3A_2126, %multiple_of3A_1773] : memref<32x1000000xf32, #tpu.memory_space<hbm>> -> memref<32x128xf32, #tpu.memory_space<hbm>>
      tpu.wait_dma2 semaphore(%arg22 : memref<!tpu.dma_semaphore, #tpu.memory_space<semaphore_mem>>) src(%dma_wait3A_2127 : memref<32x128xf32, #tpu.memory_space<hbm>>) dst(%dma_wait3A_2125 : memref<32x128xf32, #tpu.memory_space<vmem>>)
      %dma_wait3A_2128 = arith.constant 0 : i32
      %dma_wait3A_2129 = arith.constant 0 : i32
      %dma_wait3A_2130 = arith.constant 0 : i32
      %dma_wait3A_2131 = tpu.memref_slice %arg15[%dma_wait3A_2128, %dma_wait3A_2129, %dma_wait3A_2130] : memref<4x32x128xf32, #tpu.memory_space<vmem>> -> memref<1x32x128xf32, #tpu.memory_space<vmem>>
      %dma_wait3A_2132 = tpu.memref_squeeze %dma_wait3A_2131 : memref<1x32x128xf32, #tpu.memory_space<vmem>> -> memref<32x128xf32, #tpu.memory_space<vmem>>
      %dma_wait3A_2133 = arith.constant 0 : i32
      %dma_wait3A_2134 = tpu.memref_slice %arg5[%dma_wait3A_2133, %multiple_of3A_1780] : memref<32x1000000xf32, #tpu.memory_space<hbm>> -> memref<32x128xf32, #tpu.memory_space<hbm>>
      %dma_wait3A_2135 = arith.constant 0 : i32
      %dma_wait3A_2136 = arith.constant 0 : i32
      %dma_wait3A_2137 = tpu.memref_slice %arg15[%dma_wait3A_2128, %dma_wait3A_2135, %dma_wait3A_2136] : memref<4x32x128xf32, #tpu.memory_space<vmem>> -> memref<1x32x128xf32, #tpu.memory_space<vmem>>
      %dma_wait3A_2138 = tpu.memref_squeeze %dma_wait3A_2137 : memref<1x32x128xf32, #tpu.memory_space<vmem>> -> memref<32x128xf32, #tpu.memory_space<vmem>>
      %dma_wait3A_2139 = arith.constant 0 : i32
      %dma_wait3A_2140 = tpu.memref_slice %arg5[%dma_wait3A_2139, %multiple_of3A_1780] : memref<32x1000000xf32, #tpu.memory_space<hbm>> -> memref<32x128xf32, #tpu.memory_space<hbm>>
      tpu.wait_dma2 semaphore(%arg22 : memref<!tpu.dma_semaphore, #tpu.memory_space<semaphore_mem>>) src(%dma_wait3A_2140 : memref<32x128xf32, #tpu.memory_space<hbm>>) dst(%dma_wait3A_2138 : memref<32x128xf32, #tpu.memory_space<vmem>>)
      %dma_wait3A_2141 = arith.constant 0 : i32
      %dma_wait3A_2142 = arith.constant 0 : i32
      %dma_wait3A_2143 = arith.constant 0 : i32
      %dma_wait3A_2144 = tpu.memref_slice %arg16[%dma_wait3A_2141, %dma_wait3A_2142, %dma_wait3A_2143] : memref<4x16x128xf32, #tpu.memory_space<vmem>> -> memref<1x16x128xf32, #tpu.memory_space<vmem>>
      %dma_wait3A_2145 = tpu.memref_squeeze %dma_wait3A_2144 : memref<1x16x128xf32, #tpu.memory_space<vmem>> -> memref<16x128xf32, #tpu.memory_space<vmem>>
      %dma_wait3A_2146 = arith.constant 0 : i32
      %dma_wait3A_2147 = tpu.memref_slice %arg6[%dma_wait3A_2146, %multiple_of3A_1773] : memref<16x1000000xf32, #tpu.memory_space<hbm>> -> memref<16x128xf32, #tpu.memory_space<hbm>>
      %dma_wait3A_2148 = arith.constant 0 : i32
      %dma_wait3A_2149 = arith.constant 0 : i32
      %dma_wait3A_2150 = tpu.memref_slice %arg16[%dma_wait3A_2141, %dma_wait3A_2148, %dma_wait3A_2149] : memref<4x16x128xf32, #tpu.memory_space<vmem>> -> memref<1x16x128xf32, #tpu.memory_space<vmem>>
      %dma_wait3A_2151 = tpu.memref_squeeze %dma_wait3A_2150 : memref<1x16x128xf32, #tpu.memory_space<vmem>> -> memref<16x128xf32, #tpu.memory_space<vmem>>
      %dma_wait3A_2152 = arith.constant 0 : i32
      %dma_wait3A_2153 = tpu.memref_slice %arg6[%dma_wait3A_2152, %multiple_of3A_1773] : memref<16x1000000xf32, #tpu.memory_space<hbm>> -> memref<16x128xf32, #tpu.memory_space<hbm>>
      tpu.wait_dma2 semaphore(%arg22 : memref<!tpu.dma_semaphore, #tpu.memory_space<semaphore_mem>>) src(%dma_wait3A_2153 : memref<16x128xf32, #tpu.memory_space<hbm>>) dst(%dma_wait3A_2151 : memref<16x128xf32, #tpu.memory_space<vmem>>)
      %dma_wait3A_2154 = arith.constant 0 : i32
      %dma_wait3A_2155 = arith.constant 0 : i32
      %dma_wait3A_2156 = arith.constant 0 : i32
      %dma_wait3A_2157 = tpu.memref_slice %arg17[%dma_wait3A_2154, %dma_wait3A_2155, %dma_wait3A_2156] : memref<4x16x128xf32, #tpu.memory_space<vmem>> -> memref<1x16x128xf32, #tpu.memory_space<vmem>>
      %dma_wait3A_2158 = tpu.memref_squeeze %dma_wait3A_2157 : memref<1x16x128xf32, #tpu.memory_space<vmem>> -> memref<16x128xf32, #tpu.memory_space<vmem>>
      %dma_wait3A_2159 = arith.constant 0 : i32
      %dma_wait3A_2160 = tpu.memref_slice %arg7[%dma_wait3A_2159, %multiple_of3A_1780] : memref<16x1000000xf32, #tpu.memory_space<hbm>> -> memref<16x128xf32, #tpu.memory_space<hbm>>
      %dma_wait3A_2161 = arith.constant 0 : i32
      %dma_wait3A_2162 = arith.constant 0 : i32
      %dma_wait3A_2163 = tpu.memref_slice %arg17[%dma_wait3A_2154, %dma_wait3A_2161, %dma_wait3A_2162] : memref<4x16x128xf32, #tpu.memory_space<vmem>> -> memref<1x16x128xf32, #tpu.memory_space<vmem>>
      %dma_wait3A_2164 = tpu.memref_squeeze %dma_wait3A_2163 : memref<1x16x128xf32, #tpu.memory_space<vmem>> -> memref<16x128xf32, #tpu.memory_space<vmem>>
      %dma_wait3A_2165 = arith.constant 0 : i32
      %dma_wait3A_2166 = tpu.memref_slice %arg7[%dma_wait3A_2165, %multiple_of3A_1780] : memref<16x1000000xf32, #tpu.memory_space<hbm>> -> memref<16x128xf32, #tpu.memory_space<hbm>>
      tpu.wait_dma2 semaphore(%arg22 : memref<!tpu.dma_semaphore, #tpu.memory_space<semaphore_mem>>) src(%dma_wait3A_2166 : memref<16x128xf32, #tpu.memory_space<hbm>>) dst(%dma_wait3A_2164 : memref<16x128xf32, #tpu.memory_space<vmem>>)
      %dma_wait3A_2167 = arith.constant 1 : i32
      %dma_wait3A_2168 = arith.constant 0 : i32
      %dma_wait3A_2169 = arith.constant 0 : i32
      %dma_wait3A_2170 = tpu.memref_slice %arg14[%dma_wait3A_2167, %dma_wait3A_2168, %dma_wait3A_2169] : memref<4x32x128xf32, #tpu.memory_space<vmem>> -> memref<1x32x128xf32, #tpu.memory_space<vmem>>
      %dma_wait3A_2171 = tpu.memref_squeeze %dma_wait3A_2170 : memref<1x32x128xf32, #tpu.memory_space<vmem>> -> memref<32x128xf32, #tpu.memory_space<vmem>>
      %dma_wait3A_2172 = arith.constant 0 : i32
      %dma_wait3A_2173 = tpu.memref_slice %arg4[%dma_wait3A_2172, %multiple_of3A_1865] : memref<32x1000000xf32, #tpu.memory_space<hbm>> -> memref<32x128xf32, #tpu.memory_space<hbm>>
      %dma_wait3A_2174 = arith.constant 0 : i32
      %dma_wait3A_2175 = arith.constant 0 : i32
      %dma_wait3A_2176 = tpu.memref_slice %arg14[%dma_wait3A_2167, %dma_wait3A_2174, %dma_wait3A_2175] : memref<4x32x128xf32, #tpu.memory_space<vmem>> -> memref<1x32x128xf32, #tpu.memory_space<vmem>>
      %dma_wait3A_2177 = tpu.memref_squeeze %dma_wait3A_2176 : memref<1x32x128xf32, #tpu.memory_space<vmem>> -> memref<32x128xf32, #tpu.memory_space<vmem>>
      %dma_wait3A_2178 = arith.constant 0 : i32
      %dma_wait3A_2179 = tpu.memref_slice %arg4[%dma_wait3A_2178, %multiple_of3A_1865] : memref<32x1000000xf32, #tpu.memory_space<hbm>> -> memref<32x128xf32, #tpu.memory_space<hbm>>
      tpu.wait_dma2 semaphore(%arg22 : memref<!tpu.dma_semaphore, #tpu.memory_space<semaphore_mem>>) src(%dma_wait3A_2179 : memref<32x128xf32, #tpu.memory_space<hbm>>) dst(%dma_wait3A_2177 : memref<32x128xf32, #tpu.memory_space<vmem>>)
      %dma_wait3A_2180 = arith.constant 1 : i32
      %dma_wait3A_2181 = arith.constant 0 : i32
      %dma_wait3A_2182 = arith.constant 0 : i32
      %dma_wait3A_2183 = tpu.memref_slice %arg15[%dma_wait3A_2180, %dma_wait3A_2181, %dma_wait3A_2182] : memref<4x32x128xf32, #tpu.memory_space<vmem>> -> memref<1x32x128xf32, #tpu.memory_space<vmem>>
      %dma_wait3A_2184 = tpu.memref_squeeze %dma_wait3A_2183 : memref<1x32x128xf32, #tpu.memory_space<vmem>> -> memref<32x128xf32, #tpu.memory_space<vmem>>
      %dma_wait3A_2185 = arith.constant 0 : i32
      %dma_wait3A_2186 = tpu.memref_slice %arg5[%dma_wait3A_2185, %multiple_of3A_1872] : memref<32x1000000xf32, #tpu.memory_space<hbm>> -> memref<32x128xf32, #tpu.memory_space<hbm>>
      %dma_wait3A_2187 = arith.constant 0 : i32
      %dma_wait3A_2188 = arith.constant 0 : i32
      %dma_wait3A_2189 = tpu.memref_slice %arg15[%dma_wait3A_2180, %dma_wait3A_2187, %dma_wait3A_2188] : memref<4x32x128xf32, #tpu.memory_space<vmem>> -> memref<1x32x128xf32, #tpu.memory_space<vmem>>
      %dma_wait3A_2190 = tpu.memref_squeeze %dma_wait3A_2189 : memref<1x32x128xf32, #tpu.memory_space<vmem>> -> memref<32x128xf32, #tpu.memory_space<vmem>>
      %dma_wait3A_2191 = arith.constant 0 : i32
      %dma_wait3A_2192 = tpu.memref_slice %arg5[%dma_wait3A_2191, %multiple_of3A_1872] : memref<32x1000000xf32, #tpu.memory_space<hbm>> -> memref<32x128xf32, #tpu.memory_space<hbm>>
      tpu.wait_dma2 semaphore(%arg22 : memref<!tpu.dma_semaphore, #tpu.memory_space<semaphore_mem>>) src(%dma_wait3A_2192 : memref<32x128xf32, #tpu.memory_space<hbm>>) dst(%dma_wait3A_2190 : memref<32x128xf32, #tpu.memory_space<vmem>>)
      %dma_wait3A_2193 = arith.constant 1 : i32
      %dma_wait3A_2194 = arith.constant 0 : i32
      %dma_wait3A_2195 = arith.constant 0 : i32
      %dma_wait3A_2196 = tpu.memref_slice %arg16[%dma_wait3A_2193, %dma_wait3A_2194, %dma_wait3A_2195] : memref<4x16x128xf32, #tpu.memory_space<vmem>> -> memref<1x16x128xf32, #tpu.memory_space<vmem>>
      %dma_wait3A_2197 = tpu.memref_squeeze %dma_wait3A_2196 : memref<1x16x128xf32, #tpu.memory_space<vmem>> -> memref<16x128xf32, #tpu.memory_space<vmem>>
      %dma_wait3A_2198 = arith.constant 0 : i32
      %dma_wait3A_2199 = tpu.memref_slice %arg6[%dma_wait3A_2198, %multiple_of3A_1865] : memref<16x1000000xf32, #tpu.memory_space<hbm>> -> memref<16x128xf32, #tpu.memory_space<hbm>>
      %dma_wait3A_2200 = arith.constant 0 : i32
      %dma_wait3A_2201 = arith.constant 0 : i32
      %dma_wait3A_2202 = tpu.memref_slice %arg16[%dma_wait3A_2193, %dma_wait3A_2200, %dma_wait3A_2201] : memref<4x16x128xf32, #tpu.memory_space<vmem>> -> memref<1x16x128xf32, #tpu.memory_space<vmem>>
      %dma_wait3A_2203 = tpu.memref_squeeze %dma_wait3A_2202 : memref<1x16x128xf32, #tpu.memory_space<vmem>> -> memref<16x128xf32, #tpu.memory_space<vmem>>
      %dma_wait3A_2204 = arith.constant 0 : i32
      %dma_wait3A_2205 = tpu.memref_slice %arg6[%dma_wait3A_2204, %multiple_of3A_1865] : memref<16x1000000xf32, #tpu.memory_space<hbm>> -> memref<16x128xf32, #tpu.memory_space<hbm>>
      tpu.wait_dma2 semaphore(%arg22 : memref<!tpu.dma_semaphore, #tpu.memory_space<semaphore_mem>>) src(%dma_wait3A_2205 : memref<16x128xf32, #tpu.memory_space<hbm>>) dst(%dma_wait3A_2203 : memref<16x128xf32, #tpu.memory_space<vmem>>)
      %dma_wait3A_2206 = arith.constant 1 : i32
      %dma_wait3A_2207 = arith.constant 0 : i32
      %dma_wait3A_2208 = arith.constant 0 : i32
      %dma_wait3A_2209 = tpu.memref_slice %arg17[%dma_wait3A_2206, %dma_wait3A_2207, %dma_wait3A_2208] : memref<4x16x128xf32, #tpu.memory_space<vmem>> -> memref<1x16x128xf32, #tpu.memory_space<vmem>>
      %dma_wait3A_2210 = tpu.memref_squeeze %dma_wait3A_2209 : memref<1x16x128xf32, #tpu.memory_space<vmem>> -> memref<16x128xf32, #tpu.memory_space<vmem>>
      %dma_wait3A_2211 = arith.constant 0 : i32
      %dma_wait3A_2212 = tpu.memref_slice %arg7[%dma_wait3A_2211, %multiple_of3A_1872] : memref<16x1000000xf32, #tpu.memory_space<hbm>> -> memref<16x128xf32, #tpu.memory_space<hbm>>
      %dma_wait3A_2213 = arith.constant 0 : i32
      %dma_wait3A_2214 = arith.constant 0 : i32
      %dma_wait3A_2215 = tpu.memref_slice %arg17[%dma_wait3A_2206, %dma_wait3A_2213, %dma_wait3A_2214] : memref<4x16x128xf32, #tpu.memory_space<vmem>> -> memref<1x16x128xf32, #tpu.memory_space<vmem>>
      %dma_wait3A_2216 = tpu.memref_squeeze %dma_wait3A_2215 : memref<1x16x128xf32, #tpu.memory_space<vmem>> -> memref<16x128xf32, #tpu.memory_space<vmem>>
      %dma_wait3A_2217 = arith.constant 0 : i32
      %dma_wait3A_2218 = tpu.memref_slice %arg7[%dma_wait3A_2217, %multiple_of3A_1872] : memref<16x1000000xf32, #tpu.memory_space<hbm>> -> memref<16x128xf32, #tpu.memory_space<hbm>>
      tpu.wait_dma2 semaphore(%arg22 : memref<!tpu.dma_semaphore, #tpu.memory_space<semaphore_mem>>) src(%dma_wait3A_2218 : memref<16x128xf32, #tpu.memory_space<hbm>>) dst(%dma_wait3A_2216 : memref<16x128xf32, #tpu.memory_space<vmem>>)
      %dma_wait3A_2219 = arith.constant 2 : i32
      %dma_wait3A_2220 = arith.constant 0 : i32
      %dma_wait3A_2221 = arith.constant 0 : i32
      %dma_wait3A_2222 = tpu.memref_slice %arg14[%dma_wait3A_2219, %dma_wait3A_2220, %dma_wait3A_2221] : memref<4x32x128xf32, #tpu.memory_space<vmem>> -> memref<1x32x128xf32, #tpu.memory_space<vmem>>
      %dma_wait3A_2223 = tpu.memref_squeeze %dma_wait3A_2222 : memref<1x32x128xf32, #tpu.memory_space<vmem>> -> memref<32x128xf32, #tpu.memory_space<vmem>>
      %dma_wait3A_2224 = arith.constant 0 : i32
      %dma_wait3A_2225 = tpu.memref_slice %arg4[%dma_wait3A_2224, %multiple_of3A_1957] : memref<32x1000000xf32, #tpu.memory_space<hbm>> -> memref<32x128xf32, #tpu.memory_space<hbm>>
      %dma_wait3A_2226 = arith.constant 0 : i32
      %dma_wait3A_2227 = arith.constant 0 : i32
      %dma_wait3A_2228 = tpu.memref_slice %arg14[%dma_wait3A_2219, %dma_wait3A_2226, %dma_wait3A_2227] : memref<4x32x128xf32, #tpu.memory_space<vmem>> -> memref<1x32x128xf32, #tpu.memory_space<vmem>>
      %dma_wait3A_2229 = tpu.memref_squeeze %dma_wait3A_2228 : memref<1x32x128xf32, #tpu.memory_space<vmem>> -> memref<32x128xf32, #tpu.memory_space<vmem>>
      %dma_wait3A_2230 = arith.constant 0 : i32
      %dma_wait3A_2231 = tpu.memref_slice %arg4[%dma_wait3A_2230, %multiple_of3A_1957] : memref<32x1000000xf32, #tpu.memory_space<hbm>> -> memref<32x128xf32, #tpu.memory_space<hbm>>
      tpu.wait_dma2 semaphore(%arg22 : memref<!tpu.dma_semaphore, #tpu.memory_space<semaphore_mem>>) src(%dma_wait3A_2231 : memref<32x128xf32, #tpu.memory_space<hbm>>) dst(%dma_wait3A_2229 : memref<32x128xf32, #tpu.memory_space<vmem>>)
      %dma_wait3A_2232 = arith.constant 2 : i32
      %dma_wait3A_2233 = arith.constant 0 : i32
      %dma_wait3A_2234 = arith.constant 0 : i32
      %dma_wait3A_2235 = tpu.memref_slice %arg15[%dma_wait3A_2232, %dma_wait3A_2233, %dma_wait3A_2234] : memref<4x32x128xf32, #tpu.memory_space<vmem>> -> memref<1x32x128xf32, #tpu.memory_space<vmem>>
      %dma_wait3A_2236 = tpu.memref_squeeze %dma_wait3A_2235 : memref<1x32x128xf32, #tpu.memory_space<vmem>> -> memref<32x128xf32, #tpu.memory_space<vmem>>
      %dma_wait3A_2237 = arith.constant 0 : i32
      %dma_wait3A_2238 = tpu.memref_slice %arg5[%dma_wait3A_2237, %multiple_of3A_1964] : memref<32x1000000xf32, #tpu.memory_space<hbm>> -> memref<32x128xf32, #tpu.memory_space<hbm>>
      %dma_wait3A_2239 = arith.constant 0 : i32
      %dma_wait3A_2240 = arith.constant 0 : i32
      %dma_wait3A_2241 = tpu.memref_slice %arg15[%dma_wait3A_2232, %dma_wait3A_2239, %dma_wait3A_2240] : memref<4x32x128xf32, #tpu.memory_space<vmem>> -> memref<1x32x128xf32, #tpu.memory_space<vmem>>
      %dma_wait3A_2242 = tpu.memref_squeeze %dma_wait3A_2241 : memref<1x32x128xf32, #tpu.memory_space<vmem>> -> memref<32x128xf32, #tpu.memory_space<vmem>>
      %dma_wait3A_2243 = arith.constant 0 : i32
      %dma_wait3A_2244 = tpu.memref_slice %arg5[%dma_wait3A_2243, %multiple_of3A_1964] : memref<32x1000000xf32, #tpu.memory_space<hbm>> -> memref<32x128xf32, #tpu.memory_space<hbm>>
      tpu.wait_dma2 semaphore(%arg22 : memref<!tpu.dma_semaphore, #tpu.memory_space<semaphore_mem>>) src(%dma_wait3A_2244 : memref<32x128xf32, #tpu.memory_space<hbm>>) dst(%dma_wait3A_2242 : memref<32x128xf32, #tpu.memory_space<vmem>>)
      %dma_wait3A_2245 = arith.constant 2 : i32
      %dma_wait3A_2246 = arith.constant 0 : i32
      %dma_wait3A_2247 = arith.constant 0 : i32
      %dma_wait3A_2248 = tpu.memref_slice %arg16[%dma_wait3A_2245, %dma_wait3A_2246, %dma_wait3A_2247] : memref<4x16x128xf32, #tpu.memory_space<vmem>> -> memref<1x16x128xf32, #tpu.memory_space<vmem>>
      %dma_wait3A_2249 = tpu.memref_squeeze %dma_wait3A_2248 : memref<1x16x128xf32, #tpu.memory_space<vmem>> -> memref<16x128xf32, #tpu.memory_space<vmem>>
      %dma_wait3A_2250 = arith.constant 0 : i32
      %dma_wait3A_2251 = tpu.memref_slice %arg6[%dma_wait3A_2250, %multiple_of3A_1957] : memref<16x1000000xf32, #tpu.memory_space<hbm>> -> memref<16x128xf32, #tpu.memory_space<hbm>>
      %dma_wait3A_2252 = arith.constant 0 : i32
      %dma_wait3A_2253 = arith.constant 0 : i32
      %dma_wait3A_2254 = tpu.memref_slice %arg16[%dma_wait3A_2245, %dma_wait3A_2252, %dma_wait3A_2253] : memref<4x16x128xf32, #tpu.memory_space<vmem>> -> memref<1x16x128xf32, #tpu.memory_space<vmem>>
      %dma_wait3A_2255 = tpu.memref_squeeze %dma_wait3A_2254 : memref<1x16x128xf32, #tpu.memory_space<vmem>> -> memref<16x128xf32, #tpu.memory_space<vmem>>
      %dma_wait3A_2256 = arith.constant 0 : i32
      %dma_wait3A_2257 = tpu.memref_slice %arg6[%dma_wait3A_2256, %multiple_of3A_1957] : memref<16x1000000xf32, #tpu.memory_space<hbm>> -> memref<16x128xf32, #tpu.memory_space<hbm>>
      tpu.wait_dma2 semaphore(%arg22 : memref<!tpu.dma_semaphore, #tpu.memory_space<semaphore_mem>>) src(%dma_wait3A_2257 : memref<16x128xf32, #tpu.memory_space<hbm>>) dst(%dma_wait3A_2255 : memref<16x128xf32, #tpu.memory_space<vmem>>)
      %dma_wait3A_2258 = arith.constant 2 : i32
      %dma_wait3A_2259 = arith.constant 0 : i32
      %dma_wait3A_2260 = arith.constant 0 : i32
      %dma_wait3A_2261 = tpu.memref_slice %arg17[%dma_wait3A_2258, %dma_wait3A_2259, %dma_wait3A_2260] : memref<4x16x128xf32, #tpu.memory_space<vmem>> -> memref<1x16x128xf32, #tpu.memory_space<vmem>>
      %dma_wait3A_2262 = tpu.memref_squeeze %dma_wait3A_2261 : memref<1x16x128xf32, #tpu.memory_space<vmem>> -> memref<16x128xf32, #tpu.memory_space<vmem>>
      %dma_wait3A_2263 = arith.constant 0 : i32
      %dma_wait3A_2264 = tpu.memref_slice %arg7[%dma_wait3A_2263, %multiple_of3A_1964] : memref<16x1000000xf32, #tpu.memory_space<hbm>> -> memref<16x128xf32, #tpu.memory_space<hbm>>
      %dma_wait3A_2265 = arith.constant 0 : i32
      %dma_wait3A_2266 = arith.constant 0 : i32
      %dma_wait3A_2267 = tpu.memref_slice %arg17[%dma_wait3A_2258, %dma_wait3A_2265, %dma_wait3A_2266] : memref<4x16x128xf32, #tpu.memory_space<vmem>> -> memref<1x16x128xf32, #tpu.memory_space<vmem>>
      %dma_wait3A_2268 = tpu.memref_squeeze %dma_wait3A_2267 : memref<1x16x128xf32, #tpu.memory_space<vmem>> -> memref<16x128xf32, #tpu.memory_space<vmem>>
      %dma_wait3A_2269 = arith.constant 0 : i32
      %dma_wait3A_2270 = tpu.memref_slice %arg7[%dma_wait3A_2269, %multiple_of3A_1964] : memref<16x1000000xf32, #tpu.memory_space<hbm>> -> memref<16x128xf32, #tpu.memory_space<hbm>>
      tpu.wait_dma2 semaphore(%arg22 : memref<!tpu.dma_semaphore, #tpu.memory_space<semaphore_mem>>) src(%dma_wait3A_2270 : memref<16x128xf32, #tpu.memory_space<hbm>>) dst(%dma_wait3A_2268 : memref<16x128xf32, #tpu.memory_space<vmem>>)
      %dma_wait3A_2271 = arith.constant 3 : i32
      %dma_wait3A_2272 = arith.constant 0 : i32
      %dma_wait3A_2273 = arith.constant 0 : i32
      %dma_wait3A_2274 = tpu.memref_slice %arg14[%dma_wait3A_2271, %dma_wait3A_2272, %dma_wait3A_2273] : memref<4x32x128xf32, #tpu.memory_space<vmem>> -> memref<1x32x128xf32, #tpu.memory_space<vmem>>
      %dma_wait3A_2275 = tpu.memref_squeeze %dma_wait3A_2274 : memref<1x32x128xf32, #tpu.memory_space<vmem>> -> memref<32x128xf32, #tpu.memory_space<vmem>>
      %dma_wait3A_2276 = arith.constant 0 : i32
      %dma_wait3A_2277 = tpu.memref_slice %arg4[%dma_wait3A_2276, %multiple_of3A_2049] : memref<32x1000000xf32, #tpu.memory_space<hbm>> -> memref<32x128xf32, #tpu.memory_space<hbm>>
      %dma_wait3A_2278 = arith.constant 0 : i32
      %dma_wait3A_2279 = arith.constant 0 : i32
      %dma_wait3A_2280 = tpu.memref_slice %arg14[%dma_wait3A_2271, %dma_wait3A_2278, %dma_wait3A_2279] : memref<4x32x128xf32, #tpu.memory_space<vmem>> -> memref<1x32x128xf32, #tpu.memory_space<vmem>>
      %dma_wait3A_2281 = tpu.memref_squeeze %dma_wait3A_2280 : memref<1x32x128xf32, #tpu.memory_space<vmem>> -> memref<32x128xf32, #tpu.memory_space<vmem>>
      %dma_wait3A_2282 = arith.constant 0 : i32
      %dma_wait3A_2283 = tpu.memref_slice %arg4[%dma_wait3A_2282, %multiple_of3A_2049] : memref<32x1000000xf32, #tpu.memory_space<hbm>> -> memref<32x128xf32, #tpu.memory_space<hbm>>
      tpu.wait_dma2 semaphore(%arg22 : memref<!tpu.dma_semaphore, #tpu.memory_space<semaphore_mem>>) src(%dma_wait3A_2283 : memref<32x128xf32, #tpu.memory_space<hbm>>) dst(%dma_wait3A_2281 : memref<32x128xf32, #tpu.memory_space<vmem>>)
      %dma_wait3A_2284 = arith.constant 3 : i32
      %dma_wait3A_2285 = arith.constant 0 : i32
      %dma_wait3A_2286 = arith.constant 0 : i32
      %dma_wait3A_2287 = tpu.memref_slice %arg15[%dma_wait3A_2284, %dma_wait3A_2285, %dma_wait3A_2286] : memref<4x32x128xf32, #tpu.memory_space<vmem>> -> memref<1x32x128xf32, #tpu.memory_space<vmem>>
      %dma_wait3A_2288 = tpu.memref_squeeze %dma_wait3A_2287 : memref<1x32x128xf32, #tpu.memory_space<vmem>> -> memref<32x128xf32, #tpu.memory_space<vmem>>
      %dma_wait3A_2289 = arith.constant 0 : i32
      %dma_wait3A_2290 = tpu.memref_slice %arg5[%dma_wait3A_2289, %multiple_of3A_2056] : memref<32x1000000xf32, #tpu.memory_space<hbm>> -> memref<32x128xf32, #tpu.memory_space<hbm>>
      %dma_wait3A_2291 = arith.constant 0 : i32
      %dma_wait3A_2292 = arith.constant 0 : i32
      %dma_wait3A_2293 = tpu.memref_slice %arg15[%dma_wait3A_2284, %dma_wait3A_2291, %dma_wait3A_2292] : memref<4x32x128xf32, #tpu.memory_space<vmem>> -> memref<1x32x128xf32, #tpu.memory_space<vmem>>
      %dma_wait3A_2294 = tpu.memref_squeeze %dma_wait3A_2293 : memref<1x32x128xf32, #tpu.memory_space<vmem>> -> memref<32x128xf32, #tpu.memory_space<vmem>>
      %dma_wait3A_2295 = arith.constant 0 : i32
      %dma_wait3A_2296 = tpu.memref_slice %arg5[%dma_wait3A_2295, %multiple_of3A_2056] : memref<32x1000000xf32, #tpu.memory_space<hbm>> -> memref<32x128xf32, #tpu.memory_space<hbm>>
      tpu.wait_dma2 semaphore(%arg22 : memref<!tpu.dma_semaphore, #tpu.memory_space<semaphore_mem>>) src(%dma_wait3A_2296 : memref<32x128xf32, #tpu.memory_space<hbm>>) dst(%dma_wait3A_2294 : memref<32x128xf32, #tpu.memory_space<vmem>>)
      %dma_wait3A_2297 = arith.constant 3 : i32
      %dma_wait3A_2298 = arith.constant 0 : i32
      %dma_wait3A_2299 = arith.constant 0 : i32
      %dma_wait3A_2300 = tpu.memref_slice %arg16[%dma_wait3A_2297, %dma_wait3A_2298, %dma_wait3A_2299] : memref<4x16x128xf32, #tpu.memory_space<vmem>> -> memref<1x16x128xf32, #tpu.memory_space<vmem>>
      %dma_wait3A_2301 = tpu.memref_squeeze %dma_wait3A_2300 : memref<1x16x128xf32, #tpu.memory_space<vmem>> -> memref<16x128xf32, #tpu.memory_space<vmem>>
      %dma_wait3A_2302 = arith.constant 0 : i32
      %dma_wait3A_2303 = tpu.memref_slice %arg6[%dma_wait3A_2302, %multiple_of3A_2049] : memref<16x1000000xf32, #tpu.memory_space<hbm>> -> memref<16x128xf32, #tpu.memory_space<hbm>>
      %dma_wait3A_2304 = arith.constant 0 : i32
      %dma_wait3A_2305 = arith.constant 0 : i32
      %dma_wait3A_2306 = tpu.memref_slice %arg16[%dma_wait3A_2297, %dma_wait3A_2304, %dma_wait3A_2305] : memref<4x16x128xf32, #tpu.memory_space<vmem>> -> memref<1x16x128xf32, #tpu.memory_space<vmem>>
      %dma_wait3A_2307 = tpu.memref_squeeze %dma_wait3A_2306 : memref<1x16x128xf32, #tpu.memory_space<vmem>> -> memref<16x128xf32, #tpu.memory_space<vmem>>
      %dma_wait3A_2308 = arith.constant 0 : i32
      %dma_wait3A_2309 = tpu.memref_slice %arg6[%dma_wait3A_2308, %multiple_of3A_2049] : memref<16x1000000xf32, #tpu.memory_space<hbm>> -> memref<16x128xf32, #tpu.memory_space<hbm>>
      tpu.wait_dma2 semaphore(%arg22 : memref<!tpu.dma_semaphore, #tpu.memory_space<semaphore_mem>>) src(%dma_wait3A_2309 : memref<16x128xf32, #tpu.memory_space<hbm>>) dst(%dma_wait3A_2307 : memref<16x128xf32, #tpu.memory_space<vmem>>)
      %dma_wait3A_2310 = arith.constant 3 : i32
      %dma_wait3A_2311 = arith.constant 0 : i32
      %dma_wait3A_2312 = arith.constant 0 : i32
      %dma_wait3A_2313 = tpu.memref_slice %arg17[%dma_wait3A_2310, %dma_wait3A_2311, %dma_wait3A_2312] : memref<4x16x128xf32, #tpu.memory_space<vmem>> -> memref<1x16x128xf32, #tpu.memory_space<vmem>>
      %dma_wait3A_2314 = tpu.memref_squeeze %dma_wait3A_2313 : memref<1x16x128xf32, #tpu.memory_space<vmem>> -> memref<16x128xf32, #tpu.memory_space<vmem>>
      %dma_wait3A_2315 = arith.constant 0 : i32
      %dma_wait3A_2316 = tpu.memref_slice %arg7[%dma_wait3A_2315, %multiple_of3A_2056] : memref<16x1000000xf32, #tpu.memory_space<hbm>> -> memref<16x128xf32, #tpu.memory_space<hbm>>
      %dma_wait3A_2317 = arith.constant 0 : i32
      %dma_wait3A_2318 = arith.constant 0 : i32
      %dma_wait3A_2319 = tpu.memref_slice %arg17[%dma_wait3A_2310, %dma_wait3A_2317, %dma_wait3A_2318] : memref<4x16x128xf32, #tpu.memory_space<vmem>> -> memref<1x16x128xf32, #tpu.memory_space<vmem>>
      %dma_wait3A_2320 = tpu.memref_squeeze %dma_wait3A_2319 : memref<1x16x128xf32, #tpu.memory_space<vmem>> -> memref<16x128xf32, #tpu.memory_space<vmem>>
      %dma_wait3A_2321 = arith.constant 0 : i32
      %dma_wait3A_2322 = tpu.memref_slice %arg7[%dma_wait3A_2321, %multiple_of3A_2056] : memref<16x1000000xf32, #tpu.memory_space<hbm>> -> memref<16x128xf32, #tpu.memory_space<hbm>>
      tpu.wait_dma2 semaphore(%arg22 : memref<!tpu.dma_semaphore, #tpu.memory_space<semaphore_mem>>) src(%dma_wait3A_2322 : memref<16x128xf32, #tpu.memory_space<hbm>>) dst(%dma_wait3A_2320 : memref<16x128xf32, #tpu.memory_space<vmem>>)
      %mul3A_2323 = arith.constant 16 : i32
      %mul3A_2324 = arith.muli %scan3A_8, %mul3A_2323 : i32
      %add3A_2325 = arith.constant 8 : i32
      %add3A_2326 = arith.addi %mul3A_2324, %add3A_2325 : i32
      %add3A_2327 = arith.constant 0 : i32
      %add3A_2328 = arith.addi %add3A_2326, %add3A_2327 : i32
      %broadcast_in_dim3A_2329 = vector.broadcast %min3A_1783 : i32 to vector<16xi32>
      %broadcast_in_dim3A_2330 = vector.broadcast %add3A_2328 : i32 to vector<16xi32>
      %iota3A_2331 = tpu.iota {dimensions = array<i32: 0>} : vector<16xi32>
      %add3A_2332 = arith.constant 0 : i32
      %add3A_2333 = vector.broadcast %add3A_2332 : i32 to vector<16xi32>
      %add3A_2334 = arith.addi %iota3A_2331, %add3A_2333 : vector<16xi32>
      %gather3A_2335 = arith.constant 0 : i32
      %gather3A_2336 = arith.constant 0 : i32
      %gather3A_2337 = arith.constant 0 : i32
      %gather3A_2338 = tpu.memref_slice %arg14[%gather3A_2335, %gather3A_2336, %gather3A_2337] : memref<4x32x128xf32, #tpu.memory_space<vmem>> -> memref<1x32x128xf32, #tpu.memory_space<vmem>>
      %gather3A_2339 = tpu.memref_squeeze %gather3A_2338 : memref<1x32x128xf32, #tpu.memory_space<vmem>> -> memref<32x128xf32, #tpu.memory_space<vmem>>
      %gather3A_2340 = tpu.vector_load_idx %gather3A_2339[%add3A_2334, %broadcast_in_dim3A_2329] : memref<32x128xf32, #tpu.memory_space<vmem>>[vector<16xi32>, vector<16xi32>], vector<16xf32>,
      tpu.vector_store_idx %arg18[%add3A_2334, %broadcast_in_dim3A_2330], %gather3A_2340 : memref<32x512xf32, #tpu.memory_space<vmem>>[vector<16xi32>, vector<16xi32>], vector<16xf32>,
      %iota3A_2341 = tpu.iota {dimensions = array<i32: 0>} : vector<16xi32>
      %add3A_2342 = arith.constant 16 : i32
      %add3A_2343 = vector.broadcast %add3A_2342 : i32 to vector<16xi32>
      %add3A_2344 = arith.addi %iota3A_2341, %add3A_2343 : vector<16xi32>
      %gather3A_2345 = arith.constant 0 : i32
      %gather3A_2346 = arith.constant 0 : i32
      %gather3A_2347 = arith.constant 0 : i32
      %gather3A_2348 = tpu.memref_slice %arg14[%gather3A_2345, %gather3A_2346, %gather3A_2347] : memref<4x32x128xf32, #tpu.memory_space<vmem>> -> memref<1x32x128xf32, #tpu.memory_space<vmem>>
      %gather3A_2349 = tpu.memref_squeeze %gather3A_2348 : memref<1x32x128xf32, #tpu.memory_space<vmem>> -> memref<32x128xf32, #tpu.memory_space<vmem>>
      %gather3A_2350 = tpu.vector_load_idx %gather3A_2349[%add3A_2344, %broadcast_in_dim3A_2329] : memref<32x128xf32, #tpu.memory_space<vmem>>[vector<16xi32>, vector<16xi32>], vector<16xf32>,
      tpu.vector_store_idx %arg18[%add3A_2344, %broadcast_in_dim3A_2330], %gather3A_2350 : memref<32x512xf32, #tpu.memory_space<vmem>>[vector<16xi32>, vector<16xi32>], vector<16xf32>,
      %broadcast_in_dim3A_2351 = vector.broadcast %min3A_1786 : i32 to vector<16xi32>
      %broadcast_in_dim3A_2352 = vector.broadcast %add3A_2328 : i32 to vector<16xi32>
      %iota3A_2353 = tpu.iota {dimensions = array<i32: 0>} : vector<16xi32>
      %add3A_2354 = arith.constant 0 : i32
      %add3A_2355 = vector.broadcast %add3A_2354 : i32 to vector<16xi32>
      %add3A_2356 = arith.addi %iota3A_2353, %add3A_2355 : vector<16xi32>
      %gather3A_2357 = arith.constant 0 : i32
      %gather3A_2358 = arith.constant 0 : i32
      %gather3A_2359 = arith.constant 0 : i32
      %gather3A_2360 = tpu.memref_slice %arg15[%gather3A_2357, %gather3A_2358, %gather3A_2359] : memref<4x32x128xf32, #tpu.memory_space<vmem>> -> memref<1x32x128xf32, #tpu.memory_space<vmem>>
      %gather3A_2361 = tpu.memref_squeeze %gather3A_2360 : memref<1x32x128xf32, #tpu.memory_space<vmem>> -> memref<32x128xf32, #tpu.memory_space<vmem>>
      %gather3A_2362 = tpu.vector_load_idx %gather3A_2361[%add3A_2356, %broadcast_in_dim3A_2351] : memref<32x128xf32, #tpu.memory_space<vmem>>[vector<16xi32>, vector<16xi32>], vector<16xf32>,
      tpu.vector_store_idx %arg19[%add3A_2356, %broadcast_in_dim3A_2352], %gather3A_2362 : memref<32x512xf32, #tpu.memory_space<vmem>>[vector<16xi32>, vector<16xi32>], vector<16xf32>,
      %iota3A_2363 = tpu.iota {dimensions = array<i32: 0>} : vector<16xi32>
      %add3A_2364 = arith.constant 16 : i32
      %add3A_2365 = vector.broadcast %add3A_2364 : i32 to vector<16xi32>
      %add3A_2366 = arith.addi %iota3A_2363, %add3A_2365 : vector<16xi32>
      %gather3A_2367 = arith.constant 0 : i32
      %gather3A_2368 = arith.constant 0 : i32
      %gather3A_2369 = arith.constant 0 : i32
      %gather3A_2370 = tpu.memref_slice %arg15[%gather3A_2367, %gather3A_2368, %gather3A_2369] : memref<4x32x128xf32, #tpu.memory_space<vmem>> -> memref<1x32x128xf32, #tpu.memory_space<vmem>>
      %gather3A_2371 = tpu.memref_squeeze %gather3A_2370 : memref<1x32x128xf32, #tpu.memory_space<vmem>> -> memref<32x128xf32, #tpu.memory_space<vmem>>
      %gather3A_2372 = tpu.vector_load_idx %gather3A_2371[%add3A_2366, %broadcast_in_dim3A_2351] : memref<32x128xf32, #tpu.memory_space<vmem>>[vector<16xi32>, vector<16xi32>], vector<16xf32>,
      tpu.vector_store_idx %arg19[%add3A_2366, %broadcast_in_dim3A_2352], %gather3A_2372 : memref<32x512xf32, #tpu.memory_space<vmem>>[vector<16xi32>, vector<16xi32>], vector<16xf32>,
      %broadcast_in_dim3A_2373 = vector.broadcast %min3A_1783 : i32 to vector<16xi32>
      %broadcast_in_dim3A_2374 = vector.broadcast %add3A_2328 : i32 to vector<16xi32>
      %iota3A_2375 = tpu.iota {dimensions = array<i32: 0>} : vector<16xi32>
      %add3A_2376 = arith.constant 0 : i32
      %add3A_2377 = vector.broadcast %add3A_2376 : i32 to vector<16xi32>
      %add3A_2378 = arith.addi %iota3A_2375, %add3A_2377 : vector<16xi32>
      %gather3A_2379 = arith.constant 0 : i32
      %gather3A_2380 = arith.constant 0 : i32
      %gather3A_2381 = arith.constant 0 : i32
      %gather3A_2382 = tpu.memref_slice %arg16[%gather3A_2379, %gather3A_2380, %gather3A_2381] : memref<4x16x128xf32, #tpu.memory_space<vmem>> -> memref<1x16x128xf32, #tpu.memory_space<vmem>>
      %gather3A_2383 = tpu.memref_squeeze %gather3A_2382 : memref<1x16x128xf32, #tpu.memory_space<vmem>> -> memref<16x128xf32, #tpu.memory_space<vmem>>
      %gather3A_2384 = tpu.vector_load_idx %gather3A_2383[%add3A_2378, %broadcast_in_dim3A_2373] : memref<16x128xf32, #tpu.memory_space<vmem>>[vector<16xi32>, vector<16xi32>], vector<16xf32>,
      tpu.vector_store_idx %arg20[%add3A_2378, %broadcast_in_dim3A_2374], %gather3A_2384 : memref<16x512xf32, #tpu.memory_space<vmem>>[vector<16xi32>, vector<16xi32>], vector<16xf32>,
      %broadcast_in_dim3A_2385 = vector.broadcast %min3A_1786 : i32 to vector<16xi32>
      %broadcast_in_dim3A_2386 = vector.broadcast %add3A_2328 : i32 to vector<16xi32>
      %iota3A_2387 = tpu.iota {dimensions = array<i32: 0>} : vector<16xi32>
      %add3A_2388 = arith.constant 0 : i32
      %add3A_2389 = vector.broadcast %add3A_2388 : i32 to vector<16xi32>
      %add3A_2390 = arith.addi %iota3A_2387, %add3A_2389 : vector<16xi32>
      %gather3A_2391 = arith.constant 0 : i32
      %gather3A_2392 = arith.constant 0 : i32
      %gather3A_2393 = arith.constant 0 : i32
      %gather3A_2394 = tpu.memref_slice %arg17[%gather3A_2391, %gather3A_2392, %gather3A_2393] : memref<4x16x128xf32, #tpu.memory_space<vmem>> -> memref<1x16x128xf32, #tpu.memory_space<vmem>>
      %gather3A_2395 = tpu.memref_squeeze %gather3A_2394 : memref<1x16x128xf32, #tpu.memory_space<vmem>> -> memref<16x128xf32, #tpu.memory_space<vmem>>
      %gather3A_2396 = tpu.vector_load_idx %gather3A_2395[%add3A_2390, %broadcast_in_dim3A_2385] : memref<16x128xf32, #tpu.memory_space<vmem>>[vector<16xi32>, vector<16xi32>], vector<16xf32>,
      tpu.vector_store_idx %arg21[%add3A_2390, %broadcast_in_dim3A_2386], %gather3A_2396 : memref<16x512xf32, #tpu.memory_space<vmem>>[vector<16xi32>, vector<16xi32>], vector<16xf32>,
      %mul3A_2397 = arith.constant 16 : i32
      %mul3A_2398 = arith.muli %scan3A_8, %mul3A_2397 : i32
      %add3A_2399 = arith.constant 8 : i32
      %add3A_2400 = arith.addi %mul3A_2398, %add3A_2399 : i32
      %add3A_2401 = arith.constant 1 : i32
      %add3A_2402 = arith.addi %add3A_2400, %add3A_2401 : i32
      %broadcast_in_dim3A_2403 = vector.broadcast %min3A_1875 : i32 to vector<16xi32>
      %broadcast_in_dim3A_2404 = vector.broadcast %add3A_2402 : i32 to vector<16xi32>
      %iota3A_2405 = tpu.iota {dimensions = array<i32: 0>} : vector<16xi32>
      %add3A_2406 = arith.constant 0 : i32
      %add3A_2407 = vector.broadcast %add3A_2406 : i32 to vector<16xi32>
      %add3A_2408 = arith.addi %iota3A_2405, %add3A_2407 : vector<16xi32>
      %gather3A_2409 = arith.constant 1 : i32
      %gather3A_2410 = arith.constant 0 : i32
      %gather3A_2411 = arith.constant 0 : i32
      %gather3A_2412 = tpu.memref_slice %arg14[%gather3A_2409, %gather3A_2410, %gather3A_2411] : memref<4x32x128xf32, #tpu.memory_space<vmem>> -> memref<1x32x128xf32, #tpu.memory_space<vmem>>
      %gather3A_2413 = tpu.memref_squeeze %gather3A_2412 : memref<1x32x128xf32, #tpu.memory_space<vmem>> -> memref<32x128xf32, #tpu.memory_space<vmem>>
      %gather3A_2414 = tpu.vector_load_idx %gather3A_2413[%add3A_2408, %broadcast_in_dim3A_2403] : memref<32x128xf32, #tpu.memory_space<vmem>>[vector<16xi32>, vector<16xi32>], vector<16xf32>,
      tpu.vector_store_idx %arg18[%add3A_2408, %broadcast_in_dim3A_2404], %gather3A_2414 : memref<32x512xf32, #tpu.memory_space<vmem>>[vector<16xi32>, vector<16xi32>], vector<16xf32>,
      %iota3A_2415 = tpu.iota {dimensions = array<i32: 0>} : vector<16xi32>
      %add3A_2416 = arith.constant 16 : i32
      %add3A_2417 = vector.broadcast %add3A_2416 : i32 to vector<16xi32>
      %add3A_2418 = arith.addi %iota3A_2415, %add3A_2417 : vector<16xi32>
      %gather3A_2419 = arith.constant 1 : i32
      %gather3A_2420 = arith.constant 0 : i32
      %gather3A_2421 = arith.constant 0 : i32
      %gather3A_2422 = tpu.memref_slice %arg14[%gather3A_2419, %gather3A_2420, %gather3A_2421] : memref<4x32x128xf32, #tpu.memory_space<vmem>> -> memref<1x32x128xf32, #tpu.memory_space<vmem>>
      %gather3A_2423 = tpu.memref_squeeze %gather3A_2422 : memref<1x32x128xf32, #tpu.memory_space<vmem>> -> memref<32x128xf32, #tpu.memory_space<vmem>>
      %gather3A_2424 = tpu.vector_load_idx %gather3A_2423[%add3A_2418, %broadcast_in_dim3A_2403] : memref<32x128xf32, #tpu.memory_space<vmem>>[vector<16xi32>, vector<16xi32>], vector<16xf32>,
      tpu.vector_store_idx %arg18[%add3A_2418, %broadcast_in_dim3A_2404], %gather3A_2424 : memref<32x512xf32, #tpu.memory_space<vmem>>[vector<16xi32>, vector<16xi32>], vector<16xf32>,
      %broadcast_in_dim3A_2425 = vector.broadcast %min3A_1878 : i32 to vector<16xi32>
      %broadcast_in_dim3A_2426 = vector.broadcast %add3A_2402 : i32 to vector<16xi32>
      %iota3A_2427 = tpu.iota {dimensions = array<i32: 0>} : vector<16xi32>
      %add3A_2428 = arith.constant 0 : i32
      %add3A_2429 = vector.broadcast %add3A_2428 : i32 to vector<16xi32>
      %add3A_2430 = arith.addi %iota3A_2427, %add3A_2429 : vector<16xi32>
      %gather3A_2431 = arith.constant 1 : i32
      %gather3A_2432 = arith.constant 0 : i32
      %gather3A_2433 = arith.constant 0 : i32
      %gather3A_2434 = tpu.memref_slice %arg15[%gather3A_2431, %gather3A_2432, %gather3A_2433] : memref<4x32x128xf32, #tpu.memory_space<vmem>> -> memref<1x32x128xf32, #tpu.memory_space<vmem>>
      %gather3A_2435 = tpu.memref_squeeze %gather3A_2434 : memref<1x32x128xf32, #tpu.memory_space<vmem>> -> memref<32x128xf32, #tpu.memory_space<vmem>>
      %gather3A_2436 = tpu.vector_load_idx %gather3A_2435[%add3A_2430, %broadcast_in_dim3A_2425] : memref<32x128xf32, #tpu.memory_space<vmem>>[vector<16xi32>, vector<16xi32>], vector<16xf32>,
      tpu.vector_store_idx %arg19[%add3A_2430, %broadcast_in_dim3A_2426], %gather3A_2436 : memref<32x512xf32, #tpu.memory_space<vmem>>[vector<16xi32>, vector<16xi32>], vector<16xf32>,
      %iota3A_2437 = tpu.iota {dimensions = array<i32: 0>} : vector<16xi32>
      %add3A_2438 = arith.constant 16 : i32
      %add3A_2439 = vector.broadcast %add3A_2438 : i32 to vector<16xi32>
      %add3A_2440 = arith.addi %iota3A_2437, %add3A_2439 : vector<16xi32>
      %gather3A_2441 = arith.constant 1 : i32
      %gather3A_2442 = arith.constant 0 : i32
      %gather3A_2443 = arith.constant 0 : i32
      %gather3A_2444 = tpu.memref_slice %arg15[%gather3A_2441, %gather3A_2442, %gather3A_2443] : memref<4x32x128xf32, #tpu.memory_space<vmem>> -> memref<1x32x128xf32, #tpu.memory_space<vmem>>
      %gather3A_2445 = tpu.memref_squeeze %gather3A_2444 : memref<1x32x128xf32, #tpu.memory_space<vmem>> -> memref<32x128xf32, #tpu.memory_space<vmem>>
      %gather3A_2446 = tpu.vector_load_idx %gather3A_2445[%add3A_2440, %broadcast_in_dim3A_2425] : memref<32x128xf32, #tpu.memory_space<vmem>>[vector<16xi32>, vector<16xi32>], vector<16xf32>,
      tpu.vector_store_idx %arg19[%add3A_2440, %broadcast_in_dim3A_2426], %gather3A_2446 : memref<32x512xf32, #tpu.memory_space<vmem>>[vector<16xi32>, vector<16xi32>], vector<16xf32>,
      %broadcast_in_dim3A_2447 = vector.broadcast %min3A_1875 : i32 to vector<16xi32>
      %broadcast_in_dim3A_2448 = vector.broadcast %add3A_2402 : i32 to vector<16xi32>
      %iota3A_2449 = tpu.iota {dimensions = array<i32: 0>} : vector<16xi32>
      %add3A_2450 = arith.constant 0 : i32
      %add3A_2451 = vector.broadcast %add3A_2450 : i32 to vector<16xi32>
      %add3A_2452 = arith.addi %iota3A_2449, %add3A_2451 : vector<16xi32>
      %gather3A_2453 = arith.constant 1 : i32
      %gather3A_2454 = arith.constant 0 : i32
      %gather3A_2455 = arith.constant 0 : i32
      %gather3A_2456 = tpu.memref_slice %arg16[%gather3A_2453, %gather3A_2454, %gather3A_2455] : memref<4x16x128xf32, #tpu.memory_space<vmem>> -> memref<1x16x128xf32, #tpu.memory_space<vmem>>
      %gather3A_2457 = tpu.memref_squeeze %gather3A_2456 : memref<1x16x128xf32, #tpu.memory_space<vmem>> -> memref<16x128xf32, #tpu.memory_space<vmem>>
      %gather3A_2458 = tpu.vector_load_idx %gather3A_2457[%add3A_2452, %broadcast_in_dim3A_2447] : memref<16x128xf32, #tpu.memory_space<vmem>>[vector<16xi32>, vector<16xi32>], vector<16xf32>,
      tpu.vector_store_idx %arg20[%add3A_2452, %broadcast_in_dim3A_2448], %gather3A_2458 : memref<16x512xf32, #tpu.memory_space<vmem>>[vector<16xi32>, vector<16xi32>], vector<16xf32>,
      %broadcast_in_dim3A_2459 = vector.broadcast %min3A_1878 : i32 to vector<16xi32>
      %broadcast_in_dim3A_2460 = vector.broadcast %add3A_2402 : i32 to vector<16xi32>
      %iota3A_2461 = tpu.iota {dimensions = array<i32: 0>} : vector<16xi32>
      %add3A_2462 = arith.constant 0 : i32
      %add3A_2463 = vector.broadcast %add3A_2462 : i32 to vector<16xi32>
      %add3A_2464 = arith.addi %iota3A_2461, %add3A_2463 : vector<16xi32>
      %gather3A_2465 = arith.constant 1 : i32
      %gather3A_2466 = arith.constant 0 : i32
      %gather3A_2467 = arith.constant 0 : i32
      %gather3A_2468 = tpu.memref_slice %arg17[%gather3A_2465, %gather3A_2466, %gather3A_2467] : memref<4x16x128xf32, #tpu.memory_space<vmem>> -> memref<1x16x128xf32, #tpu.memory_space<vmem>>
      %gather3A_2469 = tpu.memref_squeeze %gather3A_2468 : memref<1x16x128xf32, #tpu.memory_space<vmem>> -> memref<16x128xf32, #tpu.memory_space<vmem>>
      %gather3A_2470 = tpu.vector_load_idx %gather3A_2469[%add3A_2464, %broadcast_in_dim3A_2459] : memref<16x128xf32, #tpu.memory_space<vmem>>[vector<16xi32>, vector<16xi32>], vector<16xf32>,
      tpu.vector_store_idx %arg21[%add3A_2464, %broadcast_in_dim3A_2460], %gather3A_2470 : memref<16x512xf32, #tpu.memory_space<vmem>>[vector<16xi32>, vector<16xi32>], vector<16xf32>,
      %mul3A_2471 = arith.constant 16 : i32
      %mul3A_2472 = arith.muli %scan3A_8, %mul3A_2471 : i32
      %add3A_2473 = arith.constant 8 : i32
      %add3A_2474 = arith.addi %mul3A_2472, %add3A_2473 : i32
      %add3A_2475 = arith.constant 2 : i32
      %add3A_2476 = arith.addi %add3A_2474, %add3A_2475 : i32
      %broadcast_in_dim3A_2477 = vector.broadcast %min3A_1967 : i32 to vector<16xi32>
      %broadcast_in_dim3A_2478 = vector.broadcast %add3A_2476 : i32 to vector<16xi32>
      %iota3A_2479 = tpu.iota {dimensions = array<i32: 0>} : vector<16xi32>
      %add3A_2480 = arith.constant 0 : i32
      %add3A_2481 = vector.broadcast %add3A_2480 : i32 to vector<16xi32>
      %add3A_2482 = arith.addi %iota3A_2479, %add3A_2481 : vector<16xi32>
      %gather3A_2483 = arith.constant 2 : i32
      %gather3A_2484 = arith.constant 0 : i32
      %gather3A_2485 = arith.constant 0 : i32
      %gather3A_2486 = tpu.memref_slice %arg14[%gather3A_2483, %gather3A_2484, %gather3A_2485] : memref<4x32x128xf32, #tpu.memory_space<vmem>> -> memref<1x32x128xf32, #tpu.memory_space<vmem>>
      %gather3A_2487 = tpu.memref_squeeze %gather3A_2486 : memref<1x32x128xf32, #tpu.memory_space<vmem>> -> memref<32x128xf32, #tpu.memory_space<vmem>>
      %gather3A_2488 = tpu.vector_load_idx %gather3A_2487[%add3A_2482, %broadcast_in_dim3A_2477] : memref<32x128xf32, #tpu.memory_space<vmem>>[vector<16xi32>, vector<16xi32>], vector<16xf32>,
      tpu.vector_store_idx %arg18[%add3A_2482, %broadcast_in_dim3A_2478], %gather3A_2488 : memref<32x512xf32, #tpu.memory_space<vmem>>[vector<16xi32>, vector<16xi32>], vector<16xf32>,
      %iota3A_2489 = tpu.iota {dimensions = array<i32: 0>} : vector<16xi32>
      %add3A_2490 = arith.constant 16 : i32
      %add3A_2491 = vector.broadcast %add3A_2490 : i32 to vector<16xi32>
      %add3A_2492 = arith.addi %iota3A_2489, %add3A_2491 : vector<16xi32>
      %gather3A_2493 = arith.constant 2 : i32
      %gather3A_2494 = arith.constant 0 : i32
      %gather3A_2495 = arith.constant 0 : i32
      %gather3A_2496 = tpu.memref_slice %arg14[%gather3A_2493, %gather3A_2494, %gather3A_2495] : memref<4x32x128xf32, #tpu.memory_space<vmem>> -> memref<1x32x128xf32, #tpu.memory_space<vmem>>
      %gather3A_2497 = tpu.memref_squeeze %gather3A_2496 : memref<1x32x128xf32, #tpu.memory_space<vmem>> -> memref<32x128xf32, #tpu.memory_space<vmem>>
      %gather3A_2498 = tpu.vector_load_idx %gather3A_2497[%add3A_2492, %broadcast_in_dim3A_2477] : memref<32x128xf32, #tpu.memory_space<vmem>>[vector<16xi32>, vector<16xi32>], vector<16xf32>,
      tpu.vector_store_idx %arg18[%add3A_2492, %broadcast_in_dim3A_2478], %gather3A_2498 : memref<32x512xf32, #tpu.memory_space<vmem>>[vector<16xi32>, vector<16xi32>], vector<16xf32>,
      %broadcast_in_dim3A_2499 = vector.broadcast %min3A_1970 : i32 to vector<16xi32>
      %broadcast_in_dim3A_2500 = vector.broadcast %add3A_2476 : i32 to vector<16xi32>
      %iota3A_2501 = tpu.iota {dimensions = array<i32: 0>} : vector<16xi32>
      %add3A_2502 = arith.constant 0 : i32
      %add3A_2503 = vector.broadcast %add3A_2502 : i32 to vector<16xi32>
      %add3A_2504 = arith.addi %iota3A_2501, %add3A_2503 : vector<16xi32>
      %gather3A_2505 = arith.constant 2 : i32
      %gather3A_2506 = arith.constant 0 : i32
      %gather3A_2507 = arith.constant 0 : i32
      %gather3A_2508 = tpu.memref_slice %arg15[%gather3A_2505, %gather3A_2506, %gather3A_2507] : memref<4x32x128xf32, #tpu.memory_space<vmem>> -> memref<1x32x128xf32, #tpu.memory_space<vmem>>
      %gather3A_2509 = tpu.memref_squeeze %gather3A_2508 : memref<1x32x128xf32, #tpu.memory_space<vmem>> -> memref<32x128xf32, #tpu.memory_space<vmem>>
      %gather3A_2510 = tpu.vector_load_idx %gather3A_2509[%add3A_2504, %broadcast_in_dim3A_2499] : memref<32x128xf32, #tpu.memory_space<vmem>>[vector<16xi32>, vector<16xi32>], vector<16xf32>,
      tpu.vector_store_idx %arg19[%add3A_2504, %broadcast_in_dim3A_2500], %gather3A_2510 : memref<32x512xf32, #tpu.memory_space<vmem>>[vector<16xi32>, vector<16xi32>], vector<16xf32>,
      %iota3A_2511 = tpu.iota {dimensions = array<i32: 0>} : vector<16xi32>
      %add3A_2512 = arith.constant 16 : i32
      %add3A_2513 = vector.broadcast %add3A_2512 : i32 to vector<16xi32>
      %add3A_2514 = arith.addi %iota3A_2511, %add3A_2513 : vector<16xi32>
      %gather3A_2515 = arith.constant 2 : i32
      %gather3A_2516 = arith.constant 0 : i32
      %gather3A_2517 = arith.constant 0 : i32
      %gather3A_2518 = tpu.memref_slice %arg15[%gather3A_2515, %gather3A_2516, %gather3A_2517] : memref<4x32x128xf32, #tpu.memory_space<vmem>> -> memref<1x32x128xf32, #tpu.memory_space<vmem>>
      %gather3A_2519 = tpu.memref_squeeze %gather3A_2518 : memref<1x32x128xf32, #tpu.memory_space<vmem>> -> memref<32x128xf32, #tpu.memory_space<vmem>>
      %gather3A_2520 = tpu.vector_load_idx %gather3A_2519[%add3A_2514, %broadcast_in_dim3A_2499] : memref<32x128xf32, #tpu.memory_space<vmem>>[vector<16xi32>, vector<16xi32>], vector<16xf32>,
      tpu.vector_store_idx %arg19[%add3A_2514, %broadcast_in_dim3A_2500], %gather3A_2520 : memref<32x512xf32, #tpu.memory_space<vmem>>[vector<16xi32>, vector<16xi32>], vector<16xf32>,
      %broadcast_in_dim3A_2521 = vector.broadcast %min3A_1967 : i32 to vector<16xi32>
      %broadcast_in_dim3A_2522 = vector.broadcast %add3A_2476 : i32 to vector<16xi32>
      %iota3A_2523 = tpu.iota {dimensions = array<i32: 0>} : vector<16xi32>
      %add3A_2524 = arith.constant 0 : i32
      %add3A_2525 = vector.broadcast %add3A_2524 : i32 to vector<16xi32>
      %add3A_2526 = arith.addi %iota3A_2523, %add3A_2525 : vector<16xi32>
      %gather3A_2527 = arith.constant 2 : i32
      %gather3A_2528 = arith.constant 0 : i32
      %gather3A_2529 = arith.constant 0 : i32
      %gather3A_2530 = tpu.memref_slice %arg16[%gather3A_2527, %gather3A_2528, %gather3A_2529] : memref<4x16x128xf32, #tpu.memory_space<vmem>> -> memref<1x16x128xf32, #tpu.memory_space<vmem>>
      %gather3A_2531 = tpu.memref_squeeze %gather3A_2530 : memref<1x16x128xf32, #tpu.memory_space<vmem>> -> memref<16x128xf32, #tpu.memory_space<vmem>>
      %gather3A_2532 = tpu.vector_load_idx %gather3A_2531[%add3A_2526, %broadcast_in_dim3A_2521] : memref<16x128xf32, #tpu.memory_space<vmem>>[vector<16xi32>, vector<16xi32>], vector<16xf32>,
      tpu.vector_store_idx %arg20[%add3A_2526, %broadcast_in_dim3A_2522], %gather3A_2532 : memref<16x512xf32, #tpu.memory_space<vmem>>[vector<16xi32>, vector<16xi32>], vector<16xf32>,
      %broadcast_in_dim3A_2533 = vector.broadcast %min3A_1970 : i32 to vector<16xi32>
      %broadcast_in_dim3A_2534 = vector.broadcast %add3A_2476 : i32 to vector<16xi32>
      %iota3A_2535 = tpu.iota {dimensions = array<i32: 0>} : vector<16xi32>
      %add3A_2536 = arith.constant 0 : i32
      %add3A_2537 = vector.broadcast %add3A_2536 : i32 to vector<16xi32>
      %add3A_2538 = arith.addi %iota3A_2535, %add3A_2537 : vector<16xi32>
      %gather3A_2539 = arith.constant 2 : i32
      %gather3A_2540 = arith.constant 0 : i32
      %gather3A_2541 = arith.constant 0 : i32
      %gather3A_2542 = tpu.memref_slice %arg17[%gather3A_2539, %gather3A_2540, %gather3A_2541] : memref<4x16x128xf32, #tpu.memory_space<vmem>> -> memref<1x16x128xf32, #tpu.memory_space<vmem>>
      %gather3A_2543 = tpu.memref_squeeze %gather3A_2542 : memref<1x16x128xf32, #tpu.memory_space<vmem>> -> memref<16x128xf32, #tpu.memory_space<vmem>>
      %gather3A_2544 = tpu.vector_load_idx %gather3A_2543[%add3A_2538, %broadcast_in_dim3A_2533] : memref<16x128xf32, #tpu.memory_space<vmem>>[vector<16xi32>, vector<16xi32>], vector<16xf32>,
      tpu.vector_store_idx %arg21[%add3A_2538, %broadcast_in_dim3A_2534], %gather3A_2544 : memref<16x512xf32, #tpu.memory_space<vmem>>[vector<16xi32>, vector<16xi32>], vector<16xf32>,
      %mul3A_2545 = arith.constant 16 : i32
      %mul3A_2546 = arith.muli %scan3A_8, %mul3A_2545 : i32
      %add3A_2547 = arith.constant 8 : i32
      %add3A_2548 = arith.addi %mul3A_2546, %add3A_2547 : i32
      %add3A_2549 = arith.constant 3 : i32
      %add3A_2550 = arith.addi %add3A_2548, %add3A_2549 : i32
      %broadcast_in_dim3A_2551 = vector.broadcast %min3A_2059 : i32 to vector<16xi32>
      %broadcast_in_dim3A_2552 = vector.broadcast %add3A_2550 : i32 to vector<16xi32>
      %iota3A_2553 = tpu.iota {dimensions = array<i32: 0>} : vector<16xi32>
      %add3A_2554 = arith.constant 0 : i32
      %add3A_2555 = vector.broadcast %add3A_2554 : i32 to vector<16xi32>
      %add3A_2556 = arith.addi %iota3A_2553, %add3A_2555 : vector<16xi32>
      %gather3A_2557 = arith.constant 3 : i32
      %gather3A_2558 = arith.constant 0 : i32
      %gather3A_2559 = arith.constant 0 : i32
      %gather3A_2560 = tpu.memref_slice %arg14[%gather3A_2557, %gather3A_2558, %gather3A_2559] : memref<4x32x128xf32, #tpu.memory_space<vmem>> -> memref<1x32x128xf32, #tpu.memory_space<vmem>>
      %gather3A_2561 = tpu.memref_squeeze %gather3A_2560 : memref<1x32x128xf32, #tpu.memory_space<vmem>> -> memref<32x128xf32, #tpu.memory_space<vmem>>
      %gather3A_2562 = tpu.vector_load_idx %gather3A_2561[%add3A_2556, %broadcast_in_dim3A_2551] : memref<32x128xf32, #tpu.memory_space<vmem>>[vector<16xi32>, vector<16xi32>], vector<16xf32>,
      tpu.vector_store_idx %arg18[%add3A_2556, %broadcast_in_dim3A_2552], %gather3A_2562 : memref<32x512xf32, #tpu.memory_space<vmem>>[vector<16xi32>, vector<16xi32>], vector<16xf32>,
      %iota3A_2563 = tpu.iota {dimensions = array<i32: 0>} : vector<16xi32>
      %add3A_2564 = arith.constant 16 : i32
      %add3A_2565 = vector.broadcast %add3A_2564 : i32 to vector<16xi32>
      %add3A_2566 = arith.addi %iota3A_2563, %add3A_2565 : vector<16xi32>
      %gather3A_2567 = arith.constant 3 : i32
      %gather3A_2568 = arith.constant 0 : i32
      %gather3A_2569 = arith.constant 0 : i32
      %gather3A_2570 = tpu.memref_slice %arg14[%gather3A_2567, %gather3A_2568, %gather3A_2569] : memref<4x32x128xf32, #tpu.memory_space<vmem>> -> memref<1x32x128xf32, #tpu.memory_space<vmem>>
      %gather3A_2571 = tpu.memref_squeeze %gather3A_2570 : memref<1x32x128xf32, #tpu.memory_space<vmem>> -> memref<32x128xf32, #tpu.memory_space<vmem>>
      %gather3A_2572 = tpu.vector_load_idx %gather3A_2571[%add3A_2566, %broadcast_in_dim3A_2551] : memref<32x128xf32, #tpu.memory_space<vmem>>[vector<16xi32>, vector<16xi32>], vector<16xf32>,
      tpu.vector_store_idx %arg18[%add3A_2566, %broadcast_in_dim3A_2552], %gather3A_2572 : memref<32x512xf32, #tpu.memory_space<vmem>>[vector<16xi32>, vector<16xi32>], vector<16xf32>,
      %broadcast_in_dim3A_2573 = vector.broadcast %min3A_2062 : i32 to vector<16xi32>
      %broadcast_in_dim3A_2574 = vector.broadcast %add3A_2550 : i32 to vector<16xi32>
      %iota3A_2575 = tpu.iota {dimensions = array<i32: 0>} : vector<16xi32>
      %add3A_2576 = arith.constant 0 : i32
      %add3A_2577 = vector.broadcast %add3A_2576 : i32 to vector<16xi32>
      %add3A_2578 = arith.addi %iota3A_2575, %add3A_2577 : vector<16xi32>
      %gather3A_2579 = arith.constant 3 : i32
      %gather3A_2580 = arith.constant 0 : i32
      %gather3A_2581 = arith.constant 0 : i32
      %gather3A_2582 = tpu.memref_slice %arg15[%gather3A_2579, %gather3A_2580, %gather3A_2581] : memref<4x32x128xf32, #tpu.memory_space<vmem>> -> memref<1x32x128xf32, #tpu.memory_space<vmem>>
      %gather3A_2583 = tpu.memref_squeeze %gather3A_2582 : memref<1x32x128xf32, #tpu.memory_space<vmem>> -> memref<32x128xf32, #tpu.memory_space<vmem>>
      %gather3A_2584 = tpu.vector_load_idx %gather3A_2583[%add3A_2578, %broadcast_in_dim3A_2573] : memref<32x128xf32, #tpu.memory_space<vmem>>[vector<16xi32>, vector<16xi32>], vector<16xf32>,
      tpu.vector_store_idx %arg19[%add3A_2578, %broadcast_in_dim3A_2574], %gather3A_2584 : memref<32x512xf32, #tpu.memory_space<vmem>>[vector<16xi32>, vector<16xi32>], vector<16xf32>,
      %iota3A_2585 = tpu.iota {dimensions = array<i32: 0>} : vector<16xi32>
      %add3A_2586 = arith.constant 16 : i32
      %add3A_2587 = vector.broadcast %add3A_2586 : i32 to vector<16xi32>
      %add3A_2588 = arith.addi %iota3A_2585, %add3A_2587 : vector<16xi32>
      %gather3A_2589 = arith.constant 3 : i32
      %gather3A_2590 = arith.constant 0 : i32
      %gather3A_2591 = arith.constant 0 : i32
      %gather3A_2592 = tpu.memref_slice %arg15[%gather3A_2589, %gather3A_2590, %gather3A_2591] : memref<4x32x128xf32, #tpu.memory_space<vmem>> -> memref<1x32x128xf32, #tpu.memory_space<vmem>>
      %gather3A_2593 = tpu.memref_squeeze %gather3A_2592 : memref<1x32x128xf32, #tpu.memory_space<vmem>> -> memref<32x128xf32, #tpu.memory_space<vmem>>
      %gather3A_2594 = tpu.vector_load_idx %gather3A_2593[%add3A_2588, %broadcast_in_dim3A_2573] : memref<32x128xf32, #tpu.memory_space<vmem>>[vector<16xi32>, vector<16xi32>], vector<16xf32>,
      tpu.vector_store_idx %arg19[%add3A_2588, %broadcast_in_dim3A_2574], %gather3A_2594 : memref<32x512xf32, #tpu.memory_space<vmem>>[vector<16xi32>, vector<16xi32>], vector<16xf32>,
      %broadcast_in_dim3A_2595 = vector.broadcast %min3A_2059 : i32 to vector<16xi32>
      %broadcast_in_dim3A_2596 = vector.broadcast %add3A_2550 : i32 to vector<16xi32>
      %iota3A_2597 = tpu.iota {dimensions = array<i32: 0>} : vector<16xi32>
      %add3A_2598 = arith.constant 0 : i32
      %add3A_2599 = vector.broadcast %add3A_2598 : i32 to vector<16xi32>
      %add3A_2600 = arith.addi %iota3A_2597, %add3A_2599 : vector<16xi32>
      %gather3A_2601 = arith.constant 3 : i32
      %gather3A_2602 = arith.constant 0 : i32
      %gather3A_2603 = arith.constant 0 : i32
      %gather3A_2604 = tpu.memref_slice %arg16[%gather3A_2601, %gather3A_2602, %gather3A_2603] : memref<4x16x128xf32, #tpu.memory_space<vmem>> -> memref<1x16x128xf32, #tpu.memory_space<vmem>>
      %gather3A_2605 = tpu.memref_squeeze %gather3A_2604 : memref<1x16x128xf32, #tpu.memory_space<vmem>> -> memref<16x128xf32, #tpu.memory_space<vmem>>
      %gather3A_2606 = tpu.vector_load_idx %gather3A_2605[%add3A_2600, %broadcast_in_dim3A_2595] : memref<16x128xf32, #tpu.memory_space<vmem>>[vector<16xi32>, vector<16xi32>], vector<16xf32>,
      tpu.vector_store_idx %arg20[%add3A_2600, %broadcast_in_dim3A_2596], %gather3A_2606 : memref<16x512xf32, #tpu.memory_space<vmem>>[vector<16xi32>, vector<16xi32>], vector<16xf32>,
      %broadcast_in_dim3A_2607 = vector.broadcast %min3A_2062 : i32 to vector<16xi32>
      %broadcast_in_dim3A_2608 = vector.broadcast %add3A_2550 : i32 to vector<16xi32>
      %iota3A_2609 = tpu.iota {dimensions = array<i32: 0>} : vector<16xi32>
      %add3A_2610 = arith.constant 0 : i32
      %add3A_2611 = vector.broadcast %add3A_2610 : i32 to vector<16xi32>
      %add3A_2612 = arith.addi %iota3A_2609, %add3A_2611 : vector<16xi32>
      %gather3A_2613 = arith.constant 3 : i32
      %gather3A_2614 = arith.constant 0 : i32
      %gather3A_2615 = arith.constant 0 : i32
      %gather3A_2616 = tpu.memref_slice %arg17[%gather3A_2613, %gather3A_2614, %gather3A_2615] : memref<4x16x128xf32, #tpu.memory_space<vmem>> -> memref<1x16x128xf32, #tpu.memory_space<vmem>>
      %gather3A_2617 = tpu.memref_squeeze %gather3A_2616 : memref<1x16x128xf32, #tpu.memory_space<vmem>> -> memref<16x128xf32, #tpu.memory_space<vmem>>
      %gather3A_2618 = tpu.vector_load_idx %gather3A_2617[%add3A_2612, %broadcast_in_dim3A_2607] : memref<16x128xf32, #tpu.memory_space<vmem>>[vector<16xi32>, vector<16xi32>], vector<16xf32>,
      tpu.vector_store_idx %arg21[%add3A_2612, %broadcast_in_dim3A_2608], %gather3A_2618 : memref<16x512xf32, #tpu.memory_space<vmem>>[vector<16xi32>, vector<16xi32>], vector<16xf32>,
      %eq3A_2619 = arith.constant 12 : i32
      %eq3A_2620 = vector.broadcast %eq3A_2619 : i32 to vector<16xi32>
      %eq3A_2621 = arith.cmpi eq, %iota3A, %eq3A_2620 : vector<16xi32>
      %jit3A_2622 = arith.constant 0 : i32
      %broadcast_in_dim3A_2623 = vector.broadcast %jit3A_2622 : i32 to vector<16xi32>
      %select_n3A_2624 = arith.select %eq3A_2621, %get3A_10, %broadcast_in_dim3A_2623 : vector<16xi1>, vector<16xi32>
      %reduce_sum3A_2625 = arith.constant true
      %reduce_sum3A_2626 = vector.broadcast %reduce_sum3A_2625 : i1 to vector<16xi1>
      %reduce_sum3A_2627 = tpu.scan <sum>, %select_n3A_2624 masked %reduce_sum3A_2626 : vector<16xi32>, vector<16xi1> -> vector<16xi32>
      %reduce_sum3A_2628 = vector.extract %reduce_sum3A_2627[15] : i32 from vector<16xi32>
      %eq3A_2629 = arith.constant 12 : i32
      %eq3A_2630 = vector.broadcast %eq3A_2629 : i32 to vector<16xi32>
      %eq3A_2631 = arith.cmpi eq, %iota3A, %eq3A_2630 : vector<16xi32>
      %jit3A_2632 = arith.constant 0 : i32
      %broadcast_in_dim3A_2633 = vector.broadcast %jit3A_2632 : i32 to vector<16xi32>
      %select_n3A_2634 = arith.select %eq3A_2631, %get3A_13, %broadcast_in_dim3A_2633 : vector<16xi1>, vector<16xi32>
      %reduce_sum3A_2635 = arith.constant true
      %reduce_sum3A_2636 = vector.broadcast %reduce_sum3A_2635 : i1 to vector<16xi1>
      %reduce_sum3A_2637 = tpu.scan <sum>, %select_n3A_2634 masked %reduce_sum3A_2636 : vector<16xi32>, vector<16xi1> -> vector<16xi32>
      %reduce_sum3A_2638 = vector.extract %reduce_sum3A_2637[15] : i32 from vector<16xi32>
      %shift_right_arithmetic3A_2639 = arith.constant 7 : i32
      %shift_right_arithmetic3A_2640 = arith.shrsi %reduce_sum3A_2628, %shift_right_arithmetic3A_2639 : i32
      %mul3A_2641 = arith.constant 128 : i32
      %mul3A_2642 = arith.muli %shift_right_arithmetic3A_2640, %mul3A_2641 : i32
      %min3A_2643 = arith.constant 999808 : i32
      %min3A_2644 = arith.minsi %mul3A_2642, %min3A_2643 : i32
      %multiple_of3A_2645 = tpu.assume_multiple %min3A_2644, 128 : i32
      %shift_right_arithmetic3A_2646 = arith.constant 7 : i32
      %shift_right_arithmetic3A_2647 = arith.shrsi %reduce_sum3A_2638, %shift_right_arithmetic3A_2646 : i32
      %mul3A_2648 = arith.constant 128 : i32
      %mul3A_2649 = arith.muli %shift_right_arithmetic3A_2647, %mul3A_2648 : i32
      %min3A_2650 = arith.constant 999808 : i32
      %min3A_2651 = arith.minsi %mul3A_2649, %min3A_2650 : i32
      %multiple_of3A_2652 = tpu.assume_multiple %min3A_2651, 128 : i32
      %sub3A_2653 = arith.subi %reduce_sum3A_2628, %multiple_of3A_2645 : i32
      %min3A_2654 = arith.constant 127 : i32
      %min3A_2655 = arith.minsi %sub3A_2653, %min3A_2654 : i32
      %sub3A_2656 = arith.subi %reduce_sum3A_2638, %multiple_of3A_2652 : i32
      %min3A_2657 = arith.constant 127 : i32
      %min3A_2658 = arith.minsi %sub3A_2656, %min3A_2657 : i32
      %dma_start3A_2659 = arith.constant 0 : i32
      %dma_start3A_2660 = arith.constant 0 : i32
      %dma_start3A_2661 = arith.constant 0 : i32
      %dma_start3A_2662 = tpu.memref_slice %arg14[%dma_start3A_2659, %dma_start3A_2660, %dma_start3A_2661] : memref<4x32x128xf32, #tpu.memory_space<vmem>> -> memref<1x32x128xf32, #tpu.memory_space<vmem>>
      %dma_start3A_2663 = tpu.memref_squeeze %dma_start3A_2662 : memref<1x32x128xf32, #tpu.memory_space<vmem>> -> memref<32x128xf32, #tpu.memory_space<vmem>>
      %dma_start3A_2664 = arith.constant 0 : i32
      %dma_start3A_2665 = tpu.memref_slice %arg4[%dma_start3A_2664, %multiple_of3A_2645] : memref<32x1000000xf32, #tpu.memory_space<hbm>> -> memref<32x128xf32, #tpu.memory_space<hbm>>
      %dma_start3A_2666 = arith.constant 0 : i32
      %dma_start3A_2667 = arith.constant 0 : i32
      %dma_start3A_2668 = tpu.memref_slice %arg14[%dma_start3A_2659, %dma_start3A_2666, %dma_start3A_2667] : memref<4x32x128xf32, #tpu.memory_space<vmem>> -> memref<1x32x128xf32, #tpu.memory_space<vmem>>
      %dma_start3A_2669 = tpu.memref_squeeze %dma_start3A_2668 : memref<1x32x128xf32, #tpu.memory_space<vmem>> -> memref<32x128xf32, #tpu.memory_space<vmem>>
      %dma_start3A_2670 = arith.constant 0 : i32
      %dma_start3A_2671 = tpu.memref_slice %arg4[%dma_start3A_2670, %multiple_of3A_2645] : memref<32x1000000xf32, #tpu.memory_space<hbm>> -> memref<32x128xf32, #tpu.memory_space<hbm>>
      tpu.enqueue_dma source(%dma_start3A_2671 : memref<32x128xf32, #tpu.memory_space<hbm>>) target(%dma_start3A_2669 : memref<32x128xf32, #tpu.memory_space<vmem>>) target_semaphore(%arg22 : memref<!tpu.dma_semaphore, #tpu.memory_space<semaphore_mem>>)
      %dma_start3A_2672 = arith.constant 0 : i32
      %dma_start3A_2673 = arith.constant 0 : i32
      %dma_start3A_2674 = arith.constant 0 : i32
      %dma_start3A_2675 = tpu.memref_slice %arg15[%dma_start3A_2672, %dma_start3A_2673, %dma_start3A_2674] : memref<4x32x128xf32, #tpu.memory_space<vmem>> -> memref<1x32x128xf32, #tpu.memory_space<vmem>>
      %dma_start3A_2676 = tpu.memref_squeeze %dma_start3A_2675 : memref<1x32x128xf32, #tpu.memory_space<vmem>> -> memref<32x128xf32, #tpu.memory_space<vmem>>
      %dma_start3A_2677 = arith.constant 0 : i32
      %dma_start3A_2678 = tpu.memref_slice %arg5[%dma_start3A_2677, %multiple_of3A_2652] : memref<32x1000000xf32, #tpu.memory_space<hbm>> -> memref<32x128xf32, #tpu.memory_space<hbm>>
      %dma_start3A_2679 = arith.constant 0 : i32
      %dma_start3A_2680 = arith.constant 0 : i32
      %dma_start3A_2681 = tpu.memref_slice %arg15[%dma_start3A_2672, %dma_start3A_2679, %dma_start3A_2680] : memref<4x32x128xf32, #tpu.memory_space<vmem>> -> memref<1x32x128xf32, #tpu.memory_space<vmem>>
      %dma_start3A_2682 = tpu.memref_squeeze %dma_start3A_2681 : memref<1x32x128xf32, #tpu.memory_space<vmem>> -> memref<32x128xf32, #tpu.memory_space<vmem>>
      %dma_start3A_2683 = arith.constant 0 : i32
      %dma_start3A_2684 = tpu.memref_slice %arg5[%dma_start3A_2683, %multiple_of3A_2652] : memref<32x1000000xf32, #tpu.memory_space<hbm>> -> memref<32x128xf32, #tpu.memory_space<hbm>>
      tpu.enqueue_dma source(%dma_start3A_2684 : memref<32x128xf32, #tpu.memory_space<hbm>>) target(%dma_start3A_2682 : memref<32x128xf32, #tpu.memory_space<vmem>>) target_semaphore(%arg22 : memref<!tpu.dma_semaphore, #tpu.memory_space<semaphore_mem>>)
      %dma_start3A_2685 = arith.constant 0 : i32
      %dma_start3A_2686 = arith.constant 0 : i32
      %dma_start3A_2687 = arith.constant 0 : i32
      %dma_start3A_2688 = tpu.memref_slice %arg16[%dma_start3A_2685, %dma_start3A_2686, %dma_start3A_2687] : memref<4x16x128xf32, #tpu.memory_space<vmem>> -> memref<1x16x128xf32, #tpu.memory_space<vmem>>
      %dma_start3A_2689 = tpu.memref_squeeze %dma_start3A_2688 : memref<1x16x128xf32, #tpu.memory_space<vmem>> -> memref<16x128xf32, #tpu.memory_space<vmem>>
      %dma_start3A_2690 = arith.constant 0 : i32
      %dma_start3A_2691 = tpu.memref_slice %arg6[%dma_start3A_2690, %multiple_of3A_2645] : memref<16x1000000xf32, #tpu.memory_space<hbm>> -> memref<16x128xf32, #tpu.memory_space<hbm>>
      %dma_start3A_2692 = arith.constant 0 : i32
      %dma_start3A_2693 = arith.constant 0 : i32
      %dma_start3A_2694 = tpu.memref_slice %arg16[%dma_start3A_2685, %dma_start3A_2692, %dma_start3A_2693] : memref<4x16x128xf32, #tpu.memory_space<vmem>> -> memref<1x16x128xf32, #tpu.memory_space<vmem>>
      %dma_start3A_2695 = tpu.memref_squeeze %dma_start3A_2694 : memref<1x16x128xf32, #tpu.memory_space<vmem>> -> memref<16x128xf32, #tpu.memory_space<vmem>>
      %dma_start3A_2696 = arith.constant 0 : i32
      %dma_start3A_2697 = tpu.memref_slice %arg6[%dma_start3A_2696, %multiple_of3A_2645] : memref<16x1000000xf32, #tpu.memory_space<hbm>> -> memref<16x128xf32, #tpu.memory_space<hbm>>
      tpu.enqueue_dma source(%dma_start3A_2697 : memref<16x128xf32, #tpu.memory_space<hbm>>) target(%dma_start3A_2695 : memref<16x128xf32, #tpu.memory_space<vmem>>) target_semaphore(%arg22 : memref<!tpu.dma_semaphore, #tpu.memory_space<semaphore_mem>>)
      %dma_start3A_2698 = arith.constant 0 : i32
      %dma_start3A_2699 = arith.constant 0 : i32
      %dma_start3A_2700 = arith.constant 0 : i32
      %dma_start3A_2701 = tpu.memref_slice %arg17[%dma_start3A_2698, %dma_start3A_2699, %dma_start3A_2700] : memref<4x16x128xf32, #tpu.memory_space<vmem>> -> memref<1x16x128xf32, #tpu.memory_space<vmem>>
      %dma_start3A_2702 = tpu.memref_squeeze %dma_start3A_2701 : memref<1x16x128xf32, #tpu.memory_space<vmem>> -> memref<16x128xf32, #tpu.memory_space<vmem>>
      %dma_start3A_2703 = arith.constant 0 : i32
      %dma_start3A_2704 = tpu.memref_slice %arg7[%dma_start3A_2703, %multiple_of3A_2652] : memref<16x1000000xf32, #tpu.memory_space<hbm>> -> memref<16x128xf32, #tpu.memory_space<hbm>>
      %dma_start3A_2705 = arith.constant 0 : i32
      %dma_start3A_2706 = arith.constant 0 : i32
      %dma_start3A_2707 = tpu.memref_slice %arg17[%dma_start3A_2698, %dma_start3A_2705, %dma_start3A_2706] : memref<4x16x128xf32, #tpu.memory_space<vmem>> -> memref<1x16x128xf32, #tpu.memory_space<vmem>>
      %dma_start3A_2708 = tpu.memref_squeeze %dma_start3A_2707 : memref<1x16x128xf32, #tpu.memory_space<vmem>> -> memref<16x128xf32, #tpu.memory_space<vmem>>
      %dma_start3A_2709 = arith.constant 0 : i32
      %dma_start3A_2710 = tpu.memref_slice %arg7[%dma_start3A_2709, %multiple_of3A_2652] : memref<16x1000000xf32, #tpu.memory_space<hbm>> -> memref<16x128xf32, #tpu.memory_space<hbm>>
      tpu.enqueue_dma source(%dma_start3A_2710 : memref<16x128xf32, #tpu.memory_space<hbm>>) target(%dma_start3A_2708 : memref<16x128xf32, #tpu.memory_space<vmem>>) target_semaphore(%arg22 : memref<!tpu.dma_semaphore, #tpu.memory_space<semaphore_mem>>)
      %eq3A_2711 = arith.constant 13 : i32
      %eq3A_2712 = vector.broadcast %eq3A_2711 : i32 to vector<16xi32>
      %eq3A_2713 = arith.cmpi eq, %iota3A, %eq3A_2712 : vector<16xi32>
      %jit3A_2714 = arith.constant 0 : i32
      %broadcast_in_dim3A_2715 = vector.broadcast %jit3A_2714 : i32 to vector<16xi32>
      %select_n3A_2716 = arith.select %eq3A_2713, %get3A_10, %broadcast_in_dim3A_2715 : vector<16xi1>, vector<16xi32>
      %reduce_sum3A_2717 = arith.constant true
      %reduce_sum3A_2718 = vector.broadcast %reduce_sum3A_2717 : i1 to vector<16xi1>
      %reduce_sum3A_2719 = tpu.scan <sum>, %select_n3A_2716 masked %reduce_sum3A_2718 : vector<16xi32>, vector<16xi1> -> vector<16xi32>
      %reduce_sum3A_2720 = vector.extract %reduce_sum3A_2719[15] : i32 from vector<16xi32>
      %eq3A_2721 = arith.constant 13 : i32
      %eq3A_2722 = vector.broadcast %eq3A_2721 : i32 to vector<16xi32>
      %eq3A_2723 = arith.cmpi eq, %iota3A, %eq3A_2722 : vector<16xi32>
      %jit3A_2724 = arith.constant 0 : i32
      %broadcast_in_dim3A_2725 = vector.broadcast %jit3A_2724 : i32 to vector<16xi32>
      %select_n3A_2726 = arith.select %eq3A_2723, %get3A_13, %broadcast_in_dim3A_2725 : vector<16xi1>, vector<16xi32>
      %reduce_sum3A_2727 = arith.constant true
      %reduce_sum3A_2728 = vector.broadcast %reduce_sum3A_2727 : i1 to vector<16xi1>
      %reduce_sum3A_2729 = tpu.scan <sum>, %select_n3A_2726 masked %reduce_sum3A_2728 : vector<16xi32>, vector<16xi1> -> vector<16xi32>
      %reduce_sum3A_2730 = vector.extract %reduce_sum3A_2729[15] : i32 from vector<16xi32>
      %shift_right_arithmetic3A_2731 = arith.constant 7 : i32
      %shift_right_arithmetic3A_2732 = arith.shrsi %reduce_sum3A_2720, %shift_right_arithmetic3A_2731 : i32
      %mul3A_2733 = arith.constant 128 : i32
      %mul3A_2734 = arith.muli %shift_right_arithmetic3A_2732, %mul3A_2733 : i32
      %min3A_2735 = arith.constant 999808 : i32
      %min3A_2736 = arith.minsi %mul3A_2734, %min3A_2735 : i32
      %multiple_of3A_2737 = tpu.assume_multiple %min3A_2736, 128 : i32
      %shift_right_arithmetic3A_2738 = arith.constant 7 : i32
      %shift_right_arithmetic3A_2739 = arith.shrsi %reduce_sum3A_2730, %shift_right_arithmetic3A_2738 : i32
      %mul3A_2740 = arith.constant 128 : i32
      %mul3A_2741 = arith.muli %shift_right_arithmetic3A_2739, %mul3A_2740 : i32
      %min3A_2742 = arith.constant 999808 : i32
      %min3A_2743 = arith.minsi %mul3A_2741, %min3A_2742 : i32
      %multiple_of3A_2744 = tpu.assume_multiple %min3A_2743, 128 : i32
      %sub3A_2745 = arith.subi %reduce_sum3A_2720, %multiple_of3A_2737 : i32
      %min3A_2746 = arith.constant 127 : i32
      %min3A_2747 = arith.minsi %sub3A_2745, %min3A_2746 : i32
      %sub3A_2748 = arith.subi %reduce_sum3A_2730, %multiple_of3A_2744 : i32
      %min3A_2749 = arith.constant 127 : i32
      %min3A_2750 = arith.minsi %sub3A_2748, %min3A_2749 : i32
      %dma_start3A_2751 = arith.constant 1 : i32
      %dma_start3A_2752 = arith.constant 0 : i32
      %dma_start3A_2753 = arith.constant 0 : i32
      %dma_start3A_2754 = tpu.memref_slice %arg14[%dma_start3A_2751, %dma_start3A_2752, %dma_start3A_2753] : memref<4x32x128xf32, #tpu.memory_space<vmem>> -> memref<1x32x128xf32, #tpu.memory_space<vmem>>
      %dma_start3A_2755 = tpu.memref_squeeze %dma_start3A_2754 : memref<1x32x128xf32, #tpu.memory_space<vmem>> -> memref<32x128xf32, #tpu.memory_space<vmem>>
      %dma_start3A_2756 = arith.constant 0 : i32
      %dma_start3A_2757 = tpu.memref_slice %arg4[%dma_start3A_2756, %multiple_of3A_2737] : memref<32x1000000xf32, #tpu.memory_space<hbm>> -> memref<32x128xf32, #tpu.memory_space<hbm>>
      %dma_start3A_2758 = arith.constant 0 : i32
      %dma_start3A_2759 = arith.constant 0 : i32
      %dma_start3A_2760 = tpu.memref_slice %arg14[%dma_start3A_2751, %dma_start3A_2758, %dma_start3A_2759] : memref<4x32x128xf32, #tpu.memory_space<vmem>> -> memref<1x32x128xf32, #tpu.memory_space<vmem>>
      %dma_start3A_2761 = tpu.memref_squeeze %dma_start3A_2760 : memref<1x32x128xf32, #tpu.memory_space<vmem>> -> memref<32x128xf32, #tpu.memory_space<vmem>>
      %dma_start3A_2762 = arith.constant 0 : i32
      %dma_start3A_2763 = tpu.memref_slice %arg4[%dma_start3A_2762, %multiple_of3A_2737] : memref<32x1000000xf32, #tpu.memory_space<hbm>> -> memref<32x128xf32, #tpu.memory_space<hbm>>
      tpu.enqueue_dma source(%dma_start3A_2763 : memref<32x128xf32, #tpu.memory_space<hbm>>) target(%dma_start3A_2761 : memref<32x128xf32, #tpu.memory_space<vmem>>) target_semaphore(%arg22 : memref<!tpu.dma_semaphore, #tpu.memory_space<semaphore_mem>>)
      %dma_start3A_2764 = arith.constant 1 : i32
      %dma_start3A_2765 = arith.constant 0 : i32
      %dma_start3A_2766 = arith.constant 0 : i32
      %dma_start3A_2767 = tpu.memref_slice %arg15[%dma_start3A_2764, %dma_start3A_2765, %dma_start3A_2766] : memref<4x32x128xf32, #tpu.memory_space<vmem>> -> memref<1x32x128xf32, #tpu.memory_space<vmem>>
      %dma_start3A_2768 = tpu.memref_squeeze %dma_start3A_2767 : memref<1x32x128xf32, #tpu.memory_space<vmem>> -> memref<32x128xf32, #tpu.memory_space<vmem>>
      %dma_start3A_2769 = arith.constant 0 : i32
      %dma_start3A_2770 = tpu.memref_slice %arg5[%dma_start3A_2769, %multiple_of3A_2744] : memref<32x1000000xf32, #tpu.memory_space<hbm>> -> memref<32x128xf32, #tpu.memory_space<hbm>>
      %dma_start3A_2771 = arith.constant 0 : i32
      %dma_start3A_2772 = arith.constant 0 : i32
      %dma_start3A_2773 = tpu.memref_slice %arg15[%dma_start3A_2764, %dma_start3A_2771, %dma_start3A_2772] : memref<4x32x128xf32, #tpu.memory_space<vmem>> -> memref<1x32x128xf32, #tpu.memory_space<vmem>>
      %dma_start3A_2774 = tpu.memref_squeeze %dma_start3A_2773 : memref<1x32x128xf32, #tpu.memory_space<vmem>> -> memref<32x128xf32, #tpu.memory_space<vmem>>
      %dma_start3A_2775 = arith.constant 0 : i32
      %dma_start3A_2776 = tpu.memref_slice %arg5[%dma_start3A_2775, %multiple_of3A_2744] : memref<32x1000000xf32, #tpu.memory_space<hbm>> -> memref<32x128xf32, #tpu.memory_space<hbm>>
      tpu.enqueue_dma source(%dma_start3A_2776 : memref<32x128xf32, #tpu.memory_space<hbm>>) target(%dma_start3A_2774 : memref<32x128xf32, #tpu.memory_space<vmem>>) target_semaphore(%arg22 : memref<!tpu.dma_semaphore, #tpu.memory_space<semaphore_mem>>)
      %dma_start3A_2777 = arith.constant 1 : i32
      %dma_start3A_2778 = arith.constant 0 : i32
      %dma_start3A_2779 = arith.constant 0 : i32
      %dma_start3A_2780 = tpu.memref_slice %arg16[%dma_start3A_2777, %dma_start3A_2778, %dma_start3A_2779] : memref<4x16x128xf32, #tpu.memory_space<vmem>> -> memref<1x16x128xf32, #tpu.memory_space<vmem>>
      %dma_start3A_2781 = tpu.memref_squeeze %dma_start3A_2780 : memref<1x16x128xf32, #tpu.memory_space<vmem>> -> memref<16x128xf32, #tpu.memory_space<vmem>>
      %dma_start3A_2782 = arith.constant 0 : i32
      %dma_start3A_2783 = tpu.memref_slice %arg6[%dma_start3A_2782, %multiple_of3A_2737] : memref<16x1000000xf32, #tpu.memory_space<hbm>> -> memref<16x128xf32, #tpu.memory_space<hbm>>
      %dma_start3A_2784 = arith.constant 0 : i32
      %dma_start3A_2785 = arith.constant 0 : i32
      %dma_start3A_2786 = tpu.memref_slice %arg16[%dma_start3A_2777, %dma_start3A_2784, %dma_start3A_2785] : memref<4x16x128xf32, #tpu.memory_space<vmem>> -> memref<1x16x128xf32, #tpu.memory_space<vmem>>
      %dma_start3A_2787 = tpu.memref_squeeze %dma_start3A_2786 : memref<1x16x128xf32, #tpu.memory_space<vmem>> -> memref<16x128xf32, #tpu.memory_space<vmem>>
      %dma_start3A_2788 = arith.constant 0 : i32
      %dma_start3A_2789 = tpu.memref_slice %arg6[%dma_start3A_2788, %multiple_of3A_2737] : memref<16x1000000xf32, #tpu.memory_space<hbm>> -> memref<16x128xf32, #tpu.memory_space<hbm>>
      tpu.enqueue_dma source(%dma_start3A_2789 : memref<16x128xf32, #tpu.memory_space<hbm>>) target(%dma_start3A_2787 : memref<16x128xf32, #tpu.memory_space<vmem>>) target_semaphore(%arg22 : memref<!tpu.dma_semaphore, #tpu.memory_space<semaphore_mem>>)
      %dma_start3A_2790 = arith.constant 1 : i32
      %dma_start3A_2791 = arith.constant 0 : i32
      %dma_start3A_2792 = arith.constant 0 : i32
      %dma_start3A_2793 = tpu.memref_slice %arg17[%dma_start3A_2790, %dma_start3A_2791, %dma_start3A_2792] : memref<4x16x128xf32, #tpu.memory_space<vmem>> -> memref<1x16x128xf32, #tpu.memory_space<vmem>>
      %dma_start3A_2794 = tpu.memref_squeeze %dma_start3A_2793 : memref<1x16x128xf32, #tpu.memory_space<vmem>> -> memref<16x128xf32, #tpu.memory_space<vmem>>
      %dma_start3A_2795 = arith.constant 0 : i32
      %dma_start3A_2796 = tpu.memref_slice %arg7[%dma_start3A_2795, %multiple_of3A_2744] : memref<16x1000000xf32, #tpu.memory_space<hbm>> -> memref<16x128xf32, #tpu.memory_space<hbm>>
      %dma_start3A_2797 = arith.constant 0 : i32
      %dma_start3A_2798 = arith.constant 0 : i32
      %dma_start3A_2799 = tpu.memref_slice %arg17[%dma_start3A_2790, %dma_start3A_2797, %dma_start3A_2798] : memref<4x16x128xf32, #tpu.memory_space<vmem>> -> memref<1x16x128xf32, #tpu.memory_space<vmem>>
      %dma_start3A_2800 = tpu.memref_squeeze %dma_start3A_2799 : memref<1x16x128xf32, #tpu.memory_space<vmem>> -> memref<16x128xf32, #tpu.memory_space<vmem>>
      %dma_start3A_2801 = arith.constant 0 : i32
      %dma_start3A_2802 = tpu.memref_slice %arg7[%dma_start3A_2801, %multiple_of3A_2744] : memref<16x1000000xf32, #tpu.memory_space<hbm>> -> memref<16x128xf32, #tpu.memory_space<hbm>>
      tpu.enqueue_dma source(%dma_start3A_2802 : memref<16x128xf32, #tpu.memory_space<hbm>>) target(%dma_start3A_2800 : memref<16x128xf32, #tpu.memory_space<vmem>>) target_semaphore(%arg22 : memref<!tpu.dma_semaphore, #tpu.memory_space<semaphore_mem>>)
      %eq3A_2803 = arith.constant 14 : i32
      %eq3A_2804 = vector.broadcast %eq3A_2803 : i32 to vector<16xi32>
      %eq3A_2805 = arith.cmpi eq, %iota3A, %eq3A_2804 : vector<16xi32>
      %jit3A_2806 = arith.constant 0 : i32
      %broadcast_in_dim3A_2807 = vector.broadcast %jit3A_2806 : i32 to vector<16xi32>
      %select_n3A_2808 = arith.select %eq3A_2805, %get3A_10, %broadcast_in_dim3A_2807 : vector<16xi1>, vector<16xi32>
      %reduce_sum3A_2809 = arith.constant true
      %reduce_sum3A_2810 = vector.broadcast %reduce_sum3A_2809 : i1 to vector<16xi1>
      %reduce_sum3A_2811 = tpu.scan <sum>, %select_n3A_2808 masked %reduce_sum3A_2810 : vector<16xi32>, vector<16xi1> -> vector<16xi32>
      %reduce_sum3A_2812 = vector.extract %reduce_sum3A_2811[15] : i32 from vector<16xi32>
      %eq3A_2813 = arith.constant 14 : i32
      %eq3A_2814 = vector.broadcast %eq3A_2813 : i32 to vector<16xi32>
      %eq3A_2815 = arith.cmpi eq, %iota3A, %eq3A_2814 : vector<16xi32>
      %jit3A_2816 = arith.constant 0 : i32
      %broadcast_in_dim3A_2817 = vector.broadcast %jit3A_2816 : i32 to vector<16xi32>
      %select_n3A_2818 = arith.select %eq3A_2815, %get3A_13, %broadcast_in_dim3A_2817 : vector<16xi1>, vector<16xi32>
      %reduce_sum3A_2819 = arith.constant true
      %reduce_sum3A_2820 = vector.broadcast %reduce_sum3A_2819 : i1 to vector<16xi1>
      %reduce_sum3A_2821 = tpu.scan <sum>, %select_n3A_2818 masked %reduce_sum3A_2820 : vector<16xi32>, vector<16xi1> -> vector<16xi32>
      %reduce_sum3A_2822 = vector.extract %reduce_sum3A_2821[15] : i32 from vector<16xi32>
      %shift_right_arithmetic3A_2823 = arith.constant 7 : i32
      %shift_right_arithmetic3A_2824 = arith.shrsi %reduce_sum3A_2812, %shift_right_arithmetic3A_2823 : i32
      %mul3A_2825 = arith.constant 128 : i32
      %mul3A_2826 = arith.muli %shift_right_arithmetic3A_2824, %mul3A_2825 : i32
      %min3A_2827 = arith.constant 999808 : i32
      %min3A_2828 = arith.minsi %mul3A_2826, %min3A_2827 : i32
      %multiple_of3A_2829 = tpu.assume_multiple %min3A_2828, 128 : i32
      %shift_right_arithmetic3A_2830 = arith.constant 7 : i32
      %shift_right_arithmetic3A_2831 = arith.shrsi %reduce_sum3A_2822, %shift_right_arithmetic3A_2830 : i32
      %mul3A_2832 = arith.constant 128 : i32
      %mul3A_2833 = arith.muli %shift_right_arithmetic3A_2831, %mul3A_2832 : i32
      %min3A_2834 = arith.constant 999808 : i32
      %min3A_2835 = arith.minsi %mul3A_2833, %min3A_2834 : i32
      %multiple_of3A_2836 = tpu.assume_multiple %min3A_2835, 128 : i32
      %sub3A_2837 = arith.subi %reduce_sum3A_2812, %multiple_of3A_2829 : i32
      %min3A_2838 = arith.constant 127 : i32
      %min3A_2839 = arith.minsi %sub3A_2837, %min3A_2838 : i32
      %sub3A_2840 = arith.subi %reduce_sum3A_2822, %multiple_of3A_2836 : i32
      %min3A_2841 = arith.constant 127 : i32
      %min3A_2842 = arith.minsi %sub3A_2840, %min3A_2841 : i32
      %dma_start3A_2843 = arith.constant 2 : i32
      %dma_start3A_2844 = arith.constant 0 : i32
      %dma_start3A_2845 = arith.constant 0 : i32
      %dma_start3A_2846 = tpu.memref_slice %arg14[%dma_start3A_2843, %dma_start3A_2844, %dma_start3A_2845] : memref<4x32x128xf32, #tpu.memory_space<vmem>> -> memref<1x32x128xf32, #tpu.memory_space<vmem>>
      %dma_start3A_2847 = tpu.memref_squeeze %dma_start3A_2846 : memref<1x32x128xf32, #tpu.memory_space<vmem>> -> memref<32x128xf32, #tpu.memory_space<vmem>>
      %dma_start3A_2848 = arith.constant 0 : i32
      %dma_start3A_2849 = tpu.memref_slice %arg4[%dma_start3A_2848, %multiple_of3A_2829] : memref<32x1000000xf32, #tpu.memory_space<hbm>> -> memref<32x128xf32, #tpu.memory_space<hbm>>
      %dma_start3A_2850 = arith.constant 0 : i32
      %dma_start3A_2851 = arith.constant 0 : i32
      %dma_start3A_2852 = tpu.memref_slice %arg14[%dma_start3A_2843, %dma_start3A_2850, %dma_start3A_2851] : memref<4x32x128xf32, #tpu.memory_space<vmem>> -> memref<1x32x128xf32, #tpu.memory_space<vmem>>
      %dma_start3A_2853 = tpu.memref_squeeze %dma_start3A_2852 : memref<1x32x128xf32, #tpu.memory_space<vmem>> -> memref<32x128xf32, #tpu.memory_space<vmem>>
      %dma_start3A_2854 = arith.constant 0 : i32
      %dma_start3A_2855 = tpu.memref_slice %arg4[%dma_start3A_2854, %multiple_of3A_2829] : memref<32x1000000xf32, #tpu.memory_space<hbm>> -> memref<32x128xf32, #tpu.memory_space<hbm>>
      tpu.enqueue_dma source(%dma_start3A_2855 : memref<32x128xf32, #tpu.memory_space<hbm>>) target(%dma_start3A_2853 : memref<32x128xf32, #tpu.memory_space<vmem>>) target_semaphore(%arg22 : memref<!tpu.dma_semaphore, #tpu.memory_space<semaphore_mem>>)
      %dma_start3A_2856 = arith.constant 2 : i32
      %dma_start3A_2857 = arith.constant 0 : i32
      %dma_start3A_2858 = arith.constant 0 : i32
      %dma_start3A_2859 = tpu.memref_slice %arg15[%dma_start3A_2856, %dma_start3A_2857, %dma_start3A_2858] : memref<4x32x128xf32, #tpu.memory_space<vmem>> -> memref<1x32x128xf32, #tpu.memory_space<vmem>>
      %dma_start3A_2860 = tpu.memref_squeeze %dma_start3A_2859 : memref<1x32x128xf32, #tpu.memory_space<vmem>> -> memref<32x128xf32, #tpu.memory_space<vmem>>
      %dma_start3A_2861 = arith.constant 0 : i32
      %dma_start3A_2862 = tpu.memref_slice %arg5[%dma_start3A_2861, %multiple_of3A_2836] : memref<32x1000000xf32, #tpu.memory_space<hbm>> -> memref<32x128xf32, #tpu.memory_space<hbm>>
      %dma_start3A_2863 = arith.constant 0 : i32
      %dma_start3A_2864 = arith.constant 0 : i32
      %dma_start3A_2865 = tpu.memref_slice %arg15[%dma_start3A_2856, %dma_start3A_2863, %dma_start3A_2864] : memref<4x32x128xf32, #tpu.memory_space<vmem>> -> memref<1x32x128xf32, #tpu.memory_space<vmem>>
      %dma_start3A_2866 = tpu.memref_squeeze %dma_start3A_2865 : memref<1x32x128xf32, #tpu.memory_space<vmem>> -> memref<32x128xf32, #tpu.memory_space<vmem>>
      %dma_start3A_2867 = arith.constant 0 : i32
      %dma_start3A_2868 = tpu.memref_slice %arg5[%dma_start3A_2867, %multiple_of3A_2836] : memref<32x1000000xf32, #tpu.memory_space<hbm>> -> memref<32x128xf32, #tpu.memory_space<hbm>>
      tpu.enqueue_dma source(%dma_start3A_2868 : memref<32x128xf32, #tpu.memory_space<hbm>>) target(%dma_start3A_2866 : memref<32x128xf32, #tpu.memory_space<vmem>>) target_semaphore(%arg22 : memref<!tpu.dma_semaphore, #tpu.memory_space<semaphore_mem>>)
      %dma_start3A_2869 = arith.constant 2 : i32
      %dma_start3A_2870 = arith.constant 0 : i32
      %dma_start3A_2871 = arith.constant 0 : i32
      %dma_start3A_2872 = tpu.memref_slice %arg16[%dma_start3A_2869, %dma_start3A_2870, %dma_start3A_2871] : memref<4x16x128xf32, #tpu.memory_space<vmem>> -> memref<1x16x128xf32, #tpu.memory_space<vmem>>
      %dma_start3A_2873 = tpu.memref_squeeze %dma_start3A_2872 : memref<1x16x128xf32, #tpu.memory_space<vmem>> -> memref<16x128xf32, #tpu.memory_space<vmem>>
      %dma_start3A_2874 = arith.constant 0 : i32
      %dma_start3A_2875 = tpu.memref_slice %arg6[%dma_start3A_2874, %multiple_of3A_2829] : memref<16x1000000xf32, #tpu.memory_space<hbm>> -> memref<16x128xf32, #tpu.memory_space<hbm>>
      %dma_start3A_2876 = arith.constant 0 : i32
      %dma_start3A_2877 = arith.constant 0 : i32
      %dma_start3A_2878 = tpu.memref_slice %arg16[%dma_start3A_2869, %dma_start3A_2876, %dma_start3A_2877] : memref<4x16x128xf32, #tpu.memory_space<vmem>> -> memref<1x16x128xf32, #tpu.memory_space<vmem>>
      %dma_start3A_2879 = tpu.memref_squeeze %dma_start3A_2878 : memref<1x16x128xf32, #tpu.memory_space<vmem>> -> memref<16x128xf32, #tpu.memory_space<vmem>>
      %dma_start3A_2880 = arith.constant 0 : i32
      %dma_start3A_2881 = tpu.memref_slice %arg6[%dma_start3A_2880, %multiple_of3A_2829] : memref<16x1000000xf32, #tpu.memory_space<hbm>> -> memref<16x128xf32, #tpu.memory_space<hbm>>
      tpu.enqueue_dma source(%dma_start3A_2881 : memref<16x128xf32, #tpu.memory_space<hbm>>) target(%dma_start3A_2879 : memref<16x128xf32, #tpu.memory_space<vmem>>) target_semaphore(%arg22 : memref<!tpu.dma_semaphore, #tpu.memory_space<semaphore_mem>>)
      %dma_start3A_2882 = arith.constant 2 : i32
      %dma_start3A_2883 = arith.constant 0 : i32
      %dma_start3A_2884 = arith.constant 0 : i32
      %dma_start3A_2885 = tpu.memref_slice %arg17[%dma_start3A_2882, %dma_start3A_2883, %dma_start3A_2884] : memref<4x16x128xf32, #tpu.memory_space<vmem>> -> memref<1x16x128xf32, #tpu.memory_space<vmem>>
      %dma_start3A_2886 = tpu.memref_squeeze %dma_start3A_2885 : memref<1x16x128xf32, #tpu.memory_space<vmem>> -> memref<16x128xf32, #tpu.memory_space<vmem>>
      %dma_start3A_2887 = arith.constant 0 : i32
      %dma_start3A_2888 = tpu.memref_slice %arg7[%dma_start3A_2887, %multiple_of3A_2836] : memref<16x1000000xf32, #tpu.memory_space<hbm>> -> memref<16x128xf32, #tpu.memory_space<hbm>>
      %dma_start3A_2889 = arith.constant 0 : i32
      %dma_start3A_2890 = arith.constant 0 : i32
      %dma_start3A_2891 = tpu.memref_slice %arg17[%dma_start3A_2882, %dma_start3A_2889, %dma_start3A_2890] : memref<4x16x128xf32, #tpu.memory_space<vmem>> -> memref<1x16x128xf32, #tpu.memory_space<vmem>>
      %dma_start3A_2892 = tpu.memref_squeeze %dma_start3A_2891 : memref<1x16x128xf32, #tpu.memory_space<vmem>> -> memref<16x128xf32, #tpu.memory_space<vmem>>
      %dma_start3A_2893 = arith.constant 0 : i32
      %dma_start3A_2894 = tpu.memref_slice %arg7[%dma_start3A_2893, %multiple_of3A_2836] : memref<16x1000000xf32, #tpu.memory_space<hbm>> -> memref<16x128xf32, #tpu.memory_space<hbm>>
      tpu.enqueue_dma source(%dma_start3A_2894 : memref<16x128xf32, #tpu.memory_space<hbm>>) target(%dma_start3A_2892 : memref<16x128xf32, #tpu.memory_space<vmem>>) target_semaphore(%arg22 : memref<!tpu.dma_semaphore, #tpu.memory_space<semaphore_mem>>)
      %eq3A_2895 = arith.constant 15 : i32
      %eq3A_2896 = vector.broadcast %eq3A_2895 : i32 to vector<16xi32>
      %eq3A_2897 = arith.cmpi eq, %iota3A, %eq3A_2896 : vector<16xi32>
      %jit3A_2898 = arith.constant 0 : i32
      %broadcast_in_dim3A_2899 = vector.broadcast %jit3A_2898 : i32 to vector<16xi32>
      %select_n3A_2900 = arith.select %eq3A_2897, %get3A_10, %broadcast_in_dim3A_2899 : vector<16xi1>, vector<16xi32>
      %reduce_sum3A_2901 = arith.constant true
      %reduce_sum3A_2902 = vector.broadcast %reduce_sum3A_2901 : i1 to vector<16xi1>
      %reduce_sum3A_2903 = tpu.scan <sum>, %select_n3A_2900 masked %reduce_sum3A_2902 : vector<16xi32>, vector<16xi1> -> vector<16xi32>
      %reduce_sum3A_2904 = vector.extract %reduce_sum3A_2903[15] : i32 from vector<16xi32>
      %eq3A_2905 = arith.constant 15 : i32
      %eq3A_2906 = vector.broadcast %eq3A_2905 : i32 to vector<16xi32>
      %eq3A_2907 = arith.cmpi eq, %iota3A, %eq3A_2906 : vector<16xi32>
      %jit3A_2908 = arith.constant 0 : i32
      %broadcast_in_dim3A_2909 = vector.broadcast %jit3A_2908 : i32 to vector<16xi32>
      %select_n3A_2910 = arith.select %eq3A_2907, %get3A_13, %broadcast_in_dim3A_2909 : vector<16xi1>, vector<16xi32>
      %reduce_sum3A_2911 = arith.constant true
      %reduce_sum3A_2912 = vector.broadcast %reduce_sum3A_2911 : i1 to vector<16xi1>
      %reduce_sum3A_2913 = tpu.scan <sum>, %select_n3A_2910 masked %reduce_sum3A_2912 : vector<16xi32>, vector<16xi1> -> vector<16xi32>
      %reduce_sum3A_2914 = vector.extract %reduce_sum3A_2913[15] : i32 from vector<16xi32>
      %shift_right_arithmetic3A_2915 = arith.constant 7 : i32
      %shift_right_arithmetic3A_2916 = arith.shrsi %reduce_sum3A_2904, %shift_right_arithmetic3A_2915 : i32
      %mul3A_2917 = arith.constant 128 : i32
      %mul3A_2918 = arith.muli %shift_right_arithmetic3A_2916, %mul3A_2917 : i32
      %min3A_2919 = arith.constant 999808 : i32
      %min3A_2920 = arith.minsi %mul3A_2918, %min3A_2919 : i32
      %multiple_of3A_2921 = tpu.assume_multiple %min3A_2920, 128 : i32
      %shift_right_arithmetic3A_2922 = arith.constant 7 : i32
      %shift_right_arithmetic3A_2923 = arith.shrsi %reduce_sum3A_2914, %shift_right_arithmetic3A_2922 : i32
      %mul3A_2924 = arith.constant 128 : i32
      %mul3A_2925 = arith.muli %shift_right_arithmetic3A_2923, %mul3A_2924 : i32
      %min3A_2926 = arith.constant 999808 : i32
      %min3A_2927 = arith.minsi %mul3A_2925, %min3A_2926 : i32
      %multiple_of3A_2928 = tpu.assume_multiple %min3A_2927, 128 : i32
      %sub3A_2929 = arith.subi %reduce_sum3A_2904, %multiple_of3A_2921 : i32
      %min3A_2930 = arith.constant 127 : i32
      %min3A_2931 = arith.minsi %sub3A_2929, %min3A_2930 : i32
      %sub3A_2932 = arith.subi %reduce_sum3A_2914, %multiple_of3A_2928 : i32
      %min3A_2933 = arith.constant 127 : i32
      %min3A_2934 = arith.minsi %sub3A_2932, %min3A_2933 : i32
      %dma_start3A_2935 = arith.constant 3 : i32
      %dma_start3A_2936 = arith.constant 0 : i32
      %dma_start3A_2937 = arith.constant 0 : i32
      %dma_start3A_2938 = tpu.memref_slice %arg14[%dma_start3A_2935, %dma_start3A_2936, %dma_start3A_2937] : memref<4x32x128xf32, #tpu.memory_space<vmem>> -> memref<1x32x128xf32, #tpu.memory_space<vmem>>
      %dma_start3A_2939 = tpu.memref_squeeze %dma_start3A_2938 : memref<1x32x128xf32, #tpu.memory_space<vmem>> -> memref<32x128xf32, #tpu.memory_space<vmem>>
      %dma_start3A_2940 = arith.constant 0 : i32
      %dma_start3A_2941 = tpu.memref_slice %arg4[%dma_start3A_2940, %multiple_of3A_2921] : memref<32x1000000xf32, #tpu.memory_space<hbm>> -> memref<32x128xf32, #tpu.memory_space<hbm>>
      %dma_start3A_2942 = arith.constant 0 : i32
      %dma_start3A_2943 = arith.constant 0 : i32
      %dma_start3A_2944 = tpu.memref_slice %arg14[%dma_start3A_2935, %dma_start3A_2942, %dma_start3A_2943] : memref<4x32x128xf32, #tpu.memory_space<vmem>> -> memref<1x32x128xf32, #tpu.memory_space<vmem>>
      %dma_start3A_2945 = tpu.memref_squeeze %dma_start3A_2944 : memref<1x32x128xf32, #tpu.memory_space<vmem>> -> memref<32x128xf32, #tpu.memory_space<vmem>>
      %dma_start3A_2946 = arith.constant 0 : i32
      %dma_start3A_2947 = tpu.memref_slice %arg4[%dma_start3A_2946, %multiple_of3A_2921] : memref<32x1000000xf32, #tpu.memory_space<hbm>> -> memref<32x128xf32, #tpu.memory_space<hbm>>
      tpu.enqueue_dma source(%dma_start3A_2947 : memref<32x128xf32, #tpu.memory_space<hbm>>) target(%dma_start3A_2945 : memref<32x128xf32, #tpu.memory_space<vmem>>) target_semaphore(%arg22 : memref<!tpu.dma_semaphore, #tpu.memory_space<semaphore_mem>>)
      %dma_start3A_2948 = arith.constant 3 : i32
      %dma_start3A_2949 = arith.constant 0 : i32
      %dma_start3A_2950 = arith.constant 0 : i32
      %dma_start3A_2951 = tpu.memref_slice %arg15[%dma_start3A_2948, %dma_start3A_2949, %dma_start3A_2950] : memref<4x32x128xf32, #tpu.memory_space<vmem>> -> memref<1x32x128xf32, #tpu.memory_space<vmem>>
      %dma_start3A_2952 = tpu.memref_squeeze %dma_start3A_2951 : memref<1x32x128xf32, #tpu.memory_space<vmem>> -> memref<32x128xf32, #tpu.memory_space<vmem>>
      %dma_start3A_2953 = arith.constant 0 : i32
      %dma_start3A_2954 = tpu.memref_slice %arg5[%dma_start3A_2953, %multiple_of3A_2928] : memref<32x1000000xf32, #tpu.memory_space<hbm>> -> memref<32x128xf32, #tpu.memory_space<hbm>>
      %dma_start3A_2955 = arith.constant 0 : i32
      %dma_start3A_2956 = arith.constant 0 : i32
      %dma_start3A_2957 = tpu.memref_slice %arg15[%dma_start3A_2948, %dma_start3A_2955, %dma_start3A_2956] : memref<4x32x128xf32, #tpu.memory_space<vmem>> -> memref<1x32x128xf32, #tpu.memory_space<vmem>>
      %dma_start3A_2958 = tpu.memref_squeeze %dma_start3A_2957 : memref<1x32x128xf32, #tpu.memory_space<vmem>> -> memref<32x128xf32, #tpu.memory_space<vmem>>
      %dma_start3A_2959 = arith.constant 0 : i32
      %dma_start3A_2960 = tpu.memref_slice %arg5[%dma_start3A_2959, %multiple_of3A_2928] : memref<32x1000000xf32, #tpu.memory_space<hbm>> -> memref<32x128xf32, #tpu.memory_space<hbm>>
      tpu.enqueue_dma source(%dma_start3A_2960 : memref<32x128xf32, #tpu.memory_space<hbm>>) target(%dma_start3A_2958 : memref<32x128xf32, #tpu.memory_space<vmem>>) target_semaphore(%arg22 : memref<!tpu.dma_semaphore, #tpu.memory_space<semaphore_mem>>)
      %dma_start3A_2961 = arith.constant 3 : i32
      %dma_start3A_2962 = arith.constant 0 : i32
      %dma_start3A_2963 = arith.constant 0 : i32
      %dma_start3A_2964 = tpu.memref_slice %arg16[%dma_start3A_2961, %dma_start3A_2962, %dma_start3A_2963] : memref<4x16x128xf32, #tpu.memory_space<vmem>> -> memref<1x16x128xf32, #tpu.memory_space<vmem>>
      %dma_start3A_2965 = tpu.memref_squeeze %dma_start3A_2964 : memref<1x16x128xf32, #tpu.memory_space<vmem>> -> memref<16x128xf32, #tpu.memory_space<vmem>>
      %dma_start3A_2966 = arith.constant 0 : i32
      %dma_start3A_2967 = tpu.memref_slice %arg6[%dma_start3A_2966, %multiple_of3A_2921] : memref<16x1000000xf32, #tpu.memory_space<hbm>> -> memref<16x128xf32, #tpu.memory_space<hbm>>
      %dma_start3A_2968 = arith.constant 0 : i32
      %dma_start3A_2969 = arith.constant 0 : i32
      %dma_start3A_2970 = tpu.memref_slice %arg16[%dma_start3A_2961, %dma_start3A_2968, %dma_start3A_2969] : memref<4x16x128xf32, #tpu.memory_space<vmem>> -> memref<1x16x128xf32, #tpu.memory_space<vmem>>
      %dma_start3A_2971 = tpu.memref_squeeze %dma_start3A_2970 : memref<1x16x128xf32, #tpu.memory_space<vmem>> -> memref<16x128xf32, #tpu.memory_space<vmem>>
      %dma_start3A_2972 = arith.constant 0 : i32
      %dma_start3A_2973 = tpu.memref_slice %arg6[%dma_start3A_2972, %multiple_of3A_2921] : memref<16x1000000xf32, #tpu.memory_space<hbm>> -> memref<16x128xf32, #tpu.memory_space<hbm>>
      tpu.enqueue_dma source(%dma_start3A_2973 : memref<16x128xf32, #tpu.memory_space<hbm>>) target(%dma_start3A_2971 : memref<16x128xf32, #tpu.memory_space<vmem>>) target_semaphore(%arg22 : memref<!tpu.dma_semaphore, #tpu.memory_space<semaphore_mem>>)
      %dma_start3A_2974 = arith.constant 3 : i32
      %dma_start3A_2975 = arith.constant 0 : i32
      %dma_start3A_2976 = arith.constant 0 : i32
      %dma_start3A_2977 = tpu.memref_slice %arg17[%dma_start3A_2974, %dma_start3A_2975, %dma_start3A_2976] : memref<4x16x128xf32, #tpu.memory_space<vmem>> -> memref<1x16x128xf32, #tpu.memory_space<vmem>>
      %dma_start3A_2978 = tpu.memref_squeeze %dma_start3A_2977 : memref<1x16x128xf32, #tpu.memory_space<vmem>> -> memref<16x128xf32, #tpu.memory_space<vmem>>
      %dma_start3A_2979 = arith.constant 0 : i32
      %dma_start3A_2980 = tpu.memref_slice %arg7[%dma_start3A_2979, %multiple_of3A_2928] : memref<16x1000000xf32, #tpu.memory_space<hbm>> -> memref<16x128xf32, #tpu.memory_space<hbm>>
      %dma_start3A_2981 = arith.constant 0 : i32
      %dma_start3A_2982 = arith.constant 0 : i32
      %dma_start3A_2983 = tpu.memref_slice %arg17[%dma_start3A_2974, %dma_start3A_2981, %dma_start3A_2982] : memref<4x16x128xf32, #tpu.memory_space<vmem>> -> memref<1x16x128xf32, #tpu.memory_space<vmem>>
      %dma_start3A_2984 = tpu.memref_squeeze %dma_start3A_2983 : memref<1x16x128xf32, #tpu.memory_space<vmem>> -> memref<16x128xf32, #tpu.memory_space<vmem>>
      %dma_start3A_2985 = arith.constant 0 : i32
      %dma_start3A_2986 = tpu.memref_slice %arg7[%dma_start3A_2985, %multiple_of3A_2928] : memref<16x1000000xf32, #tpu.memory_space<hbm>> -> memref<16x128xf32, #tpu.memory_space<hbm>>
      tpu.enqueue_dma source(%dma_start3A_2986 : memref<16x128xf32, #tpu.memory_space<hbm>>) target(%dma_start3A_2984 : memref<16x128xf32, #tpu.memory_space<vmem>>) target_semaphore(%arg22 : memref<!tpu.dma_semaphore, #tpu.memory_space<semaphore_mem>>)
      %dma_wait3A_2987 = arith.constant 0 : i32
      %dma_wait3A_2988 = arith.constant 0 : i32
      %dma_wait3A_2989 = arith.constant 0 : i32
      %dma_wait3A_2990 = tpu.memref_slice %arg14[%dma_wait3A_2987, %dma_wait3A_2988, %dma_wait3A_2989] : memref<4x32x128xf32, #tpu.memory_space<vmem>> -> memref<1x32x128xf32, #tpu.memory_space<vmem>>
      %dma_wait3A_2991 = tpu.memref_squeeze %dma_wait3A_2990 : memref<1x32x128xf32, #tpu.memory_space<vmem>> -> memref<32x128xf32, #tpu.memory_space<vmem>>
      %dma_wait3A_2992 = arith.constant 0 : i32
      %dma_wait3A_2993 = tpu.memref_slice %arg4[%dma_wait3A_2992, %multiple_of3A_2645] : memref<32x1000000xf32, #tpu.memory_space<hbm>> -> memref<32x128xf32, #tpu.memory_space<hbm>>
      %dma_wait3A_2994 = arith.constant 0 : i32
      %dma_wait3A_2995 = arith.constant 0 : i32
      %dma_wait3A_2996 = tpu.memref_slice %arg14[%dma_wait3A_2987, %dma_wait3A_2994, %dma_wait3A_2995] : memref<4x32x128xf32, #tpu.memory_space<vmem>> -> memref<1x32x128xf32, #tpu.memory_space<vmem>>
      %dma_wait3A_2997 = tpu.memref_squeeze %dma_wait3A_2996 : memref<1x32x128xf32, #tpu.memory_space<vmem>> -> memref<32x128xf32, #tpu.memory_space<vmem>>
      %dma_wait3A_2998 = arith.constant 0 : i32
      %dma_wait3A_2999 = tpu.memref_slice %arg4[%dma_wait3A_2998, %multiple_of3A_2645] : memref<32x1000000xf32, #tpu.memory_space<hbm>> -> memref<32x128xf32, #tpu.memory_space<hbm>>
      tpu.wait_dma2 semaphore(%arg22 : memref<!tpu.dma_semaphore, #tpu.memory_space<semaphore_mem>>) src(%dma_wait3A_2999 : memref<32x128xf32, #tpu.memory_space<hbm>>) dst(%dma_wait3A_2997 : memref<32x128xf32, #tpu.memory_space<vmem>>)
      %dma_wait3A_3000 = arith.constant 0 : i32
      %dma_wait3A_3001 = arith.constant 0 : i32
      %dma_wait3A_3002 = arith.constant 0 : i32
      %dma_wait3A_3003 = tpu.memref_slice %arg15[%dma_wait3A_3000, %dma_wait3A_3001, %dma_wait3A_3002] : memref<4x32x128xf32, #tpu.memory_space<vmem>> -> memref<1x32x128xf32, #tpu.memory_space<vmem>>
      %dma_wait3A_3004 = tpu.memref_squeeze %dma_wait3A_3003 : memref<1x32x128xf32, #tpu.memory_space<vmem>> -> memref<32x128xf32, #tpu.memory_space<vmem>>
      %dma_wait3A_3005 = arith.constant 0 : i32
      %dma_wait3A_3006 = tpu.memref_slice %arg5[%dma_wait3A_3005, %multiple_of3A_2652] : memref<32x1000000xf32, #tpu.memory_space<hbm>> -> memref<32x128xf32, #tpu.memory_space<hbm>>
      %dma_wait3A_3007 = arith.constant 0 : i32
      %dma_wait3A_3008 = arith.constant 0 : i32
      %dma_wait3A_3009 = tpu.memref_slice %arg15[%dma_wait3A_3000, %dma_wait3A_3007, %dma_wait3A_3008] : memref<4x32x128xf32, #tpu.memory_space<vmem>> -> memref<1x32x128xf32, #tpu.memory_space<vmem>>
      %dma_wait3A_3010 = tpu.memref_squeeze %dma_wait3A_3009 : memref<1x32x128xf32, #tpu.memory_space<vmem>> -> memref<32x128xf32, #tpu.memory_space<vmem>>
      %dma_wait3A_3011 = arith.constant 0 : i32
      %dma_wait3A_3012 = tpu.memref_slice %arg5[%dma_wait3A_3011, %multiple_of3A_2652] : memref<32x1000000xf32, #tpu.memory_space<hbm>> -> memref<32x128xf32, #tpu.memory_space<hbm>>
      tpu.wait_dma2 semaphore(%arg22 : memref<!tpu.dma_semaphore, #tpu.memory_space<semaphore_mem>>) src(%dma_wait3A_3012 : memref<32x128xf32, #tpu.memory_space<hbm>>) dst(%dma_wait3A_3010 : memref<32x128xf32, #tpu.memory_space<vmem>>)
      %dma_wait3A_3013 = arith.constant 0 : i32
      %dma_wait3A_3014 = arith.constant 0 : i32
      %dma_wait3A_3015 = arith.constant 0 : i32
      %dma_wait3A_3016 = tpu.memref_slice %arg16[%dma_wait3A_3013, %dma_wait3A_3014, %dma_wait3A_3015] : memref<4x16x128xf32, #tpu.memory_space<vmem>> -> memref<1x16x128xf32, #tpu.memory_space<vmem>>
      %dma_wait3A_3017 = tpu.memref_squeeze %dma_wait3A_3016 : memref<1x16x128xf32, #tpu.memory_space<vmem>> -> memref<16x128xf32, #tpu.memory_space<vmem>>
      %dma_wait3A_3018 = arith.constant 0 : i32
      %dma_wait3A_3019 = tpu.memref_slice %arg6[%dma_wait3A_3018, %multiple_of3A_2645] : memref<16x1000000xf32, #tpu.memory_space<hbm>> -> memref<16x128xf32, #tpu.memory_space<hbm>>
      %dma_wait3A_3020 = arith.constant 0 : i32
      %dma_wait3A_3021 = arith.constant 0 : i32
      %dma_wait3A_3022 = tpu.memref_slice %arg16[%dma_wait3A_3013, %dma_wait3A_3020, %dma_wait3A_3021] : memref<4x16x128xf32, #tpu.memory_space<vmem>> -> memref<1x16x128xf32, #tpu.memory_space<vmem>>
      %dma_wait3A_3023 = tpu.memref_squeeze %dma_wait3A_3022 : memref<1x16x128xf32, #tpu.memory_space<vmem>> -> memref<16x128xf32, #tpu.memory_space<vmem>>
      %dma_wait3A_3024 = arith.constant 0 : i32
      %dma_wait3A_3025 = tpu.memref_slice %arg6[%dma_wait3A_3024, %multiple_of3A_2645] : memref<16x1000000xf32, #tpu.memory_space<hbm>> -> memref<16x128xf32, #tpu.memory_space<hbm>>
      tpu.wait_dma2 semaphore(%arg22 : memref<!tpu.dma_semaphore, #tpu.memory_space<semaphore_mem>>) src(%dma_wait3A_3025 : memref<16x128xf32, #tpu.memory_space<hbm>>) dst(%dma_wait3A_3023 : memref<16x128xf32, #tpu.memory_space<vmem>>)
      %dma_wait3A_3026 = arith.constant 0 : i32
      %dma_wait3A_3027 = arith.constant 0 : i32
      %dma_wait3A_3028 = arith.constant 0 : i32
      %dma_wait3A_3029 = tpu.memref_slice %arg17[%dma_wait3A_3026, %dma_wait3A_3027, %dma_wait3A_3028] : memref<4x16x128xf32, #tpu.memory_space<vmem>> -> memref<1x16x128xf32, #tpu.memory_space<vmem>>
      %dma_wait3A_3030 = tpu.memref_squeeze %dma_wait3A_3029 : memref<1x16x128xf32, #tpu.memory_space<vmem>> -> memref<16x128xf32, #tpu.memory_space<vmem>>
      %dma_wait3A_3031 = arith.constant 0 : i32
      %dma_wait3A_3032 = tpu.memref_slice %arg7[%dma_wait3A_3031, %multiple_of3A_2652] : memref<16x1000000xf32, #tpu.memory_space<hbm>> -> memref<16x128xf32, #tpu.memory_space<hbm>>
      %dma_wait3A_3033 = arith.constant 0 : i32
      %dma_wait3A_3034 = arith.constant 0 : i32
      %dma_wait3A_3035 = tpu.memref_slice %arg17[%dma_wait3A_3026, %dma_wait3A_3033, %dma_wait3A_3034] : memref<4x16x128xf32, #tpu.memory_space<vmem>> -> memref<1x16x128xf32, #tpu.memory_space<vmem>>
      %dma_wait3A_3036 = tpu.memref_squeeze %dma_wait3A_3035 : memref<1x16x128xf32, #tpu.memory_space<vmem>> -> memref<16x128xf32, #tpu.memory_space<vmem>>
      %dma_wait3A_3037 = arith.constant 0 : i32
      %dma_wait3A_3038 = tpu.memref_slice %arg7[%dma_wait3A_3037, %multiple_of3A_2652] : memref<16x1000000xf32, #tpu.memory_space<hbm>> -> memref<16x128xf32, #tpu.memory_space<hbm>>
      tpu.wait_dma2 semaphore(%arg22 : memref<!tpu.dma_semaphore, #tpu.memory_space<semaphore_mem>>) src(%dma_wait3A_3038 : memref<16x128xf32, #tpu.memory_space<hbm>>) dst(%dma_wait3A_3036 : memref<16x128xf32, #tpu.memory_space<vmem>>)
      %dma_wait3A_3039 = arith.constant 1 : i32
      %dma_wait3A_3040 = arith.constant 0 : i32
      %dma_wait3A_3041 = arith.constant 0 : i32
      %dma_wait3A_3042 = tpu.memref_slice %arg14[%dma_wait3A_3039, %dma_wait3A_3040, %dma_wait3A_3041] : memref<4x32x128xf32, #tpu.memory_space<vmem>> -> memref<1x32x128xf32, #tpu.memory_space<vmem>>
      %dma_wait3A_3043 = tpu.memref_squeeze %dma_wait3A_3042 : memref<1x32x128xf32, #tpu.memory_space<vmem>> -> memref<32x128xf32, #tpu.memory_space<vmem>>
      %dma_wait3A_3044 = arith.constant 0 : i32
      %dma_wait3A_3045 = tpu.memref_slice %arg4[%dma_wait3A_3044, %multiple_of3A_2737] : memref<32x1000000xf32, #tpu.memory_space<hbm>> -> memref<32x128xf32, #tpu.memory_space<hbm>>
      %dma_wait3A_3046 = arith.constant 0 : i32
      %dma_wait3A_3047 = arith.constant 0 : i32
      %dma_wait3A_3048 = tpu.memref_slice %arg14[%dma_wait3A_3039, %dma_wait3A_3046, %dma_wait3A_3047] : memref<4x32x128xf32, #tpu.memory_space<vmem>> -> memref<1x32x128xf32, #tpu.memory_space<vmem>>
      %dma_wait3A_3049 = tpu.memref_squeeze %dma_wait3A_3048 : memref<1x32x128xf32, #tpu.memory_space<vmem>> -> memref<32x128xf32, #tpu.memory_space<vmem>>
      %dma_wait3A_3050 = arith.constant 0 : i32
      %dma_wait3A_3051 = tpu.memref_slice %arg4[%dma_wait3A_3050, %multiple_of3A_2737] : memref<32x1000000xf32, #tpu.memory_space<hbm>> -> memref<32x128xf32, #tpu.memory_space<hbm>>
      tpu.wait_dma2 semaphore(%arg22 : memref<!tpu.dma_semaphore, #tpu.memory_space<semaphore_mem>>) src(%dma_wait3A_3051 : memref<32x128xf32, #tpu.memory_space<hbm>>) dst(%dma_wait3A_3049 : memref<32x128xf32, #tpu.memory_space<vmem>>)
      %dma_wait3A_3052 = arith.constant 1 : i32
      %dma_wait3A_3053 = arith.constant 0 : i32
      %dma_wait3A_3054 = arith.constant 0 : i32
      %dma_wait3A_3055 = tpu.memref_slice %arg15[%dma_wait3A_3052, %dma_wait3A_3053, %dma_wait3A_3054] : memref<4x32x128xf32, #tpu.memory_space<vmem>> -> memref<1x32x128xf32, #tpu.memory_space<vmem>>
      %dma_wait3A_3056 = tpu.memref_squeeze %dma_wait3A_3055 : memref<1x32x128xf32, #tpu.memory_space<vmem>> -> memref<32x128xf32, #tpu.memory_space<vmem>>
      %dma_wait3A_3057 = arith.constant 0 : i32
      %dma_wait3A_3058 = tpu.memref_slice %arg5[%dma_wait3A_3057, %multiple_of3A_2744] : memref<32x1000000xf32, #tpu.memory_space<hbm>> -> memref<32x128xf32, #tpu.memory_space<hbm>>
      %dma_wait3A_3059 = arith.constant 0 : i32
      %dma_wait3A_3060 = arith.constant 0 : i32
      %dma_wait3A_3061 = tpu.memref_slice %arg15[%dma_wait3A_3052, %dma_wait3A_3059, %dma_wait3A_3060] : memref<4x32x128xf32, #tpu.memory_space<vmem>> -> memref<1x32x128xf32, #tpu.memory_space<vmem>>
      %dma_wait3A_3062 = tpu.memref_squeeze %dma_wait3A_3061 : memref<1x32x128xf32, #tpu.memory_space<vmem>> -> memref<32x128xf32, #tpu.memory_space<vmem>>
      %dma_wait3A_3063 = arith.constant 0 : i32
      %dma_wait3A_3064 = tpu.memref_slice %arg5[%dma_wait3A_3063, %multiple_of3A_2744] : memref<32x1000000xf32, #tpu.memory_space<hbm>> -> memref<32x128xf32, #tpu.memory_space<hbm>>
      tpu.wait_dma2 semaphore(%arg22 : memref<!tpu.dma_semaphore, #tpu.memory_space<semaphore_mem>>) src(%dma_wait3A_3064 : memref<32x128xf32, #tpu.memory_space<hbm>>) dst(%dma_wait3A_3062 : memref<32x128xf32, #tpu.memory_space<vmem>>)
      %dma_wait3A_3065 = arith.constant 1 : i32
      %dma_wait3A_3066 = arith.constant 0 : i32
      %dma_wait3A_3067 = arith.constant 0 : i32
      %dma_wait3A_3068 = tpu.memref_slice %arg16[%dma_wait3A_3065, %dma_wait3A_3066, %dma_wait3A_3067] : memref<4x16x128xf32, #tpu.memory_space<vmem>> -> memref<1x16x128xf32, #tpu.memory_space<vmem>>
      %dma_wait3A_3069 = tpu.memref_squeeze %dma_wait3A_3068 : memref<1x16x128xf32, #tpu.memory_space<vmem>> -> memref<16x128xf32, #tpu.memory_space<vmem>>
      %dma_wait3A_3070 = arith.constant 0 : i32
      %dma_wait3A_3071 = tpu.memref_slice %arg6[%dma_wait3A_3070, %multiple_of3A_2737] : memref<16x1000000xf32, #tpu.memory_space<hbm>> -> memref<16x128xf32, #tpu.memory_space<hbm>>
      %dma_wait3A_3072 = arith.constant 0 : i32
      %dma_wait3A_3073 = arith.constant 0 : i32
      %dma_wait3A_3074 = tpu.memref_slice %arg16[%dma_wait3A_3065, %dma_wait3A_3072, %dma_wait3A_3073] : memref<4x16x128xf32, #tpu.memory_space<vmem>> -> memref<1x16x128xf32, #tpu.memory_space<vmem>>
      %dma_wait3A_3075 = tpu.memref_squeeze %dma_wait3A_3074 : memref<1x16x128xf32, #tpu.memory_space<vmem>> -> memref<16x128xf32, #tpu.memory_space<vmem>>
      %dma_wait3A_3076 = arith.constant 0 : i32
      %dma_wait3A_3077 = tpu.memref_slice %arg6[%dma_wait3A_3076, %multiple_of3A_2737] : memref<16x1000000xf32, #tpu.memory_space<hbm>> -> memref<16x128xf32, #tpu.memory_space<hbm>>
      tpu.wait_dma2 semaphore(%arg22 : memref<!tpu.dma_semaphore, #tpu.memory_space<semaphore_mem>>) src(%dma_wait3A_3077 : memref<16x128xf32, #tpu.memory_space<hbm>>) dst(%dma_wait3A_3075 : memref<16x128xf32, #tpu.memory_space<vmem>>)
      %dma_wait3A_3078 = arith.constant 1 : i32
      %dma_wait3A_3079 = arith.constant 0 : i32
      %dma_wait3A_3080 = arith.constant 0 : i32
      %dma_wait3A_3081 = tpu.memref_slice %arg17[%dma_wait3A_3078, %dma_wait3A_3079, %dma_wait3A_3080] : memref<4x16x128xf32, #tpu.memory_space<vmem>> -> memref<1x16x128xf32, #tpu.memory_space<vmem>>
      %dma_wait3A_3082 = tpu.memref_squeeze %dma_wait3A_3081 : memref<1x16x128xf32, #tpu.memory_space<vmem>> -> memref<16x128xf32, #tpu.memory_space<vmem>>
      %dma_wait3A_3083 = arith.constant 0 : i32
      %dma_wait3A_3084 = tpu.memref_slice %arg7[%dma_wait3A_3083, %multiple_of3A_2744] : memref<16x1000000xf32, #tpu.memory_space<hbm>> -> memref<16x128xf32, #tpu.memory_space<hbm>>
      %dma_wait3A_3085 = arith.constant 0 : i32
      %dma_wait3A_3086 = arith.constant 0 : i32
      %dma_wait3A_3087 = tpu.memref_slice %arg17[%dma_wait3A_3078, %dma_wait3A_3085, %dma_wait3A_3086] : memref<4x16x128xf32, #tpu.memory_space<vmem>> -> memref<1x16x128xf32, #tpu.memory_space<vmem>>
      %dma_wait3A_3088 = tpu.memref_squeeze %dma_wait3A_3087 : memref<1x16x128xf32, #tpu.memory_space<vmem>> -> memref<16x128xf32, #tpu.memory_space<vmem>>
      %dma_wait3A_3089 = arith.constant 0 : i32
      %dma_wait3A_3090 = tpu.memref_slice %arg7[%dma_wait3A_3089, %multiple_of3A_2744] : memref<16x1000000xf32, #tpu.memory_space<hbm>> -> memref<16x128xf32, #tpu.memory_space<hbm>>
      tpu.wait_dma2 semaphore(%arg22 : memref<!tpu.dma_semaphore, #tpu.memory_space<semaphore_mem>>) src(%dma_wait3A_3090 : memref<16x128xf32, #tpu.memory_space<hbm>>) dst(%dma_wait3A_3088 : memref<16x128xf32, #tpu.memory_space<vmem>>)
      %dma_wait3A_3091 = arith.constant 2 : i32
      %dma_wait3A_3092 = arith.constant 0 : i32
      %dma_wait3A_3093 = arith.constant 0 : i32
      %dma_wait3A_3094 = tpu.memref_slice %arg14[%dma_wait3A_3091, %dma_wait3A_3092, %dma_wait3A_3093] : memref<4x32x128xf32, #tpu.memory_space<vmem>> -> memref<1x32x128xf32, #tpu.memory_space<vmem>>
      %dma_wait3A_3095 = tpu.memref_squeeze %dma_wait3A_3094 : memref<1x32x128xf32, #tpu.memory_space<vmem>> -> memref<32x128xf32, #tpu.memory_space<vmem>>
      %dma_wait3A_3096 = arith.constant 0 : i32
      %dma_wait3A_3097 = tpu.memref_slice %arg4[%dma_wait3A_3096, %multiple_of3A_2829] : memref<32x1000000xf32, #tpu.memory_space<hbm>> -> memref<32x128xf32, #tpu.memory_space<hbm>>
      %dma_wait3A_3098 = arith.constant 0 : i32
      %dma_wait3A_3099 = arith.constant 0 : i32
      %dma_wait3A_3100 = tpu.memref_slice %arg14[%dma_wait3A_3091, %dma_wait3A_3098, %dma_wait3A_3099] : memref<4x32x128xf32, #tpu.memory_space<vmem>> -> memref<1x32x128xf32, #tpu.memory_space<vmem>>
      %dma_wait3A_3101 = tpu.memref_squeeze %dma_wait3A_3100 : memref<1x32x128xf32, #tpu.memory_space<vmem>> -> memref<32x128xf32, #tpu.memory_space<vmem>>
      %dma_wait3A_3102 = arith.constant 0 : i32
      %dma_wait3A_3103 = tpu.memref_slice %arg4[%dma_wait3A_3102, %multiple_of3A_2829] : memref<32x1000000xf32, #tpu.memory_space<hbm>> -> memref<32x128xf32, #tpu.memory_space<hbm>>
      tpu.wait_dma2 semaphore(%arg22 : memref<!tpu.dma_semaphore, #tpu.memory_space<semaphore_mem>>) src(%dma_wait3A_3103 : memref<32x128xf32, #tpu.memory_space<hbm>>) dst(%dma_wait3A_3101 : memref<32x128xf32, #tpu.memory_space<vmem>>)
      %dma_wait3A_3104 = arith.constant 2 : i32
      %dma_wait3A_3105 = arith.constant 0 : i32
      %dma_wait3A_3106 = arith.constant 0 : i32
      %dma_wait3A_3107 = tpu.memref_slice %arg15[%dma_wait3A_3104, %dma_wait3A_3105, %dma_wait3A_3106] : memref<4x32x128xf32, #tpu.memory_space<vmem>> -> memref<1x32x128xf32, #tpu.memory_space<vmem>>
      %dma_wait3A_3108 = tpu.memref_squeeze %dma_wait3A_3107 : memref<1x32x128xf32, #tpu.memory_space<vmem>> -> memref<32x128xf32, #tpu.memory_space<vmem>>
      %dma_wait3A_3109 = arith.constant 0 : i32
      %dma_wait3A_3110 = tpu.memref_slice %arg5[%dma_wait3A_3109, %multiple_of3A_2836] : memref<32x1000000xf32, #tpu.memory_space<hbm>> -> memref<32x128xf32, #tpu.memory_space<hbm>>
      %dma_wait3A_3111 = arith.constant 0 : i32
      %dma_wait3A_3112 = arith.constant 0 : i32
      %dma_wait3A_3113 = tpu.memref_slice %arg15[%dma_wait3A_3104, %dma_wait3A_3111, %dma_wait3A_3112] : memref<4x32x128xf32, #tpu.memory_space<vmem>> -> memref<1x32x128xf32, #tpu.memory_space<vmem>>
      %dma_wait3A_3114 = tpu.memref_squeeze %dma_wait3A_3113 : memref<1x32x128xf32, #tpu.memory_space<vmem>> -> memref<32x128xf32, #tpu.memory_space<vmem>>
      %dma_wait3A_3115 = arith.constant 0 : i32
      %dma_wait3A_3116 = tpu.memref_slice %arg5[%dma_wait3A_3115, %multiple_of3A_2836] : memref<32x1000000xf32, #tpu.memory_space<hbm>> -> memref<32x128xf32, #tpu.memory_space<hbm>>
      tpu.wait_dma2 semaphore(%arg22 : memref<!tpu.dma_semaphore, #tpu.memory_space<semaphore_mem>>) src(%dma_wait3A_3116 : memref<32x128xf32, #tpu.memory_space<hbm>>) dst(%dma_wait3A_3114 : memref<32x128xf32, #tpu.memory_space<vmem>>)
      %dma_wait3A_3117 = arith.constant 2 : i32
      %dma_wait3A_3118 = arith.constant 0 : i32
      %dma_wait3A_3119 = arith.constant 0 : i32
      %dma_wait3A_3120 = tpu.memref_slice %arg16[%dma_wait3A_3117, %dma_wait3A_3118, %dma_wait3A_3119] : memref<4x16x128xf32, #tpu.memory_space<vmem>> -> memref<1x16x128xf32, #tpu.memory_space<vmem>>
      %dma_wait3A_3121 = tpu.memref_squeeze %dma_wait3A_3120 : memref<1x16x128xf32, #tpu.memory_space<vmem>> -> memref<16x128xf32, #tpu.memory_space<vmem>>
      %dma_wait3A_3122 = arith.constant 0 : i32
      %dma_wait3A_3123 = tpu.memref_slice %arg6[%dma_wait3A_3122, %multiple_of3A_2829] : memref<16x1000000xf32, #tpu.memory_space<hbm>> -> memref<16x128xf32, #tpu.memory_space<hbm>>
      %dma_wait3A_3124 = arith.constant 0 : i32
      %dma_wait3A_3125 = arith.constant 0 : i32
      %dma_wait3A_3126 = tpu.memref_slice %arg16[%dma_wait3A_3117, %dma_wait3A_3124, %dma_wait3A_3125] : memref<4x16x128xf32, #tpu.memory_space<vmem>> -> memref<1x16x128xf32, #tpu.memory_space<vmem>>
      %dma_wait3A_3127 = tpu.memref_squeeze %dma_wait3A_3126 : memref<1x16x128xf32, #tpu.memory_space<vmem>> -> memref<16x128xf32, #tpu.memory_space<vmem>>
      %dma_wait3A_3128 = arith.constant 0 : i32
      %dma_wait3A_3129 = tpu.memref_slice %arg6[%dma_wait3A_3128, %multiple_of3A_2829] : memref<16x1000000xf32, #tpu.memory_space<hbm>> -> memref<16x128xf32, #tpu.memory_space<hbm>>
      tpu.wait_dma2 semaphore(%arg22 : memref<!tpu.dma_semaphore, #tpu.memory_space<semaphore_mem>>) src(%dma_wait3A_3129 : memref<16x128xf32, #tpu.memory_space<hbm>>) dst(%dma_wait3A_3127 : memref<16x128xf32, #tpu.memory_space<vmem>>)
      %dma_wait3A_3130 = arith.constant 2 : i32
      %dma_wait3A_3131 = arith.constant 0 : i32
      %dma_wait3A_3132 = arith.constant 0 : i32
      %dma_wait3A_3133 = tpu.memref_slice %arg17[%dma_wait3A_3130, %dma_wait3A_3131, %dma_wait3A_3132] : memref<4x16x128xf32, #tpu.memory_space<vmem>> -> memref<1x16x128xf32, #tpu.memory_space<vmem>>
      %dma_wait3A_3134 = tpu.memref_squeeze %dma_wait3A_3133 : memref<1x16x128xf32, #tpu.memory_space<vmem>> -> memref<16x128xf32, #tpu.memory_space<vmem>>
      %dma_wait3A_3135 = arith.constant 0 : i32
      %dma_wait3A_3136 = tpu.memref_slice %arg7[%dma_wait3A_3135, %multiple_of3A_2836] : memref<16x1000000xf32, #tpu.memory_space<hbm>> -> memref<16x128xf32, #tpu.memory_space<hbm>>
      %dma_wait3A_3137 = arith.constant 0 : i32
      %dma_wait3A_3138 = arith.constant 0 : i32
      %dma_wait3A_3139 = tpu.memref_slice %arg17[%dma_wait3A_3130, %dma_wait3A_3137, %dma_wait3A_3138] : memref<4x16x128xf32, #tpu.memory_space<vmem>> -> memref<1x16x128xf32, #tpu.memory_space<vmem>>
      %dma_wait3A_3140 = tpu.memref_squeeze %dma_wait3A_3139 : memref<1x16x128xf32, #tpu.memory_space<vmem>> -> memref<16x128xf32, #tpu.memory_space<vmem>>
      %dma_wait3A_3141 = arith.constant 0 : i32
      %dma_wait3A_3142 = tpu.memref_slice %arg7[%dma_wait3A_3141, %multiple_of3A_2836] : memref<16x1000000xf32, #tpu.memory_space<hbm>> -> memref<16x128xf32, #tpu.memory_space<hbm>>
      tpu.wait_dma2 semaphore(%arg22 : memref<!tpu.dma_semaphore, #tpu.memory_space<semaphore_mem>>) src(%dma_wait3A_3142 : memref<16x128xf32, #tpu.memory_space<hbm>>) dst(%dma_wait3A_3140 : memref<16x128xf32, #tpu.memory_space<vmem>>)
      %dma_wait3A_3143 = arith.constant 3 : i32
      %dma_wait3A_3144 = arith.constant 0 : i32
      %dma_wait3A_3145 = arith.constant 0 : i32
      %dma_wait3A_3146 = tpu.memref_slice %arg14[%dma_wait3A_3143, %dma_wait3A_3144, %dma_wait3A_3145] : memref<4x32x128xf32, #tpu.memory_space<vmem>> -> memref<1x32x128xf32, #tpu.memory_space<vmem>>
      %dma_wait3A_3147 = tpu.memref_squeeze %dma_wait3A_3146 : memref<1x32x128xf32, #tpu.memory_space<vmem>> -> memref<32x128xf32, #tpu.memory_space<vmem>>
      %dma_wait3A_3148 = arith.constant 0 : i32
      %dma_wait3A_3149 = tpu.memref_slice %arg4[%dma_wait3A_3148, %multiple_of3A_2921] : memref<32x1000000xf32, #tpu.memory_space<hbm>> -> memref<32x128xf32, #tpu.memory_space<hbm>>
      %dma_wait3A_3150 = arith.constant 0 : i32
      %dma_wait3A_3151 = arith.constant 0 : i32
      %dma_wait3A_3152 = tpu.memref_slice %arg14[%dma_wait3A_3143, %dma_wait3A_3150, %dma_wait3A_3151] : memref<4x32x128xf32, #tpu.memory_space<vmem>> -> memref<1x32x128xf32, #tpu.memory_space<vmem>>
      %dma_wait3A_3153 = tpu.memref_squeeze %dma_wait3A_3152 : memref<1x32x128xf32, #tpu.memory_space<vmem>> -> memref<32x128xf32, #tpu.memory_space<vmem>>
      %dma_wait3A_3154 = arith.constant 0 : i32
      %dma_wait3A_3155 = tpu.memref_slice %arg4[%dma_wait3A_3154, %multiple_of3A_2921] : memref<32x1000000xf32, #tpu.memory_space<hbm>> -> memref<32x128xf32, #tpu.memory_space<hbm>>
      tpu.wait_dma2 semaphore(%arg22 : memref<!tpu.dma_semaphore, #tpu.memory_space<semaphore_mem>>) src(%dma_wait3A_3155 : memref<32x128xf32, #tpu.memory_space<hbm>>) dst(%dma_wait3A_3153 : memref<32x128xf32, #tpu.memory_space<vmem>>)
      %dma_wait3A_3156 = arith.constant 3 : i32
      %dma_wait3A_3157 = arith.constant 0 : i32
      %dma_wait3A_3158 = arith.constant 0 : i32
      %dma_wait3A_3159 = tpu.memref_slice %arg15[%dma_wait3A_3156, %dma_wait3A_3157, %dma_wait3A_3158] : memref<4x32x128xf32, #tpu.memory_space<vmem>> -> memref<1x32x128xf32, #tpu.memory_space<vmem>>
      %dma_wait3A_3160 = tpu.memref_squeeze %dma_wait3A_3159 : memref<1x32x128xf32, #tpu.memory_space<vmem>> -> memref<32x128xf32, #tpu.memory_space<vmem>>
      %dma_wait3A_3161 = arith.constant 0 : i32
      %dma_wait3A_3162 = tpu.memref_slice %arg5[%dma_wait3A_3161, %multiple_of3A_2928] : memref<32x1000000xf32, #tpu.memory_space<hbm>> -> memref<32x128xf32, #tpu.memory_space<hbm>>
      %dma_wait3A_3163 = arith.constant 0 : i32
      %dma_wait3A_3164 = arith.constant 0 : i32
      %dma_wait3A_3165 = tpu.memref_slice %arg15[%dma_wait3A_3156, %dma_wait3A_3163, %dma_wait3A_3164] : memref<4x32x128xf32, #tpu.memory_space<vmem>> -> memref<1x32x128xf32, #tpu.memory_space<vmem>>
      %dma_wait3A_3166 = tpu.memref_squeeze %dma_wait3A_3165 : memref<1x32x128xf32, #tpu.memory_space<vmem>> -> memref<32x128xf32, #tpu.memory_space<vmem>>
      %dma_wait3A_3167 = arith.constant 0 : i32
      %dma_wait3A_3168 = tpu.memref_slice %arg5[%dma_wait3A_3167, %multiple_of3A_2928] : memref<32x1000000xf32, #tpu.memory_space<hbm>> -> memref<32x128xf32, #tpu.memory_space<hbm>>
      tpu.wait_dma2 semaphore(%arg22 : memref<!tpu.dma_semaphore, #tpu.memory_space<semaphore_mem>>) src(%dma_wait3A_3168 : memref<32x128xf32, #tpu.memory_space<hbm>>) dst(%dma_wait3A_3166 : memref<32x128xf32, #tpu.memory_space<vmem>>)
      %dma_wait3A_3169 = arith.constant 3 : i32
      %dma_wait3A_3170 = arith.constant 0 : i32
      %dma_wait3A_3171 = arith.constant 0 : i32
      %dma_wait3A_3172 = tpu.memref_slice %arg16[%dma_wait3A_3169, %dma_wait3A_3170, %dma_wait3A_3171] : memref<4x16x128xf32, #tpu.memory_space<vmem>> -> memref<1x16x128xf32, #tpu.memory_space<vmem>>
      %dma_wait3A_3173 = tpu.memref_squeeze %dma_wait3A_3172 : memref<1x16x128xf32, #tpu.memory_space<vmem>> -> memref<16x128xf32, #tpu.memory_space<vmem>>
      %dma_wait3A_3174 = arith.constant 0 : i32
      %dma_wait3A_3175 = tpu.memref_slice %arg6[%dma_wait3A_3174, %multiple_of3A_2921] : memref<16x1000000xf32, #tpu.memory_space<hbm>> -> memref<16x128xf32, #tpu.memory_space<hbm>>
      %dma_wait3A_3176 = arith.constant 0 : i32
      %dma_wait3A_3177 = arith.constant 0 : i32
      %dma_wait3A_3178 = tpu.memref_slice %arg16[%dma_wait3A_3169, %dma_wait3A_3176, %dma_wait3A_3177] : memref<4x16x128xf32, #tpu.memory_space<vmem>> -> memref<1x16x128xf32, #tpu.memory_space<vmem>>
      %dma_wait3A_3179 = tpu.memref_squeeze %dma_wait3A_3178 : memref<1x16x128xf32, #tpu.memory_space<vmem>> -> memref<16x128xf32, #tpu.memory_space<vmem>>
      %dma_wait3A_3180 = arith.constant 0 : i32
      %dma_wait3A_3181 = tpu.memref_slice %arg6[%dma_wait3A_3180, %multiple_of3A_2921] : memref<16x1000000xf32, #tpu.memory_space<hbm>> -> memref<16x128xf32, #tpu.memory_space<hbm>>
      tpu.wait_dma2 semaphore(%arg22 : memref<!tpu.dma_semaphore, #tpu.memory_space<semaphore_mem>>) src(%dma_wait3A_3181 : memref<16x128xf32, #tpu.memory_space<hbm>>) dst(%dma_wait3A_3179 : memref<16x128xf32, #tpu.memory_space<vmem>>)
      %dma_wait3A_3182 = arith.constant 3 : i32
      %dma_wait3A_3183 = arith.constant 0 : i32
      %dma_wait3A_3184 = arith.constant 0 : i32
      %dma_wait3A_3185 = tpu.memref_slice %arg17[%dma_wait3A_3182, %dma_wait3A_3183, %dma_wait3A_3184] : memref<4x16x128xf32, #tpu.memory_space<vmem>> -> memref<1x16x128xf32, #tpu.memory_space<vmem>>
      %dma_wait3A_3186 = tpu.memref_squeeze %dma_wait3A_3185 : memref<1x16x128xf32, #tpu.memory_space<vmem>> -> memref<16x128xf32, #tpu.memory_space<vmem>>
      %dma_wait3A_3187 = arith.constant 0 : i32
      %dma_wait3A_3188 = tpu.memref_slice %arg7[%dma_wait3A_3187, %multiple_of3A_2928] : memref<16x1000000xf32, #tpu.memory_space<hbm>> -> memref<16x128xf32, #tpu.memory_space<hbm>>
      %dma_wait3A_3189 = arith.constant 0 : i32
      %dma_wait3A_3190 = arith.constant 0 : i32
      %dma_wait3A_3191 = tpu.memref_slice %arg17[%dma_wait3A_3182, %dma_wait3A_3189, %dma_wait3A_3190] : memref<4x16x128xf32, #tpu.memory_space<vmem>> -> memref<1x16x128xf32, #tpu.memory_space<vmem>>
      %dma_wait3A_3192 = tpu.memref_squeeze %dma_wait3A_3191 : memref<1x16x128xf32, #tpu.memory_space<vmem>> -> memref<16x128xf32, #tpu.memory_space<vmem>>
      %dma_wait3A_3193 = arith.constant 0 : i32
      %dma_wait3A_3194 = tpu.memref_slice %arg7[%dma_wait3A_3193, %multiple_of3A_2928] : memref<16x1000000xf32, #tpu.memory_space<hbm>> -> memref<16x128xf32, #tpu.memory_space<hbm>>
      tpu.wait_dma2 semaphore(%arg22 : memref<!tpu.dma_semaphore, #tpu.memory_space<semaphore_mem>>) src(%dma_wait3A_3194 : memref<16x128xf32, #tpu.memory_space<hbm>>) dst(%dma_wait3A_3192 : memref<16x128xf32, #tpu.memory_space<vmem>>)
      %mul3A_3195 = arith.constant 16 : i32
      %mul3A_3196 = arith.muli %scan3A_8, %mul3A_3195 : i32
      %add3A_3197 = arith.constant 12 : i32
      %add3A_3198 = arith.addi %mul3A_3196, %add3A_3197 : i32
      %add3A_3199 = arith.constant 0 : i32
      %add3A_3200 = arith.addi %add3A_3198, %add3A_3199 : i32
      %broadcast_in_dim3A_3201 = vector.broadcast %min3A_2655 : i32 to vector<16xi32>
      %broadcast_in_dim3A_3202 = vector.broadcast %add3A_3200 : i32 to vector<16xi32>
      %iota3A_3203 = tpu.iota {dimensions = array<i32: 0>} : vector<16xi32>
      %add3A_3204 = arith.constant 0 : i32
      %add3A_3205 = vector.broadcast %add3A_3204 : i32 to vector<16xi32>
      %add3A_3206 = arith.addi %iota3A_3203, %add3A_3205 : vector<16xi32>
      %gather3A_3207 = arith.constant 0 : i32
      %gather3A_3208 = arith.constant 0 : i32
      %gather3A_3209 = arith.constant 0 : i32
      %gather3A_3210 = tpu.memref_slice %arg14[%gather3A_3207, %gather3A_3208, %gather3A_3209] : memref<4x32x128xf32, #tpu.memory_space<vmem>> -> memref<1x32x128xf32, #tpu.memory_space<vmem>>
      %gather3A_3211 = tpu.memref_squeeze %gather3A_3210 : memref<1x32x128xf32, #tpu.memory_space<vmem>> -> memref<32x128xf32, #tpu.memory_space<vmem>>
      %gather3A_3212 = tpu.vector_load_idx %gather3A_3211[%add3A_3206, %broadcast_in_dim3A_3201] : memref<32x128xf32, #tpu.memory_space<vmem>>[vector<16xi32>, vector<16xi32>], vector<16xf32>,
      tpu.vector_store_idx %arg18[%add3A_3206, %broadcast_in_dim3A_3202], %gather3A_3212 : memref<32x512xf32, #tpu.memory_space<vmem>>[vector<16xi32>, vector<16xi32>], vector<16xf32>,
      %iota3A_3213 = tpu.iota {dimensions = array<i32: 0>} : vector<16xi32>
      %add3A_3214 = arith.constant 16 : i32
      %add3A_3215 = vector.broadcast %add3A_3214 : i32 to vector<16xi32>
      %add3A_3216 = arith.addi %iota3A_3213, %add3A_3215 : vector<16xi32>
      %gather3A_3217 = arith.constant 0 : i32
      %gather3A_3218 = arith.constant 0 : i32
      %gather3A_3219 = arith.constant 0 : i32
      %gather3A_3220 = tpu.memref_slice %arg14[%gather3A_3217, %gather3A_3218, %gather3A_3219] : memref<4x32x128xf32, #tpu.memory_space<vmem>> -> memref<1x32x128xf32, #tpu.memory_space<vmem>>
      %gather3A_3221 = tpu.memref_squeeze %gather3A_3220 : memref<1x32x128xf32, #tpu.memory_space<vmem>> -> memref<32x128xf32, #tpu.memory_space<vmem>>
      %gather3A_3222 = tpu.vector_load_idx %gather3A_3221[%add3A_3216, %broadcast_in_dim3A_3201] : memref<32x128xf32, #tpu.memory_space<vmem>>[vector<16xi32>, vector<16xi32>], vector<16xf32>,
      tpu.vector_store_idx %arg18[%add3A_3216, %broadcast_in_dim3A_3202], %gather3A_3222 : memref<32x512xf32, #tpu.memory_space<vmem>>[vector<16xi32>, vector<16xi32>], vector<16xf32>,
      %broadcast_in_dim3A_3223 = vector.broadcast %min3A_2658 : i32 to vector<16xi32>
      %broadcast_in_dim3A_3224 = vector.broadcast %add3A_3200 : i32 to vector<16xi32>
      %iota3A_3225 = tpu.iota {dimensions = array<i32: 0>} : vector<16xi32>
      %add3A_3226 = arith.constant 0 : i32
      %add3A_3227 = vector.broadcast %add3A_3226 : i32 to vector<16xi32>
      %add3A_3228 = arith.addi %iota3A_3225, %add3A_3227 : vector<16xi32>
      %gather3A_3229 = arith.constant 0 : i32
      %gather3A_3230 = arith.constant 0 : i32
      %gather3A_3231 = arith.constant 0 : i32
      %gather3A_3232 = tpu.memref_slice %arg15[%gather3A_3229, %gather3A_3230, %gather3A_3231] : memref<4x32x128xf32, #tpu.memory_space<vmem>> -> memref<1x32x128xf32, #tpu.memory_space<vmem>>
      %gather3A_3233 = tpu.memref_squeeze %gather3A_3232 : memref<1x32x128xf32, #tpu.memory_space<vmem>> -> memref<32x128xf32, #tpu.memory_space<vmem>>
      %gather3A_3234 = tpu.vector_load_idx %gather3A_3233[%add3A_3228, %broadcast_in_dim3A_3223] : memref<32x128xf32, #tpu.memory_space<vmem>>[vector<16xi32>, vector<16xi32>], vector<16xf32>,
      tpu.vector_store_idx %arg19[%add3A_3228, %broadcast_in_dim3A_3224], %gather3A_3234 : memref<32x512xf32, #tpu.memory_space<vmem>>[vector<16xi32>, vector<16xi32>], vector<16xf32>,
      %iota3A_3235 = tpu.iota {dimensions = array<i32: 0>} : vector<16xi32>
      %add3A_3236 = arith.constant 16 : i32
      %add3A_3237 = vector.broadcast %add3A_3236 : i32 to vector<16xi32>
      %add3A_3238 = arith.addi %iota3A_3235, %add3A_3237 : vector<16xi32>
      %gather3A_3239 = arith.constant 0 : i32
      %gather3A_3240 = arith.constant 0 : i32
      %gather3A_3241 = arith.constant 0 : i32
      %gather3A_3242 = tpu.memref_slice %arg15[%gather3A_3239, %gather3A_3240, %gather3A_3241] : memref<4x32x128xf32, #tpu.memory_space<vmem>> -> memref<1x32x128xf32, #tpu.memory_space<vmem>>
      %gather3A_3243 = tpu.memref_squeeze %gather3A_3242 : memref<1x32x128xf32, #tpu.memory_space<vmem>> -> memref<32x128xf32, #tpu.memory_space<vmem>>
      %gather3A_3244 = tpu.vector_load_idx %gather3A_3243[%add3A_3238, %broadcast_in_dim3A_3223] : memref<32x128xf32, #tpu.memory_space<vmem>>[vector<16xi32>, vector<16xi32>], vector<16xf32>,
      tpu.vector_store_idx %arg19[%add3A_3238, %broadcast_in_dim3A_3224], %gather3A_3244 : memref<32x512xf32, #tpu.memory_space<vmem>>[vector<16xi32>, vector<16xi32>], vector<16xf32>,
      %broadcast_in_dim3A_3245 = vector.broadcast %min3A_2655 : i32 to vector<16xi32>
      %broadcast_in_dim3A_3246 = vector.broadcast %add3A_3200 : i32 to vector<16xi32>
      %iota3A_3247 = tpu.iota {dimensions = array<i32: 0>} : vector<16xi32>
      %add3A_3248 = arith.constant 0 : i32
      %add3A_3249 = vector.broadcast %add3A_3248 : i32 to vector<16xi32>
      %add3A_3250 = arith.addi %iota3A_3247, %add3A_3249 : vector<16xi32>
      %gather3A_3251 = arith.constant 0 : i32
      %gather3A_3252 = arith.constant 0 : i32
      %gather3A_3253 = arith.constant 0 : i32
      %gather3A_3254 = tpu.memref_slice %arg16[%gather3A_3251, %gather3A_3252, %gather3A_3253] : memref<4x16x128xf32, #tpu.memory_space<vmem>> -> memref<1x16x128xf32, #tpu.memory_space<vmem>>
      %gather3A_3255 = tpu.memref_squeeze %gather3A_3254 : memref<1x16x128xf32, #tpu.memory_space<vmem>> -> memref<16x128xf32, #tpu.memory_space<vmem>>
      %gather3A_3256 = tpu.vector_load_idx %gather3A_3255[%add3A_3250, %broadcast_in_dim3A_3245] : memref<16x128xf32, #tpu.memory_space<vmem>>[vector<16xi32>, vector<16xi32>], vector<16xf32>,
      tpu.vector_store_idx %arg20[%add3A_3250, %broadcast_in_dim3A_3246], %gather3A_3256 : memref<16x512xf32, #tpu.memory_space<vmem>>[vector<16xi32>, vector<16xi32>], vector<16xf32>,
      %broadcast_in_dim3A_3257 = vector.broadcast %min3A_2658 : i32 to vector<16xi32>
      %broadcast_in_dim3A_3258 = vector.broadcast %add3A_3200 : i32 to vector<16xi32>
      %iota3A_3259 = tpu.iota {dimensions = array<i32: 0>} : vector<16xi32>
      %add3A_3260 = arith.constant 0 : i32
      %add3A_3261 = vector.broadcast %add3A_3260 : i32 to vector<16xi32>
      %add3A_3262 = arith.addi %iota3A_3259, %add3A_3261 : vector<16xi32>
      %gather3A_3263 = arith.constant 0 : i32
      %gather3A_3264 = arith.constant 0 : i32
      %gather3A_3265 = arith.constant 0 : i32
      %gather3A_3266 = tpu.memref_slice %arg17[%gather3A_3263, %gather3A_3264, %gather3A_3265] : memref<4x16x128xf32, #tpu.memory_space<vmem>> -> memref<1x16x128xf32, #tpu.memory_space<vmem>>
      %gather3A_3267 = tpu.memref_squeeze %gather3A_3266 : memref<1x16x128xf32, #tpu.memory_space<vmem>> -> memref<16x128xf32, #tpu.memory_space<vmem>>
      %gather3A_3268 = tpu.vector_load_idx %gather3A_3267[%add3A_3262, %broadcast_in_dim3A_3257] : memref<16x128xf32, #tpu.memory_space<vmem>>[vector<16xi32>, vector<16xi32>], vector<16xf32>,
      tpu.vector_store_idx %arg21[%add3A_3262, %broadcast_in_dim3A_3258], %gather3A_3268 : memref<16x512xf32, #tpu.memory_space<vmem>>[vector<16xi32>, vector<16xi32>], vector<16xf32>,
      %mul3A_3269 = arith.constant 16 : i32
      %mul3A_3270 = arith.muli %scan3A_8, %mul3A_3269 : i32
      %add3A_3271 = arith.constant 12 : i32
      %add3A_3272 = arith.addi %mul3A_3270, %add3A_3271 : i32
      %add3A_3273 = arith.constant 1 : i32
      %add3A_3274 = arith.addi %add3A_3272, %add3A_3273 : i32
      %broadcast_in_dim3A_3275 = vector.broadcast %min3A_2747 : i32 to vector<16xi32>
      %broadcast_in_dim3A_3276 = vector.broadcast %add3A_3274 : i32 to vector<16xi32>
      %iota3A_3277 = tpu.iota {dimensions = array<i32: 0>} : vector<16xi32>
      %add3A_3278 = arith.constant 0 : i32
      %add3A_3279 = vector.broadcast %add3A_3278 : i32 to vector<16xi32>
      %add3A_3280 = arith.addi %iota3A_3277, %add3A_3279 : vector<16xi32>
      %gather3A_3281 = arith.constant 1 : i32
      %gather3A_3282 = arith.constant 0 : i32
      %gather3A_3283 = arith.constant 0 : i32
      %gather3A_3284 = tpu.memref_slice %arg14[%gather3A_3281, %gather3A_3282, %gather3A_3283] : memref<4x32x128xf32, #tpu.memory_space<vmem>> -> memref<1x32x128xf32, #tpu.memory_space<vmem>>
      %gather3A_3285 = tpu.memref_squeeze %gather3A_3284 : memref<1x32x128xf32, #tpu.memory_space<vmem>> -> memref<32x128xf32, #tpu.memory_space<vmem>>
      %gather3A_3286 = tpu.vector_load_idx %gather3A_3285[%add3A_3280, %broadcast_in_dim3A_3275] : memref<32x128xf32, #tpu.memory_space<vmem>>[vector<16xi32>, vector<16xi32>], vector<16xf32>,
      tpu.vector_store_idx %arg18[%add3A_3280, %broadcast_in_dim3A_3276], %gather3A_3286 : memref<32x512xf32, #tpu.memory_space<vmem>>[vector<16xi32>, vector<16xi32>], vector<16xf32>,
      %iota3A_3287 = tpu.iota {dimensions = array<i32: 0>} : vector<16xi32>
      %add3A_3288 = arith.constant 16 : i32
      %add3A_3289 = vector.broadcast %add3A_3288 : i32 to vector<16xi32>
      %add3A_3290 = arith.addi %iota3A_3287, %add3A_3289 : vector<16xi32>
      %gather3A_3291 = arith.constant 1 : i32
      %gather3A_3292 = arith.constant 0 : i32
      %gather3A_3293 = arith.constant 0 : i32
      %gather3A_3294 = tpu.memref_slice %arg14[%gather3A_3291, %gather3A_3292, %gather3A_3293] : memref<4x32x128xf32, #tpu.memory_space<vmem>> -> memref<1x32x128xf32, #tpu.memory_space<vmem>>
      %gather3A_3295 = tpu.memref_squeeze %gather3A_3294 : memref<1x32x128xf32, #tpu.memory_space<vmem>> -> memref<32x128xf32, #tpu.memory_space<vmem>>
      %gather3A_3296 = tpu.vector_load_idx %gather3A_3295[%add3A_3290, %broadcast_in_dim3A_3275] : memref<32x128xf32, #tpu.memory_space<vmem>>[vector<16xi32>, vector<16xi32>], vector<16xf32>,
      tpu.vector_store_idx %arg18[%add3A_3290, %broadcast_in_dim3A_3276], %gather3A_3296 : memref<32x512xf32, #tpu.memory_space<vmem>>[vector<16xi32>, vector<16xi32>], vector<16xf32>,
      %broadcast_in_dim3A_3297 = vector.broadcast %min3A_2750 : i32 to vector<16xi32>
      %broadcast_in_dim3A_3298 = vector.broadcast %add3A_3274 : i32 to vector<16xi32>
      %iota3A_3299 = tpu.iota {dimensions = array<i32: 0>} : vector<16xi32>
      %add3A_3300 = arith.constant 0 : i32
      %add3A_3301 = vector.broadcast %add3A_3300 : i32 to vector<16xi32>
      %add3A_3302 = arith.addi %iota3A_3299, %add3A_3301 : vector<16xi32>
      %gather3A_3303 = arith.constant 1 : i32
      %gather3A_3304 = arith.constant 0 : i32
      %gather3A_3305 = arith.constant 0 : i32
      %gather3A_3306 = tpu.memref_slice %arg15[%gather3A_3303, %gather3A_3304, %gather3A_3305] : memref<4x32x128xf32, #tpu.memory_space<vmem>> -> memref<1x32x128xf32, #tpu.memory_space<vmem>>
      %gather3A_3307 = tpu.memref_squeeze %gather3A_3306 : memref<1x32x128xf32, #tpu.memory_space<vmem>> -> memref<32x128xf32, #tpu.memory_space<vmem>>
      %gather3A_3308 = tpu.vector_load_idx %gather3A_3307[%add3A_3302, %broadcast_in_dim3A_3297] : memref<32x128xf32, #tpu.memory_space<vmem>>[vector<16xi32>, vector<16xi32>], vector<16xf32>,
      tpu.vector_store_idx %arg19[%add3A_3302, %broadcast_in_dim3A_3298], %gather3A_3308 : memref<32x512xf32, #tpu.memory_space<vmem>>[vector<16xi32>, vector<16xi32>], vector<16xf32>,
      %iota3A_3309 = tpu.iota {dimensions = array<i32: 0>} : vector<16xi32>
      %add3A_3310 = arith.constant 16 : i32
      %add3A_3311 = vector.broadcast %add3A_3310 : i32 to vector<16xi32>
      %add3A_3312 = arith.addi %iota3A_3309, %add3A_3311 : vector<16xi32>
      %gather3A_3313 = arith.constant 1 : i32
      %gather3A_3314 = arith.constant 0 : i32
      %gather3A_3315 = arith.constant 0 : i32
      %gather3A_3316 = tpu.memref_slice %arg15[%gather3A_3313, %gather3A_3314, %gather3A_3315] : memref<4x32x128xf32, #tpu.memory_space<vmem>> -> memref<1x32x128xf32, #tpu.memory_space<vmem>>
      %gather3A_3317 = tpu.memref_squeeze %gather3A_3316 : memref<1x32x128xf32, #tpu.memory_space<vmem>> -> memref<32x128xf32, #tpu.memory_space<vmem>>
      %gather3A_3318 = tpu.vector_load_idx %gather3A_3317[%add3A_3312, %broadcast_in_dim3A_3297] : memref<32x128xf32, #tpu.memory_space<vmem>>[vector<16xi32>, vector<16xi32>], vector<16xf32>,
      tpu.vector_store_idx %arg19[%add3A_3312, %broadcast_in_dim3A_3298], %gather3A_3318 : memref<32x512xf32, #tpu.memory_space<vmem>>[vector<16xi32>, vector<16xi32>], vector<16xf32>,
      %broadcast_in_dim3A_3319 = vector.broadcast %min3A_2747 : i32 to vector<16xi32>
      %broadcast_in_dim3A_3320 = vector.broadcast %add3A_3274 : i32 to vector<16xi32>
      %iota3A_3321 = tpu.iota {dimensions = array<i32: 0>} : vector<16xi32>
      %add3A_3322 = arith.constant 0 : i32
      %add3A_3323 = vector.broadcast %add3A_3322 : i32 to vector<16xi32>
      %add3A_3324 = arith.addi %iota3A_3321, %add3A_3323 : vector<16xi32>
      %gather3A_3325 = arith.constant 1 : i32
      %gather3A_3326 = arith.constant 0 : i32
      %gather3A_3327 = arith.constant 0 : i32
      %gather3A_3328 = tpu.memref_slice %arg16[%gather3A_3325, %gather3A_3326, %gather3A_3327] : memref<4x16x128xf32, #tpu.memory_space<vmem>> -> memref<1x16x128xf32, #tpu.memory_space<vmem>>
      %gather3A_3329 = tpu.memref_squeeze %gather3A_3328 : memref<1x16x128xf32, #tpu.memory_space<vmem>> -> memref<16x128xf32, #tpu.memory_space<vmem>>
      %gather3A_3330 = tpu.vector_load_idx %gather3A_3329[%add3A_3324, %broadcast_in_dim3A_3319] : memref<16x128xf32, #tpu.memory_space<vmem>>[vector<16xi32>, vector<16xi32>], vector<16xf32>,
      tpu.vector_store_idx %arg20[%add3A_3324, %broadcast_in_dim3A_3320], %gather3A_3330 : memref<16x512xf32, #tpu.memory_space<vmem>>[vector<16xi32>, vector<16xi32>], vector<16xf32>,
      %broadcast_in_dim3A_3331 = vector.broadcast %min3A_2750 : i32 to vector<16xi32>
      %broadcast_in_dim3A_3332 = vector.broadcast %add3A_3274 : i32 to vector<16xi32>
      %iota3A_3333 = tpu.iota {dimensions = array<i32: 0>} : vector<16xi32>
      %add3A_3334 = arith.constant 0 : i32
      %add3A_3335 = vector.broadcast %add3A_3334 : i32 to vector<16xi32>
      %add3A_3336 = arith.addi %iota3A_3333, %add3A_3335 : vector<16xi32>
      %gather3A_3337 = arith.constant 1 : i32
      %gather3A_3338 = arith.constant 0 : i32
      %gather3A_3339 = arith.constant 0 : i32
      %gather3A_3340 = tpu.memref_slice %arg17[%gather3A_3337, %gather3A_3338, %gather3A_3339] : memref<4x16x128xf32, #tpu.memory_space<vmem>> -> memref<1x16x128xf32, #tpu.memory_space<vmem>>
      %gather3A_3341 = tpu.memref_squeeze %gather3A_3340 : memref<1x16x128xf32, #tpu.memory_space<vmem>> -> memref<16x128xf32, #tpu.memory_space<vmem>>
      %gather3A_3342 = tpu.vector_load_idx %gather3A_3341[%add3A_3336, %broadcast_in_dim3A_3331] : memref<16x128xf32, #tpu.memory_space<vmem>>[vector<16xi32>, vector<16xi32>], vector<16xf32>,
      tpu.vector_store_idx %arg21[%add3A_3336, %broadcast_in_dim3A_3332], %gather3A_3342 : memref<16x512xf32, #tpu.memory_space<vmem>>[vector<16xi32>, vector<16xi32>], vector<16xf32>,
      %mul3A_3343 = arith.constant 16 : i32
      %mul3A_3344 = arith.muli %scan3A_8, %mul3A_3343 : i32
      %add3A_3345 = arith.constant 12 : i32
      %add3A_3346 = arith.addi %mul3A_3344, %add3A_3345 : i32
      %add3A_3347 = arith.constant 2 : i32
      %add3A_3348 = arith.addi %add3A_3346, %add3A_3347 : i32
      %broadcast_in_dim3A_3349 = vector.broadcast %min3A_2839 : i32 to vector<16xi32>
      %broadcast_in_dim3A_3350 = vector.broadcast %add3A_3348 : i32 to vector<16xi32>
      %iota3A_3351 = tpu.iota {dimensions = array<i32: 0>} : vector<16xi32>
      %add3A_3352 = arith.constant 0 : i32
      %add3A_3353 = vector.broadcast %add3A_3352 : i32 to vector<16xi32>
      %add3A_3354 = arith.addi %iota3A_3351, %add3A_3353 : vector<16xi32>
      %gather3A_3355 = arith.constant 2 : i32
      %gather3A_3356 = arith.constant 0 : i32
      %gather3A_3357 = arith.constant 0 : i32
      %gather3A_3358 = tpu.memref_slice %arg14[%gather3A_3355, %gather3A_3356, %gather3A_3357] : memref<4x32x128xf32, #tpu.memory_space<vmem>> -> memref<1x32x128xf32, #tpu.memory_space<vmem>>
      %gather3A_3359 = tpu.memref_squeeze %gather3A_3358 : memref<1x32x128xf32, #tpu.memory_space<vmem>> -> memref<32x128xf32, #tpu.memory_space<vmem>>
      %gather3A_3360 = tpu.vector_load_idx %gather3A_3359[%add3A_3354, %broadcast_in_dim3A_3349] : memref<32x128xf32, #tpu.memory_space<vmem>>[vector<16xi32>, vector<16xi32>], vector<16xf32>,
      tpu.vector_store_idx %arg18[%add3A_3354, %broadcast_in_dim3A_3350], %gather3A_3360 : memref<32x512xf32, #tpu.memory_space<vmem>>[vector<16xi32>, vector<16xi32>], vector<16xf32>,
      %iota3A_3361 = tpu.iota {dimensions = array<i32: 0>} : vector<16xi32>
      %add3A_3362 = arith.constant 16 : i32
      %add3A_3363 = vector.broadcast %add3A_3362 : i32 to vector<16xi32>
      %add3A_3364 = arith.addi %iota3A_3361, %add3A_3363 : vector<16xi32>
      %gather3A_3365 = arith.constant 2 : i32
      %gather3A_3366 = arith.constant 0 : i32
      %gather3A_3367 = arith.constant 0 : i32
      %gather3A_3368 = tpu.memref_slice %arg14[%gather3A_3365, %gather3A_3366, %gather3A_3367] : memref<4x32x128xf32, #tpu.memory_space<vmem>> -> memref<1x32x128xf32, #tpu.memory_space<vmem>>
      %gather3A_3369 = tpu.memref_squeeze %gather3A_3368 : memref<1x32x128xf32, #tpu.memory_space<vmem>> -> memref<32x128xf32, #tpu.memory_space<vmem>>
      %gather3A_3370 = tpu.vector_load_idx %gather3A_3369[%add3A_3364, %broadcast_in_dim3A_3349] : memref<32x128xf32, #tpu.memory_space<vmem>>[vector<16xi32>, vector<16xi32>], vector<16xf32>,
      tpu.vector_store_idx %arg18[%add3A_3364, %broadcast_in_dim3A_3350], %gather3A_3370 : memref<32x512xf32, #tpu.memory_space<vmem>>[vector<16xi32>, vector<16xi32>], vector<16xf32>,
      %broadcast_in_dim3A_3371 = vector.broadcast %min3A_2842 : i32 to vector<16xi32>
      %broadcast_in_dim3A_3372 = vector.broadcast %add3A_3348 : i32 to vector<16xi32>
      %iota3A_3373 = tpu.iota {dimensions = array<i32: 0>} : vector<16xi32>
      %add3A_3374 = arith.constant 0 : i32
      %add3A_3375 = vector.broadcast %add3A_3374 : i32 to vector<16xi32>
      %add3A_3376 = arith.addi %iota3A_3373, %add3A_3375 : vector<16xi32>
      %gather3A_3377 = arith.constant 2 : i32
      %gather3A_3378 = arith.constant 0 : i32
      %gather3A_3379 = arith.constant 0 : i32
      %gather3A_3380 = tpu.memref_slice %arg15[%gather3A_3377, %gather3A_3378, %gather3A_3379] : memref<4x32x128xf32, #tpu.memory_space<vmem>> -> memref<1x32x128xf32, #tpu.memory_space<vmem>>
      %gather3A_3381 = tpu.memref_squeeze %gather3A_3380 : memref<1x32x128xf32, #tpu.memory_space<vmem>> -> memref<32x128xf32, #tpu.memory_space<vmem>>
      %gather3A_3382 = tpu.vector_load_idx %gather3A_3381[%add3A_3376, %broadcast_in_dim3A_3371] : memref<32x128xf32, #tpu.memory_space<vmem>>[vector<16xi32>, vector<16xi32>], vector<16xf32>,
      tpu.vector_store_idx %arg19[%add3A_3376, %broadcast_in_dim3A_3372], %gather3A_3382 : memref<32x512xf32, #tpu.memory_space<vmem>>[vector<16xi32>, vector<16xi32>], vector<16xf32>,
      %iota3A_3383 = tpu.iota {dimensions = array<i32: 0>} : vector<16xi32>
      %add3A_3384 = arith.constant 16 : i32
      %add3A_3385 = vector.broadcast %add3A_3384 : i32 to vector<16xi32>
      %add3A_3386 = arith.addi %iota3A_3383, %add3A_3385 : vector<16xi32>
      %gather3A_3387 = arith.constant 2 : i32
      %gather3A_3388 = arith.constant 0 : i32
      %gather3A_3389 = arith.constant 0 : i32
      %gather3A_3390 = tpu.memref_slice %arg15[%gather3A_3387, %gather3A_3388, %gather3A_3389] : memref<4x32x128xf32, #tpu.memory_space<vmem>> -> memref<1x32x128xf32, #tpu.memory_space<vmem>>
      %gather3A_3391 = tpu.memref_squeeze %gather3A_3390 : memref<1x32x128xf32, #tpu.memory_space<vmem>> -> memref<32x128xf32, #tpu.memory_space<vmem>>
      %gather3A_3392 = tpu.vector_load_idx %gather3A_3391[%add3A_3386, %broadcast_in_dim3A_3371] : memref<32x128xf32, #tpu.memory_space<vmem>>[vector<16xi32>, vector<16xi32>], vector<16xf32>,
      tpu.vector_store_idx %arg19[%add3A_3386, %broadcast_in_dim3A_3372], %gather3A_3392 : memref<32x512xf32, #tpu.memory_space<vmem>>[vector<16xi32>, vector<16xi32>], vector<16xf32>,
      %broadcast_in_dim3A_3393 = vector.broadcast %min3A_2839 : i32 to vector<16xi32>
      %broadcast_in_dim3A_3394 = vector.broadcast %add3A_3348 : i32 to vector<16xi32>
      %iota3A_3395 = tpu.iota {dimensions = array<i32: 0>} : vector<16xi32>
      %add3A_3396 = arith.constant 0 : i32
      %add3A_3397 = vector.broadcast %add3A_3396 : i32 to vector<16xi32>
      %add3A_3398 = arith.addi %iota3A_3395, %add3A_3397 : vector<16xi32>
      %gather3A_3399 = arith.constant 2 : i32
      %gather3A_3400 = arith.constant 0 : i32
      %gather3A_3401 = arith.constant 0 : i32
      %gather3A_3402 = tpu.memref_slice %arg16[%gather3A_3399, %gather3A_3400, %gather3A_3401] : memref<4x16x128xf32, #tpu.memory_space<vmem>> -> memref<1x16x128xf32, #tpu.memory_space<vmem>>
      %gather3A_3403 = tpu.memref_squeeze %gather3A_3402 : memref<1x16x128xf32, #tpu.memory_space<vmem>> -> memref<16x128xf32, #tpu.memory_space<vmem>>
      %gather3A_3404 = tpu.vector_load_idx %gather3A_3403[%add3A_3398, %broadcast_in_dim3A_3393] : memref<16x128xf32, #tpu.memory_space<vmem>>[vector<16xi32>, vector<16xi32>], vector<16xf32>,
      tpu.vector_store_idx %arg20[%add3A_3398, %broadcast_in_dim3A_3394], %gather3A_3404 : memref<16x512xf32, #tpu.memory_space<vmem>>[vector<16xi32>, vector<16xi32>], vector<16xf32>,
      %broadcast_in_dim3A_3405 = vector.broadcast %min3A_2842 : i32 to vector<16xi32>
      %broadcast_in_dim3A_3406 = vector.broadcast %add3A_3348 : i32 to vector<16xi32>
      %iota3A_3407 = tpu.iota {dimensions = array<i32: 0>} : vector<16xi32>
      %add3A_3408 = arith.constant 0 : i32
      %add3A_3409 = vector.broadcast %add3A_3408 : i32 to vector<16xi32>
      %add3A_3410 = arith.addi %iota3A_3407, %add3A_3409 : vector<16xi32>
      %gather3A_3411 = arith.constant 2 : i32
      %gather3A_3412 = arith.constant 0 : i32
      %gather3A_3413 = arith.constant 0 : i32
      %gather3A_3414 = tpu.memref_slice %arg17[%gather3A_3411, %gather3A_3412, %gather3A_3413] : memref<4x16x128xf32, #tpu.memory_space<vmem>> -> memref<1x16x128xf32, #tpu.memory_space<vmem>>
      %gather3A_3415 = tpu.memref_squeeze %gather3A_3414 : memref<1x16x128xf32, #tpu.memory_space<vmem>> -> memref<16x128xf32, #tpu.memory_space<vmem>>
      %gather3A_3416 = tpu.vector_load_idx %gather3A_3415[%add3A_3410, %broadcast_in_dim3A_3405] : memref<16x128xf32, #tpu.memory_space<vmem>>[vector<16xi32>, vector<16xi32>], vector<16xf32>,
      tpu.vector_store_idx %arg21[%add3A_3410, %broadcast_in_dim3A_3406], %gather3A_3416 : memref<16x512xf32, #tpu.memory_space<vmem>>[vector<16xi32>, vector<16xi32>], vector<16xf32>,
      %mul3A_3417 = arith.constant 16 : i32
      %mul3A_3418 = arith.muli %scan3A_8, %mul3A_3417 : i32
      %add3A_3419 = arith.constant 12 : i32
      %add3A_3420 = arith.addi %mul3A_3418, %add3A_3419 : i32
      %add3A_3421 = arith.constant 3 : i32
      %add3A_3422 = arith.addi %add3A_3420, %add3A_3421 : i32
      %broadcast_in_dim3A_3423 = vector.broadcast %min3A_2931 : i32 to vector<16xi32>
      %broadcast_in_dim3A_3424 = vector.broadcast %add3A_3422 : i32 to vector<16xi32>
      %iota3A_3425 = tpu.iota {dimensions = array<i32: 0>} : vector<16xi32>
      %add3A_3426 = arith.constant 0 : i32
      %add3A_3427 = vector.broadcast %add3A_3426 : i32 to vector<16xi32>
      %add3A_3428 = arith.addi %iota3A_3425, %add3A_3427 : vector<16xi32>
      %gather3A_3429 = arith.constant 3 : i32
      %gather3A_3430 = arith.constant 0 : i32
      %gather3A_3431 = arith.constant 0 : i32
      %gather3A_3432 = tpu.memref_slice %arg14[%gather3A_3429, %gather3A_3430, %gather3A_3431] : memref<4x32x128xf32, #tpu.memory_space<vmem>> -> memref<1x32x128xf32, #tpu.memory_space<vmem>>
      %gather3A_3433 = tpu.memref_squeeze %gather3A_3432 : memref<1x32x128xf32, #tpu.memory_space<vmem>> -> memref<32x128xf32, #tpu.memory_space<vmem>>
      %gather3A_3434 = tpu.vector_load_idx %gather3A_3433[%add3A_3428, %broadcast_in_dim3A_3423] : memref<32x128xf32, #tpu.memory_space<vmem>>[vector<16xi32>, vector<16xi32>], vector<16xf32>,
      tpu.vector_store_idx %arg18[%add3A_3428, %broadcast_in_dim3A_3424], %gather3A_3434 : memref<32x512xf32, #tpu.memory_space<vmem>>[vector<16xi32>, vector<16xi32>], vector<16xf32>,
      %iota3A_3435 = tpu.iota {dimensions = array<i32: 0>} : vector<16xi32>
      %add3A_3436 = arith.constant 16 : i32
      %add3A_3437 = vector.broadcast %add3A_3436 : i32 to vector<16xi32>
      %add3A_3438 = arith.addi %iota3A_3435, %add3A_3437 : vector<16xi32>
      %gather3A_3439 = arith.constant 3 : i32
      %gather3A_3440 = arith.constant 0 : i32
      %gather3A_3441 = arith.constant 0 : i32
      %gather3A_3442 = tpu.memref_slice %arg14[%gather3A_3439, %gather3A_3440, %gather3A_3441] : memref<4x32x128xf32, #tpu.memory_space<vmem>> -> memref<1x32x128xf32, #tpu.memory_space<vmem>>
      %gather3A_3443 = tpu.memref_squeeze %gather3A_3442 : memref<1x32x128xf32, #tpu.memory_space<vmem>> -> memref<32x128xf32, #tpu.memory_space<vmem>>
      %gather3A_3444 = tpu.vector_load_idx %gather3A_3443[%add3A_3438, %broadcast_in_dim3A_3423] : memref<32x128xf32, #tpu.memory_space<vmem>>[vector<16xi32>, vector<16xi32>], vector<16xf32>,
      tpu.vector_store_idx %arg18[%add3A_3438, %broadcast_in_dim3A_3424], %gather3A_3444 : memref<32x512xf32, #tpu.memory_space<vmem>>[vector<16xi32>, vector<16xi32>], vector<16xf32>,
      %broadcast_in_dim3A_3445 = vector.broadcast %min3A_2934 : i32 to vector<16xi32>
      %broadcast_in_dim3A_3446 = vector.broadcast %add3A_3422 : i32 to vector<16xi32>
      %iota3A_3447 = tpu.iota {dimensions = array<i32: 0>} : vector<16xi32>
      %add3A_3448 = arith.constant 0 : i32
      %add3A_3449 = vector.broadcast %add3A_3448 : i32 to vector<16xi32>
      %add3A_3450 = arith.addi %iota3A_3447, %add3A_3449 : vector<16xi32>
      %gather3A_3451 = arith.constant 3 : i32
      %gather3A_3452 = arith.constant 0 : i32
      %gather3A_3453 = arith.constant 0 : i32
      %gather3A_3454 = tpu.memref_slice %arg15[%gather3A_3451, %gather3A_3452, %gather3A_3453] : memref<4x32x128xf32, #tpu.memory_space<vmem>> -> memref<1x32x128xf32, #tpu.memory_space<vmem>>
      %gather3A_3455 = tpu.memref_squeeze %gather3A_3454 : memref<1x32x128xf32, #tpu.memory_space<vmem>> -> memref<32x128xf32, #tpu.memory_space<vmem>>
      %gather3A_3456 = tpu.vector_load_idx %gather3A_3455[%add3A_3450, %broadcast_in_dim3A_3445] : memref<32x128xf32, #tpu.memory_space<vmem>>[vector<16xi32>, vector<16xi32>], vector<16xf32>,
      tpu.vector_store_idx %arg19[%add3A_3450, %broadcast_in_dim3A_3446], %gather3A_3456 : memref<32x512xf32, #tpu.memory_space<vmem>>[vector<16xi32>, vector<16xi32>], vector<16xf32>,
      %iota3A_3457 = tpu.iota {dimensions = array<i32: 0>} : vector<16xi32>
      %add3A_3458 = arith.constant 16 : i32
      %add3A_3459 = vector.broadcast %add3A_3458 : i32 to vector<16xi32>
      %add3A_3460 = arith.addi %iota3A_3457, %add3A_3459 : vector<16xi32>
      %gather3A_3461 = arith.constant 3 : i32
      %gather3A_3462 = arith.constant 0 : i32
      %gather3A_3463 = arith.constant 0 : i32
      %gather3A_3464 = tpu.memref_slice %arg15[%gather3A_3461, %gather3A_3462, %gather3A_3463] : memref<4x32x128xf32, #tpu.memory_space<vmem>> -> memref<1x32x128xf32, #tpu.memory_space<vmem>>
      %gather3A_3465 = tpu.memref_squeeze %gather3A_3464 : memref<1x32x128xf32, #tpu.memory_space<vmem>> -> memref<32x128xf32, #tpu.memory_space<vmem>>
      %gather3A_3466 = tpu.vector_load_idx %gather3A_3465[%add3A_3460, %broadcast_in_dim3A_3445] : memref<32x128xf32, #tpu.memory_space<vmem>>[vector<16xi32>, vector<16xi32>], vector<16xf32>,
      tpu.vector_store_idx %arg19[%add3A_3460, %broadcast_in_dim3A_3446], %gather3A_3466 : memref<32x512xf32, #tpu.memory_space<vmem>>[vector<16xi32>, vector<16xi32>], vector<16xf32>,
      %broadcast_in_dim3A_3467 = vector.broadcast %min3A_2931 : i32 to vector<16xi32>
      %broadcast_in_dim3A_3468 = vector.broadcast %add3A_3422 : i32 to vector<16xi32>
      %iota3A_3469 = tpu.iota {dimensions = array<i32: 0>} : vector<16xi32>
      %add3A_3470 = arith.constant 0 : i32
      %add3A_3471 = vector.broadcast %add3A_3470 : i32 to vector<16xi32>
      %add3A_3472 = arith.addi %iota3A_3469, %add3A_3471 : vector<16xi32>
      %gather3A_3473 = arith.constant 3 : i32
      %gather3A_3474 = arith.constant 0 : i32
      %gather3A_3475 = arith.constant 0 : i32
      %gather3A_3476 = tpu.memref_slice %arg16[%gather3A_3473, %gather3A_3474, %gather3A_3475] : memref<4x16x128xf32, #tpu.memory_space<vmem>> -> memref<1x16x128xf32, #tpu.memory_space<vmem>>
      %gather3A_3477 = tpu.memref_squeeze %gather3A_3476 : memref<1x16x128xf32, #tpu.memory_space<vmem>> -> memref<16x128xf32, #tpu.memory_space<vmem>>
      %gather3A_3478 = tpu.vector_load_idx %gather3A_3477[%add3A_3472, %broadcast_in_dim3A_3467] : memref<16x128xf32, #tpu.memory_space<vmem>>[vector<16xi32>, vector<16xi32>], vector<16xf32>,
      tpu.vector_store_idx %arg20[%add3A_3472, %broadcast_in_dim3A_3468], %gather3A_3478 : memref<16x512xf32, #tpu.memory_space<vmem>>[vector<16xi32>, vector<16xi32>], vector<16xf32>,
      %broadcast_in_dim3A_3479 = vector.broadcast %min3A_2934 : i32 to vector<16xi32>
      %broadcast_in_dim3A_3480 = vector.broadcast %add3A_3422 : i32 to vector<16xi32>
      %iota3A_3481 = tpu.iota {dimensions = array<i32: 0>} : vector<16xi32>
      %add3A_3482 = arith.constant 0 : i32
      %add3A_3483 = vector.broadcast %add3A_3482 : i32 to vector<16xi32>
      %add3A_3484 = arith.addi %iota3A_3481, %add3A_3483 : vector<16xi32>
      %gather3A_3485 = arith.constant 3 : i32
      %gather3A_3486 = arith.constant 0 : i32
      %gather3A_3487 = arith.constant 0 : i32
      %gather3A_3488 = tpu.memref_slice %arg17[%gather3A_3485, %gather3A_3486, %gather3A_3487] : memref<4x16x128xf32, #tpu.memory_space<vmem>> -> memref<1x16x128xf32, #tpu.memory_space<vmem>>
      %gather3A_3489 = tpu.memref_squeeze %gather3A_3488 : memref<1x16x128xf32, #tpu.memory_space<vmem>> -> memref<16x128xf32, #tpu.memory_space<vmem>>
      %gather3A_3490 = tpu.vector_load_idx %gather3A_3489[%add3A_3484, %broadcast_in_dim3A_3479] : memref<16x128xf32, #tpu.memory_space<vmem>>[vector<16xi32>, vector<16xi32>], vector<16xf32>,
      tpu.vector_store_idx %arg21[%add3A_3484, %broadcast_in_dim3A_3480], %gather3A_3490 : memref<16x512xf32, #tpu.memory_space<vmem>>[vector<16xi32>, vector<16xi32>], vector<16xf32>,
    }
    %scan3A_7 = arith.constant 32 : i32
    "tpu.region"() ({
      %run_scoped3A = tpu.sem_alloc : memref<!tpu.dma_semaphore, #tpu.memory_space<semaphore_mem>>
      %dma_start3A = arith.constant 0 : i32
      %dma_start3A_8 = tpu.memref_slice %arg8[%dma_start3A, %multiple_of3A] : memref<32x16384xf32, #tpu.memory_space<hbm>> -> memref<32x512xf32, #tpu.memory_space<hbm>>
      %dma_start3A_9 = arith.constant 0 : i32
      %dma_start3A_10 = tpu.memref_slice %arg8[%dma_start3A_9, %multiple_of3A] : memref<32x16384xf32, #tpu.memory_space<hbm>> -> memref<32x512xf32, #tpu.memory_space<hbm>>
      tpu.enqueue_dma source(%arg18 : memref<32x512xf32, #tpu.memory_space<vmem>>) target(%dma_start3A_10 : memref<32x512xf32, #tpu.memory_space<hbm>>) target_semaphore(%run_scoped3A : memref<!tpu.dma_semaphore, #tpu.memory_space<semaphore_mem>>)
      %dma_wait3A = arith.constant 0 : i32
      %dma_wait3A_11 = tpu.memref_slice %arg8[%dma_wait3A, %multiple_of3A] : memref<32x16384xf32, #tpu.memory_space<hbm>> -> memref<32x512xf32, #tpu.memory_space<hbm>>
      %dma_wait3A_12 = arith.constant 0 : i32
      %dma_wait3A_13 = tpu.memref_slice %arg8[%dma_wait3A_12, %multiple_of3A] : memref<32x16384xf32, #tpu.memory_space<hbm>> -> memref<32x512xf32, #tpu.memory_space<hbm>>
      tpu.wait_dma2 semaphore(%run_scoped3A : memref<!tpu.dma_semaphore, #tpu.memory_space<semaphore_mem>>) src(%arg18 : memref<32x512xf32, #tpu.memory_space<vmem>>) dst(%dma_wait3A_13 : memref<32x512xf32, #tpu.memory_space<hbm>>)
      tpu.yield
    }) : () -> ()
    "tpu.region"() ({
      %run_scoped3A = tpu.sem_alloc : memref<!tpu.dma_semaphore, #tpu.memory_space<semaphore_mem>>
      %dma_start3A = arith.constant 0 : i32
      %dma_start3A_8 = tpu.memref_slice %arg9[%dma_start3A, %multiple_of3A] : memref<32x16384xf32, #tpu.memory_space<hbm>> -> memref<32x512xf32, #tpu.memory_space<hbm>>
      %dma_start3A_9 = arith.constant 0 : i32
      %dma_start3A_10 = tpu.memref_slice %arg9[%dma_start3A_9, %multiple_of3A] : memref<32x16384xf32, #tpu.memory_space<hbm>> -> memref<32x512xf32, #tpu.memory_space<hbm>>
      tpu.enqueue_dma source(%arg19 : memref<32x512xf32, #tpu.memory_space<vmem>>) target(%dma_start3A_10 : memref<32x512xf32, #tpu.memory_space<hbm>>) target_semaphore(%run_scoped3A : memref<!tpu.dma_semaphore, #tpu.memory_space<semaphore_mem>>)
      %dma_wait3A = arith.constant 0 : i32
      %dma_wait3A_11 = tpu.memref_slice %arg9[%dma_wait3A, %multiple_of3A] : memref<32x16384xf32, #tpu.memory_space<hbm>> -> memref<32x512xf32, #tpu.memory_space<hbm>>
      %dma_wait3A_12 = arith.constant 0 : i32
      %dma_wait3A_13 = tpu.memref_slice %arg9[%dma_wait3A_12, %multiple_of3A] : memref<32x16384xf32, #tpu.memory_space<hbm>> -> memref<32x512xf32, #tpu.memory_space<hbm>>
      tpu.wait_dma2 semaphore(%run_scoped3A : memref<!tpu.dma_semaphore, #tpu.memory_space<semaphore_mem>>) src(%arg19 : memref<32x512xf32, #tpu.memory_space<vmem>>) dst(%dma_wait3A_13 : memref<32x512xf32, #tpu.memory_space<hbm>>)
      tpu.yield
    }) : () -> ()
    "tpu.region"() ({
      %run_scoped3A = tpu.sem_alloc : memref<!tpu.dma_semaphore, #tpu.memory_space<semaphore_mem>>
      %dma_start3A = arith.constant 0 : i32
      %dma_start3A_8 = tpu.memref_slice %arg10[%dma_start3A, %multiple_of3A] : memref<16x16384xf32, #tpu.memory_space<hbm>> -> memref<16x512xf32, #tpu.memory_space<hbm>>
      %dma_start3A_9 = arith.constant 0 : i32
      %dma_start3A_10 = tpu.memref_slice %arg10[%dma_start3A_9, %multiple_of3A] : memref<16x16384xf32, #tpu.memory_space<hbm>> -> memref<16x512xf32, #tpu.memory_space<hbm>>
      tpu.enqueue_dma source(%arg20 : memref<16x512xf32, #tpu.memory_space<vmem>>) target(%dma_start3A_10 : memref<16x512xf32, #tpu.memory_space<hbm>>) target_semaphore(%run_scoped3A : memref<!tpu.dma_semaphore, #tpu.memory_space<semaphore_mem>>)
      %dma_wait3A = arith.constant 0 : i32
      %dma_wait3A_11 = tpu.memref_slice %arg10[%dma_wait3A, %multiple_of3A] : memref<16x16384xf32, #tpu.memory_space<hbm>> -> memref<16x512xf32, #tpu.memory_space<hbm>>
      %dma_wait3A_12 = arith.constant 0 : i32
      %dma_wait3A_13 = tpu.memref_slice %arg10[%dma_wait3A_12, %multiple_of3A] : memref<16x16384xf32, #tpu.memory_space<hbm>> -> memref<16x512xf32, #tpu.memory_space<hbm>>
      tpu.wait_dma2 semaphore(%run_scoped3A : memref<!tpu.dma_semaphore, #tpu.memory_space<semaphore_mem>>) src(%arg20 : memref<16x512xf32, #tpu.memory_space<vmem>>) dst(%dma_wait3A_13 : memref<16x512xf32, #tpu.memory_space<hbm>>)
      tpu.yield
    }) : () -> ()
    "tpu.region"() ({
      %run_scoped3A = tpu.sem_alloc : memref<!tpu.dma_semaphore, #tpu.memory_space<semaphore_mem>>
      %dma_start3A = arith.constant 0 : i32
      %dma_start3A_8 = tpu.memref_slice %arg11[%dma_start3A, %multiple_of3A] : memref<16x16384xf32, #tpu.memory_space<hbm>> -> memref<16x512xf32, #tpu.memory_space<hbm>>
      %dma_start3A_9 = arith.constant 0 : i32
      %dma_start3A_10 = tpu.memref_slice %arg11[%dma_start3A_9, %multiple_of3A] : memref<16x16384xf32, #tpu.memory_space<hbm>> -> memref<16x512xf32, #tpu.memory_space<hbm>>
      tpu.enqueue_dma source(%arg21 : memref<16x512xf32, #tpu.memory_space<vmem>>) target(%dma_start3A_10 : memref<16x512xf32, #tpu.memory_space<hbm>>) target_semaphore(%run_scoped3A : memref<!tpu.dma_semaphore, #tpu.memory_space<semaphore_mem>>)
      %dma_wait3A = arith.constant 0 : i32
      %dma_wait3A_11 = tpu.memref_slice %arg11[%dma_wait3A, %multiple_of3A] : memref<16x16384xf32, #tpu.memory_space<hbm>> -> memref<16x512xf32, #tpu.memory_space<hbm>>
      %dma_wait3A_12 = arith.constant 0 : i32
      %dma_wait3A_13 = tpu.memref_slice %arg11[%dma_wait3A_12, %multiple_of3A] : memref<16x16384xf32, #tpu.memory_space<hbm>> -> memref<16x512xf32, #tpu.memory_space<hbm>>
      tpu.wait_dma2 semaphore(%run_scoped3A : memref<!tpu.dma_semaphore, #tpu.memory_space<semaphore_mem>>) src(%arg21 : memref<16x512xf32, #tpu.memory_space<vmem>>) dst(%dma_wait3A_13 : memref<16x512xf32, #tpu.memory_space<hbm>>)
      tpu.yield
    }) : () -> ()
    return
  }
}

module attributes {stable_mosaic.version = 14 : i64} {
  func.func @_mlp_body(%arg0: i32, %arg1: memref<32x1024xf32, #tpu.memory_space<vmem>>, %arg2: memref<32x1024xf32, #tpu.memory_space<vmem>>, %arg3: memref<16x1024xf32, #tpu.memory_space<vmem>>, %arg4: memref<16x1024xf32, #tpu.memory_space<vmem>>, %arg5: memref<1x1024xi32, #tpu.memory_space<vmem>>, %arg6: memref<1x1024xi32, #tpu.memory_space<vmem>>, %arg7: memref<32x64xf32, #tpu.memory_space<vmem>>, %arg8: memref<32x64xf32, #tpu.memory_space<vmem>>, %arg9: memref<16x64xf32, #tpu.memory_space<vmem>>, %arg10: memref<16x64xf32, #tpu.memory_space<vmem>>, %arg11: memref<32x32xf32, #tpu.memory_space<vmem>>, %arg12: memref<32x32xf32, #tpu.memory_space<vmem>>, %arg13: memref<32x1xf32, #tpu.memory_space<vmem>>, %arg14: memref<16x32xf32, #tpu.memory_space<vmem>>, %arg15: memref<16x1xf32, #tpu.memory_space<vmem>>, %arg16: memref<8x16xf32, #tpu.memory_space<vmem>>, %arg17: memref<8x1xf32, #tpu.memory_space<vmem>>, %arg18: memref<1x8xf32, #tpu.memory_space<vmem>>, %arg19: memref<1x16xf32, #tpu.memory_space<vmem>>, %arg20: memref<1x1xf32, #tpu.memory_space<vmem>>, %arg21: memref<1x1024xf32, #tpu.memory_space<vmem>>) attributes {dimension_semantics = [#tpu.dimension_semantics<arbitrary>], iteration_bounds = array<i64: 16>, scalar_prefetch = 0 : i64, scratch_operands = 0 : i64, tpu.core_type = #tpu.core_type<tc>, window_params = [{transform_indices = @transform_0, window_bounds = array<i64: 32, 1024>}, {transform_indices = @transform_1, window_bounds = array<i64: 32, 1024>}, {transform_indices = @transform_2, window_bounds = array<i64: 16, 1024>}, {transform_indices = @transform_3, window_bounds = array<i64: 16, 1024>}, {transform_indices = @transform_4, window_bounds = array<i64: 1, 1024>}, {transform_indices = @transform_5, window_bounds = array<i64: 1, 1024>}, {pipeline_mode = #tpu.pipeline_mode<synchronous>, transform_indices = @transform_6, window_bounds = array<i64: 32, 64>}, {pipeline_mode = #tpu.pipeline_mode<synchronous>, transform_indices = @transform_7, window_bounds = array<i64: 32, 64>}, {pipeline_mode = #tpu.pipeline_mode<synchronous>, transform_indices = @transform_8, window_bounds = array<i64: 16, 64>}, {pipeline_mode = #tpu.pipeline_mode<synchronous>, transform_indices = @transform_9, window_bounds = array<i64: 16, 64>}, {pipeline_mode = #tpu.pipeline_mode<synchronous>, transform_indices = @transform_10, window_bounds = array<i64: 32, 32>}, {pipeline_mode = #tpu.pipeline_mode<synchronous>, transform_indices = @transform_11, window_bounds = array<i64: 32, 32>}, {pipeline_mode = #tpu.pipeline_mode<synchronous>, transform_indices = @transform_12, window_bounds = array<i64: 32, 1>}, {pipeline_mode = #tpu.pipeline_mode<synchronous>, transform_indices = @transform_13, window_bounds = array<i64: 16, 32>}, {pipeline_mode = #tpu.pipeline_mode<synchronous>, transform_indices = @transform_14, window_bounds = array<i64: 16, 1>}, {pipeline_mode = #tpu.pipeline_mode<synchronous>, transform_indices = @transform_15, window_bounds = array<i64: 8, 16>}, {pipeline_mode = #tpu.pipeline_mode<synchronous>, transform_indices = @transform_16, window_bounds = array<i64: 8, 1>}, {pipeline_mode = #tpu.pipeline_mode<synchronous>, transform_indices = @transform_17, window_bounds = array<i64: 1, 8>}, {pipeline_mode = #tpu.pipeline_mode<synchronous>, transform_indices = @transform_18, window_bounds = array<i64: 1, 16>}, {pipeline_mode = #tpu.pipeline_mode<synchronous>, transform_indices = @transform_19, window_bounds = array<i64: 1, 1>}, {transform_indices = @transform_20, window_bounds = array<i64: 1, 1024>}]} {
    %get3A = arith.constant 0 : index
    %get3A_0 = arith.constant 0 : index
    %get3A_1 = vector.load %arg5[%get3A, %get3A_0] : memref<1x1024xi32, #tpu.memory_space<vmem>>, vector<1x1024xi32>
    %get3A_2 = arith.constant 0 : index
    %get3A_3 = arith.constant 0 : index
    %get3A_4 = vector.load %arg6[%get3A_2, %get3A_3] : memref<1x1024xi32, #tpu.memory_space<vmem>>, vector<1x1024xi32>
    %iota3A = tpu.iota {dimensions = array<i32: 0>} : vector<64x1024xi32>
    %add3A = arith.constant 999936 : i32
    %add3A_5 = vector.broadcast %add3A : i32 to vector<64x1024xi32>
    %add3A_6 = arith.addi %iota3A, %add3A_5 : vector<64x1024xi32>
    %eq3A = vector.broadcast %get3A_1 : vector<1x1024xi32> to vector<64x1024xi32>
    %eq3A_7 = arith.cmpi eq, %add3A_6, %eq3A : vector<64x1024xi32>
    %convert_element_type3A = arith.extui %eq3A_7 : vector<64x1024xi1> to vector<64x1024xi32>
    %convert_element_type3A_8 = arith.sitofp %convert_element_type3A : vector<64x1024xi32> to vector<64x1024xf32>
    %eq3A_9 = vector.broadcast %get3A_4 : vector<1x1024xi32> to vector<64x1024xi32>
    %eq3A_10 = arith.cmpi eq, %add3A_6, %eq3A_9 : vector<64x1024xi32>
    %convert_element_type3A_11 = arith.extui %eq3A_10 : vector<64x1024xi1> to vector<64x1024xi32>
    %convert_element_type3A_12 = arith.sitofp %convert_element_type3A_11 : vector<64x1024xi32> to vector<64x1024xf32>
    %ge3A = arith.constant 999936 : i32
    %ge3A_13 = vector.broadcast %ge3A : i32 to vector<1x1024xi32>
    %ge3A_14 = arith.cmpi sge, %get3A_1, %ge3A_13 : vector<1x1024xi32>
    %ge3A_15 = arith.constant 999936 : i32
    %ge3A_16 = vector.broadcast %ge3A_15 : i32 to vector<1x1024xi32>
    %ge3A_17 = arith.cmpi sge, %get3A_4, %ge3A_16 : vector<1x1024xi32>
    %get3A_18 = arith.constant 0 : index
    %get3A_19 = arith.constant 0 : index
    %get3A_20 = vector.load %arg7[%get3A_18, %get3A_19] : memref<32x64xf32, #tpu.memory_space<vmem>>, vector<32x64xf32>
    %dot_general3A = arith.constant dense<0.000000e+00> : vector<32x1024xf32>
    %dot_general3A_21 = tpu.matmul %get3A_20, %convert_element_type3A_8, %dot_general3A {dimension_numbers = #tpu.dot_dimension_numbers<[1], [0], [0], [1], [0, 0, 1, 1], [], []>, transpose_lhs_hint = false} : vector<32x64xf32>, vector<64x1024xf32>, vector<32x1024xf32> -> vector<32x1024xf32>
    %get3A_22 = arith.constant 0 : index
    %get3A_23 = arith.constant 0 : index
    %get3A_24 = vector.load %arg1[%get3A_22, %get3A_23] : memref<32x1024xf32, #tpu.memory_space<vmem>>, vector<32x1024xf32>
    %broadcast_in_dim3A = vector.shape_cast %ge3A_14 : vector<1x1024xi1> to vector<1x1024xi1>
    %broadcast_in_dim3A_25 = vector.broadcast %broadcast_in_dim3A : vector<1x1024xi1> to vector<32x1024xi1>
    %select_n3A = arith.select %broadcast_in_dim3A_25, %dot_general3A_21, %get3A_24 : vector<32x1024xi1>, vector<32x1024xf32>
    %get3A_26 = arith.constant 0 : index
    %get3A_27 = arith.constant 0 : index
    %get3A_28 = vector.load %arg8[%get3A_26, %get3A_27] : memref<32x64xf32, #tpu.memory_space<vmem>>, vector<32x64xf32>
    %dot_general3A_29 = arith.constant dense<0.000000e+00> : vector<32x1024xf32>
    %dot_general3A_30 = tpu.matmul %get3A_28, %convert_element_type3A_12, %dot_general3A_29 {dimension_numbers = #tpu.dot_dimension_numbers<[1], [0], [0], [1], [0, 0, 1, 1], [], []>, transpose_lhs_hint = false} : vector<32x64xf32>, vector<64x1024xf32>, vector<32x1024xf32> -> vector<32x1024xf32>
    %get3A_31 = arith.constant 0 : index
    %get3A_32 = arith.constant 0 : index
    %get3A_33 = vector.load %arg2[%get3A_31, %get3A_32] : memref<32x1024xf32, #tpu.memory_space<vmem>>, vector<32x1024xf32>
    %broadcast_in_dim3A_34 = vector.shape_cast %ge3A_17 : vector<1x1024xi1> to vector<1x1024xi1>
    %broadcast_in_dim3A_35 = vector.broadcast %broadcast_in_dim3A_34 : vector<1x1024xi1> to vector<32x1024xi1>
    %select_n3A_36 = arith.select %broadcast_in_dim3A_35, %dot_general3A_30, %get3A_33 : vector<32x1024xi1>, vector<32x1024xf32>
    %get3A_37 = arith.constant 0 : index
    %get3A_38 = arith.constant 0 : index
    %get3A_39 = vector.load %arg9[%get3A_37, %get3A_38] : memref<16x64xf32, #tpu.memory_space<vmem>>, vector<16x64xf32>
    %dot_general3A_40 = arith.constant dense<0.000000e+00> : vector<16x1024xf32>
    %dot_general3A_41 = tpu.matmul %get3A_39, %convert_element_type3A_8, %dot_general3A_40 {dimension_numbers = #tpu.dot_dimension_numbers<[1], [0], [0], [1], [0, 0, 1, 1], [], []>, transpose_lhs_hint = false} : vector<16x64xf32>, vector<64x1024xf32>, vector<16x1024xf32> -> vector<16x1024xf32>
    %get3A_42 = arith.constant 0 : index
    %get3A_43 = arith.constant 0 : index
    %get3A_44 = vector.load %arg3[%get3A_42, %get3A_43] : memref<16x1024xf32, #tpu.memory_space<vmem>>, vector<16x1024xf32>
    %broadcast_in_dim3A_45 = vector.shape_cast %ge3A_14 : vector<1x1024xi1> to vector<1x1024xi1>
    %broadcast_in_dim3A_46 = vector.broadcast %broadcast_in_dim3A_45 : vector<1x1024xi1> to vector<16x1024xi1>
    %select_n3A_47 = arith.select %broadcast_in_dim3A_46, %dot_general3A_41, %get3A_44 : vector<16x1024xi1>, vector<16x1024xf32>
    %get3A_48 = arith.constant 0 : index
    %get3A_49 = arith.constant 0 : index
    %get3A_50 = vector.load %arg10[%get3A_48, %get3A_49] : memref<16x64xf32, #tpu.memory_space<vmem>>, vector<16x64xf32>
    %dot_general3A_51 = arith.constant dense<0.000000e+00> : vector<16x1024xf32>
    %dot_general3A_52 = tpu.matmul %get3A_50, %convert_element_type3A_12, %dot_general3A_51 {dimension_numbers = #tpu.dot_dimension_numbers<[1], [0], [0], [1], [0, 0, 1, 1], [], []>, transpose_lhs_hint = false} : vector<16x64xf32>, vector<64x1024xf32>, vector<16x1024xf32> -> vector<16x1024xf32>
    %get3A_53 = arith.constant 0 : index
    %get3A_54 = arith.constant 0 : index
    %get3A_55 = vector.load %arg4[%get3A_53, %get3A_54] : memref<16x1024xf32, #tpu.memory_space<vmem>>, vector<16x1024xf32>
    %broadcast_in_dim3A_56 = vector.shape_cast %ge3A_17 : vector<1x1024xi1> to vector<1x1024xi1>
    %broadcast_in_dim3A_57 = vector.broadcast %broadcast_in_dim3A_56 : vector<1x1024xi1> to vector<16x1024xi1>
    %select_n3A_58 = arith.select %broadcast_in_dim3A_57, %dot_general3A_52, %get3A_55 : vector<16x1024xi1>, vector<16x1024xf32>
    %get3A_59 = arith.constant 0 : index
    %get3A_60 = arith.constant 0 : index
    %get3A_61 = vector.load %arg11[%get3A_59, %get3A_60] : memref<32x32xf32, #tpu.memory_space<vmem>>, vector<32x32xf32>
    %dot_general3A_62 = arith.constant dense<0.000000e+00> : vector<32x1024xf32>
    %dot_general3A_63 = tpu.matmul %get3A_61, %select_n3A, %dot_general3A_62 {dimension_numbers = #tpu.dot_dimension_numbers<[1], [0], [0], [1], [0, 0, 1, 1], [], []>, transpose_lhs_hint = false} : vector<32x32xf32>, vector<32x1024xf32>, vector<32x1024xf32> -> vector<32x1024xf32>
    %get3A_64 = arith.constant 0 : index
    %get3A_65 = arith.constant 0 : index
    %get3A_66 = vector.load %arg12[%get3A_64, %get3A_65] : memref<32x32xf32, #tpu.memory_space<vmem>>, vector<32x32xf32>
    %dot_general3A_67 = arith.constant dense<0.000000e+00> : vector<32x1024xf32>
    %dot_general3A_68 = tpu.matmul %get3A_66, %select_n3A_36, %dot_general3A_67 {dimension_numbers = #tpu.dot_dimension_numbers<[1], [0], [0], [1], [0, 0, 1, 1], [], []>, transpose_lhs_hint = false} : vector<32x32xf32>, vector<32x1024xf32>, vector<32x1024xf32> -> vector<32x1024xf32>
    %add3A_69 = arith.addf %dot_general3A_63, %dot_general3A_68 : vector<32x1024xf32>
    %get3A_70 = arith.constant 0 : index
    %get3A_71 = arith.constant 0 : index
    %get3A_72 = vector.load %arg13[%get3A_70, %get3A_71] : memref<32x1xf32, #tpu.memory_space<vmem>>, vector<32x1xf32>
    %add3A_73 = vector.broadcast %get3A_72 : vector<32x1xf32> to vector<32x1024xf32>
    %add3A_74 = arith.addf %add3A_69, %add3A_73 : vector<32x1024xf32>
    %max3A = arith.constant 0.000000e+00 : f32
    %max3A_75 = vector.broadcast %max3A : f32 to vector<32x1024xf32>
    %max3A_76 = arith.maximumf %add3A_74, %max3A_75 : vector<32x1024xf32>
    %get3A_77 = arith.constant 0 : index
    %get3A_78 = arith.constant 0 : index
    %get3A_79 = vector.load %arg14[%get3A_77, %get3A_78] : memref<16x32xf32, #tpu.memory_space<vmem>>, vector<16x32xf32>
    %dot_general3A_80 = arith.constant dense<0.000000e+00> : vector<16x1024xf32>
    %dot_general3A_81 = tpu.matmul %get3A_79, %max3A_76, %dot_general3A_80 {dimension_numbers = #tpu.dot_dimension_numbers<[1], [0], [0], [1], [0, 0, 1, 1], [], []>, transpose_lhs_hint = false} : vector<16x32xf32>, vector<32x1024xf32>, vector<16x1024xf32> -> vector<16x1024xf32>
    %get3A_82 = arith.constant 0 : index
    %get3A_83 = arith.constant 0 : index
    %get3A_84 = vector.load %arg15[%get3A_82, %get3A_83] : memref<16x1xf32, #tpu.memory_space<vmem>>, vector<16x1xf32>
    %add3A_85 = vector.broadcast %get3A_84 : vector<16x1xf32> to vector<16x1024xf32>
    %add3A_86 = arith.addf %dot_general3A_81, %add3A_85 : vector<16x1024xf32>
    %max3A_87 = arith.constant 0.000000e+00 : f32
    %max3A_88 = vector.broadcast %max3A_87 : f32 to vector<16x1024xf32>
    %max3A_89 = arith.maximumf %add3A_86, %max3A_88 : vector<16x1024xf32>
    %get3A_90 = arith.constant 0 : index
    %get3A_91 = arith.constant 0 : index
    %get3A_92 = vector.load %arg16[%get3A_90, %get3A_91] : memref<8x16xf32, #tpu.memory_space<vmem>>, vector<8x16xf32>
    %dot_general3A_93 = arith.constant dense<0.000000e+00> : vector<8x1024xf32>
    %dot_general3A_94 = tpu.matmul %get3A_92, %max3A_89, %dot_general3A_93 {dimension_numbers = #tpu.dot_dimension_numbers<[1], [0], [0], [1], [0, 0, 1, 1], [], []>, transpose_lhs_hint = false} : vector<8x16xf32>, vector<16x1024xf32>, vector<8x1024xf32> -> vector<8x1024xf32>
    %get3A_95 = arith.constant 0 : index
    %get3A_96 = arith.constant 0 : index
    %get3A_97 = vector.load %arg17[%get3A_95, %get3A_96] : memref<8x1xf32, #tpu.memory_space<vmem>>, vector<8x1xf32>
    %add3A_98 = vector.broadcast %get3A_97 : vector<8x1xf32> to vector<8x1024xf32>
    %add3A_99 = arith.addf %dot_general3A_94, %add3A_98 : vector<8x1024xf32>
    %max3A_100 = arith.constant 0.000000e+00 : f32
    %max3A_101 = vector.broadcast %max3A_100 : f32 to vector<8x1024xf32>
    %max3A_102 = arith.maximumf %add3A_99, %max3A_101 : vector<8x1024xf32>
    %mul3A = arith.mulf %select_n3A_47, %select_n3A_58 : vector<16x1024xf32>
    %get3A_103 = arith.constant 0 : index
    %get3A_104 = arith.constant 0 : index
    %get3A_105 = vector.load %arg18[%get3A_103, %get3A_104] : memref<1x8xf32, #tpu.memory_space<vmem>>, vector<1x8xf32>
    %dot_general3A_106 = arith.constant dense<0.000000e+00> : vector<1x1024xf32>
    %dot_general3A_107 = tpu.matmul %get3A_105, %max3A_102, %dot_general3A_106 {dimension_numbers = #tpu.dot_dimension_numbers<[1], [0], [0], [1], [0, 0, 1, 1], [], []>, transpose_lhs_hint = false} : vector<1x8xf32>, vector<8x1024xf32>, vector<1x1024xf32> -> vector<1x1024xf32>
    %get3A_108 = arith.constant 0 : index
    %get3A_109 = arith.constant 0 : index
    %get3A_110 = vector.load %arg19[%get3A_108, %get3A_109] : memref<1x16xf32, #tpu.memory_space<vmem>>, vector<1x16xf32>
    %dot_general3A_111 = arith.constant dense<0.000000e+00> : vector<1x1024xf32>
    %dot_general3A_112 = tpu.matmul %get3A_110, %mul3A, %dot_general3A_111 {dimension_numbers = #tpu.dot_dimension_numbers<[1], [0], [0], [1], [0, 0, 1, 1], [], []>, transpose_lhs_hint = false} : vector<1x16xf32>, vector<16x1024xf32>, vector<1x1024xf32> -> vector<1x1024xf32>
    %add3A_113 = arith.addf %dot_general3A_107, %dot_general3A_112 : vector<1x1024xf32>
    %get3A_114 = arith.constant 0 : index
    %get3A_115 = arith.constant 0 : index
    %get3A_116 = vector.load %arg20[%get3A_114, %get3A_115] : memref<1x1xf32, #tpu.memory_space<vmem>>, vector<1x1xf32>
    %add3A_117 = vector.broadcast %get3A_116 : vector<1x1xf32> to vector<1x1024xf32>
    %add3A_118 = arith.addf %add3A_113, %add3A_117 : vector<1x1024xf32>
    %logistic3A = arith.negf %add3A_118 : vector<1x1024xf32>
    %logistic3A_119 = math.exp %logistic3A : vector<1x1024xf32>
    %logistic3A_120 = arith.constant 1.000000e+00 : f32
    %logistic3A_121 = vector.broadcast %logistic3A_120 : f32 to vector<1x1024xf32>
    %logistic3A_122 = arith.addf %logistic3A_121, %logistic3A_119 : vector<1x1024xf32>
    %logistic3A_123 = arith.divf %logistic3A_121, %logistic3A_122 : vector<1x1024xf32>
    %swap3A = arith.constant 0 : index
    %swap3A_124 = arith.constant 0 : index
    %swap3A_125 = vector.load %arg21[%swap3A, %swap3A_124] : memref<1x1024xf32, #tpu.memory_space<vmem>>, vector<1x1024xf32>
    tpu.vector_store %arg21[%swap3A, %swap3A_124], %logistic3A_123 {strides = array<i32>} : memref<1x1024xf32, #tpu.memory_space<vmem>>, vector<1x1024xf32>,
    return
  }
  func.func @transform_0(%arg0: i32) -> (i32, i32) {
    %c0_i32 = arith.constant 0 : i32
    %c0_i32_0 = arith.constant 0 : i32
    return %c0_i32, %arg0 : i32, i32
  }
  func.func @transform_1(%arg0: i32) -> (i32, i32) {
    %c0_i32 = arith.constant 0 : i32
    %c0_i32_0 = arith.constant 0 : i32
    return %c0_i32, %arg0 : i32, i32
  }
  func.func @transform_2(%arg0: i32) -> (i32, i32) {
    %c0_i32 = arith.constant 0 : i32
    %c0_i32_0 = arith.constant 0 : i32
    return %c0_i32, %arg0 : i32, i32
  }
  func.func @transform_3(%arg0: i32) -> (i32, i32) {
    %c0_i32 = arith.constant 0 : i32
    %c0_i32_0 = arith.constant 0 : i32
    return %c0_i32, %arg0 : i32, i32
  }
  func.func @transform_4(%arg0: i32) -> (i32, i32) {
    %c0_i32 = arith.constant 0 : i32
    %c0_i32_0 = arith.constant 0 : i32
    return %c0_i32, %arg0 : i32, i32
  }
  func.func @transform_5(%arg0: i32) -> (i32, i32) {
    %c0_i32 = arith.constant 0 : i32
    %c0_i32_0 = arith.constant 0 : i32
    return %c0_i32, %arg0 : i32, i32
  }
  func.func @transform_6(%arg0: i32) -> (i32, i32) {
    %c0_i32 = arith.constant 0 : i32
    %c0_i32_0 = arith.constant 0 : i32
    %c0_i32_1 = arith.constant 0 : i32
    return %c0_i32, %c0_i32_0 : i32, i32
  }
  func.func @transform_7(%arg0: i32) -> (i32, i32) {
    %c0_i32 = arith.constant 0 : i32
    %c0_i32_0 = arith.constant 0 : i32
    %c0_i32_1 = arith.constant 0 : i32
    return %c0_i32, %c0_i32_0 : i32, i32
  }
  func.func @transform_8(%arg0: i32) -> (i32, i32) {
    %c0_i32 = arith.constant 0 : i32
    %c0_i32_0 = arith.constant 0 : i32
    %c0_i32_1 = arith.constant 0 : i32
    return %c0_i32, %c0_i32_0 : i32, i32
  }
  func.func @transform_9(%arg0: i32) -> (i32, i32) {
    %c0_i32 = arith.constant 0 : i32
    %c0_i32_0 = arith.constant 0 : i32
    %c0_i32_1 = arith.constant 0 : i32
    return %c0_i32, %c0_i32_0 : i32, i32
  }
  func.func @transform_10(%arg0: i32) -> (i32, i32) {
    %c0_i32 = arith.constant 0 : i32
    %c0_i32_0 = arith.constant 0 : i32
    %c0_i32_1 = arith.constant 0 : i32
    return %c0_i32, %c0_i32_0 : i32, i32
  }
  func.func @transform_11(%arg0: i32) -> (i32, i32) {
    %c0_i32 = arith.constant 0 : i32
    %c0_i32_0 = arith.constant 0 : i32
    %c0_i32_1 = arith.constant 0 : i32
    return %c0_i32, %c0_i32_0 : i32, i32
  }
  func.func @transform_12(%arg0: i32) -> (i32, i32) {
    %c0_i32 = arith.constant 0 : i32
    %c0_i32_0 = arith.constant 0 : i32
    %c0_i32_1 = arith.constant 0 : i32
    return %c0_i32, %c0_i32_0 : i32, i32
  }
  func.func @transform_13(%arg0: i32) -> (i32, i32) {
    %c0_i32 = arith.constant 0 : i32
    %c0_i32_0 = arith.constant 0 : i32
    %c0_i32_1 = arith.constant 0 : i32
    return %c0_i32, %c0_i32_0 : i32, i32
  }
  func.func @transform_14(%arg0: i32) -> (i32, i32) {
    %c0_i32 = arith.constant 0 : i32
    %c0_i32_0 = arith.constant 0 : i32
    %c0_i32_1 = arith.constant 0 : i32
    return %c0_i32, %c0_i32_0 : i32, i32
  }
  func.func @transform_15(%arg0: i32) -> (i32, i32) {
    %c0_i32 = arith.constant 0 : i32
    %c0_i32_0 = arith.constant 0 : i32
    %c0_i32_1 = arith.constant 0 : i32
    return %c0_i32, %c0_i32_0 : i32, i32
  }
  func.func @transform_16(%arg0: i32) -> (i32, i32) {
    %c0_i32 = arith.constant 0 : i32
    %c0_i32_0 = arith.constant 0 : i32
    %c0_i32_1 = arith.constant 0 : i32
    return %c0_i32, %c0_i32_0 : i32, i32
  }
  func.func @transform_17(%arg0: i32) -> (i32, i32) {
    %c0_i32 = arith.constant 0 : i32
    %c0_i32_0 = arith.constant 0 : i32
    %c0_i32_1 = arith.constant 0 : i32
    return %c0_i32, %c0_i32_0 : i32, i32
  }
  func.func @transform_18(%arg0: i32) -> (i32, i32) {
    %c0_i32 = arith.constant 0 : i32
    %c0_i32_0 = arith.constant 0 : i32
    %c0_i32_1 = arith.constant 0 : i32
    return %c0_i32, %c0_i32_0 : i32, i32
  }
  func.func @transform_19(%arg0: i32) -> (i32, i32) {
    %c0_i32 = arith.constant 0 : i32
    %c0_i32_0 = arith.constant 0 : i32
    %c0_i32_1 = arith.constant 0 : i32
    return %c0_i32, %c0_i32_0 : i32, i32
  }
  func.func @transform_20(%arg0: i32) -> (i32, i32) {
    %c0_i32 = arith.constant 0 : i32
    %c0_i32_0 = arith.constant 0 : i32
    return %c0_i32, %arg0 : i32, i32
  }
}

</mosaic_0001>

<sc_bundles>
// kernel: kernel.4.cloned.1.call-start
scs
__scs_entry_jumppad:
0x0: {  	(pc) =	sbr.rel $0x88, $3  }
0x1: {  	(tag) =	ssettag $0x0;
	lr =	simm.s32 $0x1  }
0x2: {  	[smem:$0x3F93] =	sst lr;
	_ =	strace $0xD0000000  }
0x3: {  	_ = 	snop  }
0x4: {  	_ = 	snop  }
0x5: {  	_ = 	snop  }
0x6: {  	_ = 	snop  }
0x7: {  	_ = 	snop  }
__scs_overlays_trampoline_lowered:
0x8: {  	[smem:$0x3FA2] =	sst s0  }
0x9: {  	[smem:$0x3FA3] =	sst s1  }
0xa: {  	[smem:$0x3FA4] =	sst s2  }
0xb: {  	[smem:$0x3FA5] =	sst s3  }
0xc: {  	[smem:$0x3FA6] =	sst s4  }
0xd: {  	[smem:$0x3FA7] =	sst s5  }
0xe: {  	[smem:$0x3FA8] =	sst s6  }
0xf: {  	[smem:$0x3FA9] =	sst s7  }
0x10: {  	[smem:$0x3FAA] =	sst s8  }
0x11: {  	[smem:$0x3FAB] =	sst s9;
	s0 =	simm.s32 @!p0 $0x0  }
0x12: {  	s1 =	sld [smem:$0x3F91];
	s0 =	simm.s32 @p0 $0x1  }
0x13: {  	[smem:$0x3FAC] =	sst s0;
	s0 =	simm.s32 @!p1 $0x0  }
0x14: {  	s2 =	sld [smem:$0x3F90];
	s0 =	simm.s32 @p1 $0x1  }
0x15: {  	[smem:$0x3FAD] =	sst s0;
	s0 =	simm.s32 @!p2 $0x0  }
0x16: {  	s3 =	sld [smem:$0x3FDB];
	s0 =	simm.s32 @p2 $0x1  }
0x17: {  	s4 =	simm.s32 $0x1BF5;
	[smem:$0x3FAF] =	sst s0  }
0x18: {  	s0 =	sld [smem:$0x3F92];
	_ =	swait.ge [sflag:s4], $0x0  }
0x19: {  	s7 =	sld [smem:$0x3F93]  }
0x1a: {  	s8 =	sadd.s32 $0xFFFFE003, lr  }
0x1b: {  	s9 =	sadd.s32 $0xFFFFFEF7, lr;
	s5 =	simm.s32 $0xFFFFFFFF;
	p2 =	slt.u32 s8, $0xFFFFF086  }
0x1c: {  	p1 =	slt.u32 s9, $0xF7A;
	s5 =	simm.s32 @!p2 $0x0  }
0x1d: {  	s5 =	simm.s32 @p1 $0x1;
	p0 =	seq.s32 s7, s2  }
0x1e: {  	s7 =	smul.u32 @!p0 $0xF7A, s2;
	p2 =	seq.s32 @!p0 s5, $0x0  }
0x1f: {  	s9 =	smul.u32 $0xF7A, s1;
	s8 =	simm.s32 @!p0 $0x1BF5;
	p2 =	por !p2, p0  }
0x20: {  	[sflag:s8] =	ssyncset.s32 @!p0 $0xFFFFF086;
	s6 =	sadd.s32 @!p0 s3, s7;
	s7 =	simm.s32 @!p0 $0x108  }
0x21: {  	s3 =	sadd.s32 s3, s9;
	s6 =	sadd.s32 @!p0 $0x88, s6;
	s7 =	simm.s32 @p2 $0x1082  }
0x22: {  	[simem:s7], [sflag:s8] =	dma.local @!p0 [hbm:s6], $0xF7A  }
0x23: {  	s9 =	sor.u32 $0xD0000000, s2;
	s6 =	simm.s32 $0x108;
	_ =	swait.ge @!p0 [sflag:s8], $0x0  }
0x24: {  	s3 =	sadd.s32 $0x88, s3;
	s6 =	simm.s32 @!p1 $0x1082;
	[sflag:s4] =	ssyncset.s32 $0xFFFFF086  }
0x25: {  	[simem:s6], [sflag:s4] =	dma.local [hbm:s3], $0xF7A  }
0x26: {  	[smem:$0x3F93] =	sst s1;
	(tag) =	ssettag s2;
	_ =	strace s9  }
0x27: {  	s1 =	sld [smem:$0x3FA3]  }
0x28: {  	s2 =	sld [smem:$0x3FA4]  }
0x29: {  	s4 =	sld [smem:$0x3FA6]  }
0x2a: {  	p0 =	seq.s32 s5, $0x0;
	s5 =	sld [smem:$0x3FA7]  }
0x2b: {  	s6 =	sld [smem:$0x3FA8]  }
0x2c: {  	s7 =	sld [smem:$0x3FA9]  }
0x2d: {  	s3 =	simm.s32 $0x108;
	s8 =	sld [smem:$0x3FAA]  }
0x2e: {  	s3 =	simm.s32 @!p0 $0x1082;
	s9 =	sld [smem:$0x3FAB]  }
0x2f: {  	lr =	sadd.s32 s0, s3;
	s0 =	sld [smem:$0x3FA2]  }
0x30: {  	s3 =	sld [smem:$0x3FA5]  }
0x31: {  	[smem:$0x3FAE] =	sst s10  }
0x32: {  	s10 =	sld [smem:$0x3FAC];
	_ =	sdelay $0x3  }
0x33: {  	p0 =	seq.s32 s10, $0x1;
	s10 =	sld [smem:$0x3FAE];
	_ =	sdelay $0x3  }
0x34: {  	[smem:$0x3FAE] =	sst s10  }
0x35: {  	s10 =	sld [smem:$0x3FAD];
	_ =	sdelay $0x3  }
0x36: {  	p1 =	seq.s32 s10, $0x1;
	s10 =	sld [smem:$0x3FAE];
	_ =	sdelay $0x3  }
0x37: {  	[smem:$0x3FAE] =	sst s10  }
0x38: {  	s10 =	sld [smem:$0x3FAF]  }
0x39: {  	_ = 	snop;
	(pc) =	sbr.ind lr, $3  }
0x3a: {  	_ = 	snop  }
0x3b: {  	_ = 	snop  }
0x3c: {  	p2 =	seq.s32 s10, $0x1;
	s10 =	sld [smem:$0x3FAE]  }
0x3d: {  	_ =	shalt  }
0x3e: {  	_ =	shalt  }
0x3f: {  	_ =	shalt  }
0x40: {  	_ =	shalt  }
0x41: {  	_ =	shalt  }
0x42: {  	_ =	shalt  }
0x43: {  	_ =	shalt  }
0x44: {  	_ =	shalt  }
0x45: {  	_ =	shalt  }
0x46: {  	_ =	shalt  }
0x47: {  	_ =	shalt  }
0x48: {  	_ =	shalt  }
0x49: {  	_ =	shalt  }
0x4a: {  	_ =	shalt  }
0x4b: {  	_ =	shalt  }
0x4c: {  	_ =	shalt  }
0x4d: {  	_ =	shalt  }
0x4e: {  	_ =	shalt  }
0x4f: {  	_ =	shalt  }
0x50: {  	_ =	shalt  }
0x51: {  	_ =	shalt  }
0x52: {  	_ =	shalt  }
0x53: {  	_ =	shalt  }
0x54: {  	_ =	shalt  }
0x55: {  	_ =	shalt  }
0x56: {  	_ =	shalt  }
0x57: {  	_ =	shalt  }
0x58: {  	_ =	shalt  }
0x59: {  	_ =	shalt  }
0x5a: {  	_ =	shalt  }
0x5b: {  	_ =	shalt  }
0x5c: {  	_ =	shalt  }
0x5d: {  	_ =	shalt  }
0x5e: {  	_ =	shalt  }
0x5f: {  	_ =	shalt  }
0x60: {  	_ =	shalt  }
0x61: {  	_ =	shalt  }
0x62: {  	_ =	shalt  }
0x63: {  	_ =	shalt  }
0x64: {  	_ =	shalt  }
0x65: {  	_ =	shalt  }
0x66: {  	_ =	shalt  }
0x67: {  	_ =	shalt  }
0x68: {  	_ =	shalt  }
0x69: {  	_ =	shalt  }
0x6a: {  	_ =	shalt  }
0x6b: {  	_ =	shalt  }
0x6c: {  	_ =	shalt  }
0x6d: {  	_ =	shalt  }
0x6e: {  	_ =	shalt  }
0x6f: {  	_ =	shalt  }
0x70: {  	_ =	shalt  }
0x71: {  	_ =	shalt  }
0x72: {  	_ =	shalt  }
0x73: {  	_ =	shalt  }
0x74: {  	_ =	shalt  }
0x75: {  	_ =	shalt  }
0x76: {  	_ =	shalt  }
0x77: {  	_ =	shalt  }
0x78: {  	_ =	shalt  }
0x79: {  	_ =	shalt  }
0x7a: {  	_ =	shalt  }
0x7b: {  	_ =	shalt  }
0x7c: {  	_ =	shalt  }
0x7d: {  	_ =	shalt  }
0x7e: {  	_ =	shalt  }
0x7f: {  	_ =	shalt  }
0x80: {  	_ =	shalt  }
0x81: {  	_ =	shalt  }
0x82: {  	_ =	shalt  }
0x83: {  	_ =	shalt  }
0x84: {  	_ =	shalt  }
0x85: {  	_ =	shalt  }
0x86: {  	_ =	shalt  }
0x87: {  	_ =	shalt  }
.Lfunc_end0:
.L_simem_size_0:
called_computation_lowered:
.L_overlay_start_0:
0x88: {  	s2 =	sld [smem:$0x3FD9]  }
0x89: {  	s3 =	sld [smem:$0x3FFE];
	_ =	sdelay $0x1  }
0x8a: {  	s1 =	srdreg.scid  }
0x8b: {  	s0 =	sand.u32 $0x1, s1  }
0x8c: {  	s17 =	sshll.u32 s0, $0xA;
	s2 =	sadd.s32 s3, s2  }
0x8d: {  	s2 =	sadd.s32 s2, s17  }
0x8e: {  	[smem:$0x3FBA] =	sst s2  }
0x8f: {  	_ = 	snop  }
0x90: {  	s2 =	sld [smem:$0x3FC7]  }
0x91: {  	s18 =	sld [smem:$0x3FC6]  }
0x92: {  	s4 =	sld [smem:$0x3FC5]  }
0x93: {  	s5 =	sld [smem:$0x3FC4];
	(tm) =	ssettm $0x1  }
0x94: {  	s6 =	sld [smem:$0x3FFB];
	_ =	sdelay $0x3  }
0x95: {  	_ =	strace s6  }
0x96: {  	s6 =	sld [smem:$0x3FFC];
	_ =	sdelay $0x3  }
0x97: {  	_ =	strace s6  }
0x98: {  	s6 =	sld [smem:$0x3FFD];
	_ =	sdelay $0x3  }
0x99: {  	_ =	strace s6  }
0x9a: {  	_ =	strace $0x8FFFFFFF  }
0x9b: {  	s19 =	sld [smem:$0x3FDB];
	_ =	sdelay $0x1  }
0x9c: {  	s7 =	simm.s32 $_scs_section_size  }
0x9d: {  	s8 =	simm.s32 $_size__tile_overlayer_lowered;
	s9 =	simm.s32 $_tile_overlayer_lowered  }
0x9e: {  	s22 =	simm.s32 $0x1BFF;
	s21 =	sshll.u32 s9, $0x1;
	s6 =	sadd.s32 s7, s19  }
0x9f: {  	s10 =	simm.s32 $0x0;
	s20 =	sshll.u32 s8, $0x1;
	s8 =	sadd.s32 s21, s6  }
0xa0: {  	[timem:s10], [sflag:s22] =	dma.local [hbm:s8], s20  }
0xa1: {  	_ =	swait.ge [sflag:s22], s20  }
0xa2: {  	s7 =	ssub.s32 $0x0, s20;
	[sflag:s22] =	ssyncset.done $0x0  }
0xa3: {  	[sflag:s22] =	ssyncadd.s32 s7;
	_ =	sdelay $0x1  }
0xa4: {  	s23 =	simm.s32 $0x1B8B  }
0xa5: {  	_ =	swait.ge [sflag:s23], $0x1  }
0xa6: {  	[sflag:s23] =	ssyncset.done $0x0  }
0xa7: {  	s25 =	simm.s32 $0x1B8E;
	s24 =	sld [smem:$0x3FFE];
	[sflag:s23] =	ssyncadd.s32 $0xFFFFFFFF  }
0xa8: {  	s26 =	simm.s32 $execute0_lowered;
	[smem:$0x3FD2] =	sst s25  }
0xa9: {  	s8 =	sshll.u32 s26, $0x1;
	_ =	strace $0x80000046;
	[dreg:$0x1] =	wrdreg $0xFFFFFFFF  }
0xaa: {  	s28 =	simm.s32 $_size_execute0_lowered;
	s6 =	sadd.s32 s6, s8;
	[dreg:$0x0] =	wrdreg $0x0  }
0xab: {  	s8 =	sshll.u32 s28, $0x1;
	[dreg:$0x2] =	wrdreg s6  }
0xac: {  	[dreg:$0x3] =	wrdreg s8  }
0xad: {  	[dreg:$0x4] =	wrdreg $0xC0  }
0xae: {  	_ =	task [dreg:s10], $0x5FFFF  }
0xaf: {  	[dreg:$0x1] =	wrdreg $0xFFFFFFFF  }
0xb0: {  	[dreg:$0x0] =	wrdreg $0x60  }
0xb1: {  	[dreg:$0x2] =	wrdreg s24  }
0xb2: {  	[dreg:$0x3] =	wrdreg s2  }
0xb3: {  	[dreg:$0x4] =	wrdreg s18  }
0xb4: {  	[dreg:$0x5] =	wrdreg s4  }
0xb5: {  	[dreg:$0x6] =	wrdreg s5  }
0xb6: {  	[dreg:$0x7] =	wrdreg $0x9  }
0xb7: {  	_ =	task.clear_ibuf [dreg:s10], $0x8FFFF;
	_ =	strace $0x90000046  }
0xb8: {  	s29 =	simm.s32 $0x9;
	_ =	strace $0x80000048  }
0xb9: {  	_ =	swait.ge [sflag:s29], $0x1  }
0xba: {  	[sflag:s29] =	ssyncadd.s32 $0xFFFFFFFF  }
0xbb: {  	_ =	strace $0x90000048  }
0xbc: {  	_ =	sfence  }
0xbd: {  	s30 =	sld [smem:$0x0];
	_ =	sdelay $0x2  }
0xbe: {  	s31 =	sshll.u32 s1, $0xD;
	s1 =	sshrl.u32 s1, $0x2  }
0xbf: {  	s3 =	sand.u32 $0x4000, s31;
	s1 =	sadd.s32 s1, s30  }
0xc0: {  	s0 =	sor.u32 s3, s0;
	s1 =	sshll.u32 s1, $0x11  }
0xc1: {  	s0 =	sor.u32 s1, s0  }
0xc2: {  	s0 =	sadd.s32 $0x8F2B, s0  }
0xc3: {  	[sflag:s0] =	ssyncadd.remote.s32 $0x1  }
0xc4: {  	_ =	sfence.sel $0xFFFF  }
0xc5: {  	[dreg:$0x0] =	wrdreg $0xFFFFFFFF;
	(pc) =	sbr.abs _section_cstart, $3  }
0xc6: {  	[dreg:$0x1] =	wrdreg $0xFFFFFFFF  }
0xc7: {  	_ =	task.clear_ibuf [dreg:s10], $0x2FFFF;
	_ =	strace $0x9FFFFFFF  }
0xc8: {  	(tm) =	ssettm $0x7FFFFFFF  }
0xc9: {  	_ =	shalt  }
tec
execute0_lowered:
.L_overlay_start_1:
0x0: {  	(tag) =	ssettag $0x1  }
0x1: {  	vm0 =	vmmov $0x1;
	vm1 =	vcmask $0x308;
	v0 =	vlaneseq.u32  }
0x2: {  	vm2 =	vcmask $0x70C;
	vm3 =	vcmask $0xB10;
	v1 =	vimm.s32 $0x1380  }
0x3: {  	vm4 =	vcmask $0x300;
	v2 =	vimm.s32 $0x3380;
	vm5 =	vcmask $0x704  }
0x4: {  	vm6 =	vcmask $0x171C;
	vm7 =	vcmask $0x1B20;
	vm8 =	vcmask $0x1F24  }
0x5: {  	s3 =	rddreg [dreg:$0x0];
	vm9 =	vcmask $0x2328;
	vm10 =	vcmask $0x272C;
	vm11 =	vcmask $0x2B30  }
0x6: {  	s1 =	rddreg [dreg:$0x1];
	vm12 =	vcmask $0x2F34;
	vm13 =	vcmask $0x3338;
	vm14 =	vcmask $0x373C  }
0x7: {  	s2 =	rddreg [dreg:$0x2];
	vm15 =	vmmov $0x7fff;
	v0 =	vmul.u32 $0x80, v0;
	v1 =	vsel vm4, $0x0, v1  }
0x8: {  	s5 =	rddreg [dreg:$0x3];
	s4 =	srdreg.scid;
	v2 =	vsel vm4, $0x2000, v2;
	vm4 =	vcmask $0xB08;
	v1 =	vsel vm5, $0x80, v1  }
0x9: {  	s9 =	rddreg [dreg:$0x4];
	s6 =	stileid.u32;
	s8 =	simm.s32 $0x0;
	v2 =	vsel vm5, $0x2080, v2;
	vm5 =	vcmask $0xF0C;
	v1 =	vsel vm4, $0x100, v1  }
0xa: {  	s11 =	simm.s32 $0x2;
	s15 =	simm.s32 $0x400;
	s16 =	simm.s32 $0x7A1400;
	v2 =	vsel vm4, $0x2100, v2;
	vm4 =	vcmask $0x1310;
	v1 =	vsel vm5, $0x180, v1  }
0xb: {  	s31 =	simm.s32 $0x2000;
	s13 =	simm.s32 $0xA000;
	s4 =	sand.u32 $0x1, s4;
	v2 =	vsel vm5, $0x2180, v2;
	vm5 =	vcmask $0x1714;
	v1 =	vsel vm4, $0x200, v1  }
0xc: {  	s18 =	simm.s32 $0x3000;
	s6 =	sshll.u32 s6, $0xA;
	s7 =	sshll.u32 s4, $0x9;
	v2 =	vsel vm4, $0x2200, v2;
	vm4 =	vcmask $0x1B18;
	v1 =	vsel vm5, $0x280, v1  }
0xd: {  	s21 =	simm.s32 $0xC800;
	s28 =	simm.s32 $0xD000;
	s6 =	sor.u32 s7, s6;
	v2 =	vsel vm5, $0x2280, v2;
	vm5 =	vcmask $0x1F1C;
	v1 =	vsel vm4, $0x300, v1  }
0xe: {  	s0 =	simm.s32 $0x1000;
	[smem:$0x7FF] =	sst s8;
	s3 =	sadd.s32 s6, s3;
	v2 =	vsel vm4, $0x2300, v2;
	vm4 =	vcmask $0x2320;
	v1 =	vsel vm5, $0x380, v1  }
0xf: {  	s8 =	simm.s32 $0x12000;
	s4 =	ssub.s32 $0x2, s4;
	s23 =	sadd.s32 $0x6800, s3;
	v2 =	vsel vm5, $0x2380, v2;
	vm5 =	vcmask $0x2724;
	v1 =	vsel vm4, $0x1000, v1  }
0x10: {  	_ =	strace $0x80000047;
	s24 =	sadd.s32 $0x2800, s3;
	[dreg:$0x6] =	wrdreg s23;
	v2 =	vsel vm4, $0x3000, v2;
	vm4 =	vcmask $0x2B28;
	v1 =	vsel vm5, $0x1080, v1  }
0x11: {  	s22 =	sshrl.u32 s4, $0x1;
	s25 =	sadd.s32 $0xA800, s3;
	[dreg:$0x7] =	wrdreg s24;
	v2 =	vsel vm5, $0x3080, v2;
	vm5 =	vcmask $0x2F2C;
	v1 =	vsel vm4, $0x1100, v1  }
0x12: {  	s7 =	simm.s32 $0xE000;
	s26 =	sadd.s32 $0x1A800, s3;
	[dreg:$0x8] =	wrdreg s25;
	v2 =	vsel vm4, $0x3100, v2;
	vm4 =	vcmask $0x3330;
	v1 =	vsel vm5, $0x1180, v1  }
0x13: {  	s4 =	ssub.s32 s4, s22;
	s29 =	sadd.s32 $0x2A800, s3;
	[dreg:$0x9] =	wrdreg s26;
	v2 =	vsel vm5, $0x3180, v2;
	vm5 =	vcmask $0x3734;
	v1 =	vsel vm4, $0x1200, v1  }
0x14: {  	s22 =	simm.s32 $0xC000;
	s3 =	sadd.s32 $0x32800, s3;
	[dreg:$0xa] =	wrdreg s29;
	v2 =	vsel vm4, $0x3200, v2;
	vm4 =	vcmask $0x3B38;
	v1 =	vsel vm5, $0x1280, v1  }
0x15: {  	s6 =	simm.s32 $0x1;
	s30 =	smax.u32 s4, $0x1;
	[dreg:$0xb] =	wrdreg s3;
	v3 =	vsel vm5, $0x3280, v2;
	v2 =	vor.u32 $0x800, v0;
	vm5 =	vcmask $0x1318  }
0x16: {  	s4 =	simm.s32 $0x0;
	[dreg:$0xc] =	wrdreg s30;
	s23 =	simm.s32 $0x4000;
	v1 =	vsel vm4, $0x1300, v1;
	v3 =	vsel vm4, $0x3300, v3;
	vm4 =	vcmask $0xF14  }
.LBB2_1:
0x17: {  	[dreg:$0xd] =	wrdreg s4  }
0x18: {  	s3 =	simm.s32 $0x0;
	s29 =	rddreg [dreg:$0x6]  }
0x19: {  	[tilespmem:s3], [sflag:$0x2] =	stream.linear.gather [hbm4b:s29+s3], $0x1000, $0x38;
	[tilespmem:$0x1A000] =	vst v63  }
0x1a: {  	_ =	swait.ge [sflag:s11], $0x1000  }
0x1b: {  	[sflag:s11] =	ssyncset.done $0x0  }
0x1c: {  	s30 =	rddreg [dreg:$0x7];
	[sflag:s11] =	ssyncadd.s32 $0xFFFFF000  }
0x1d: {  	[tilespmem:s0], [sflag:$0x2] =	stream.linear.gather [hbm4b:s30+s3], $0x1000, $0x38;
	[tilespmem:$0x1A000] =	vst v63  }
0x1e: {  	_ =	swait.ge [sflag:s11], $0x1000  }
0x1f: {  	s12 =	simm.s32 $0xF;
	s0 =	simm.s32 $0x1000;
	[sflag:s11] =	ssyncset.done $0x0  }
0x20: {  	s3 =	simm.s32 $0x0;
	[sflag:s11] =	ssyncadd.s32 $0xFFFFF000;
	s11 =	simm.s32 $0x6000  }
.LBB2_2:
0x21: {  	v5 =	vld [tilespmem:s3+$0x0]  }
0x22: {  	v4 =	vld [tilespmem:s0+$0x0];
	_ =	sdelay $0x3  }
0x23: {  	v6 =	vnsel vm0, $0x0, v5  }
0x24: {  	v28 =	vnsel vm0, $0x0, v4;
	(xrf0) =	vadd.scan.msk.s32 $0xffff, v6  }
0x25: {  	(xrf0) =	vadd.scan.msk.s32 $0xffff, v28;
	_ =	sdelay $0x4  }
0x26: {  	v29, _, _ =	vpop (xrf0)  }
0x27: {  	(v2sf) =	vpush v29, $0xF;
	v30, _, _ =	vpop (xrf0)  }
0x28: {  	(v2sf) =	vpush v30, $0xF;
	_ =	sdelay $0xd  }
0x29: {  	s26 =	spop (v2sf)  }
0x2a: {  	s29 =	spop (v2sf);
	s30 =	sand.u32 $0xFFFFFF80, s26  }
0x2b: {  	[dreg:$0xf] =	wrdreg s3;
	p0 =	slt.s32 s30, $0xF4180;
	s3 =	sand.u32 $0xFFFFFF80, s29  }
0x2c: {  	v31 =	vsel vm1, $0x0, v5;
	s30 =	simm.s32 @!p0 $0xF4180;
	p0 =	slt.s32 s3, $0xF4180  }
0x2d: {  	(xrf0) =	vadd.scan.msk.s32 $0xffff, v31;
	s3 =	simm.s32 @!p0 $0xF4180;
	s4 =	sadd.s32 s1, s30  }
0x2e: {  	v32 =	vsel vm1, $0x0, v4;
	[tilespmem:s31], [sflag:$0x1] =	stream.strided.gather [hbm4b:s4+s15], $0x1000, s16, s15, $0x38;
	[tilespmem:$0x1A000] =	vst v63  }
0x2f: {  	(xrf0) =	vadd.scan.msk.s32 $0xffff, v32;
	s10 =	sadd.s32 s2, s3  }
0x30: {  	[tilespmem:s11], [sflag:$0x1] =	stream.strided.gather [hbm4b:s10+s15], $0x1000, s16, s15, $0x38;
	[tilespmem:$0x1A000] =	vst v63  }
0x31: {  	s14 =	sadd.s32 s5, s30  }
0x32: {  	[tilespmem:s13], [sflag:$0x1] =	stream.strided.gather [hbm4b:s14+s15], $0x800, s16, s15, $0x38;
	[tilespmem:$0x1A000] =	vst v63  }
0x33: {  	[dreg:$0xe] =	wrdreg s0;
	s17 =	sadd.s32 s9, s3  }
0x34: {  	[tilespmem:s22], [sflag:$0x1] =	stream.strided.gather [hbm4b:s17+s15], $0x800, s16, s15, $0x38;
	[tilespmem:$0x1A000] =	vst v63  }
0x35: {  	v6, _, _ =	vpop (xrf0)  }
0x36: {  	(v2sf) =	vpush v6, $0xF;
	v33, _, _ =	vpop (xrf0)  }
0x37: {  	(v2sf) =	vpush v33, $0xF  }
0x38: {  	v34 =	vsel vm2, $0x0, v5  }
0x39: {  	(xrf0) =	vadd.scan.msk.s32 $0xffff, v34  }
0x3a: {  	v35 =	vsel vm2, $0x0, v4  }
0x3b: {  	(xrf0) =	vadd.scan.msk.s32 $0xffff, v35;
	_ =	sdelay $0x3  }
0x3c: {  	v36, _, _ =	vpop (xrf0)  }
0x3d: {  	(v2sf) =	vpush v36, $0xF  }
0x3e: {  	v37, _, _ =	vpop (xrf0)  }
0x3f: {  	(v2sf) =	vpush v37, $0xF  }
0x40: {  	v38 =	vsel vm3, $0x0, v5  }
0x41: {  	(xrf0) =	vadd.scan.msk.s32 $0xffff, v38  }
0x42: {  	v39 =	vsel vm3, $0x0, v4;
	s22 =	spop (v2sf)  }
0x43: {  	(xrf0) =	vadd.scan.msk.s32 $0xffff, v39;
	s4 =	spop (v2sf);
	s25 =	sand.u32 $0xFFFFFF80, s22  }
0x44: {  	p0 =	slt.s32 s25, $0xF4180;
	s17 =	sand.u32 $0xFFFFFF80, s4  }
0x45: {  	s25 =	simm.s32 @!p0 $0xF4180;
	p0 =	slt.s32 s17, $0xF4180  }
0x46: {  	s17 =	simm.s32 @!p0 $0xF4180;
	s14 =	sadd.s32 s1, s25  }
0x47: {  	v40, _, _ =	vpop (xrf0);
	[tilespmem:s18], [sflag:$0x1] =	stream.strided.gather [hbm4b:s14+s15], $0x1000, s16, s15, $0x38;
	[tilespmem:$0x1A000] =	vst v63  }
0x48: {  	s19 =	simm.s32 $0x7000;
	(v2sf) =	vpush v40, $0xF;
	s18 =	sadd.s32 s2, s17  }
0x49: {  	v41, _, _ =	vpop (xrf0);
	[tilespmem:s19], [sflag:$0x1] =	stream.strided.gather [hbm4b:s18+s15], $0x1000, s16, s15, $0x38;
	[tilespmem:$0x1A000] =	vst v63  }
0x4a: {  	s24 =	simm.s32 $0xA800;
	(v2sf) =	vpush v41, $0xF;
	s20 =	sadd.s32 s5, s25  }
0x4b: {  	[tilespmem:s24], [sflag:$0x1] =	stream.strided.gather [hbm4b:s20+s15], $0x800, s16, s15, $0x38;
	[tilespmem:$0x1A000] =	vst v63  }
0x4c: {  	s0 =	sadd.s32 s9, s17;
	s18 =	spop (v2sf)  }
0x4d: {  	[tilespmem:s21], [sflag:$0x1] =	stream.strided.gather [hbm4b:s0+s15], $0x800, s16, s15, $0x38;
	[tilespmem:$0x1A000] =	vst v63  }
0x4e: {  	s20 =	spop (v2sf);
	s21 =	sand.u32 $0xFFFFFF80, s18  }
0x4f: {  	s24 =	sand.u32 $0xFFFFFF80, s20;
	p0 =	slt.s32 s21, $0xF4180  }
0x50: {  	s21 =	simm.s32 @!p0 $0xF4180;
	p0 =	slt.s32 s24, $0xF4180  }
0x51: {  	s24 =	simm.s32 @!p0 $0xF4180;
	s10 =	sadd.s32 s1, s21  }
0x52: {  	[tilespmem:s23], [sflag:$0x1] =	stream.strided.gather [hbm4b:s10+s15], $0x1000, s16, s15, $0x38;
	[tilespmem:$0x1A000] =	vst v63  }
0x53: {  	s13 =	simm.s32 $0x8000;
	s11 =	sadd.s32 s2, s24  }
0x54: {  	[tilespmem:s13], [sflag:$0x1] =	stream.strided.gather [hbm4b:s11+s15], $0x1000, s16, s15, $0x38;
	[tilespmem:$0x1A000] =	vst v63  }
0x55: {  	s19 =	sadd.s32 s5, s21;
	s23 =	simm.s32 $0xB000  }
0x56: {  	[tilespmem:s23], [sflag:$0x1] =	stream.strided.gather [hbm4b:s19+s15], $0x800, s16, s15, $0x38;
	[tilespmem:$0x1A000] =	vst v63  }
0x57: {  	s0 =	sadd.s32 s9, s24;
	s23 =	spop (v2sf)  }
0x58: {  	[tilespmem:s28], [sflag:$0x1] =	stream.strided.gather [hbm4b:s0+s15], $0x800, s16, s15, $0x38;
	[tilespmem:$0x1A000] =	vst v63  }
0x59: {  	s14 =	spop (v2sf);
	s28 =	sand.u32 $0xFFFFFF80, s23  }
0x5a: {  	s19 =	sand.u32 $0xFFFFFF80, s14;
	p0 =	slt.s32 s28, $0xF4180  }
0x5b: {  	s28 =	simm.s32 @!p0 $0xF4180;
	p0 =	slt.s32 s19, $0xF4180  }
0x5c: {  	s10 =	simm.s32 $0x5000;
	s19 =	simm.s32 @!p0 $0xF4180;
	s31 =	sadd.s32 s1, s28  }
0x5d: {  	[tilespmem:s10], [sflag:$0x1] =	stream.strided.gather [hbm4b:s31+s15], $0x1000, s16, s15, $0x38;
	[tilespmem:$0x1A000] =	vst v63  }
0x5e: {  	s13 =	simm.s32 $0x9000;
	s31 =	sadd.s32 s2, s19  }
0x5f: {  	[tilespmem:s13], [sflag:$0x1] =	stream.strided.gather [hbm4b:s31+s15], $0x1000, s16, s15, $0x38;
	[tilespmem:$0x1A000] =	vst v63  }
0x60: {  	s0 =	simm.s32 $0xB800;
	s31 =	sadd.s32 s5, s28  }
0x61: {  	[tilespmem:s0], [sflag:$0x1] =	stream.strided.gather [hbm4b:s31+s15], $0x800, s16, s15, $0x38;
	[tilespmem:$0x1A000] =	vst v63  }
0x62: {  	s10 =	simm.s32 $0xD800;
	s31 =	sadd.s32 s9, s19  }
0x63: {  	[tilespmem:s10], [sflag:$0x1] =	stream.strided.gather [hbm4b:s31+s15], $0x800, s16, s15, $0x38;
	[tilespmem:$0x1A000] =	vst v63  }
0x64: {  	_ =	swait.ge [sflag:s6], $0x1000  }
0x65: {  	[sflag:s6] =	ssyncset.done $0x0  }
0x66: {  	[sflag:s6] =	ssyncadd.s32 $0xFFFFF000  }
0x67: {  	_ =	swait.ge [sflag:s6], $0x1000  }
0x68: {  	[sflag:s6] =	ssyncset.done $0x0  }
0x69: {  	[sflag:s6] =	ssyncadd.s32 $0xFFFFF000  }
0x6a: {  	_ =	swait.ge [sflag:s6], $0x800  }
0x6b: {  	[sflag:s6] =	ssyncset.done $0x0  }
0x6c: {  	[sflag:s6] =	ssyncadd.s32 $0xFFFFF800  }
0x6d: {  	_ =	swait.ge [sflag:s6], $0x800  }
0x6e: {  	[sflag:s6] =	ssyncset.done $0x0  }
0x6f: {  	[sflag:s6] =	ssyncadd.s32 $0xFFFFF800  }
0x70: {  	_ =	swait.ge [sflag:s6], $0x1000  }
0x71: {  	[sflag:s6] =	ssyncset.done $0x0  }
0x72: {  	[sflag:s6] =	ssyncadd.s32 $0xFFFFF000  }
0x73: {  	_ =	swait.ge [sflag:s6], $0x1000  }
0x74: {  	[sflag:s6] =	ssyncset.done $0x0  }
0x75: {  	[sflag:s6] =	ssyncadd.s32 $0xFFFFF000  }
0x76: {  	_ =	swait.ge [sflag:s6], $0x800  }
0x77: {  	[sflag:s6] =	ssyncset.done $0x0  }
0x78: {  	[sflag:s6] =	ssyncadd.s32 $0xFFFFF800  }
0x79: {  	_ =	swait.ge [sflag:s6], $0x800  }
0x7a: {  	[sflag:s6] =	ssyncset.done $0x0  }
0x7b: {  	[sflag:s6] =	ssyncadd.s32 $0xFFFFF800  }
0x7c: {  	_ =	swait.ge [sflag:s6], $0x1000  }
0x7d: {  	[sflag:s6] =	ssyncset.done $0x0  }
0x7e: {  	[sflag:s6] =	ssyncadd.s32 $0xFFFFF000  }
0x7f: {  	_ =	swait.ge [sflag:s6], $0x1000  }
0x80: {  	[sflag:s6] =	ssyncset.done $0x0  }
0x81: {  	[sflag:s6] =	ssyncadd.s32 $0xFFFFF000  }
0x82: {  	_ =	swait.ge [sflag:s6], $0x800  }
0x83: {  	[sflag:s6] =	ssyncset.done $0x0  }
0x84: {  	[sflag:s6] =	ssyncadd.s32 $0xFFFFF800  }
0x85: {  	_ =	swait.ge [sflag:s6], $0x800  }
0x86: {  	[sflag:s6] =	ssyncset.done $0x0  }
0x87: {  	[sflag:s6] =	ssyncadd.s32 $0xFFFFF800  }
0x88: {  	_ =	swait.ge [sflag:s6], $0x1000  }
0x89: {  	[sflag:s6] =	ssyncset.done $0x0  }
0x8a: {  	[sflag:s6] =	ssyncadd.s32 $0xFFFFF000  }
0x8b: {  	_ =	swait.ge [sflag:s6], $0x1000  }
0x8c: {  	s26 =	ssub.s32 s26, s30;
	[sflag:s6] =	ssyncset.done $0x0  }
0x8d: {  	p0 =	slt.s32 s26, $0x7F;
	[sflag:s6] =	ssyncadd.s32 $0xFFFFF000  }
0x8e: {  	s26 =	simm.s32 @!p0 $0x7F;
	_ =	swait.ge [sflag:s6], $0x800  }
0x8f: {  	s11 =	sadd.s32 $0xFFFFFFF1, s12;
	v42 =	vadd.s32 s26, v0;
	[sflag:s6] =	ssyncset.done $0x0  }
0x90: {  	v7 =	vmov s11;
	[sflag:s6] =	ssyncadd.s32 $0xFFFFF800  }
0x91: {  	v8 =	vshll.u32 v7, $0x3;
	_ =	swait.ge [sflag:s6], $0x800  }
0x92: {  	v7 =	vand.u32 $0x70, v7;
	v8 =	vand.u32 $0xC00, v8;
	[sflag:s6] =	ssyncset.done $0x0  }
0x93: {  	v7 =	vor.u32 v7, v8;
	s13 =	simm.s32 $0x2000;
	[sflag:s6] =	ssyncadd.s32 $0xFFFFF800  }
0x94: {  	v9 =	vor.u32 v1, v7;
	v43 =	vld.idx.msk [tilespmem:v42+s13+$0x0], $0xffff  }
0x95: {  	v10 =	vadd.s32 s26, v2;
	_ =	sdelay $0x2  }
0x96: {  	s3 =	ssub.s32 s29, s3  }
0x97: {  	s29 =	simm.s32 $0x2000;
	p0 =	slt.s32 s3, $0x7F;
	[tilespmem:v9+s7+$0x0] =	vst.idx.msk $0xffff, v43  }
0x98: {  	v7 =	vor.u32 v3, v7;
	s3 =	simm.s32 @!p0 $0x7F;
	v8 =	vld.idx.msk [tilespmem:v10+s29+$0x0], $0xffff  }
0x99: {  	v44 =	vadd.s32 s3, v0;
	_ =	sdelay $0x3  }
0x9a: {  	s30 =	simm.s32 $0x6000;
	[tilespmem:v7+s7+$0x0] =	vst.idx.msk $0xffff, v8  }
0x9b: {  	v8 =	vld.idx.msk [tilespmem:v44+s30+$0x0], $0xffff  }
0x9c: {  	v11 =	vadd.s32 s3, v2;
	_ =	sdelay $0x3  }
0x9d: {  	s3 =	simm.s32 $0x6000;
	[tilespmem:v9+s8+$0x0] =	vst.idx.msk $0xffff, v8  }
0x9e: {  	v8 =	vld.idx.msk [tilespmem:v11+s3+$0x0], $0xffff;
	_ =	sdelay $0x4  }
0x9f: {  	s10 =	simm.s32 $0xA000;
	[tilespmem:v7+s8+$0x0] =	vst.idx.msk $0xffff, v8  }
0xa0: {  	v6 =	vld.idx.msk [tilespmem:v42+s10+$0x0], $0xffff;
	_ =	sdelay $0x3  }
0xa1: {  	s3 =	ssub.s32 s22, s25;
	s10 =	simm.s32 $0x16000  }
0xa2: {  	s11 =	simm.s32 $0xC000;
	p0 =	slt.s32 s3, $0x7F;
	[tilespmem:v9+s10+$0x0] =	vst.idx.msk $0xffff, v6  }
0xa3: {  	s3 =	simm.s32 @!p0 $0x7F;
	v6 =	vld.idx.msk [tilespmem:v44+s11+$0x0], $0xffff  }
0xa4: {  	s13 =	sadd.s32 $0xFFFFFFF2, s12;
	v45 =	vadd.s32 s3, v0  }
0xa5: {  	v46 =	vmov s13  }
0xa6: {  	v47 =	vshll.u32 v46, $0x3  }
0xa7: {  	v10 =	vand.u32 $0xC00, v47;
	s25 =	simm.s32 $0x18000;
	v8 =	vand.u32 $0x71, v46  }
0xa8: {  	s26 =	simm.s32 $0x3000;
	v48 =	vor.u32 v8, v10;
	[tilespmem:v9+s25+$0x0] =	vst.idx.msk $0xffff, v6  }
0xa9: {  	v50 =	vor.u32 v1, v48;
	v49 =	vld.idx.msk [tilespmem:v45+s26+$0x0], $0xffff  }
0xaa: {  	v51 =	vadd.s32 s3, v2;
	_ =	sdelay $0x2  }
0xab: {  	s3 =	ssub.s32 s4, s17  }
0xac: {  	s29 =	simm.s32 $0x3000;
	p0 =	slt.s32 s3, $0x7F;
	[tilespmem:v50+s7+$0x0] =	vst.idx.msk $0xffff, v49  }
0xad: {  	s3 =	simm.s32 @!p0 $0x7F;
	v6 =	vor.u32 v3, v48;
	v8 =	vld.idx.msk [tilespmem:v51+s29+$0x0], $0xffff  }
0xae: {  	v52 =	vadd.s32 s3, v0;
	_ =	sdelay $0x3  }
0xaf: {  	s30 =	simm.s32 $0x7000;
	[tilespmem:v6+s7+$0x0] =	vst.idx.msk $0xffff, v8  }
0xb0: {  	v8 =	vld.idx.msk [tilespmem:v52+s30+$0x0], $0xffff  }
0xb1: {  	v53 =	vadd.s32 s3, v2;
	_ =	sdelay $0x3  }
0xb2: {  	s4 =	simm.s32 $0x7000;
	[tilespmem:v50+s8+$0x0] =	vst.idx.msk $0xffff, v8  }
0xb3: {  	v8 =	vld.idx.msk [tilespmem:v53+s4+$0x0], $0xffff;
	_ =	sdelay $0x4  }
0xb4: {  	s10 =	simm.s32 $0xA800;
	[tilespmem:v6+s8+$0x0] =	vst.idx.msk $0xffff, v8  }
0xb5: {  	v6 =	vld.idx.msk [tilespmem:v45+s10+$0x0], $0xffff;
	_ =	sdelay $0x3  }
0xb6: {  	s0 =	simm.s32 $0x16000;
	s3 =	ssub.s32 s18, s21  }
0xb7: {  	p0 =	slt.s32 s3, $0x7F;
	s11 =	simm.s32 $0xC800;
	[tilespmem:v50+s0+$0x0] =	vst.idx.msk $0xffff, v6  }
0xb8: {  	s3 =	simm.s32 @!p0 $0x7F;
	v6 =	vld.idx.msk [tilespmem:v52+s11+$0x0], $0xffff  }
0xb9: {  	s17 =	sadd.s32 $0xFFFFFFF3, s12;
	v54 =	vadd.s32 s3, v0  }
0xba: {  	v55 =	vmov s17  }
0xbb: {  	v56 =	vshll.u32 v55, $0x3  }
0xbc: {  	s13 =	simm.s32 $0x18000;
	v10 =	vand.u32 $0xC00, v56;
	v8 =	vand.u32 $0x72, v55  }
0xbd: {  	s18 =	simm.s32 $0x4000;
	v57 =	vor.u32 v8, v10;
	[tilespmem:v50+s13+$0x0] =	vst.idx.msk $0xffff, v6  }
0xbe: {  	v59 =	vor.u32 v1, v57;
	v58 =	vld.idx.msk [tilespmem:v54+s18+$0x0], $0xffff  }
0xbf: {  	v60 =	vadd.s32 s3, v2;
	_ =	sdelay $0x2  }
0xc0: {  	s3 =	ssub.s32 s20, s24  }
0xc1: {  	s21 =	simm.s32 $0x4000;
	p0 =	slt.s32 s3, $0x7F;
	[tilespmem:v59+s7+$0x0] =	vst.idx.msk $0xffff, v58  }
0xc2: {  	s3 =	simm.s32 @!p0 $0x7F;
	v6 =	vor.u32 v3, v57;
	v8 =	vld.idx.msk [tilespmem:v60+s21+$0x0], $0xffff  }
0xc3: {  	v61 =	vadd.s32 s3, v0;
	_ =	sdelay $0x3  }
0xc4: {  	s22 =	simm.s32 $0x8000;
	[tilespmem:v6+s7+$0x0] =	vst.idx.msk $0xffff, v8  }
0xc5: {  	v8 =	vld.idx.msk [tilespmem:v61+s22+$0x0], $0xffff  }
0xc6: {  	v62 =	vadd.s32 s3, v2;
	_ =	sdelay $0x3  }
0xc7: {  	s24 =	simm.s32 $0x8000;
	[tilespmem:v59+s8+$0x0] =	vst.idx.msk $0xffff, v8  }
0xc8: {  	v8 =	vld.idx.msk [tilespmem:v62+s24+$0x0], $0xffff;
	_ =	sdelay $0x4  }
0xc9: {  	s25 =	simm.s32 $0xB000;
	[tilespmem:v6+s8+$0x0] =	vst.idx.msk $0xffff, v8  }
0xca: {  	v6 =	vld.idx.msk [tilespmem:v54+s25+$0x0], $0xffff;
	_ =	sdelay $0x3  }
0xcb: {  	s3 =	ssub.s32 s23, s28  }
0xcc: {  	p0 =	slt.s32 s3, $0x7F;
	s26 =	simm.s32 $0xD000;
	[tilespmem:v59+s0+$0x0] =	vst.idx.msk $0xffff, v6  }
0xcd: {  	s3 =	simm.s32 @!p0 $0x7F;
	v6 =	vld.idx.msk [tilespmem:v61+s26+$0x0], $0xffff  }
0xce: {  	v63 =	vadd.s32 s3, v0;
	s29 =	sadd.s32 $0xFFFFFFF4, s12  }
0xcf: {  	v14 =	vmov s29  }
0xd0: {  	v15 =	vshll.u32 v14, $0x3  }
0xd1: {  	v10 =	vand.u32 $0xC00, v15;
	v8 =	vand.u32 $0x73, v14  }
0xd2: {  	s30 =	simm.s32 $0x5000;
	v16 =	vor.u32 v8, v10;
	[tilespmem:v59+s13+$0x0] =	vst.idx.msk $0xffff, v6  }
0xd3: {  	v18 =	vor.u32 v1, v16;
	v17 =	vld.idx.msk [tilespmem:v63+s30+$0x0], $0xffff  }
0xd4: {  	v19 =	vadd.s32 s3, v2;
	_ =	sdelay $0x2  }
0xd5: {  	s3 =	ssub.s32 s14, s19  }
0xd6: {  	p0 =	slt.s32 s3, $0x7F;
	s10 =	simm.s32 $0x5000;
	[tilespmem:v18+s7+$0x0] =	vst.idx.msk $0xffff, v17  }
0xd7: {  	s3 =	simm.s32 @!p0 $0x7F;
	v6 =	vor.u32 v3, v16;
	v8 =	vld.idx.msk [tilespmem:v19+s10+$0x0], $0xffff  }
0xd8: {  	v20 =	vadd.s32 s3, v0  }
0xd9: {  	v21 =	vsel vm4, $0x0, v5  }
0xda: {  	v22 =	vsel vm4, $0x0, v4;
	(xrf0) =	vadd.scan.msk.s32 $0xffff, v21  }
0xdb: {  	(xrf0) =	vadd.scan.msk.s32 $0xffff, v22  }
0xdc: {  	s11 =	simm.s32 $0x9000;
	[tilespmem:v6+s7+$0x0] =	vst.idx.msk $0xffff, v8  }
0xdd: {  	v8 =	vld.idx.msk [tilespmem:v20+s11+$0x0], $0xffff  }
0xde: {  	v23 =	vadd.s32 s3, v2;
	_ =	sdelay $0x1  }
0xdf: {  	v12, _, _ =	vpop (xrf0)  }
0xe0: {  	(v2sf) =	vpush v12, $0xF;
	v24, _, _ =	vpop (xrf0)  }
0xe1: {  	(v2sf) =	vpush v24, $0xF;
	s14 =	simm.s32 $0x9000;
	[tilespmem:v18+s8+$0x0] =	vst.idx.msk $0xffff, v8  }
0xe2: {  	v25 =	vsel vm5, $0x0, v5;
	v8 =	vld.idx.msk [tilespmem:v23+s14+$0x0], $0xffff  }
0xe3: {  	(xrf0) =	vadd.scan.msk.s32 $0xffff, v25  }
0xe4: {  	v26 =	vsel vm5, $0x0, v4  }
0xe5: {  	(xrf0) =	vadd.scan.msk.s32 $0xffff, v26;
	_ =	sdelay $0x1  }
0xe6: {  	s17 =	simm.s32 $0xB800;
	[tilespmem:v6+s8+$0x0] =	vst.idx.msk $0xffff, v8  }
0xe7: {  	v6 =	vld.idx.msk [tilespmem:v63+s17+$0x0], $0xffff  }
0xe8: {  	v27, _, _ =	vpop (xrf0)  }
0xe9: {  	(v2sf) =	vpush v27, $0xF  }
0xea: {  	v28, _, _ =	vpop (xrf0)  }
0xeb: {  	(v2sf) =	vpush v28, $0xF  }
0xec: {  	s18 =	simm.s32 $0xD800;
	[tilespmem:v18+s0+$0x0] =	vst.idx.msk $0xffff, v6  }
0xed: {  	v6 =	vld.idx.msk [tilespmem:v20+s18+$0x0], $0xffff  }
0xee: {  	v29 =	vsel vm6, $0x0, v5;
	s26 =	spop (v2sf)  }
0xef: {  	v30 =	vsel vm6, $0x0, v4;
	(xrf0) =	vadd.scan.msk.s32 $0xffff, v29;
	s30 =	sand.u32 $0xFFFFFF80, s26;
	s17 =	spop (v2sf)  }
0xf0: {  	(xrf0) =	vadd.scan.msk.s32 $0xffff, v30;
	p0 =	slt.s32 s30, $0xF4180;
	s18 =	sand.u32 $0xFFFFFF80, s17  }
0xf1: {  	s30 =	simm.s32 @!p0 $0xF4180;
	p0 =	slt.s32 s18, $0xF4180  }
0xf2: {  	s20 =	simm.s32 $0x2000;
	s19 =	sadd.s32 s1, s30;
	s18 =	simm.s32 @!p0 $0xF4180;
	[tilespmem:v18+s13+$0x0] =	vst.idx.msk $0xffff, v6  }
0xf3: {  	[tilespmem:s20], [sflag:$0x1] =	stream.strided.gather [hbm4b:s19+s15], $0x1000, s16, s15, $0x38;
	[tilespmem:$0x1A000] =	vst v63  }
0xf4: {  	s22 =	simm.s32 $0x6000;
	s21 =	sadd.s32 s2, s18  }
0xf5: {  	v31, _, _ =	vpop (xrf0);
	[tilespmem:s22], [sflag:$0x1] =	stream.strided.gather [hbm4b:s21+s15], $0x1000, s16, s15, $0x38;
	[tilespmem:$0x1A000] =	vst v63  }
0xf6: {  	v32, _, _ =	vpop (xrf0);
	s24 =	simm.s32 $0xA000;
	(v2sf) =	vpush v31, $0xF;
	s23 =	sadd.s32 s5, s30  }
0xf7: {  	(v2sf) =	vpush v32, $0xF;
	[tilespmem:s24], [sflag:$0x1] =	stream.strided.gather [hbm4b:s23+s15], $0x800, s16, s15, $0x38;
	[tilespmem:$0x1A000] =	vst v63  }
0xf8: {  	s29 =	simm.s32 $0xC000;
	s25 =	sadd.s32 s9, s18;
	s22 =	spop (v2sf)  }
0xf9: {  	[tilespmem:s29], [sflag:$0x1] =	stream.strided.gather [hbm4b:s25+s15], $0x800, s16, s15, $0x38;
	[tilespmem:$0x1A000] =	vst v63  }
0xfa: {  	v33 =	vsel vm7, $0x0, v5;
	s4 =	spop (v2sf);
	s25 =	sand.u32 $0xFFFFFF80, s22  }
0xfb: {  	v34 =	vsel vm7, $0x0, v4;
	(xrf0) =	vadd.scan.msk.s32 $0xffff, v33;
	s3 =	sand.u32 $0xFFFFFF80, s4;
	p0 =	slt.s32 s25, $0xF4180  }
0xfc: {  	(xrf0) =	vadd.scan.msk.s32 $0xffff, v34;
	s25 =	simm.s32 @!p0 $0xF4180;
	p0 =	slt.s32 s3, $0xF4180  }
0xfd: {  	s11 =	simm.s32 $0x3000;
	s3 =	simm.s32 @!p0 $0xF4180;
	s10 =	sadd.s32 s1, s25  }
0xfe: {  	[tilespmem:s11], [sflag:$0x1] =	stream.strided.gather [hbm4b:s10+s15], $0x1000, s16, s15, $0x38;
	[tilespmem:$0x1A000] =	vst v63  }
0xff: {  	s20 =	simm.s32 $0x7000;
	s19 =	sadd.s32 s2, s3  }
0x100: {  	[tilespmem:s20], [sflag:$0x1] =	stream.strided.gather [hbm4b:s19+s15], $0x1000, s16, s15, $0x38;
	[tilespmem:$0x1A000] =	vst v63  }
0x101: {  	v35, _, _ =	vpop (xrf0);
	s23 =	simm.s32 $0xA800;
	s21 =	sadd.s32 s5, s25  }
0x102: {  	v36, _, _ =	vpop (xrf0);
	(v2sf) =	vpush v35, $0xF;
	[tilespmem:s23], [sflag:$0x1] =	stream.strided.gather [hbm4b:s21+s15], $0x800, s16, s15, $0x38;
	[tilespmem:$0x1A000] =	vst v63  }
0x103: {  	(v2sf) =	vpush v36, $0xF;
	s29 =	simm.s32 $0xC800;
	s24 =	sadd.s32 s9, s3  }
0x104: {  	[tilespmem:s29], [sflag:$0x1] =	stream.strided.gather [hbm4b:s24+s15], $0x800, s16, s15, $0x38;
	[tilespmem:$0x1A000] =	vst v63  }
0x105: {  	s29 =	spop (v2sf)  }
0x106: {  	s20 =	spop (v2sf);
	s21 =	sand.u32 $0xFFFFFF80, s29  }
0x107: {  	p0 =	slt.s32 s21, $0xF4180;
	s24 =	sand.u32 $0xFFFFFF80, s20  }
0x108: {  	s21 =	simm.s32 @!p0 $0xF4180;
	p0 =	slt.s32 s24, $0xF4180  }
0x109: {  	s11 =	simm.s32 $0x4000;
	s24 =	simm.s32 @!p0 $0xF4180;
	s10 =	sadd.s32 s1, s21  }
0x10a: {  	[tilespmem:s11], [sflag:$0x1] =	stream.strided.gather [hbm4b:s10+s15], $0x1000, s16, s15, $0x38;
	[tilespmem:$0x1A000] =	vst v63  }
0x10b: {  	s23 =	simm.s32 $0x8000;
	s19 =	sadd.s32 s2, s24  }
0x10c: {  	[tilespmem:s23], [sflag:$0x1] =	stream.strided.gather [hbm4b:s19+s15], $0x1000, s16, s15, $0x38;
	[tilespmem:$0x1A000] =	vst v63  }
0x10d: {  	s10 =	sadd.s32 s5, s21;
	s11 =	simm.s32 $0xB000  }
0x10e: {  	[tilespmem:s11], [sflag:$0x1] =	stream.strided.gather [hbm4b:s10+s15], $0x800, s16, s15, $0x38;
	[tilespmem:$0x1A000] =	vst v63  }
0x10f: {  	s19 =	sadd.s32 s9, s24;
	s23 =	simm.s32 $0xD000  }
0x110: {  	[tilespmem:s23], [sflag:$0x1] =	stream.strided.gather [hbm4b:s19+s15], $0x800, s16, s15, $0x38;
	[tilespmem:$0x1A000] =	vst v63  }
0x111: {  	s23 =	spop (v2sf)  }
0x112: {  	s14 =	spop (v2sf);
	s28 =	sand.u32 $0xFFFFFF80, s23  }
0x113: {  	p0 =	slt.s32 s28, $0xF4180;
	s19 =	sand.u32 $0xFFFFFF80, s14  }
0x114: {  	s28 =	simm.s32 @!p0 $0xF4180;
	p0 =	slt.s32 s19, $0xF4180  }
0x115: {  	s10 =	simm.s32 $0x5000;
	s19 =	simm.s32 @!p0 $0xF4180;
	s31 =	sadd.s32 s1, s28  }
0x116: {  	[tilespmem:s10], [sflag:$0x1] =	stream.strided.gather [hbm4b:s31+s15], $0x1000, s16, s15, $0x38;
	[tilespmem:$0x1A000] =	vst v63  }
0x117: {  	s31 =	sadd.s32 s2, s19;
	s10 =	simm.s32 $0x9000  }
0x118: {  	[tilespmem:s10], [sflag:$0x1] =	stream.strided.gather [hbm4b:s31+s15], $0x1000, s16, s15, $0x38;
	[tilespmem:$0x1A000] =	vst v63  }
0x119: {  	s31 =	sadd.s32 s5, s28;
	s10 =	simm.s32 $0xB800  }
0x11a: {  	[tilespmem:s10], [sflag:$0x1] =	stream.strided.gather [hbm4b:s31+s15], $0x800, s16, s15, $0x38;
	[tilespmem:$0x1A000] =	vst v63  }
0x11b: {  	s31 =	sadd.s32 s9, s19;
	s10 =	simm.s32 $0xD800  }
0x11c: {  	[tilespmem:s10], [sflag:$0x1] =	stream.strided.gather [hbm4b:s31+s15], $0x800, s16, s15, $0x38;
	[tilespmem:$0x1A000] =	vst v63  }
0x11d: {  	_ =	swait.ge [sflag:s6], $0x1000  }
0x11e: {  	[sflag:s6] =	ssyncset.done $0x0  }
0x11f: {  	[sflag:s6] =	ssyncadd.s32 $0xFFFFF000  }
0x120: {  	_ =	swait.ge [sflag:s6], $0x1000  }
0x121: {  	[sflag:s6] =	ssyncset.done $0x0  }
0x122: {  	[sflag:s6] =	ssyncadd.s32 $0xFFFFF000  }
0x123: {  	_ =	swait.ge [sflag:s6], $0x800  }
0x124: {  	[sflag:s6] =	ssyncset.done $0x0  }
0x125: {  	[sflag:s6] =	ssyncadd.s32 $0xFFFFF800  }
0x126: {  	_ =	swait.ge [sflag:s6], $0x800  }
0x127: {  	[sflag:s6] =	ssyncset.done $0x0  }
0x128: {  	[sflag:s6] =	ssyncadd.s32 $0xFFFFF800  }
0x129: {  	_ =	swait.ge [sflag:s6], $0x1000  }
0x12a: {  	[sflag:s6] =	ssyncset.done $0x0  }
0x12b: {  	[sflag:s6] =	ssyncadd.s32 $0xFFFFF000  }
0x12c: {  	_ =	swait.ge [sflag:s6], $0x1000  }
0x12d: {  	[sflag:s6] =	ssyncset.done $0x0  }
0x12e: {  	[sflag:s6] =	ssyncadd.s32 $0xFFFFF000  }
0x12f: {  	_ =	swait.ge [sflag:s6], $0x800  }
0x130: {  	[sflag:s6] =	ssyncset.done $0x0  }
0x131: {  	[sflag:s6] =	ssyncadd.s32 $0xFFFFF800  }
0x132: {  	_ =	swait.ge [sflag:s6], $0x800  }
0x133: {  	[sflag:s6] =	ssyncset.done $0x0  }
0x134: {  	[sflag:s6] =	ssyncadd.s32 $0xFFFFF800  }
0x135: {  	_ =	swait.ge [sflag:s6], $0x1000  }
0x136: {  	[sflag:s6] =	ssyncset.done $0x0  }
0x137: {  	[sflag:s6] =	ssyncadd.s32 $0xFFFFF000  }
0x138: {  	_ =	swait.ge [sflag:s6], $0x1000  }
0x139: {  	[sflag:s6] =	ssyncset.done $0x0  }
0x13a: {  	[sflag:s6] =	ssyncadd.s32 $0xFFFFF000  }
0x13b: {  	_ =	swait.ge [sflag:s6], $0x800  }
0x13c: {  	[sflag:s6] =	ssyncset.done $0x0  }
0x13d: {  	[sflag:s6] =	ssyncadd.s32 $0xFFFFF800  }
0x13e: {  	_ =	swait.ge [sflag:s6], $0x800  }
0x13f: {  	[sflag:s6] =	ssyncset.done $0x0  }
0x140: {  	[sflag:s6] =	ssyncadd.s32 $0xFFFFF800  }
0x141: {  	_ =	swait.ge [sflag:s6], $0x1000  }
0x142: {  	[sflag:s6] =	ssyncset.done $0x0  }
0x143: {  	[sflag:s6] =	ssyncadd.s32 $0xFFFFF000  }
0x144: {  	_ =	swait.ge [sflag:s6], $0x1000  }
0x145: {  	s26 =	ssub.s32 s26, s30;
	[sflag:s6] =	ssyncset.done $0x0  }
0x146: {  	p0 =	slt.s32 s26, $0x7F;
	[sflag:s6] =	ssyncadd.s32 $0xFFFFF000  }
0x147: {  	s26 =	simm.s32 @!p0 $0x7F;
	_ =	swait.ge [sflag:s6], $0x800  }
0x148: {  	s11 =	sadd.s32 $0xFFFFFFF5, s12;
	v37 =	vadd.s32 s26, v0;
	[sflag:s6] =	ssyncset.done $0x0  }
0x149: {  	v38 =	vmov s11;
	[sflag:s6] =	ssyncadd.s32 $0xFFFFF800  }
0x14a: {  	v39 =	vshll.u32 v38, $0x3;
	_ =	swait.ge [sflag:s6], $0x800  }
0x14b: {  	v7 =	vand.u32 $0x74, v38;
	v8 =	vand.u32 $0xC00, v39;
	[sflag:s6] =	ssyncset.done $0x0  }
0x14c: {  	s30 =	simm.s32 $0x2000;
	v7 =	vor.u32 v7, v8;
	[sflag:s6] =	ssyncadd.s32 $0xFFFFF800  }
0x14d: {  	v41 =	vor.u32 v1, v7;
	v40 =	vld.idx.msk [tilespmem:v37+s30+$0x0], $0xffff  }
0x14e: {  	v42 =	vadd.s32 s26, v2;
	_ =	sdelay $0x2  }
0x14f: {  	s17 =	ssub.s32 s17, s18  }
0x150: {  	p0 =	slt.s32 s17, $0x7F;
	s10 =	simm.s32 $0x2000;
	[tilespmem:v41+s7+$0x0] =	vst.idx.msk $0xffff, v40  }
0x151: {  	v7 =	vor.u32 v3, v7;
	s17 =	simm.s32 @!p0 $0x7F;
	v8 =	vld.idx.msk [tilespmem:v42+s10+$0x0], $0xffff  }
0x152: {  	v43 =	vadd.s32 s17, v0;
	_ =	sdelay $0x3  }
0x153: {  	s11 =	simm.s32 $0x6000;
	[tilespmem:v7+s7+$0x0] =	vst.idx.msk $0xffff, v8  }
0x154: {  	v8 =	vld.idx.msk [tilespmem:v43+s11+$0x0], $0xffff  }
0x155: {  	v44 =	vadd.s32 s17, v2;
	_ =	sdelay $0x3  }
0x156: {  	s17 =	simm.s32 $0x6000;
	[tilespmem:v41+s8+$0x0] =	vst.idx.msk $0xffff, v8  }
0x157: {  	v8 =	vld.idx.msk [tilespmem:v44+s17+$0x0], $0xffff;
	_ =	sdelay $0x4  }
0x158: {  	s18 =	simm.s32 $0xA000;
	[tilespmem:v7+s8+$0x0] =	vst.idx.msk $0xffff, v8  }
0x159: {  	v6 =	vld.idx.msk [tilespmem:v37+s18+$0x0], $0xffff;
	_ =	sdelay $0x3  }
0x15a: {  	s17 =	ssub.s32 s22, s25  }
0x15b: {  	s26 =	simm.s32 $0xC000;
	p0 =	slt.s32 s17, $0x7F;
	[tilespmem:v41+s0+$0x0] =	vst.idx.msk $0xffff, v6  }
0x15c: {  	s17 =	simm.s32 @!p0 $0x7F;
	v6 =	vld.idx.msk [tilespmem:v43+s26+$0x0], $0xffff  }
0x15d: {  	s30 =	sadd.s32 $0xFFFFFFF6, s12;
	v45 =	vadd.s32 s17, v0  }
0x15e: {  	v46 =	vmov s30  }
0x15f: {  	v47 =	vshll.u32 v46, $0x3  }
0x160: {  	v10 =	vand.u32 $0xC00, v47;
	v8 =	vand.u32 $0x75, v46  }
0x161: {  	s10 =	simm.s32 $0x3000;
	v48 =	vor.u32 v8, v10;
	[tilespmem:v41+s13+$0x0] =	vst.idx.msk $0xffff, v6  }
0x162: {  	v50 =	vor.u32 v1, v48;
	v49 =	vld.idx.msk [tilespmem:v45+s10+$0x0], $0xffff  }
0x163: {  	v51 =	vadd.s32 s17, v2;
	_ =	sdelay $0x2  }
0x164: {  	s3 =	ssub.s32 s4, s3  }
0x165: {  	s11 =	simm.s32 $0x3000;
	p0 =	slt.s32 s3, $0x7F;
	[tilespmem:v50+s7+$0x0] =	vst.idx.msk $0xffff, v49  }
0x166: {  	s3 =	simm.s32 @!p0 $0x7F;
	v6 =	vor.u32 v3, v48;
	v8 =	vld.idx.msk [tilespmem:v51+s11+$0x0], $0xffff  }
0x167: {  	v52 =	vadd.s32 s3, v0;
	_ =	sdelay $0x3  }
0x168: {  	s17 =	simm.s32 $0x7000;
	[tilespmem:v6+s7+$0x0] =	vst.idx.msk $0xffff, v8  }
0x169: {  	v8 =	vld.idx.msk [tilespmem:v52+s17+$0x0], $0xffff  }
0x16a: {  	v53 =	vadd.s32 s3, v2;
	_ =	sdelay $0x3  }
0x16b: {  	s18 =	simm.s32 $0x7000;
	[tilespmem:v50+s8+$0x0] =	vst.idx.msk $0xffff, v8  }
0x16c: {  	v8 =	vld.idx.msk [tilespmem:v53+s18+$0x0], $0xffff;
	_ =	sdelay $0x4  }
0x16d: {  	s22 =	simm.s32 $0xA800;
	[tilespmem:v6+s8+$0x0] =	vst.idx.msk $0xffff, v8  }
0x16e: {  	v6 =	vld.idx.msk [tilespmem:v45+s22+$0x0], $0xffff;
	_ =	sdelay $0x3  }
0x16f: {  	s3 =	ssub.s32 s29, s21  }
0x170: {  	s25 =	simm.s32 $0xC800;
	p0 =	slt.s32 s3, $0x7F;
	[tilespmem:v50+s0+$0x0] =	vst.idx.msk $0xffff, v6  }
0x171: {  	s3 =	simm.s32 @!p0 $0x7F;
	v6 =	vld.idx.msk [tilespmem:v52+s25+$0x0], $0xffff  }
0x172: {  	v54 =	vadd.s32 s3, v0;
	s26 =	sadd.s32 $0xFFFFFFF7, s12  }
0x173: {  	v55 =	vmov s26  }
0x174: {  	v56 =	vshll.u32 v55, $0x3  }
0x175: {  	v10 =	vand.u32 $0xC00, v56;
	v8 =	vand.u32 $0x76, v55  }
0x176: {  	s29 =	simm.s32 $0x4000;
	v57 =	vor.u32 v8, v10;
	[tilespmem:v50+s13+$0x0] =	vst.idx.msk $0xffff, v6  }
0x177: {  	v59 =	vor.u32 v1, v57;
	v58 =	vld.idx.msk [tilespmem:v54+s29+$0x0], $0xffff  }
0x178: {  	v60 =	vadd.s32 s3, v2;
	_ =	sdelay $0x2  }
0x179: {  	s3 =	ssub.s32 s20, s24  }
0x17a: {  	s30 =	simm.s32 $0x4000;
	p0 =	slt.s32 s3, $0x7F;
	[tilespmem:v59+s7+$0x0] =	vst.idx.msk $0xffff, v58  }
0x17b: {  	s3 =	simm.s32 @!p0 $0x7F;
	v6 =	vor.u32 v3, v57;
	v8 =	vld.idx.msk [tilespmem:v60+s30+$0x0], $0xffff  }
0x17c: {  	v61 =	vadd.s32 s3, v0;
	_ =	sdelay $0x3  }
0x17d: {  	s10 =	simm.s32 $0x8000;
	[tilespmem:v6+s7+$0x0] =	vst.idx.msk $0xffff, v8  }
0x17e: {  	v8 =	vld.idx.msk [tilespmem:v61+s10+$0x0], $0xffff  }
0x17f: {  	v62 =	vadd.s32 s3, v2;
	_ =	sdelay $0x3  }
0x180: {  	s11 =	simm.s32 $0x8000;
	[tilespmem:v59+s8+$0x0] =	vst.idx.msk $0xffff, v8  }
0x181: {  	v8 =	vld.idx.msk [tilespmem:v62+s11+$0x0], $0xffff;
	_ =	sdelay $0x4  }
0x182: {  	s17 =	simm.s32 $0xB000;
	[tilespmem:v6+s8+$0x0] =	vst.idx.msk $0xffff, v8  }
0x183: {  	v6 =	vld.idx.msk [tilespmem:v54+s17+$0x0], $0xffff;
	_ =	sdelay $0x3  }
0x184: {  	s3 =	ssub.s32 s23, s28  }
0x185: {  	p0 =	slt.s32 s3, $0x7F;
	s18 =	simm.s32 $0xD000;
	[tilespmem:v59+s0+$0x0] =	vst.idx.msk $0xffff, v6  }
0x186: {  	s3 =	simm.s32 @!p0 $0x7F;
	v6 =	vld.idx.msk [tilespmem:v61+s18+$0x0], $0xffff  }
0x187: {  	s20 =	sadd.s32 $0xFFFFFFF8, s12;
	v63 =	vadd.s32 s3, v0  }
0x188: {  	v13 =	vmov s20  }
0x189: {  	v14 =	vshll.u32 v13, $0x3  }
0x18a: {  	v10 =	vand.u32 $0xC00, v14;
	v8 =	vand.u32 $0x77, v13  }
0x18b: {  	s21 =	simm.s32 $0x5000;
	v15 =	vor.u32 v8, v10;
	[tilespmem:v59+s13+$0x0] =	vst.idx.msk $0xffff, v6  }
0x18c: {  	v17 =	vor.u32 v1, v15;
	v16 =	vld.idx.msk [tilespmem:v63+s21+$0x0], $0xffff  }
0x18d: {  	v18 =	vadd.s32 s3, v2;
	_ =	sdelay $0x2  }
0x18e: {  	s3 =	ssub.s32 s14, s19  }
0x18f: {  	p0 =	slt.s32 s3, $0x7F;
	s22 =	simm.s32 $0x5000;
	[tilespmem:v17+s7+$0x0] =	vst.idx.msk $0xffff, v16  }
0x190: {  	v20 =	vsel vm8, $0x0, v5;
	s3 =	simm.s32 @!p0 $0x7F;
	v6 =	vor.u32 v3, v15;
	v8 =	vld.idx.msk [tilespmem:v18+s22+$0x0], $0xffff  }
0x191: {  	(xrf0) =	vadd.scan.msk.s32 $0xffff, v20;
	v19 =	vadd.s32 s3, v0  }
0x192: {  	v21 =	vsel vm8, $0x0, v4  }
0x193: {  	(xrf0) =	vadd.scan.msk.s32 $0xffff, v21;
	_ =	sdelay $0x1  }
0x194: {  	s23 =	simm.s32 $0x9000;
	[tilespmem:v6+s7+$0x0] =	vst.idx.msk $0xffff, v8  }
0x195: {  	v25 =	vsel vm9, $0x0, v5;
	v8 =	vld.idx.msk [tilespmem:v19+s23+$0x0], $0xffff  }
0x196: {  	v23, _, _ =	vpop (xrf0);
	(xrf0) =	vadd.scan.msk.s32 $0xffff, v25;
	v22 =	vadd.s32 s3, v2  }
0x197: {  	v26 =	vsel vm9, $0x0, v4  }
0x198: {  	v24, _, _ =	vpop (xrf0);
	(xrf0) =	vadd.scan.msk.s32 $0xffff, v26  }
0x199: {  	(v2sf) =	vpush v23, $0xF  }
0x19a: {  	(v2sf) =	vpush v24, $0xF;
	s24 =	simm.s32 $0x9000;
	[tilespmem:v17+s8+$0x0] =	vst.idx.msk $0xffff, v8  }
0x19b: {  	v8 =	vld.idx.msk [tilespmem:v22+s24+$0x0], $0xffff  }
0x19c: {  	v27, _, _ =	vpop (xrf0)  }
0x19d: {  	(v2sf) =	vpush v27, $0xF  }
0x19e: {  	v28, _, _ =	vpop (xrf0)  }
0x19f: {  	(v2sf) =	vpush v28, $0xF  }
0x1a0: {  	s25 =	simm.s32 $0xB800;
	[tilespmem:v6+s8+$0x0] =	vst.idx.msk $0xffff, v8  }
0x1a1: {  	v29 =	vsel vm10, $0x0, v5;
	v6 =	vld.idx.msk [tilespmem:v63+s25+$0x0], $0xffff  }
0x1a2: {  	v30 =	vsel vm10, $0x0, v4;
	(xrf0) =	vadd.scan.msk.s32 $0xffff, v29  }
0x1a3: {  	(xrf0) =	vadd.scan.msk.s32 $0xffff, v30;
	_ =	sdelay $0x2  }
0x1a4: {  	s26 =	simm.s32 $0xD800;
	[tilespmem:v17+s0+$0x0] =	vst.idx.msk $0xffff, v6  }
0x1a5: {  	v6 =	vld.idx.msk [tilespmem:v19+s26+$0x0], $0xffff  }
0x1a6: {  	v31, _, _ =	vpop (xrf0);
	s20 =	simm.s32 $0xC000;
	s26 =	spop (v2sf)  }
0x1a7: {  	v32, _, _ =	vpop (xrf0);
	s14 =	simm.s32 $0xA000;
	(v2sf) =	vpush v31, $0xF;
	s17 =	spop (v2sf);
	s30 =	sand.u32 $0xFFFFFF80, s26  }
0x1a8: {  	s11 =	simm.s32 $0x6000;
	(v2sf) =	vpush v32, $0xF;
	p0 =	slt.s32 s30, $0xF4180;
	s18 =	sand.u32 $0xFFFFFF80, s17  }
0x1a9: {  	s0 =	simm.s32 $0x2000;
	s30 =	simm.s32 @!p0 $0xF4180;
	p0 =	slt.s32 s18, $0xF4180  }
0x1aa: {  	s22 =	spop (v2sf);
	s18 =	simm.s32 @!p0 $0xF4180;
	s29 =	sadd.s32 s1, s30;
	[tilespmem:v17+s13+$0x0] =	vst.idx.msk $0xffff, v6  }
0x1ab: {  	v33 =	vsel vm11, $0x0, v5;
	[tilespmem:s0], [sflag:$0x1] =	stream.strided.gather [hbm4b:s29+s15], $0x1000, s16, s15, $0x38;
	[tilespmem:$0x1A000] =	vst v63  }
0x1ac: {  	(xrf0) =	vadd.scan.msk.s32 $0xffff, v33;
	s4 =	spop (v2sf);
	s25 =	sand.u32 $0xFFFFFF80, s22;
	s10 =	sadd.s32 s2, s18  }
0x1ad: {  	v34 =	vsel vm11, $0x0, v4;
	[tilespmem:s11], [sflag:$0x1] =	stream.strided.gather [hbm4b:s10+s15], $0x1000, s16, s15, $0x38;
	[tilespmem:$0x1A000] =	vst v63  }
0x1ae: {  	(xrf0) =	vadd.scan.msk.s32 $0xffff, v34;
	p0 =	slt.s32 s25, $0xF4180;
	s3 =	sand.u32 $0xFFFFFF80, s4;
	s13 =	sadd.s32 s5, s30  }
0x1af: {  	[tilespmem:s14], [sflag:$0x1] =	stream.strided.gather [hbm4b:s13+s15], $0x800, s16, s15, $0x38;
	[tilespmem:$0x1A000] =	vst v63  }
0x1b0: {  	s19 =	sadd.s32 s9, s18;
	s25 =	simm.s32 @!p0 $0xF4180;
	p0 =	slt.s32 s3, $0xF4180  }
0x1b1: {  	[tilespmem:s20], [sflag:$0x1] =	stream.strided.gather [hbm4b:s19+s15], $0x800, s16, s15, $0x38;
	[tilespmem:$0x1A000] =	vst v63  }
0x1b2: {  	s23 =	simm.s32 $0x3000;
	s3 =	simm.s32 @!p0 $0xF4180;
	s21 =	sadd.s32 s1, s25  }
0x1b3: {  	[tilespmem:s23], [sflag:$0x1] =	stream.strided.gather [hbm4b:s21+s15], $0x1000, s16, s15, $0x38;
	[tilespmem:$0x1A000] =	vst v63  }
0x1b4: {  	v35, _, _ =	vpop (xrf0);
	s29 =	simm.s32 $0x7000;
	s24 =	sadd.s32 s2, s3  }
0x1b5: {  	v36, _, _ =	vpop (xrf0);
	(v2sf) =	vpush v35, $0xF;
	[tilespmem:s29], [sflag:$0x1] =	stream.strided.gather [hbm4b:s24+s15], $0x1000, s16, s15, $0x38;
	[tilespmem:$0x1A000] =	vst v63  }
0x1b6: {  	(v2sf) =	vpush v36, $0xF;
	s0 =	sadd.s32 s5, s25;
	s29 =	spop (v2sf)  }
0x1b7: {  	s10 =	simm.s32 $0xA800;
	s20 =	spop (v2sf);
	s21 =	sand.u32 $0xFFFFFF80, s29  }
0x1b8: {  	[tilespmem:s10], [sflag:$0x1] =	stream.strided.gather [hbm4b:s0+s15], $0x800, s16, s15, $0x38;
	[tilespmem:$0x1A000] =	vst v63  }
0x1b9: {  	s11 =	sadd.s32 s9, s3;
	p0 =	slt.s32 s21, $0xF4180;
	s24 =	sand.u32 $0xFFFFFF80, s20  }
0x1ba: {  	s13 =	simm.s32 $0xC800;
	s21 =	simm.s32 @!p0 $0xF4180;
	p0 =	slt.s32 s24, $0xF4180  }
0x1bb: {  	[tilespmem:s13], [sflag:$0x1] =	stream.strided.gather [hbm4b:s11+s15], $0x800, s16, s15, $0x38;
	[tilespmem:$0x1A000] =	vst v63  }
0x1bc: {  	s23 =	simm.s32 $0x4000;
	s24 =	simm.s32 @!p0 $0xF4180;
	s19 =	sadd.s32 s1, s21  }
0x1bd: {  	[tilespmem:s23], [sflag:$0x1] =	stream.strided.gather [hbm4b:s19+s15], $0x1000, s16, s15, $0x38;
	[tilespmem:$0x1A000] =	vst v63  }
0x1be: {  	s10 =	simm.s32 $0x8000;
	s0 =	sadd.s32 s2, s24  }
0x1bf: {  	[tilespmem:s10], [sflag:$0x1] =	stream.strided.gather [hbm4b:s0+s15], $0x1000, s16, s15, $0x38;
	[tilespmem:$0x1A000] =	vst v63  }
0x1c0: {  	s11 =	sadd.s32 s5, s21;
	s13 =	simm.s32 $0xB000  }
0x1c1: {  	[tilespmem:s13], [sflag:$0x1] =	stream.strided.gather [hbm4b:s11+s15], $0x800, s16, s15, $0x38;
	[tilespmem:$0x1A000] =	vst v63  }
0x1c2: {  	s23 =	sadd.s32 s9, s24;
	s0 =	simm.s32 $0xD000  }
0x1c3: {  	[tilespmem:s0], [sflag:$0x1] =	stream.strided.gather [hbm4b:s23+s15], $0x800, s16, s15, $0x38;
	[tilespmem:$0x1A000] =	vst v63  }
0x1c4: {  	s23 =	spop (v2sf)  }
0x1c5: {  	s14 =	spop (v2sf);
	s28 =	sand.u32 $0xFFFFFF80, s23  }
0x1c6: {  	p0 =	slt.s32 s28, $0xF4180;
	s19 =	sand.u32 $0xFFFFFF80, s14  }
0x1c7: {  	s28 =	simm.s32 @!p0 $0xF4180;
	p0 =	slt.s32 s19, $0xF4180  }
0x1c8: {  	s10 =	simm.s32 $0x5000;
	s19 =	simm.s32 @!p0 $0xF4180;
	s31 =	sadd.s32 s1, s28  }
0x1c9: {  	[tilespmem:s10], [sflag:$0x1] =	stream.strided.gather [hbm4b:s31+s15], $0x1000, s16, s15, $0x38;
	[tilespmem:$0x1A000] =	vst v63  }
0x1ca: {  	s13 =	simm.s32 $0x9000;
	s31 =	sadd.s32 s2, s19  }
0x1cb: {  	[tilespmem:s13], [sflag:$0x1] =	stream.strided.gather [hbm4b:s31+s15], $0x1000, s16, s15, $0x38;
	[tilespmem:$0x1A000] =	vst v63  }
0x1cc: {  	s0 =	simm.s32 $0xB800;
	s31 =	sadd.s32 s5, s28  }
0x1cd: {  	[tilespmem:s0], [sflag:$0x1] =	stream.strided.gather [hbm4b:s31+s15], $0x800, s16, s15, $0x38;
	[tilespmem:$0x1A000] =	vst v63  }
0x1ce: {  	s10 =	simm.s32 $0xD800;
	s31 =	sadd.s32 s9, s19  }
0x1cf: {  	[tilespmem:s10], [sflag:$0x1] =	stream.strided.gather [hbm4b:s31+s15], $0x800, s16, s15, $0x38;
	[tilespmem:$0x1A000] =	vst v63  }
0x1d0: {  	_ =	swait.ge [sflag:s6], $0x1000  }
0x1d1: {  	[sflag:s6] =	ssyncset.done $0x0  }
0x1d2: {  	[sflag:s6] =	ssyncadd.s32 $0xFFFFF000  }
0x1d3: {  	_ =	swait.ge [sflag:s6], $0x1000  }
0x1d4: {  	[sflag:s6] =	ssyncset.done $0x0  }
0x1d5: {  	[sflag:s6] =	ssyncadd.s32 $0xFFFFF000  }
0x1d6: {  	_ =	swait.ge [sflag:s6], $0x800  }
0x1d7: {  	[sflag:s6] =	ssyncset.done $0x0  }
0x1d8: {  	[sflag:s6] =	ssyncadd.s32 $0xFFFFF800  }
0x1d9: {  	_ =	swait.ge [sflag:s6], $0x800  }
0x1da: {  	[sflag:s6] =	ssyncset.done $0x0  }
0x1db: {  	[sflag:s6] =	ssyncadd.s32 $0xFFFFF800  }
0x1dc: {  	_ =	swait.ge [sflag:s6], $0x1000  }
0x1dd: {  	[sflag:s6] =	ssyncset.done $0x0  }
0x1de: {  	[sflag:s6] =	ssyncadd.s32 $0xFFFFF000  }
0x1df: {  	_ =	swait.ge [sflag:s6], $0x1000  }
0x1e0: {  	[sflag:s6] =	ssyncset.done $0x0  }
0x1e1: {  	[sflag:s6] =	ssyncadd.s32 $0xFFFFF000  }
0x1e2: {  	_ =	swait.ge [sflag:s6], $0x800  }
0x1e3: {  	[sflag:s6] =	ssyncset.done $0x0  }
0x1e4: {  	[sflag:s6] =	ssyncadd.s32 $0xFFFFF800  }
0x1e5: {  	_ =	swait.ge [sflag:s6], $0x800  }
0x1e6: {  	[sflag:s6] =	ssyncset.done $0x0  }
0x1e7: {  	[sflag:s6] =	ssyncadd.s32 $0xFFFFF800  }
0x1e8: {  	_ =	swait.ge [sflag:s6], $0x1000  }
0x1e9: {  	[sflag:s6] =	ssyncset.done $0x0  }
0x1ea: {  	[sflag:s6] =	ssyncadd.s32 $0xFFFFF000  }
0x1eb: {  	_ =	swait.ge [sflag:s6], $0x1000  }
0x1ec: {  	[sflag:s6] =	ssyncset.done $0x0  }
0x1ed: {  	[sflag:s6] =	ssyncadd.s32 $0xFFFFF000  }
0x1ee: {  	_ =	swait.ge [sflag:s6], $0x800  }
0x1ef: {  	[sflag:s6] =	ssyncset.done $0x0  }
0x1f0: {  	[sflag:s6] =	ssyncadd.s32 $0xFFFFF800  }
0x1f1: {  	_ =	swait.ge [sflag:s6], $0x800  }
0x1f2: {  	[sflag:s6] =	ssyncset.done $0x0  }
0x1f3: {  	[sflag:s6] =	ssyncadd.s32 $0xFFFFF800  }
0x1f4: {  	_ =	swait.ge [sflag:s6], $0x1000  }
0x1f5: {  	[sflag:s6] =	ssyncset.done $0x0  }
0x1f6: {  	[sflag:s6] =	ssyncadd.s32 $0xFFFFF000  }
0x1f7: {  	_ =	swait.ge [sflag:s6], $0x1000  }
0x1f8: {  	s26 =	ssub.s32 s26, s30;
	[sflag:s6] =	ssyncset.done $0x0  }
0x1f9: {  	p0 =	slt.s32 s26, $0x7F;
	[sflag:s6] =	ssyncadd.s32 $0xFFFFF000  }
0x1fa: {  	s26 =	simm.s32 @!p0 $0x7F;
	_ =	swait.ge [sflag:s6], $0x800  }
0x1fb: {  	v37 =	vadd.s32 s26, v0;
	s13 =	sadd.s32 $0xFFFFFFF9, s12;
	[sflag:s6] =	ssyncset.done $0x0  }
0x1fc: {  	v38 =	vmov s13;
	[sflag:s6] =	ssyncadd.s32 $0xFFFFF800  }
0x1fd: {  	v39 =	vshll.u32 v38, $0x3;
	_ =	swait.ge [sflag:s6], $0x800  }
0x1fe: {  	v7 =	vand.u32 $0x78, v38;
	v8 =	vand.u32 $0xC00, v39;
	[sflag:s6] =	ssyncset.done $0x0  }
0x1ff: {  	s0 =	simm.s32 $0x2000;
	v7 =	vor.u32 v7, v8;
	[sflag:s6] =	ssyncadd.s32 $0xFFFFF800  }
0x200: {  	v41 =	vor.u32 v1, v7;
	v40 =	vld.idx.msk [tilespmem:v37+s0+$0x0], $0xffff  }
0x201: {  	v42 =	vadd.s32 s26, v2;
	_ =	sdelay $0x2  }
0x202: {  	s17 =	ssub.s32 s17, s18  }
0x203: {  	p0 =	slt.s32 s17, $0x7F;
	s10 =	simm.s32 $0x2000;
	[tilespmem:v41+s7+$0x0] =	vst.idx.msk $0xffff, v40  }
0x204: {  	s17 =	simm.s32 @!p0 $0x7F;
	v7 =	vor.u32 v3, v7;
	v8 =	vld.idx.msk [tilespmem:v42+s10+$0x0], $0xffff  }
0x205: {  	v43 =	vadd.s32 s17, v0;
	_ =	sdelay $0x3  }
0x206: {  	s13 =	simm.s32 $0x6000;
	[tilespmem:v7+s7+$0x0] =	vst.idx.msk $0xffff, v8  }
0x207: {  	v8 =	vld.idx.msk [tilespmem:v43+s13+$0x0], $0xffff  }
0x208: {  	v44 =	vadd.s32 s17, v2;
	_ =	sdelay $0x3  }
0x209: {  	s18 =	simm.s32 $0x6000;
	[tilespmem:v41+s8+$0x0] =	vst.idx.msk $0xffff, v8  }
0x20a: {  	v8 =	vld.idx.msk [tilespmem:v44+s18+$0x0], $0xffff;
	_ =	sdelay $0x4  }
0x20b: {  	s13 =	simm.s32 $0xA000;
	[tilespmem:v7+s8+$0x0] =	vst.idx.msk $0xffff, v8  }
0x20c: {  	v6 =	vld.idx.msk [tilespmem:v37+s13+$0x0], $0xffff;
	_ =	sdelay $0x3  }
0x20d: {  	s17 =	ssub.s32 s22, s25;
	s10 =	simm.s32 $0x16000  }
0x20e: {  	s26 =	simm.s32 $0xC000;
	p0 =	slt.s32 s17, $0x7F;
	[tilespmem:v41+s10+$0x0] =	vst.idx.msk $0xffff, v6  }
0x20f: {  	s17 =	simm.s32 @!p0 $0x7F;
	v6 =	vld.idx.msk [tilespmem:v43+s26+$0x0], $0xffff  }
0x210: {  	s30 =	sadd.s32 $0xFFFFFFFA, s12;
	v45 =	vadd.s32 s17, v0  }
0x211: {  	v46 =	vmov s30  }
0x212: {  	v47 =	vshll.u32 v46, $0x3  }
0x213: {  	v10 =	vand.u32 $0xC00, v47;
	s11 =	simm.s32 $0x18000;
	v8 =	vand.u32 $0x79, v46  }
0x214: {  	s0 =	simm.s32 $0x3000;
	v48 =	vor.u32 v8, v10;
	[tilespmem:v41+s11+$0x0] =	vst.idx.msk $0xffff, v6  }
0x215: {  	v50 =	vor.u32 v1, v48;
	v49 =	vld.idx.msk [tilespmem:v45+s0+$0x0], $0xffff  }
0x216: {  	v51 =	vadd.s32 s17, v2;
	_ =	sdelay $0x2  }
0x217: {  	s3 =	ssub.s32 s4, s3  }
0x218: {  	p0 =	slt.s32 s3, $0x7F;
	s18 =	simm.s32 $0x3000;
	[tilespmem:v50+s7+$0x0] =	vst.idx.msk $0xffff, v49  }
0x219: {  	s3 =	simm.s32 @!p0 $0x7F;
	v6 =	vor.u32 v3, v48;
	v8 =	vld.idx.msk [tilespmem:v51+s18+$0x0], $0xffff  }
0x21a: {  	v52 =	vadd.s32 s3, v0;
	_ =	sdelay $0x3  }
0x21b: {  	s22 =	simm.s32 $0x7000;
	[tilespmem:v6+s7+$0x0] =	vst.idx.msk $0xffff, v8  }
0x21c: {  	v8 =	vld.idx.msk [tilespmem:v52+s22+$0x0], $0xffff  }
0x21d: {  	v53 =	vadd.s32 s3, v2;
	_ =	sdelay $0x3  }
0x21e: {  	s25 =	simm.s32 $0x7000;
	[tilespmem:v50+s8+$0x0] =	vst.idx.msk $0xffff, v8  }
0x21f: {  	v8 =	vld.idx.msk [tilespmem:v53+s25+$0x0], $0xffff;
	_ =	sdelay $0x4  }
0x220: {  	s26 =	simm.s32 $0xA800;
	[tilespmem:v6+s8+$0x0] =	vst.idx.msk $0xffff, v8  }
0x221: {  	v6 =	vld.idx.msk [tilespmem:v45+s26+$0x0], $0xffff;
	_ =	sdelay $0x3  }
0x222: {  	s3 =	ssub.s32 s29, s21  }
0x223: {  	s30 =	simm.s32 $0xC800;
	p0 =	slt.s32 s3, $0x7F;
	[tilespmem:v50+s10+$0x0] =	vst.idx.msk $0xffff, v6  }
0x224: {  	s3 =	simm.s32 @!p0 $0x7F;
	v6 =	vld.idx.msk [tilespmem:v52+s30+$0x0], $0xffff  }
0x225: {  	v54 =	vadd.s32 s3, v0;
	s10 =	sadd.s32 $0xFFFFFFFB, s12  }
0x226: {  	v55 =	vmov s10  }
0x227: {  	v56 =	vshll.u32 v55, $0x3  }
0x228: {  	v8 =	vand.u32 $0x7A, v55;
	v10 =	vand.u32 $0xC00, v56  }
0x229: {  	s17 =	simm.s32 $0x4000;
	v57 =	vor.u32 v8, v10;
	[tilespmem:v50+s11+$0x0] =	vst.idx.msk $0xffff, v6  }
0x22a: {  	v59 =	vor.u32 v1, v57;
	v58 =	vld.idx.msk [tilespmem:v54+s17+$0x0], $0xffff  }
0x22b: {  	v60 =	vadd.s32 s3, v2;
	_ =	sdelay $0x2  }
0x22c: {  	s3 =	ssub.s32 s20, s24  }
0x22d: {  	p0 =	slt.s32 s3, $0x7F;
	s18 =	simm.s32 $0x4000;
	[tilespmem:v59+s7+$0x0] =	vst.idx.msk $0xffff, v58  }
0x22e: {  	s3 =	simm.s32 @!p0 $0x7F;
	v6 =	vor.u32 v3, v57;
	v8 =	vld.idx.msk [tilespmem:v60+s18+$0x0], $0xffff  }
0x22f: {  	v61 =	vadd.s32 s3, v0;
	_ =	sdelay $0x3  }
0x230: {  	s20 =	simm.s32 $0x8000;
	[tilespmem:v6+s7+$0x0] =	vst.idx.msk $0xffff, v8  }
0x231: {  	v8 =	vld.idx.msk [tilespmem:v61+s20+$0x0], $0xffff  }
0x232: {  	v62 =	vadd.s32 s3, v2;
	_ =	sdelay $0x3  }
0x233: {  	s21 =	simm.s32 $0x8000;
	[tilespmem:v59+s8+$0x0] =	vst.idx.msk $0xffff, v8  }
0x234: {  	v8 =	vld.idx.msk [tilespmem:v62+s21+$0x0], $0xffff;
	_ =	sdelay $0x4  }
0x235: {  	s22 =	simm.s32 $0xB000;
	[tilespmem:v6+s8+$0x0] =	vst.idx.msk $0xffff, v8  }
0x236: {  	v6 =	vld.idx.msk [tilespmem:v54+s22+$0x0], $0xffff;
	_ =	sdelay $0x3  }
0x237: {  	s3 =	ssub.s32 s23, s28;
	s0 =	simm.s32 $0x16000  }
0x238: {  	s24 =	simm.s32 $0xD000;
	p0 =	slt.s32 s3, $0x7F;
	[tilespmem:v59+s0+$0x0] =	vst.idx.msk $0xffff, v6  }
0x239: {  	s3 =	simm.s32 @!p0 $0x7F;
	v6 =	vld.idx.msk [tilespmem:v61+s24+$0x0], $0xffff  }
0x23a: {  	v63 =	vadd.s32 s3, v0;
	s25 =	sadd.s32 $0xFFFFFFFC, s12  }
0x23b: {  	v16 =	vmov s25  }
0x23c: {  	v17 =	vshll.u32 v16, $0x3  }
0x23d: {  	s10 =	simm.s32 $0x18000;
	v10 =	vand.u32 $0xC00, v17;
	v8 =	vand.u32 $0x7B, v16  }
0x23e: {  	s26 =	simm.s32 $0x5000;
	v18 =	vor.u32 v8, v10;
	[tilespmem:v59+s10+$0x0] =	vst.idx.msk $0xffff, v6  }
0x23f: {  	v20 =	vor.u32 v1, v18;
	v19 =	vld.idx.msk [tilespmem:v63+s26+$0x0], $0xffff  }
0x240: {  	v21 =	vadd.s32 s3, v2;
	_ =	sdelay $0x2  }
0x241: {  	s3 =	ssub.s32 s14, s19  }
0x242: {  	s29 =	simm.s32 $0x5000;
	p0 =	slt.s32 s3, $0x7F;
	[tilespmem:v20+s7+$0x0] =	vst.idx.msk $0xffff, v19  }
0x243: {  	s3 =	simm.s32 @!p0 $0x7F;
	v6 =	vor.u32 v3, v18;
	v8 =	vld.idx.msk [tilespmem:v21+s29+$0x0], $0xffff  }
0x244: {  	v22 =	vadd.s32 s3, v0  }
0x245: {  	v23 =	vsel vm12, $0x0, v5  }
0x246: {  	v24 =	vsel vm12, $0x0, v4;
	(xrf0) =	vadd.scan.msk.s32 $0xffff, v23  }
0x247: {  	(xrf0) =	vadd.scan.msk.s32 $0xffff, v24  }
0x248: {  	s30 =	simm.s32 $0x9000;
	[tilespmem:v6+s7+$0x0] =	vst.idx.msk $0xffff, v8  }
0x249: {  	v8 =	vld.idx.msk [tilespmem:v22+s30+$0x0], $0xffff  }
0x24a: {  	v25 =	vadd.s32 s3, v2;
	_ =	sdelay $0x1  }
0x24b: {  	v26, _, _ =	vpop (xrf0)  }
0x24c: {  	(v2sf) =	vpush v26, $0xF;
	v27, _, _ =	vpop (xrf0)  }
0x24d: {  	s4 =	simm.s32 $0x9000;
	(v2sf) =	vpush v27, $0xF;
	[tilespmem:v20+s8+$0x0] =	vst.idx.msk $0xffff, v8  }
0x24e: {  	v8 =	vld.idx.msk [tilespmem:v25+s4+$0x0], $0xffff;
	_ =	sdelay $0x1  }
0x24f: {  	v28 =	vsel vm13, $0x0, v5  }
0x250: {  	v29 =	vsel vm13, $0x0, v4;
	(xrf0) =	vadd.scan.msk.s32 $0xffff, v28  }
0x251: {  	(xrf0) =	vadd.scan.msk.s32 $0xffff, v29  }
0x252: {  	s11 =	simm.s32 $0xB800;
	[tilespmem:v6+s8+$0x0] =	vst.idx.msk $0xffff, v8  }
0x253: {  	v6 =	vld.idx.msk [tilespmem:v63+s11+$0x0], $0xffff;
	_ =	sdelay $0x2  }
0x254: {  	v30, _, _ =	vpop (xrf0)  }
0x255: {  	v33 =	vsel vm14, $0x0, v5;
	(v2sf) =	vpush v30, $0xF;
	v31, _, _ =	vpop (xrf0)  }
0x256: {  	s14 =	simm.s32 $0xD800;
	(xrf0) =	vadd.scan.msk.s32 $0xffff, v33;
	(v2sf) =	vpush v31, $0xF;
	[tilespmem:v20+s0+$0x0] =	vst.idx.msk $0xffff, v6  }
0x257: {  	v32 =	vld.idx.msk [tilespmem:v22+s14+$0x0], $0xffff  }
0x258: {  	s26 =	spop (v2sf)  }
0x259: {  	v34 =	vsel vm14, $0x0, v4;
	s30 =	sand.u32 $0xFFFFFF80, s26;
	s4 =	spop (v2sf)  }
0x25a: {  	(xrf0) =	vadd.scan.msk.s32 $0xffff, v34;
	p0 =	slt.s32 s30, $0xF4180;
	s18 =	sand.u32 $0xFFFFFF80, s4  }
0x25b: {  	s30 =	simm.s32 @!p0 $0xF4180;
	p0 =	slt.s32 s18, $0xF4180  }
0x25c: {  	s19 =	simm.s32 $0x2000;
	v35, _, _ =	vpop (xrf0);
	s17 =	sadd.s32 s1, s30;
	s18 =	simm.s32 @!p0 $0xF4180;
	[tilespmem:v20+s10+$0x0] =	vst.idx.msk $0xffff, v32  }
0x25d: {  	(v2sf) =	vpush v35, $0xF;
	[tilespmem:s19], [sflag:$0x1] =	stream.strided.gather [hbm4b:s17+s15], $0x1000, s16, s15, $0x38;
	[tilespmem:$0x1A000] =	vst v63  }
0x25e: {  	s20 =	sadd.s32 s2, s18;
	s11 =	simm.s32 $0x6000  }
0x25f: {  	[tilespmem:s11], [sflag:$0x1] =	stream.strided.gather [hbm4b:s20+s15], $0x1000, s16, s15, $0x38;
	[tilespmem:$0x1A000] =	vst v63  }
0x260: {  	v36, _, _ =	vpop (xrf0);
	s21 =	sadd.s32 s5, s30  }
0x261: {  	v5 =	vsel vm15, $0x0, v5;
	(v2sf) =	vpush v36, $0xF;
	[tilespmem:s13], [sflag:$0x1] =	stream.strided.gather [hbm4b:s21+s15], $0x800, s16, s15, $0x38;
	[tilespmem:$0x1A000] =	vst v63  }
0x262: {  	s23 =	simm.s32 $0xC000;
	(xrf0) =	vadd.scan.msk.s32 $0xffff, v5;
	s22 =	sadd.s32 s9, s18  }
0x263: {  	v4 =	vsel vm15, $0x0, v4;
	[tilespmem:s23], [sflag:$0x1] =	stream.strided.gather [hbm4b:s22+s15], $0x800, s16, s15, $0x38;
	[tilespmem:$0x1A000] =	vst v63  }
0x264: {  	(xrf0) =	vadd.scan.msk.s32 $0xffff, v4;
	s22 =	spop (v2sf)  }
0x265: {  	s3 =	spop (v2sf);
	s25 =	sand.u32 $0xFFFFFF80, s22  }
0x266: {  	p0 =	slt.s32 s25, $0xF4180;
	s17 =	sand.u32 $0xFFFFFF80, s3  }
0x267: {  	s25 =	simm.s32 @!p0 $0xF4180;
	p0 =	slt.s32 s17, $0xF4180  }
0x268: {  	s29 =	simm.s32 $0x3000;
	s17 =	simm.s32 @!p0 $0xF4180;
	s24 =	sadd.s32 s1, s25  }
0x269: {  	v4, _, _ =	vpop (xrf0);
	[tilespmem:s29], [sflag:$0x1] =	stream.strided.gather [hbm4b:s24+s15], $0x1000, s16, s15, $0x38;
	[tilespmem:$0x1A000] =	vst v63  }
0x26a: {  	s19 =	simm.s32 $0x7000;
	(v2sf) =	vpush v4, $0xF;
	v4, _, _ =	vpop (xrf0);
	s0 =	sadd.s32 s2, s17  }
0x26b: {  	(v2sf) =	vpush v4, $0xF;
	[tilespmem:s19], [sflag:$0x1] =	stream.strided.gather [hbm4b:s0+s15], $0x1000, s16, s15, $0x38;
	[tilespmem:$0x1A000] =	vst v63  }
0x26c: {  	s21 =	simm.s32 $0xA800;
	s20 =	sadd.s32 s5, s25;
	s29 =	spop (v2sf)  }
0x26d: {  	[tilespmem:s21], [sflag:$0x1] =	stream.strided.gather [hbm4b:s20+s15], $0x800, s16, s15, $0x38;
	[tilespmem:$0x1A000] =	vst v63  }
0x26e: {  	s23 =	sadd.s32 s9, s17;
	s24 =	simm.s32 $0xC800;
	s21 =	sand.u32 $0xFFFFFF80, s29  }
0x26f: {  	[tilespmem:s24], [sflag:$0x1] =	stream.strided.gather [hbm4b:s23+s15], $0x800, s16, s15, $0x38;
	[tilespmem:$0x1A000] =	vst v63  }
0x270: {  	p0 =	slt.s32 s21, $0xF4180;
	s23 =	spop (v2sf)  }
0x271: {  	s21 =	simm.s32 @!p0 $0xF4180;
	s24 =	sand.u32 $0xFFFFFF80, s23  }
0x272: {  	s20 =	simm.s32 $0x4000;
	s19 =	sadd.s32 s1, s21;
	p0 =	slt.s32 s24, $0xF4180  }
0x273: {  	[tilespmem:s20], [sflag:$0x1] =	stream.strided.gather [hbm4b:s19+s15], $0x1000, s16, s15, $0x38;
	[tilespmem:$0x1A000] =	vst v63  }
0x274: {  	s24 =	simm.s32 @!p0 $0xF4180  }
0x275: {  	s20 =	simm.s32 $0x8000;
	s19 =	sadd.s32 s2, s24  }
0x276: {  	[tilespmem:s20], [sflag:$0x1] =	stream.strided.gather [hbm4b:s19+s15], $0x1000, s16, s15, $0x38;
	[tilespmem:$0x1A000] =	vst v63  }
0x277: {  	s19 =	sadd.s32 s5, s21;
	s20 =	simm.s32 $0xB000  }
0x278: {  	[tilespmem:s20], [sflag:$0x1] =	stream.strided.gather [hbm4b:s19+s15], $0x800, s16, s15, $0x38;
	[tilespmem:$0x1A000] =	vst v63  }
0x279: {  	s0 =	sadd.s32 s9, s24;
	s20 =	spop (v2sf)  }
0x27a: {  	s19 =	simm.s32 $0xD000;
	s14 =	spop (v2sf);
	s28 =	sand.u32 $0xFFFFFF80, s20  }
0x27b: {  	[tilespmem:s19], [sflag:$0x1] =	stream.strided.gather [hbm4b:s0+s15], $0x800, s16, s15, $0x38;
	[tilespmem:$0x1A000] =	vst v63  }
0x27c: {  	p0 =	slt.s32 s28, $0xF4180;
	s19 =	sand.u32 $0xFFFFFF80, s14  }
0x27d: {  	s28 =	simm.s32 @!p0 $0xF4180;
	p0 =	slt.s32 s19, $0xF4180  }
0x27e: {  	s0 =	simm.s32 $0x5000;
	s19 =	simm.s32 @!p0 $0xF4180;
	s31 =	sadd.s32 s1, s28  }
0x27f: {  	[tilespmem:s0], [sflag:$0x1] =	stream.strided.gather [hbm4b:s31+s15], $0x1000, s16, s15, $0x38;
	[tilespmem:$0x1A000] =	vst v63  }
0x280: {  	s31 =	sadd.s32 s2, s19;
	s0 =	simm.s32 $0x9000  }
0x281: {  	[tilespmem:s0], [sflag:$0x1] =	stream.strided.gather [hbm4b:s31+s15], $0x1000, s16, s15, $0x38;
	[tilespmem:$0x1A000] =	vst v63  }
0x282: {  	s31 =	sadd.s32 s5, s28;
	s0 =	simm.s32 $0xB800  }
0x283: {  	[tilespmem:s0], [sflag:$0x1] =	stream.strided.gather [hbm4b:s31+s15], $0x800, s16, s15, $0x38;
	[tilespmem:$0x1A000] =	vst v63  }
0x284: {  	s31 =	sadd.s32 s9, s19;
	s0 =	simm.s32 $0xD800  }
0x285: {  	[tilespmem:s0], [sflag:$0x1] =	stream.strided.gather [hbm4b:s31+s15], $0x800, s16, s15, $0x38;
	[tilespmem:$0x1A000] =	vst v63  }
0x286: {  	_ =	swait.ge [sflag:s6], $0x1000  }
0x287: {  	[sflag:s6] =	ssyncset.done $0x0  }
0x288: {  	[sflag:s6] =	ssyncadd.s32 $0xFFFFF000  }
0x289: {  	_ =	swait.ge [sflag:s6], $0x1000  }
0x28a: {  	[sflag:s6] =	ssyncset.done $0x0  }
0x28b: {  	[sflag:s6] =	ssyncadd.s32 $0xFFFFF000  }
0x28c: {  	_ =	swait.ge [sflag:s6], $0x800  }
0x28d: {  	[sflag:s6] =	ssyncset.done $0x0  }
0x28e: {  	[sflag:s6] =	ssyncadd.s32 $0xFFFFF800  }
0x28f: {  	_ =	swait.ge [sflag:s6], $0x800  }
0x290: {  	[sflag:s6] =	ssyncset.done $0x0  }
0x291: {  	[sflag:s6] =	ssyncadd.s32 $0xFFFFF800  }
0x292: {  	_ =	swait.ge [sflag:s6], $0x1000  }
0x293: {  	[sflag:s6] =	ssyncset.done $0x0  }
0x294: {  	[sflag:s6] =	ssyncadd.s32 $0xFFFFF000  }
0x295: {  	_ =	swait.ge [sflag:s6], $0x1000  }
0x296: {  	[sflag:s6] =	ssyncset.done $0x0  }
0x297: {  	[sflag:s6] =	ssyncadd.s32 $0xFFFFF000  }
0x298: {  	_ =	swait.ge [sflag:s6], $0x800  }
0x299: {  	[sflag:s6] =	ssyncset.done $0x0  }
0x29a: {  	[sflag:s6] =	ssyncadd.s32 $0xFFFFF800  }
0x29b: {  	_ =	swait.ge [sflag:s6], $0x800  }
0x29c: {  	[sflag:s6] =	ssyncset.done $0x0  }
0x29d: {  	[sflag:s6] =	ssyncadd.s32 $0xFFFFF800  }
0x29e: {  	_ =	swait.ge [sflag:s6], $0x1000  }
0x29f: {  	[sflag:s6] =	ssyncset.done $0x0  }
0x2a0: {  	[sflag:s6] =	ssyncadd.s32 $0xFFFFF000  }
0x2a1: {  	_ =	swait.ge [sflag:s6], $0x1000  }
0x2a2: {  	[sflag:s6] =	ssyncset.done $0x0  }
0x2a3: {  	[sflag:s6] =	ssyncadd.s32 $0xFFFFF000  }
0x2a4: {  	_ =	swait.ge [sflag:s6], $0x800  }
0x2a5: {  	[sflag:s6] =	ssyncset.done $0x0  }
0x2a6: {  	[sflag:s6] =	ssyncadd.s32 $0xFFFFF800  }
0x2a7: {  	_ =	swait.ge [sflag:s6], $0x800  }
0x2a8: {  	[sflag:s6] =	ssyncset.done $0x0  }
0x2a9: {  	[sflag:s6] =	ssyncadd.s32 $0xFFFFF800  }
0x2aa: {  	_ =	swait.ge [sflag:s6], $0x1000  }
0x2ab: {  	[sflag:s6] =	ssyncset.done $0x0  }
0x2ac: {  	[sflag:s6] =	ssyncadd.s32 $0xFFFFF000  }
0x2ad: {  	_ =	swait.ge [sflag:s6], $0x1000  }
0x2ae: {  	s26 =	ssub.s32 s26, s30;
	[sflag:s6] =	ssyncset.done $0x0  }
0x2af: {  	p0 =	slt.s32 s26, $0x7F;
	[sflag:s6] =	ssyncadd.s32 $0xFFFFF000  }
0x2b0: {  	s26 =	simm.s32 @!p0 $0x7F;
	_ =	swait.ge [sflag:s6], $0x800  }
0x2b1: {  	v4 =	vadd.s32 s26, v0;
	s0 =	sadd.s32 $0xFFFFFFFD, s12;
	[sflag:s6] =	ssyncset.done $0x0  }
0x2b2: {  	v5 =	vmov s0;
	[sflag:s6] =	ssyncadd.s32 $0xFFFFF800  }
0x2b3: {  	v37 =	vshll.u32 v5, $0x3;
	_ =	swait.ge [sflag:s6], $0x800  }
0x2b4: {  	v5 =	vand.u32 $0x7C, v5;
	v6 =	vand.u32 $0xC00, v37;
	[sflag:s6] =	ssyncset.done $0x0  }
0x2b5: {  	s31 =	simm.s32 $0x2000;
	v5 =	vor.u32 v5, v6;
	[sflag:s6] =	ssyncadd.s32 $0xFFFFF800  }
0x2b6: {  	v39 =	vor.u32 v1, v5;
	v38 =	vld.idx.msk [tilespmem:v4+s31+$0x0], $0xffff  }
0x2b7: {  	v40 =	vadd.s32 s26, v2;
	_ =	sdelay $0x2  }
0x2b8: {  	s4 =	ssub.s32 s4, s18  }
0x2b9: {  	p0 =	slt.s32 s4, $0x7F;
	[tilespmem:v39+s7+$0x0] =	vst.idx.msk $0xffff, v38  }
0x2ba: {  	s4 =	simm.s32 @!p0 $0x7F;
	v5 =	vor.u32 v3, v5;
	v6 =	vld.idx.msk [tilespmem:v40+s31+$0x0], $0xffff  }
0x2bb: {  	v41 =	vadd.s32 s4, v0;
	_ =	sdelay $0x3  }
0x2bc: {  	[tilespmem:v5+s7+$0x0] =	vst.idx.msk $0xffff, v6  }
0x2bd: {  	v6 =	vld.idx.msk [tilespmem:v41+s11+$0x0], $0xffff  }
0x2be: {  	v42 =	vadd.s32 s4, v2;
	_ =	sdelay $0x3  }
0x2bf: {  	[tilespmem:v39+s8+$0x0] =	vst.idx.msk $0xffff, v6  }
0x2c0: {  	v6 =	vld.idx.msk [tilespmem:v42+s11+$0x0], $0xffff;
	_ =	sdelay $0x4  }
0x2c1: {  	[tilespmem:v5+s8+$0x0] =	vst.idx.msk $0xffff, v6  }
0x2c2: {  	v4 =	vld.idx.msk [tilespmem:v4+s13+$0x0], $0xffff;
	_ =	sdelay $0x3  }
0x2c3: {  	s30 =	simm.s32 $0x16000;
	s4 =	ssub.s32 s22, s25  }
0x2c4: {  	s22 =	simm.s32 $0xC000;
	p0 =	slt.s32 s4, $0x7F;
	[tilespmem:v39+s30+$0x0] =	vst.idx.msk $0xffff, v4  }
0x2c5: {  	s4 =	simm.s32 @!p0 $0x7F;
	v4 =	vld.idx.msk [tilespmem:v41+s22+$0x0], $0xffff  }
0x2c6: {  	s0 =	sadd.s32 $0xFFFFFFFE, s12;
	v5 =	vadd.s32 s4, v0  }
0x2c7: {  	v43 =	vmov s0  }
0x2c8: {  	v44 =	vshll.u32 v43, $0x3  }
0x2c9: {  	v8 =	vand.u32 $0xC00, v44;
	v6 =	vand.u32 $0x7D, v43  }
0x2ca: {  	s18 =	simm.s32 $0x3000;
	[tilespmem:v39+s10+$0x0] =	vst.idx.msk $0xffff, v4;
	v4 =	vor.u32 v6, v8  }
0x2cb: {  	v45 =	vld.idx.msk [tilespmem:v5+s18+$0x0], $0xffff;
	v46 =	vor.u32 v1, v4  }
0x2cc: {  	v47 =	vadd.s32 s4, v2;
	_ =	sdelay $0x2  }
0x2cd: {  	s3 =	ssub.s32 s3, s17  }
0x2ce: {  	p0 =	slt.s32 s3, $0x7F;
	[tilespmem:v46+s7+$0x0] =	vst.idx.msk $0xffff, v45  }
0x2cf: {  	s3 =	simm.s32 @!p0 $0x7F;
	v4 =	vor.u32 v3, v4;
	v6 =	vld.idx.msk [tilespmem:v47+s18+$0x0], $0xffff  }
0x2d0: {  	v48 =	vadd.s32 s3, v0;
	_ =	sdelay $0x3  }
0x2d1: {  	s4 =	simm.s32 $0x7000;
	[tilespmem:v4+s7+$0x0] =	vst.idx.msk $0xffff, v6  }
0x2d2: {  	v6 =	vld.idx.msk [tilespmem:v48+s4+$0x0], $0xffff  }
0x2d3: {  	v49 =	vadd.s32 s3, v2;
	_ =	sdelay $0x3  }
0x2d4: {  	[tilespmem:v46+s8+$0x0] =	vst.idx.msk $0xffff, v6  }
0x2d5: {  	v6 =	vld.idx.msk [tilespmem:v49+s4+$0x0], $0xffff;
	_ =	sdelay $0x4  }
0x2d6: {  	s17 =	simm.s32 $0xA800;
	[tilespmem:v4+s8+$0x0] =	vst.idx.msk $0xffff, v6  }
0x2d7: {  	v4 =	vld.idx.msk [tilespmem:v5+s17+$0x0], $0xffff;
	_ =	sdelay $0x3  }
0x2d8: {  	s3 =	ssub.s32 s29, s21  }
0x2d9: {  	s21 =	simm.s32 $0xC800;
	p0 =	slt.s32 s3, $0x7F;
	[tilespmem:v46+s30+$0x0] =	vst.idx.msk $0xffff, v4  }
0x2da: {  	s3 =	simm.s32 @!p0 $0x7F;
	v4 =	vld.idx.msk [tilespmem:v48+s21+$0x0], $0xffff  }
0x2db: {  	s26 =	sadd.s32 $0xFFFFFFFF, s12;
	v5 =	vadd.s32 s3, v0  }
0x2dc: {  	v50 =	vmov s26  }
0x2dd: {  	v51 =	vshll.u32 v50, $0x3  }
0x2de: {  	v8 =	vand.u32 $0xC00, v51;
	v6 =	vand.u32 $0x7E, v50  }
0x2df: {  	s29 =	simm.s32 $0x4000;
	[tilespmem:v46+s10+$0x0] =	vst.idx.msk $0xffff, v4;
	v4 =	vor.u32 v6, v8  }
0x2e0: {  	v52 =	vld.idx.msk [tilespmem:v5+s29+$0x0], $0xffff;
	v53 =	vor.u32 v1, v4  }
0x2e1: {  	v54 =	vadd.s32 s3, v2;
	_ =	sdelay $0x2  }
0x2e2: {  	s3 =	ssub.s32 s23, s24  }
0x2e3: {  	s23 =	simm.s32 $0x4000;
	p0 =	slt.s32 s3, $0x7F;
	[tilespmem:v53+s7+$0x0] =	vst.idx.msk $0xffff, v52  }
0x2e4: {  	s3 =	simm.s32 @!p0 $0x7F;
	v4 =	vor.u32 v3, v4;
	v6 =	vld.idx.msk [tilespmem:v54+s23+$0x0], $0xffff  }
0x2e5: {  	v55 =	vadd.s32 s3, v0;
	_ =	sdelay $0x3  }
0x2e6: {  	s30 =	simm.s32 $0x8000;
	[tilespmem:v4+s7+$0x0] =	vst.idx.msk $0xffff, v6  }
0x2e7: {  	v6 =	vld.idx.msk [tilespmem:v55+s30+$0x0], $0xffff  }
0x2e8: {  	v56 =	vadd.s32 s3, v2;
	_ =	sdelay $0x3  }
0x2e9: {  	[tilespmem:v53+s8+$0x0] =	vst.idx.msk $0xffff, v6  }
0x2ea: {  	v6 =	vld.idx.msk [tilespmem:v56+s30+$0x0], $0xffff;
	_ =	sdelay $0x4  }
0x2eb: {  	s4 =	simm.s32 $0xB000;
	[tilespmem:v4+s8+$0x0] =	vst.idx.msk $0xffff, v6  }
0x2ec: {  	v4 =	vld.idx.msk [tilespmem:v5+s4+$0x0], $0xffff;
	_ =	sdelay $0x3  }
0x2ed: {  	s25 =	simm.s32 $0x16000;
	s3 =	ssub.s32 s20, s28  }
0x2ee: {  	s28 =	simm.s32 $0xD000;
	p0 =	slt.s32 s3, $0x7F;
	[tilespmem:v53+s25+$0x0] =	vst.idx.msk $0xffff, v4  }
0x2ef: {  	s3 =	simm.s32 @!p0 $0x7F;
	v4 =	vld.idx.msk [tilespmem:v55+s28+$0x0], $0xffff  }
0x2f0: {  	v5 =	vadd.s32 s3, v0  }
0x2f1: {  	v57 =	vmov s12  }
0x2f2: {  	v58 =	vshll.u32 v57, $0x3  }
0x2f3: {  	v8 =	vand.u32 $0xC00, v58;
	v6 =	vand.u32 $0x7F, v57  }
0x2f4: {  	s17 =	simm.s32 $0x5000;
	[tilespmem:v53+s10+$0x0] =	vst.idx.msk $0xffff, v4;
	v4 =	vor.u32 v6, v8  }
0x2f5: {  	v59 =	vld.idx.msk [tilespmem:v5+s17+$0x0], $0xffff;
	v60 =	vor.u32 v1, v4  }
0x2f6: {  	v61 =	vadd.s32 s3, v2;
	_ =	sdelay $0x2  }
0x2f7: {  	s3 =	ssub.s32 s14, s19  }
0x2f8: {  	p0 =	slt.s32 s3, $0x7F;
	[tilespmem:v60+s7+$0x0] =	vst.idx.msk $0xffff, v59  }
0x2f9: {  	s3 =	simm.s32 @!p0 $0x7F;
	v4 =	vor.u32 v3, v4;
	v6 =	vld.idx.msk [tilespmem:v61+s17+$0x0], $0xffff  }
0x2fa: {  	v62 =	vadd.s32 s3, v0;
	_ =	sdelay $0x3  }
0x2fb: {  	s20 =	simm.s32 $0x9000;
	[tilespmem:v4+s7+$0x0] =	vst.idx.msk $0xffff, v6  }
0x2fc: {  	v6 =	vld.idx.msk [tilespmem:v62+s20+$0x0], $0xffff  }
0x2fd: {  	v63 =	vadd.s32 s3, v2;
	_ =	sdelay $0x3  }
0x2fe: {  	[tilespmem:v60+s8+$0x0] =	vst.idx.msk $0xffff, v6  }
0x2ff: {  	v6 =	vld.idx.msk [tilespmem:v63+s20+$0x0], $0xffff;
	_ =	sdelay $0x4  }
0x300: {  	s26 =	simm.s32 $0xB800;
	[tilespmem:v4+s8+$0x0] =	vst.idx.msk $0xffff, v6  }
0x301: {  	v4 =	vld.idx.msk [tilespmem:v5+s26+$0x0], $0xffff;
	_ =	sdelay $0x4  }
0x302: {  	s29 =	simm.s32 $0xD800;
	[tilespmem:v60+s25+$0x0] =	vst.idx.msk $0xffff, v4  }
0x303: {  	p0 =	sne.s32 s12, $0x1FF;
	v4 =	vld.idx.msk [tilespmem:v62+s29+$0x0], $0xffff  }
.Ltmp0:
0x304: {  	_ = 	snop;
	(pc) =	sbr.rel @p0 .LBB2_2-.Ltmp0, $4  }
0x305: {  	_ = 	snop  }
0x306: {  	s30 =	rddreg [dreg:$0xe]  }
0x307: {  	s24 =	rddreg [dreg:$0xf];
	s0 =	sadd.s32 $0x80, s30;
	s14 =	simm.s32 $0x18000  }
0x308: {  	s12 =	sadd.s32 $0x10, s12;
	s3 =	sadd.s32 $0x80, s24;
	s17 =	simm.s32 $0x16000;
	[tilespmem:v60+s10+$0x0] =	vst.idx.msk $0xffff, v4  }
0x309: {  	s3 =	rddreg [dreg:$0x8]  }
0x30a: {  	s0 =	simm.s32 $0x1000;
	s4 =	simm.s32 $0x20000;
	s11 =	simm.s32 $0x2  }
0x30b: {  	[hbm4b:s3+s0] =	stream.strided.scatter [tilespmem:s7], [sflag:$0x2], $0x4000, s4, s0, $0x38;
	[tilespmem:$0x1A000] =	vst v63  }
0x30c: {  	_ =	swait.ge [sflag:s11], $0x4000  }
0x30d: {  	[sflag:s11] =	ssyncset.done $0x0  }
0x30e: {  	s24 =	rddreg [dreg:$0x9];
	[sflag:s11] =	ssyncadd.s32 $0xFFFFC000  }
0x30f: {  	[hbm4b:s24+s0] =	stream.strided.scatter [tilespmem:s8], [sflag:$0x2], $0x4000, s4, s0, $0x38;
	[tilespmem:$0x1A000] =	vst v63  }
0x310: {  	_ =	swait.ge [sflag:s11], $0x4000  }
0x311: {  	[sflag:s11] =	ssyncset.done $0x0  }
0x312: {  	s25 =	rddreg [dreg:$0xa];
	[sflag:s11] =	ssyncadd.s32 $0xFFFFC000  }
0x313: {  	[hbm4b:s25+s0] =	stream.strided.scatter [tilespmem:s17], [sflag:$0x2], $0x2000, s4, s0, $0x38;
	[tilespmem:$0x1A000] =	vst v63  }
0x314: {  	_ =	swait.ge [sflag:s11], $0x2000  }
0x315: {  	[sflag:s11] =	ssyncset.done $0x0  }
0x316: {  	s26 =	rddreg [dreg:$0xb];
	[sflag:s11] =	ssyncadd.s32 $0xFFFFE000  }
0x317: {  	[hbm4b:s26+s0] =	stream.strided.scatter [tilespmem:s14], [sflag:$0x2], $0x2000, s4, s0, $0x38;
	[tilespmem:$0x1A000] =	vst v63  }
0x318: {  	_ =	swait.ge [sflag:s11], $0x2000  }
0x319: {  	s29 =	rddreg [dreg:$0xd]  }
0x31a: {  	s30 =	rddreg [dreg:$0xc];
	s4 =	sadd.s32 $0x1, s29  }
0x31b: {  	p0 =	sne.s32 s4, s30  }
.Ltmp1:
0x31c: {  	_ = 	snop;
	(pc) =	sbr.rel @p0 .LBB2_1-.Ltmp1, $3  }
0x31d: {  	_ =	sdelay $0x1  }
0x31e: {  	[sflag:s11] =	ssyncset.done $0x0  }
0x31f: {  	[sflag:s11] =	ssyncadd.s32 $0xFFFFE000  }
0x320: {  	_ =	sfence.sel $0x180000  }
0x321: {  	[bflag:$0x0] =	sbarrier.arrive $0xFFFF  }
0x322: {  	_ =	strace $0x90000047  }
0x323: {  	s0 =	stileid.u32;
	[bflag:$0x2] =	sbarrier.arrive $0xFFFF  }
0x324: {  	p0 =	sne.s32 s0, $0x0;
	s0 =	rddreg [dreg:$0x5]  }
0x325: {  	s0 =	sadd.s32 @!p0 $0x100000, s0  }
0x326: {  	[sflag:s0] =	ssyncadd.tile.s32 @!p0 $0x1;
	_ =	shalt  }
.Lfunc_end2:
_tile_overlayer_lowered:
.L_overlay_start_2:
0x327: {  	(tag) =	ssettag $0x2  }
0x328: {  	s0 =	rddreg [dreg:$0x0];
	s2 =	stileid.u32  }
0x329: {  	s1 =	rddreg [dreg:$0x1];
	p0 =	sne.s32 s2, $0x0  }
0x32a: {  	s3 =	rddreg [dreg:$0x2];
	[bflag:$0x3] =	sbarrier.arrive $0xFFFF;
	s2 =	simm.s32 @!p0 $0x1C02  }
0x32b: {  	[timem:s3], [sflag:s2] =	dma.local @!p0 [hbm:s0], s1  }
0x32c: {  	s0 =	simm.s32 @!p0 $0x2  }
0x32d: {  	_ =	swait.ge @!p0 [sflag:s0], s1  }
0x32e: {  	s1 =	ssub.s32 @!p0 $0x0, s1;
	[sflag:s0] =	ssyncset.done @!p0 $0x0  }
0x32f: {  	[sflag:s0] =	ssyncadd.s32 @!p0 s1  }
0x330: {  	[bflag:$0x3] =	sbarrier.arrive $0xFFFF  }
0x331: {  	_ =	shalt  }

</sc_bundles>
